<compile_context>
chip_gen: v7x
topology: tpu7x:2x2x1
jax: 0.10.2.dev20260603
libtpu: 0.0.44.dev20260713+nightly
codegen_flags: <defaults>
</compile_context>

<pallas_src>
import functools

import jax
import jax.numpy as jnp
from jax import lax
from jax.experimental import pallas as pl
from jax.experimental.pallas import tpu as pltpu
from jax.experimental.pallas import tpu_sc as plsc


@functools.lru_cache(maxsize=None)
def _build_sc_kernel(B, NCLS, C, H, W):
    D = C * H * W
    info = plsc.get_sparse_core_info()
    NC, NS, L = info.num_cores, info.num_subcores, info.num_lanes
    NW = NC * NS
    CH = C * H
    CHPW = CH // NW
    WT = 8
    BC = 1024
    NBUF = 4
    NB = B // BC
    NWT = W // WT
    NCHUNK = CHPW * NWT * NB
    U = 2

    mesh = plsc.VectorSubcoreMesh(core_axis_name="c", subcore_axis_name="s")

    @functools.partial(
        pl.kernel,
        mesh=mesh,
        out_type=jax.ShapeDtypeStruct((C, H, W, B), jnp.float32),
        compiler_params=pltpu.CompilerParams(needs_layout_passes=False),
        scratch_types=[
            pltpu.VMEM((B,), jnp.int32),
            pltpu.VMEM((NCLS * (D + 1),), jnp.float32),
            pltpu.VMEM((NCLS * (D + 1),), jnp.float32),
        ] + [pltpu.VMEM((WT, BC), jnp.float32) for _ in range(NBUF)]
          + [pltpu.SemaphoreType.DMA for _ in range(2 * NBUF)],
    )
    def sc_fma(lab_hbm, mean_hbm, std_hbm, noise_hbm, out_hbm,
               idx_v, mtab, stab, nbuf0, nbuf1, nbuf2, nbuf3,
               in_sem0, in_sem1, in_sem2, in_sem3,
               out_sem0, out_sem1, out_sem2, out_sem3):
        nv = noise_hbm.reshape(CH, W, B)
        ov = out_hbm.reshape(CH, W, B)
        wid = lax.axis_index("s") * NC + lax.axis_index("c")
        base_ch = wid * CHPW
        nbufs = (nbuf0, nbuf1, nbuf2, nbuf3)
        in_sems = (in_sem0, in_sem1, in_sem2, in_sem3)
        out_sems = (out_sem0, out_sem1, out_sem2, out_sem3)

        pltpu.sync_copy(lab_hbm, idx_v)
        h_m = pltpu.async_copy(mean_hbm, mtab, out_sem0)
        h_s = pltpu.async_copy(std_hbm, stab, out_sem1)

        def coords(c):
            chrow = base_ch + c // (NB * NWT)
            w0 = ((c // NB) % NWT) * WT
            b0 = (c % NB) * BC
            return chrow, w0, b0

        def issue_in(c, p):
            chrow, w0, b0 = coords(c)
            pltpu.async_copy(nv.at[chrow, pl.ds(w0, WT), pl.ds(b0, BC)],
                             nbufs[p], in_sems[p])

        def wait_in(p):
            pltpu.make_async_copy(nv.at[0, pl.ds(0, WT), pl.ds(0, BC)],
                                  nbufs[p], in_sems[p]).wait()

        def issue_out(c, p):
            chrow, w0, b0 = coords(c)
            pltpu.async_copy(nbufs[p], ov.at[chrow, pl.ds(w0, WT), pl.ds(b0, BC)],
                             out_sems[p])

        def wait_out(p):
            pltpu.make_async_copy(nbufs[p], ov.at[0, pl.ds(0, WT), pl.ds(0, BC)],
                                  out_sems[p]).wait()

        def compute(c, p):
            nb = nbufs[p]
            chrow, w0, b0 = coords(c)
            dbase = chrow * W + w0
            dvecs = [jnp.full((L,), 1, jnp.int32) * (dbase + wi)
                     for wi in range(WT)]

            @plsc.parallel_loop(0, BC // L, step=1, unroll=U)
            def win_body(t):
                labv = idx_v[pl.ds(b0 + t * L, L)]
                sl = pl.ds(t * L, L)
                for wi in range(WT):
                    addr = labv + dvecs[wi]
                    n = nb[wi, sl]
                    m = plsc.load_gather(mtab, [addr])
                    s = plsc.load_gather(stab, [addr])
                    nb[wi, sl] = m + s * n

        issue_in(0, 0)
        issue_in(1, 1)
        h_m.wait()
        h_s.wait()

        for c in (0, 1):
            issue_in(c + 2, c + 2)
            wait_in(c)
            compute(c, c)
            issue_out(c, c)

        def quad(i, _):
            for j in range(4):
                c = 4 * i + 2 + j
                p = (2 + j) % NBUF
                q = j % NBUF
                wait_out(q)
                issue_in(c + 2, q)
                wait_in(p)
                compute(c, p)
                issue_out(c, p)
            return 0

        lax.fori_loop(0, (NCHUNK - 4) // 4, quad, 0)

        for c in (NCHUNK - 2, NCHUNK - 1):
            p = c % NBUF
            wait_in(p)
            compute(c, p)
            issue_out(c, p)

        for p in range(NBUF):
            wait_out(p)

    return sc_fma


def kernel(labels, class_means, class_stds, noise):
    B = labels.shape[0]
    NCLS, C, H, W = class_means.shape
    D = C * H * W
    sc_fma = _build_sc_kernel(B, NCLS, C, H, W)
    pad_mean = jnp.pad(class_means.reshape(NCLS, D), ((0, 0), (0, 1)))
    pad_std = jnp.pad(class_stds.reshape(NCLS, D), ((0, 0), (0, 1)))
    out_t = sc_fma(
        labels.astype(jnp.int32) * (D + 1),
        pad_mean.reshape(NCLS * (D + 1)),
        pad_std.reshape(NCLS * (D + 1)),
        jnp.transpose(noise, (1, 2, 3, 0)),
    )
    return jnp.transpose(out_t, (3, 0, 1, 2))

# --- scband reference (transcript-rebuilt; emitter-appended) ---
"""Pipeline reference for scband-clip-embedding-970662608909 (READ-ONLY COPY).

The authoritative reference and input builder live on the scoring server;
editing this copy changes nothing except your own understanding.
"""

import jax, jax.numpy as jnp
import numpy as np

B = 4096
NUM_CLASSES = 10
C, H, W = 3, 32, 32
STD_SCALE = 1.0

def setup_inputs(seed: int = 0) -> dict:
    key = jax.random.key(seed)
    k_lab, k_mean, k_noise = jax.random.split(key, 3)
    labels = jax.random.randint(k_lab, (B,), 0, NUM_CLASSES, dtype=jnp.int64 if jax.config.jax_enable_x64 else jnp.int32)
    # class_means: in the torch module these come from CLIP text embeds projected by a
    # random orthonormal matrix -> effectively gaussian-ish per-class means. We emulate
    # with a fixed random tensor of the same shape (n, c, h, w).
    class_means = jax.random.normal(k_mean, (NUM_CLASSES, C, H, W), dtype=jnp.float32)
    class_stds = jnp.full((NUM_CLASSES, C, H, W), STD_SCALE, dtype=jnp.float32)
    # torch uses randn_like inside forward; we materialize deterministic noise here
    noise = jax.random.normal(k_noise, (B, C, H, W), dtype=jnp.float32)
    return {"labels": labels, "class_means": class_means, "class_stds": class_stds, "noise": noise}

def reference(labels, class_means, class_stds, noise):
    # gather per-label mean and std rows (SparseCore-style embedding lookup)
    batch_means = jnp.take(class_means, labels, axis=0)  # [B, C, H, W]
    batch_stds = jnp.take(class_stds, labels, axis=0)    # [B, C, H, W]
    # sample=True path of BaseEmbedding.forward
    return batch_means + batch_stds * noise

if __name__ == "__main__":
    import jax
    _d = setup_inputs()
    print(jax.jit(kernel)(*tuple(_d.values())))

</pallas_src>

<mosaic_0001>
#map = affine_map<(d0, d1) -> (0)>
#map1 = affine_map<(d0, d1) -> (0, 0, 0, 0)>
module attributes {stable_mosaic.version = 14 : i64} {
  func.func @sc_fma(%arg0: i32, %arg1: i32, %arg2: memref<4096xi32, #tpu.memory_space<hbm>>, %arg3: memref<30730xf32, #tpu.memory_space<hbm>>, %arg4: memref<30730xf32, #tpu.memory_space<hbm>>, %arg5: memref<3x32x32x4096xf32, #tpu.memory_space<hbm>>, %arg6: memref<3x32x32x4096xf32, #tpu.memory_space<hbm>>, %arg7: memref<4096xi32, #tpu.memory_space<vmem>>, %arg8: memref<30730xf32, #tpu.memory_space<vmem>>, %arg9: memref<30730xf32, #tpu.memory_space<vmem>>, %arg10: memref<8x1024xf32, #tpu.memory_space<vmem>>, %arg11: memref<8x1024xf32, #tpu.memory_space<vmem>>, %arg12: memref<8x1024xf32, #tpu.memory_space<vmem>>, %arg13: memref<8x1024xf32, #tpu.memory_space<vmem>>, %arg14: memref<!tpu.dma_semaphore, #tpu.memory_space<semaphore_mem>>, %arg15: memref<!tpu.dma_semaphore, #tpu.memory_space<semaphore_mem>>, %arg16: memref<!tpu.dma_semaphore, #tpu.memory_space<semaphore_mem>>, %arg17: memref<!tpu.dma_semaphore, #tpu.memory_space<semaphore_mem>>, %arg18: memref<!tpu.dma_semaphore, #tpu.memory_space<semaphore_mem>>, %arg19: memref<!tpu.dma_semaphore, #tpu.memory_space<semaphore_mem>>, %arg20: memref<!tpu.dma_semaphore, #tpu.memory_space<semaphore_mem>>, %arg21: memref<!tpu.dma_semaphore, #tpu.memory_space<semaphore_mem>>) attributes {dimension_semantics = [#tpu.dimension_semantics<core_parallel>, #tpu.dimension_semantics<subcore_parallel>], iteration_bounds = array<i64: 2, 16>, scalar_prefetch = 0 : i64, scratch_operands = 15 : i64, tpu.core_type = #tpu.core_type<sc_vector_subcore>, window_params = [{transform_indices = #map}, {transform_indices = #map}, {transform_indices = #map}, {transform_indices = #map1}, {transform_indices = #map1}]} {
    %mul3A = arith.constant 2 : i32
    %mul3A_0 = arith.muli %arg1, %mul3A : i32
    %add3A = arith.addi %mul3A_0, %arg0 : i32
    %mul3A_1 = arith.constant 3 : i32
    %mul3A_2 = arith.muli %add3A, %mul3A_1 : i32
    "tpu.region"() ({
      %run_scoped3A = tpu.sem_alloc : memref<!tpu.dma_semaphore, #tpu.memory_space<semaphore_mem>>
      tpu.enqueue_dma source(%arg2 : memref<4096xi32, #tpu.memory_space<hbm>>) target(%arg7 : memref<4096xi32, #tpu.memory_space<vmem>>) target_semaphore(%run_scoped3A : memref<!tpu.dma_semaphore, #tpu.memory_space<semaphore_mem>>)
      tpu.wait_dma2 semaphore(%run_scoped3A : memref<!tpu.dma_semaphore, #tpu.memory_space<semaphore_mem>>) src(%arg2 : memref<4096xi32, #tpu.memory_space<hbm>>) dst(%arg7 : memref<4096xi32, #tpu.memory_space<vmem>>)
      tpu.yield
    }) : () -> ()
    tpu.enqueue_dma source(%arg3 : memref<30730xf32, #tpu.memory_space<hbm>>) target(%arg8 : memref<30730xf32, #tpu.memory_space<vmem>>) target_semaphore(%arg18 : memref<!tpu.dma_semaphore, #tpu.memory_space<semaphore_mem>>)
    tpu.enqueue_dma source(%arg4 : memref<30730xf32, #tpu.memory_space<hbm>>) target(%arg9 : memref<30730xf32, #tpu.memory_space<vmem>>) target_semaphore(%arg19 : memref<!tpu.dma_semaphore, #tpu.memory_space<semaphore_mem>>)
    %add3A_3 = arith.constant 0 : i32
    %add3A_4 = arith.addi %mul3A_2, %add3A_3 : i32
    %dma_start3A = tpu.memref_reshape %arg5 : memref<3x32x32x4096xf32, #tpu.memory_space<hbm>> -> memref<96x32x4096xf32, #tpu.memory_space<hbm>>
    %dma_start3A_5 = arith.constant 0 : i32
    %dma_start3A_6 = arith.constant 0 : i32
    %dma_start3A_7 = tpu.memref_slice %dma_start3A[%add3A_4, %dma_start3A_5, %dma_start3A_6] : memref<96x32x4096xf32, #tpu.memory_space<hbm>> -> memref<1x8x1024xf32, #tpu.memory_space<hbm>>
    %dma_start3A_8 = tpu.memref_squeeze %dma_start3A_7 : memref<1x8x1024xf32, #tpu.memory_space<hbm>> -> memref<8x1024xf32, #tpu.memory_space<hbm>>
    %dma_start3A_9 = tpu.memref_reshape %arg5 : memref<3x32x32x4096xf32, #tpu.memory_space<hbm>> -> memref<96x32x4096xf32, #tpu.memory_space<hbm>>
    %dma_start3A_10 = arith.constant 0 : i32
    %dma_start3A_11 = arith.constant 0 : i32
    %dma_start3A_12 = tpu.memref_slice %dma_start3A_9[%add3A_4, %dma_start3A_10, %dma_start3A_11] : memref<96x32x4096xf32, #tpu.memory_space<hbm>> -> memref<1x8x1024xf32, #tpu.memory_space<hbm>>
    %dma_start3A_13 = tpu.memref_squeeze %dma_start3A_12 : memref<1x8x1024xf32, #tpu.memory_space<hbm>> -> memref<8x1024xf32, #tpu.memory_space<hbm>>
    tpu.enqueue_dma source(%dma_start3A_13 : memref<8x1024xf32, #tpu.memory_space<hbm>>) target(%arg10 : memref<8x1024xf32, #tpu.memory_space<vmem>>) target_semaphore(%arg14 : memref<!tpu.dma_semaphore, #tpu.memory_space<semaphore_mem>>)
    %add3A_14 = arith.constant 0 : i32
    %add3A_15 = arith.addi %mul3A_2, %add3A_14 : i32
    %dma_start3A_16 = tpu.memref_reshape %arg5 : memref<3x32x32x4096xf32, #tpu.memory_space<hbm>> -> memref<96x32x4096xf32, #tpu.memory_space<hbm>>
    %dma_start3A_17 = arith.constant 0 : i32
    %dma_start3A_18 = arith.constant 1024 : i32
    %dma_start3A_19 = tpu.memref_slice %dma_start3A_16[%add3A_15, %dma_start3A_17, %dma_start3A_18] : memref<96x32x4096xf32, #tpu.memory_space<hbm>> -> memref<1x8x1024xf32, #tpu.memory_space<hbm>>
    %dma_start3A_20 = tpu.memref_squeeze %dma_start3A_19 : memref<1x8x1024xf32, #tpu.memory_space<hbm>> -> memref<8x1024xf32, #tpu.memory_space<hbm>>
    %dma_start3A_21 = tpu.memref_reshape %arg5 : memref<3x32x32x4096xf32, #tpu.memory_space<hbm>> -> memref<96x32x4096xf32, #tpu.memory_space<hbm>>
    %dma_start3A_22 = arith.constant 0 : i32
    %dma_start3A_23 = arith.constant 1024 : i32
    %dma_start3A_24 = tpu.memref_slice %dma_start3A_21[%add3A_15, %dma_start3A_22, %dma_start3A_23] : memref<96x32x4096xf32, #tpu.memory_space<hbm>> -> memref<1x8x1024xf32, #tpu.memory_space<hbm>>
    %dma_start3A_25 = tpu.memref_squeeze %dma_start3A_24 : memref<1x8x1024xf32, #tpu.memory_space<hbm>> -> memref<8x1024xf32, #tpu.memory_space<hbm>>
    tpu.enqueue_dma source(%dma_start3A_25 : memref<8x1024xf32, #tpu.memory_space<hbm>>) target(%arg11 : memref<8x1024xf32, #tpu.memory_space<vmem>>) target_semaphore(%arg15 : memref<!tpu.dma_semaphore, #tpu.memory_space<semaphore_mem>>)
    tpu.wait_dma2 semaphore(%arg18 : memref<!tpu.dma_semaphore, #tpu.memory_space<semaphore_mem>>) src(%arg3 : memref<30730xf32, #tpu.memory_space<hbm>>) dst(%arg8 : memref<30730xf32, #tpu.memory_space<vmem>>)
    tpu.wait_dma2 semaphore(%arg19 : memref<!tpu.dma_semaphore, #tpu.memory_space<semaphore_mem>>) src(%arg4 : memref<30730xf32, #tpu.memory_space<hbm>>) dst(%arg9 : memref<30730xf32, #tpu.memory_space<vmem>>)
    %add3A_26 = arith.constant 0 : i32
    %add3A_27 = arith.addi %mul3A_2, %add3A_26 : i32
    %dma_start3A_28 = tpu.memref_reshape %arg5 : memref<3x32x32x4096xf32, #tpu.memory_space<hbm>> -> memref<96x32x4096xf32, #tpu.memory_space<hbm>>
    %dma_start3A_29 = arith.constant 0 : i32
    %dma_start3A_30 = arith.constant 2048 : i32
    %dma_start3A_31 = tpu.memref_slice %dma_start3A_28[%add3A_27, %dma_start3A_29, %dma_start3A_30] : memref<96x32x4096xf32, #tpu.memory_space<hbm>> -> memref<1x8x1024xf32, #tpu.memory_space<hbm>>
    %dma_start3A_32 = tpu.memref_squeeze %dma_start3A_31 : memref<1x8x1024xf32, #tpu.memory_space<hbm>> -> memref<8x1024xf32, #tpu.memory_space<hbm>>
    %dma_start3A_33 = tpu.memref_reshape %arg5 : memref<3x32x32x4096xf32, #tpu.memory_space<hbm>> -> memref<96x32x4096xf32, #tpu.memory_space<hbm>>
    %dma_start3A_34 = arith.constant 0 : i32
    %dma_start3A_35 = arith.constant 2048 : i32
    %dma_start3A_36 = tpu.memref_slice %dma_start3A_33[%add3A_27, %dma_start3A_34, %dma_start3A_35] : memref<96x32x4096xf32, #tpu.memory_space<hbm>> -> memref<1x8x1024xf32, #tpu.memory_space<hbm>>
    %dma_start3A_37 = tpu.memref_squeeze %dma_start3A_36 : memref<1x8x1024xf32, #tpu.memory_space<hbm>> -> memref<8x1024xf32, #tpu.memory_space<hbm>>
    tpu.enqueue_dma source(%dma_start3A_37 : memref<8x1024xf32, #tpu.memory_space<hbm>>) target(%arg12 : memref<8x1024xf32, #tpu.memory_space<vmem>>) target_semaphore(%arg16 : memref<!tpu.dma_semaphore, #tpu.memory_space<semaphore_mem>>)
    %dma_wait3A = arith.constant 0 : i32
    %dma_wait3A_38 = tpu.memref_reshape %arg5 : memref<3x32x32x4096xf32, #tpu.memory_space<hbm>> -> memref<96x32x4096xf32, #tpu.memory_space<hbm>>
    %dma_wait3A_39 = arith.constant 0 : i32
    %dma_wait3A_40 = arith.constant 0 : i32
    %dma_wait3A_41 = tpu.memref_slice %dma_wait3A_38[%dma_wait3A, %dma_wait3A_39, %dma_wait3A_40] : memref<96x32x4096xf32, #tpu.memory_space<hbm>> -> memref<1x8x1024xf32, #tpu.memory_space<hbm>>
    %dma_wait3A_42 = tpu.memref_squeeze %dma_wait3A_41 : memref<1x8x1024xf32, #tpu.memory_space<hbm>> -> memref<8x1024xf32, #tpu.memory_space<hbm>>
    %dma_wait3A_43 = tpu.memref_reshape %arg5 : memref<3x32x32x4096xf32, #tpu.memory_space<hbm>> -> memref<96x32x4096xf32, #tpu.memory_space<hbm>>
    %dma_wait3A_44 = arith.constant 0 : i32
    %dma_wait3A_45 = arith.constant 0 : i32
    %dma_wait3A_46 = tpu.memref_slice %dma_wait3A_43[%dma_wait3A, %dma_wait3A_44, %dma_wait3A_45] : memref<96x32x4096xf32, #tpu.memory_space<hbm>> -> memref<1x8x1024xf32, #tpu.memory_space<hbm>>
    %dma_wait3A_47 = tpu.memref_squeeze %dma_wait3A_46 : memref<1x8x1024xf32, #tpu.memory_space<hbm>> -> memref<8x1024xf32, #tpu.memory_space<hbm>>
    tpu.wait_dma2 semaphore(%arg14 : memref<!tpu.dma_semaphore, #tpu.memory_space<semaphore_mem>>) src(%dma_wait3A_47 : memref<8x1024xf32, #tpu.memory_space<hbm>>) dst(%arg10 : memref<8x1024xf32, #tpu.memory_space<vmem>>)
    %add3A_48 = arith.constant 0 : i32
    %add3A_49 = arith.addi %mul3A_2, %add3A_48 : i32
    %mul3A_50 = arith.constant 32 : i32
    %mul3A_51 = arith.muli %add3A_49, %mul3A_50 : i32
    %add3A_52 = arith.constant 0 : i32
    %add3A_53 = arith.addi %mul3A_51, %add3A_52 : i32
    %broadcast_in_dim3A = arith.constant 1 : i32
    %broadcast_in_dim3A_54 = vector.broadcast %broadcast_in_dim3A : i32 to vector<16xi32>
    %add3A_55 = arith.constant 0 : i32
    %add3A_56 = arith.addi %add3A_53, %add3A_55 : i32
    %mul3A_57 = vector.broadcast %add3A_56 : i32 to vector<16xi32>
    %mul3A_58 = arith.muli %broadcast_in_dim3A_54, %mul3A_57 : vector<16xi32>
    %broadcast_in_dim3A_59 = arith.constant 1 : i32
    %broadcast_in_dim3A_60 = vector.broadcast %broadcast_in_dim3A_59 : i32 to vector<16xi32>
    %add3A_61 = arith.constant 1 : i32
    %add3A_62 = arith.addi %add3A_53, %add3A_61 : i32
    %mul3A_63 = vector.broadcast %add3A_62 : i32 to vector<16xi32>
    %mul3A_64 = arith.muli %broadcast_in_dim3A_60, %mul3A_63 : vector<16xi32>
    %broadcast_in_dim3A_65 = arith.constant 1 : i32
    %broadcast_in_dim3A_66 = vector.broadcast %broadcast_in_dim3A_65 : i32 to vector<16xi32>
    %add3A_67 = arith.constant 2 : i32
    %add3A_68 = arith.addi %add3A_53, %add3A_67 : i32
    %mul3A_69 = vector.broadcast %add3A_68 : i32 to vector<16xi32>
    %mul3A_70 = arith.muli %broadcast_in_dim3A_66, %mul3A_69 : vector<16xi32>
    %broadcast_in_dim3A_71 = arith.constant 1 : i32
    %broadcast_in_dim3A_72 = vector.broadcast %broadcast_in_dim3A_71 : i32 to vector<16xi32>
    %add3A_73 = arith.constant 3 : i32
    %add3A_74 = arith.addi %add3A_53, %add3A_73 : i32
    %mul3A_75 = vector.broadcast %add3A_74 : i32 to vector<16xi32>
    %mul3A_76 = arith.muli %broadcast_in_dim3A_72, %mul3A_75 : vector<16xi32>
    %broadcast_in_dim3A_77 = arith.constant 1 : i32
    %broadcast_in_dim3A_78 = vector.broadcast %broadcast_in_dim3A_77 : i32 to vector<16xi32>
    %add3A_79 = arith.constant 4 : i32
    %add3A_80 = arith.addi %add3A_53, %add3A_79 : i32
    %mul3A_81 = vector.broadcast %add3A_80 : i32 to vector<16xi32>
    %mul3A_82 = arith.muli %broadcast_in_dim3A_78, %mul3A_81 : vector<16xi32>
    %broadcast_in_dim3A_83 = arith.constant 1 : i32
    %broadcast_in_dim3A_84 = vector.broadcast %broadcast_in_dim3A_83 : i32 to vector<16xi32>
    %add3A_85 = arith.constant 5 : i32
    %add3A_86 = arith.addi %add3A_53, %add3A_85 : i32
    %mul3A_87 = vector.broadcast %add3A_86 : i32 to vector<16xi32>
    %mul3A_88 = arith.muli %broadcast_in_dim3A_84, %mul3A_87 : vector<16xi32>
    %broadcast_in_dim3A_89 = arith.constant 1 : i32
    %broadcast_in_dim3A_90 = vector.broadcast %broadcast_in_dim3A_89 : i32 to vector<16xi32>
    %add3A_91 = arith.constant 6 : i32
    %add3A_92 = arith.addi %add3A_53, %add3A_91 : i32
    %mul3A_93 = vector.broadcast %add3A_92 : i32 to vector<16xi32>
    %mul3A_94 = arith.muli %broadcast_in_dim3A_90, %mul3A_93 : vector<16xi32>
    %broadcast_in_dim3A_95 = arith.constant 1 : i32
    %broadcast_in_dim3A_96 = vector.broadcast %broadcast_in_dim3A_95 : i32 to vector<16xi32>
    %add3A_97 = arith.constant 7 : i32
    %add3A_98 = arith.addi %add3A_53, %add3A_97 : i32
    %mul3A_99 = vector.broadcast %add3A_98 : i32 to vector<16xi32>
    %mul3A_100 = arith.muli %broadcast_in_dim3A_96, %mul3A_99 : vector<16xi32>
    %parallel_loop3A = arith.constant 0 : i32
    %parallel_loop3A_101 = arith.constant 64 : i32
    %parallel_loop3A_102 = arith.constant 1 : i32
    scf.for %parallel_loop3A_417 = %parallel_loop3A to %parallel_loop3A_101 step %parallel_loop3A_102  : i32 {
      %parallel_loop3A_418 = arith.constant 16 : i32
      %parallel_loop3A_419 = arith.muli %parallel_loop3A_417, %parallel_loop3A_418 : i32
      %parallel_loop3A_420 = arith.constant 0 : i32
      %parallel_loop3A_421 = arith.addi %parallel_loop3A_420, %parallel_loop3A_419 : i32
      %parallel_loop3A_422 = arith.index_cast %parallel_loop3A_421 : i32 to index
      %parallel_loop3A_423 = tpu.vector_load %arg7[%parallel_loop3A_422] {strides = array<i32>} : memref<4096xi32, #tpu.memory_space<vmem>>, vector<16xi32>,
      %parallel_loop3A_424 = arith.constant 16 : i32
      %parallel_loop3A_425 = arith.muli %parallel_loop3A_417, %parallel_loop3A_424 : i32
      %parallel_loop3A_426 = arith.addi %parallel_loop3A_423, %mul3A_58 : vector<16xi32>
      %parallel_loop3A_427 = arith.constant 0 : i32
      %parallel_loop3A_428 = arith.index_cast %parallel_loop3A_427 : i32 to index
      %parallel_loop3A_429 = arith.index_cast %parallel_loop3A_425 : i32 to index
      %parallel_loop3A_430 = tpu.vector_load %arg10[%parallel_loop3A_428, %parallel_loop3A_429] {strides = array<i32>} : memref<8x1024xf32, #tpu.memory_space<vmem>>, vector<16xf32>,
      %parallel_loop3A_431 = tpu.vector_load_idx %arg8[%parallel_loop3A_426] : memref<30730xf32, #tpu.memory_space<vmem>>[vector<16xi32>], vector<16xf32>,
      %parallel_loop3A_432 = tpu.vector_load_idx %arg9[%parallel_loop3A_426] : memref<30730xf32, #tpu.memory_space<vmem>>[vector<16xi32>], vector<16xf32>,
      %parallel_loop3A_433 = arith.mulf %parallel_loop3A_432, %parallel_loop3A_430 : vector<16xf32>
      %parallel_loop3A_434 = arith.addf %parallel_loop3A_431, %parallel_loop3A_433 : vector<16xf32>
      %parallel_loop3A_435 = arith.constant 0 : i32
      %parallel_loop3A_436 = arith.index_cast %parallel_loop3A_435 : i32 to index
      %parallel_loop3A_437 = arith.index_cast %parallel_loop3A_425 : i32 to index
      %parallel_loop3A_438 = tpu.vector_load %arg10[%parallel_loop3A_436, %parallel_loop3A_437] {strides = array<i32>} : memref<8x1024xf32, #tpu.memory_space<vmem>>, vector<16xf32>,
      tpu.vector_store %arg10[%parallel_loop3A_436, %parallel_loop3A_437], %parallel_loop3A_434 {strides = array<i32>} : memref<8x1024xf32, #tpu.memory_space<vmem>>, vector<16xf32>,
      %parallel_loop3A_439 = arith.addi %parallel_loop3A_423, %mul3A_64 : vector<16xi32>
      %parallel_loop3A_440 = arith.constant 1 : i32
      %parallel_loop3A_441 = arith.index_cast %parallel_loop3A_440 : i32 to index
      %parallel_loop3A_442 = arith.index_cast %parallel_loop3A_425 : i32 to index
      %parallel_loop3A_443 = tpu.vector_load %arg10[%parallel_loop3A_441, %parallel_loop3A_442] {strides = array<i32>} : memref<8x1024xf32, #tpu.memory_space<vmem>>, vector<16xf32>,
      %parallel_loop3A_444 = tpu.vector_load_idx %arg8[%parallel_loop3A_439] : memref<30730xf32, #tpu.memory_space<vmem>>[vector<16xi32>], vector<16xf32>,
      %parallel_loop3A_445 = tpu.vector_load_idx %arg9[%parallel_loop3A_439] : memref<30730xf32, #tpu.memory_space<vmem>>[vector<16xi32>], vector<16xf32>,
      %parallel_loop3A_446 = arith.mulf %parallel_loop3A_445, %parallel_loop3A_443 : vector<16xf32>
      %parallel_loop3A_447 = arith.addf %parallel_loop3A_444, %parallel_loop3A_446 : vector<16xf32>
      %parallel_loop3A_448 = arith.constant 1 : i32
      %parallel_loop3A_449 = arith.index_cast %parallel_loop3A_448 : i32 to index
      %parallel_loop3A_450 = arith.index_cast %parallel_loop3A_425 : i32 to index
      %parallel_loop3A_451 = tpu.vector_load %arg10[%parallel_loop3A_449, %parallel_loop3A_450] {strides = array<i32>} : memref<8x1024xf32, #tpu.memory_space<vmem>>, vector<16xf32>,
      tpu.vector_store %arg10[%parallel_loop3A_449, %parallel_loop3A_450], %parallel_loop3A_447 {strides = array<i32>} : memref<8x1024xf32, #tpu.memory_space<vmem>>, vector<16xf32>,
      %parallel_loop3A_452 = arith.addi %parallel_loop3A_423, %mul3A_70 : vector<16xi32>
      %parallel_loop3A_453 = arith.constant 2 : i32
      %parallel_loop3A_454 = arith.index_cast %parallel_loop3A_453 : i32 to index
      %parallel_loop3A_455 = arith.index_cast %parallel_loop3A_425 : i32 to index
      %parallel_loop3A_456 = tpu.vector_load %arg10[%parallel_loop3A_454, %parallel_loop3A_455] {strides = array<i32>} : memref<8x1024xf32, #tpu.memory_space<vmem>>, vector<16xf32>,
      %parallel_loop3A_457 = tpu.vector_load_idx %arg8[%parallel_loop3A_452] : memref<30730xf32, #tpu.memory_space<vmem>>[vector<16xi32>], vector<16xf32>,
      %parallel_loop3A_458 = tpu.vector_load_idx %arg9[%parallel_loop3A_452] : memref<30730xf32, #tpu.memory_space<vmem>>[vector<16xi32>], vector<16xf32>,
      %parallel_loop3A_459 = arith.mulf %parallel_loop3A_458, %parallel_loop3A_456 : vector<16xf32>
      %parallel_loop3A_460 = arith.addf %parallel_loop3A_457, %parallel_loop3A_459 : vector<16xf32>
      %parallel_loop3A_461 = arith.constant 2 : i32
      %parallel_loop3A_462 = arith.index_cast %parallel_loop3A_461 : i32 to index
      %parallel_loop3A_463 = arith.index_cast %parallel_loop3A_425 : i32 to index
      %parallel_loop3A_464 = tpu.vector_load %arg10[%parallel_loop3A_462, %parallel_loop3A_463] {strides = array<i32>} : memref<8x1024xf32, #tpu.memory_space<vmem>>, vector<16xf32>,
      tpu.vector_store %arg10[%parallel_loop3A_462, %parallel_loop3A_463], %parallel_loop3A_460 {strides = array<i32>} : memref<8x1024xf32, #tpu.memory_space<vmem>>, vector<16xf32>,
      %parallel_loop3A_465 = arith.addi %parallel_loop3A_423, %mul3A_76 : vector<16xi32>
      %parallel_loop3A_466 = arith.constant 3 : i32
      %parallel_loop3A_467 = arith.index_cast %parallel_loop3A_466 : i32 to index
      %parallel_loop3A_468 = arith.index_cast %parallel_loop3A_425 : i32 to index
      %parallel_loop3A_469 = tpu.vector_load %arg10[%parallel_loop3A_467, %parallel_loop3A_468] {strides = array<i32>} : memref<8x1024xf32, #tpu.memory_space<vmem>>, vector<16xf32>,
      %parallel_loop3A_470 = tpu.vector_load_idx %arg8[%parallel_loop3A_465] : memref<30730xf32, #tpu.memory_space<vmem>>[vector<16xi32>], vector<16xf32>,
      %parallel_loop3A_471 = tpu.vector_load_idx %arg9[%parallel_loop3A_465] : memref<30730xf32, #tpu.memory_space<vmem>>[vector<16xi32>], vector<16xf32>,
      %parallel_loop3A_472 = arith.mulf %parallel_loop3A_471, %parallel_loop3A_469 : vector<16xf32>
      %parallel_loop3A_473 = arith.addf %parallel_loop3A_470, %parallel_loop3A_472 : vector<16xf32>
      %parallel_loop3A_474 = arith.constant 3 : i32
      %parallel_loop3A_475 = arith.index_cast %parallel_loop3A_474 : i32 to index
      %parallel_loop3A_476 = arith.index_cast %parallel_loop3A_425 : i32 to index
      %parallel_loop3A_477 = tpu.vector_load %arg10[%parallel_loop3A_475, %parallel_loop3A_476] {strides = array<i32>} : memref<8x1024xf32, #tpu.memory_space<vmem>>, vector<16xf32>,
      tpu.vector_store %arg10[%parallel_loop3A_475, %parallel_loop3A_476], %parallel_loop3A_473 {strides = array<i32>} : memref<8x1024xf32, #tpu.memory_space<vmem>>, vector<16xf32>,
      %parallel_loop3A_478 = arith.addi %parallel_loop3A_423, %mul3A_82 : vector<16xi32>
      %parallel_loop3A_479 = arith.constant 4 : i32
      %parallel_loop3A_480 = arith.index_cast %parallel_loop3A_479 : i32 to index
      %parallel_loop3A_481 = arith.index_cast %parallel_loop3A_425 : i32 to index
      %parallel_loop3A_482 = tpu.vector_load %arg10[%parallel_loop3A_480, %parallel_loop3A_481] {strides = array<i32>} : memref<8x1024xf32, #tpu.memory_space<vmem>>, vector<16xf32>,
      %parallel_loop3A_483 = tpu.vector_load_idx %arg8[%parallel_loop3A_478] : memref<30730xf32, #tpu.memory_space<vmem>>[vector<16xi32>], vector<16xf32>,
      %parallel_loop3A_484 = tpu.vector_load_idx %arg9[%parallel_loop3A_478] : memref<30730xf32, #tpu.memory_space<vmem>>[vector<16xi32>], vector<16xf32>,
      %parallel_loop3A_485 = arith.mulf %parallel_loop3A_484, %parallel_loop3A_482 : vector<16xf32>
      %parallel_loop3A_486 = arith.addf %parallel_loop3A_483, %parallel_loop3A_485 : vector<16xf32>
      %parallel_loop3A_487 = arith.constant 4 : i32
      %parallel_loop3A_488 = arith.index_cast %parallel_loop3A_487 : i32 to index
      %parallel_loop3A_489 = arith.index_cast %parallel_loop3A_425 : i32 to index
      %parallel_loop3A_490 = tpu.vector_load %arg10[%parallel_loop3A_488, %parallel_loop3A_489] {strides = array<i32>} : memref<8x1024xf32, #tpu.memory_space<vmem>>, vector<16xf32>,
      tpu.vector_store %arg10[%parallel_loop3A_488, %parallel_loop3A_489], %parallel_loop3A_486 {strides = array<i32>} : memref<8x1024xf32, #tpu.memory_space<vmem>>, vector<16xf32>,
      %parallel_loop3A_491 = arith.addi %parallel_loop3A_423, %mul3A_88 : vector<16xi32>
      %parallel_loop3A_492 = arith.constant 5 : i32
      %parallel_loop3A_493 = arith.index_cast %parallel_loop3A_492 : i32 to index
      %parallel_loop3A_494 = arith.index_cast %parallel_loop3A_425 : i32 to index
      %parallel_loop3A_495 = tpu.vector_load %arg10[%parallel_loop3A_493, %parallel_loop3A_494] {strides = array<i32>} : memref<8x1024xf32, #tpu.memory_space<vmem>>, vector<16xf32>,
      %parallel_loop3A_496 = tpu.vector_load_idx %arg8[%parallel_loop3A_491] : memref<30730xf32, #tpu.memory_space<vmem>>[vector<16xi32>], vector<16xf32>,
      %parallel_loop3A_497 = tpu.vector_load_idx %arg9[%parallel_loop3A_491] : memref<30730xf32, #tpu.memory_space<vmem>>[vector<16xi32>], vector<16xf32>,
      %parallel_loop3A_498 = arith.mulf %parallel_loop3A_497, %parallel_loop3A_495 : vector<16xf32>
      %parallel_loop3A_499 = arith.addf %parallel_loop3A_496, %parallel_loop3A_498 : vector<16xf32>
      %parallel_loop3A_500 = arith.constant 5 : i32
      %parallel_loop3A_501 = arith.index_cast %parallel_loop3A_500 : i32 to index
      %parallel_loop3A_502 = arith.index_cast %parallel_loop3A_425 : i32 to index
      %parallel_loop3A_503 = tpu.vector_load %arg10[%parallel_loop3A_501, %parallel_loop3A_502] {strides = array<i32>} : memref<8x1024xf32, #tpu.memory_space<vmem>>, vector<16xf32>,
      tpu.vector_store %arg10[%parallel_loop3A_501, %parallel_loop3A_502], %parallel_loop3A_499 {strides = array<i32>} : memref<8x1024xf32, #tpu.memory_space<vmem>>, vector<16xf32>,
      %parallel_loop3A_504 = arith.addi %parallel_loop3A_423, %mul3A_94 : vector<16xi32>
      %parallel_loop3A_505 = arith.constant 6 : i32
      %parallel_loop3A_506 = arith.index_cast %parallel_loop3A_505 : i32 to index
      %parallel_loop3A_507 = arith.index_cast %parallel_loop3A_425 : i32 to index
      %parallel_loop3A_508 = tpu.vector_load %arg10[%parallel_loop3A_506, %parallel_loop3A_507] {strides = array<i32>} : memref<8x1024xf32, #tpu.memory_space<vmem>>, vector<16xf32>,
      %parallel_loop3A_509 = tpu.vector_load_idx %arg8[%parallel_loop3A_504] : memref<30730xf32, #tpu.memory_space<vmem>>[vector<16xi32>], vector<16xf32>,
      %parallel_loop3A_510 = tpu.vector_load_idx %arg9[%parallel_loop3A_504] : memref<30730xf32, #tpu.memory_space<vmem>>[vector<16xi32>], vector<16xf32>,
      %parallel_loop3A_511 = arith.mulf %parallel_loop3A_510, %parallel_loop3A_508 : vector<16xf32>
      %parallel_loop3A_512 = arith.addf %parallel_loop3A_509, %parallel_loop3A_511 : vector<16xf32>
      %parallel_loop3A_513 = arith.constant 6 : i32
      %parallel_loop3A_514 = arith.index_cast %parallel_loop3A_513 : i32 to index
      %parallel_loop3A_515 = arith.index_cast %parallel_loop3A_425 : i32 to index
      %parallel_loop3A_516 = tpu.vector_load %arg10[%parallel_loop3A_514, %parallel_loop3A_515] {strides = array<i32>} : memref<8x1024xf32, #tpu.memory_space<vmem>>, vector<16xf32>,
      tpu.vector_store %arg10[%parallel_loop3A_514, %parallel_loop3A_515], %parallel_loop3A_512 {strides = array<i32>} : memref<8x1024xf32, #tpu.memory_space<vmem>>, vector<16xf32>,
      %parallel_loop3A_517 = arith.addi %parallel_loop3A_423, %mul3A_100 : vector<16xi32>
      %parallel_loop3A_518 = arith.constant 7 : i32
      %parallel_loop3A_519 = arith.index_cast %parallel_loop3A_518 : i32 to index
      %parallel_loop3A_520 = arith.index_cast %parallel_loop3A_425 : i32 to index
      %parallel_loop3A_521 = tpu.vector_load %arg10[%parallel_loop3A_519, %parallel_loop3A_520] {strides = array<i32>} : memref<8x1024xf32, #tpu.memory_space<vmem>>, vector<16xf32>,
      %parallel_loop3A_522 = tpu.vector_load_idx %arg8[%parallel_loop3A_517] : memref<30730xf32, #tpu.memory_space<vmem>>[vector<16xi32>], vector<16xf32>,
      %parallel_loop3A_523 = tpu.vector_load_idx %arg9[%parallel_loop3A_517] : memref<30730xf32, #tpu.memory_space<vmem>>[vector<16xi32>], vector<16xf32>,
      %parallel_loop3A_524 = arith.mulf %parallel_loop3A_523, %parallel_loop3A_521 : vector<16xf32>
      %parallel_loop3A_525 = arith.addf %parallel_loop3A_522, %parallel_loop3A_524 : vector<16xf32>
      %parallel_loop3A_526 = arith.constant 7 : i32
      %parallel_loop3A_527 = arith.index_cast %parallel_loop3A_526 : i32 to index
      %parallel_loop3A_528 = arith.index_cast %parallel_loop3A_425 : i32 to index
      %parallel_loop3A_529 = tpu.vector_load %arg10[%parallel_loop3A_527, %parallel_loop3A_528] {strides = array<i32>} : memref<8x1024xf32, #tpu.memory_space<vmem>>, vector<16xf32>,
      tpu.vector_store %arg10[%parallel_loop3A_527, %parallel_loop3A_528], %parallel_loop3A_525 {strides = array<i32>} : memref<8x1024xf32, #tpu.memory_space<vmem>>, vector<16xf32>,
    } {sc.loop_unroll_factor = 2 : i64, sc.parallel_access}
    %add3A_103 = arith.constant 0 : i32
    %add3A_104 = arith.addi %mul3A_2, %add3A_103 : i32
    %dma_start3A_105 = tpu.memref_reshape %arg6 : memref<3x32x32x4096xf32, #tpu.memory_space<hbm>> -> memref<96x32x4096xf32, #tpu.memory_space<hbm>>
    %dma_start3A_106 = arith.constant 0 : i32
    %dma_start3A_107 = arith.constant 0 : i32
    %dma_start3A_108 = tpu.memref_slice %dma_start3A_105[%add3A_104, %dma_start3A_106, %dma_start3A_107] : memref<96x32x4096xf32, #tpu.memory_space<hbm>> -> memref<1x8x1024xf32, #tpu.memory_space<hbm>>
    %dma_start3A_109 = tpu.memref_squeeze %dma_start3A_108 : memref<1x8x1024xf32, #tpu.memory_space<hbm>> -> memref<8x1024xf32, #tpu.memory_space<hbm>>
    %dma_start3A_110 = tpu.memref_reshape %arg6 : memref<3x32x32x4096xf32, #tpu.memory_space<hbm>> -> memref<96x32x4096xf32, #tpu.memory_space<hbm>>
    %dma_start3A_111 = arith.constant 0 : i32
    %dma_start3A_112 = arith.constant 0 : i32
    %dma_start3A_113 = tpu.memref_slice %dma_start3A_110[%add3A_104, %dma_start3A_111, %dma_start3A_112] : memref<96x32x4096xf32, #tpu.memory_space<hbm>> -> memref<1x8x1024xf32, #tpu.memory_space<hbm>>
    %dma_start3A_114 = tpu.memref_squeeze %dma_start3A_113 : memref<1x8x1024xf32, #tpu.memory_space<hbm>> -> memref<8x1024xf32, #tpu.memory_space<hbm>>
    tpu.enqueue_dma source(%arg10 : memref<8x1024xf32, #tpu.memory_space<vmem>>) target(%dma_start3A_114 : memref<8x1024xf32, #tpu.memory_space<hbm>>) target_semaphore(%arg18 : memref<!tpu.dma_semaphore, #tpu.memory_space<semaphore_mem>>)
    %add3A_115 = arith.constant 0 : i32
    %add3A_116 = arith.addi %mul3A_2, %add3A_115 : i32
    %dma_start3A_117 = tpu.memref_reshape %arg5 : memref<3x32x32x4096xf32, #tpu.memory_space<hbm>> -> memref<96x32x4096xf32, #tpu.memory_space<hbm>>
    %dma_start3A_118 = arith.constant 0 : i32
    %dma_start3A_119 = arith.constant 3072 : i32
    %dma_start3A_120 = tpu.memref_slice %dma_start3A_117[%add3A_116, %dma_start3A_118, %dma_start3A_119] : memref<96x32x4096xf32, #tpu.memory_space<hbm>> -> memref<1x8x1024xf32, #tpu.memory_space<hbm>>
    %dma_start3A_121 = tpu.memref_squeeze %dma_start3A_120 : memref<1x8x1024xf32, #tpu.memory_space<hbm>> -> memref<8x1024xf32, #tpu.memory_space<hbm>>
    %dma_start3A_122 = tpu.memref_reshape %arg5 : memref<3x32x32x4096xf32, #tpu.memory_space<hbm>> -> memref<96x32x4096xf32, #tpu.memory_space<hbm>>
    %dma_start3A_123 = arith.constant 0 : i32
    %dma_start3A_124 = arith.constant 3072 : i32
    %dma_start3A_125 = tpu.memref_slice %dma_start3A_122[%add3A_116, %dma_start3A_123, %dma_start3A_124] : memref<96x32x4096xf32, #tpu.memory_space<hbm>> -> memref<1x8x1024xf32, #tpu.memory_space<hbm>>
    %dma_start3A_126 = tpu.memref_squeeze %dma_start3A_125 : memref<1x8x1024xf32, #tpu.memory_space<hbm>> -> memref<8x1024xf32, #tpu.memory_space<hbm>>
    tpu.enqueue_dma source(%dma_start3A_126 : memref<8x1024xf32, #tpu.memory_space<hbm>>) target(%arg13 : memref<8x1024xf32, #tpu.memory_space<vmem>>) target_semaphore(%arg17 : memref<!tpu.dma_semaphore, #tpu.memory_space<semaphore_mem>>)
    %dma_wait3A_127 = arith.constant 0 : i32
    %dma_wait3A_128 = tpu.memref_reshape %arg5 : memref<3x32x32x4096xf32, #tpu.memory_space<hbm>> -> memref<96x32x4096xf32, #tpu.memory_space<hbm>>
    %dma_wait3A_129 = arith.constant 0 : i32
    %dma_wait3A_130 = arith.constant 0 : i32
    %dma_wait3A_131 = tpu.memref_slice %dma_wait3A_128[%dma_wait3A_127, %dma_wait3A_129, %dma_wait3A_130] : memref<96x32x4096xf32, #tpu.memory_space<hbm>> -> memref<1x8x1024xf32, #tpu.memory_space<hbm>>
    %dma_wait3A_132 = tpu.memref_squeeze %dma_wait3A_131 : memref<1x8x1024xf32, #tpu.memory_space<hbm>> -> memref<8x1024xf32, #tpu.memory_space<hbm>>
    %dma_wait3A_133 = tpu.memref_reshape %arg5 : memref<3x32x32x4096xf32, #tpu.memory_space<hbm>> -> memref<96x32x4096xf32, #tpu.memory_space<hbm>>
    %dma_wait3A_134 = arith.constant 0 : i32
    %dma_wait3A_135 = arith.constant 0 : i32
    %dma_wait3A_136 = tpu.memref_slice %dma_wait3A_133[%dma_wait3A_127, %dma_wait3A_134, %dma_wait3A_135] : memref<96x32x4096xf32, #tpu.memory_space<hbm>> -> memref<1x8x1024xf32, #tpu.memory_space<hbm>>
    %dma_wait3A_137 = tpu.memref_squeeze %dma_wait3A_136 : memref<1x8x1024xf32, #tpu.memory_space<hbm>> -> memref<8x1024xf32, #tpu.memory_space<hbm>>
    tpu.wait_dma2 semaphore(%arg15 : memref<!tpu.dma_semaphore, #tpu.memory_space<semaphore_mem>>) src(%dma_wait3A_137 : memref<8x1024xf32, #tpu.memory_space<hbm>>) dst(%arg11 : memref<8x1024xf32, #tpu.memory_space<vmem>>)
    %add3A_138 = arith.constant 0 : i32
    %add3A_139 = arith.addi %mul3A_2, %add3A_138 : i32
    %mul3A_140 = arith.constant 32 : i32
    %mul3A_141 = arith.muli %add3A_139, %mul3A_140 : i32
    %add3A_142 = arith.constant 0 : i32
    %add3A_143 = arith.addi %mul3A_141, %add3A_142 : i32
    %broadcast_in_dim3A_144 = arith.constant 1 : i32
    %broadcast_in_dim3A_145 = vector.broadcast %broadcast_in_dim3A_144 : i32 to vector<16xi32>
    %add3A_146 = arith.constant 0 : i32
    %add3A_147 = arith.addi %add3A_143, %add3A_146 : i32
    %mul3A_148 = vector.broadcast %add3A_147 : i32 to vector<16xi32>
    %mul3A_149 = arith.muli %broadcast_in_dim3A_145, %mul3A_148 : vector<16xi32>
    %broadcast_in_dim3A_150 = arith.constant 1 : i32
    %broadcast_in_dim3A_151 = vector.broadcast %broadcast_in_dim3A_150 : i32 to vector<16xi32>
    %add3A_152 = arith.constant 1 : i32
    %add3A_153 = arith.addi %add3A_143, %add3A_152 : i32
    %mul3A_154 = vector.broadcast %add3A_153 : i32 to vector<16xi32>
    %mul3A_155 = arith.muli %broadcast_in_dim3A_151, %mul3A_154 : vector<16xi32>
    %broadcast_in_dim3A_156 = arith.constant 1 : i32
    %broadcast_in_dim3A_157 = vector.broadcast %broadcast_in_dim3A_156 : i32 to vector<16xi32>
    %add3A_158 = arith.constant 2 : i32
    %add3A_159 = arith.addi %add3A_143, %add3A_158 : i32
    %mul3A_160 = vector.broadcast %add3A_159 : i32 to vector<16xi32>
    %mul3A_161 = arith.muli %broadcast_in_dim3A_157, %mul3A_160 : vector<16xi32>
    %broadcast_in_dim3A_162 = arith.constant 1 : i32
    %broadcast_in_dim3A_163 = vector.broadcast %broadcast_in_dim3A_162 : i32 to vector<16xi32>
    %add3A_164 = arith.constant 3 : i32
    %add3A_165 = arith.addi %add3A_143, %add3A_164 : i32
    %mul3A_166 = vector.broadcast %add3A_165 : i32 to vector<16xi32>
    %mul3A_167 = arith.muli %broadcast_in_dim3A_163, %mul3A_166 : vector<16xi32>
    %broadcast_in_dim3A_168 = arith.constant 1 : i32
    %broadcast_in_dim3A_169 = vector.broadcast %broadcast_in_dim3A_168 : i32 to vector<16xi32>
    %add3A_170 = arith.constant 4 : i32
    %add3A_171 = arith.addi %add3A_143, %add3A_170 : i32
    %mul3A_172 = vector.broadcast %add3A_171 : i32 to vector<16xi32>
    %mul3A_173 = arith.muli %broadcast_in_dim3A_169, %mul3A_172 : vector<16xi32>
    %broadcast_in_dim3A_174 = arith.constant 1 : i32
    %broadcast_in_dim3A_175 = vector.broadcast %broadcast_in_dim3A_174 : i32 to vector<16xi32>
    %add3A_176 = arith.constant 5 : i32
    %add3A_177 = arith.addi %add3A_143, %add3A_176 : i32
    %mul3A_178 = vector.broadcast %add3A_177 : i32 to vector<16xi32>
    %mul3A_179 = arith.muli %broadcast_in_dim3A_175, %mul3A_178 : vector<16xi32>
    %broadcast_in_dim3A_180 = arith.constant 1 : i32
    %broadcast_in_dim3A_181 = vector.broadcast %broadcast_in_dim3A_180 : i32 to vector<16xi32>
    %add3A_182 = arith.constant 6 : i32
    %add3A_183 = arith.addi %add3A_143, %add3A_182 : i32
    %mul3A_184 = vector.broadcast %add3A_183 : i32 to vector<16xi32>
    %mul3A_185 = arith.muli %broadcast_in_dim3A_181, %mul3A_184 : vector<16xi32>
    %broadcast_in_dim3A_186 = arith.constant 1 : i32
    %broadcast_in_dim3A_187 = vector.broadcast %broadcast_in_dim3A_186 : i32 to vector<16xi32>
    %add3A_188 = arith.constant 7 : i32
    %add3A_189 = arith.addi %add3A_143, %add3A_188 : i32
    %mul3A_190 = vector.broadcast %add3A_189 : i32 to vector<16xi32>
    %mul3A_191 = arith.muli %broadcast_in_dim3A_187, %mul3A_190 : vector<16xi32>
    %parallel_loop3A_192 = arith.constant 0 : i32
    %parallel_loop3A_193 = arith.constant 64 : i32
    %parallel_loop3A_194 = arith.constant 1 : i32
    scf.for %parallel_loop3A_417 = %parallel_loop3A_192 to %parallel_loop3A_193 step %parallel_loop3A_194  : i32 {
      %parallel_loop3A_418 = arith.constant 16 : i32
      %parallel_loop3A_419 = arith.muli %parallel_loop3A_417, %parallel_loop3A_418 : i32
      %parallel_loop3A_420 = arith.constant 1024 : i32
      %parallel_loop3A_421 = arith.addi %parallel_loop3A_420, %parallel_loop3A_419 : i32
      %parallel_loop3A_422 = arith.index_cast %parallel_loop3A_421 : i32 to index
      %parallel_loop3A_423 = tpu.vector_load %arg7[%parallel_loop3A_422] {strides = array<i32>} : memref<4096xi32, #tpu.memory_space<vmem>>, vector<16xi32>,
      %parallel_loop3A_424 = arith.constant 16 : i32
      %parallel_loop3A_425 = arith.muli %parallel_loop3A_417, %parallel_loop3A_424 : i32
      %parallel_loop3A_426 = arith.addi %parallel_loop3A_423, %mul3A_149 : vector<16xi32>
      %parallel_loop3A_427 = arith.constant 0 : i32
      %parallel_loop3A_428 = arith.index_cast %parallel_loop3A_427 : i32 to index
      %parallel_loop3A_429 = arith.index_cast %parallel_loop3A_425 : i32 to index
      %parallel_loop3A_430 = tpu.vector_load %arg11[%parallel_loop3A_428, %parallel_loop3A_429] {strides = array<i32>} : memref<8x1024xf32, #tpu.memory_space<vmem>>, vector<16xf32>,
      %parallel_loop3A_431 = tpu.vector_load_idx %arg8[%parallel_loop3A_426] : memref<30730xf32, #tpu.memory_space<vmem>>[vector<16xi32>], vector<16xf32>,
      %parallel_loop3A_432 = tpu.vector_load_idx %arg9[%parallel_loop3A_426] : memref<30730xf32, #tpu.memory_space<vmem>>[vector<16xi32>], vector<16xf32>,
      %parallel_loop3A_433 = arith.mulf %parallel_loop3A_432, %parallel_loop3A_430 : vector<16xf32>
      %parallel_loop3A_434 = arith.addf %parallel_loop3A_431, %parallel_loop3A_433 : vector<16xf32>
      %parallel_loop3A_435 = arith.constant 0 : i32
      %parallel_loop3A_436 = arith.index_cast %parallel_loop3A_435 : i32 to index
      %parallel_loop3A_437 = arith.index_cast %parallel_loop3A_425 : i32 to index
      %parallel_loop3A_438 = tpu.vector_load %arg11[%parallel_loop3A_436, %parallel_loop3A_437] {strides = array<i32>} : memref<8x1024xf32, #tpu.memory_space<vmem>>, vector<16xf32>,
      tpu.vector_store %arg11[%parallel_loop3A_436, %parallel_loop3A_437], %parallel_loop3A_434 {strides = array<i32>} : memref<8x1024xf32, #tpu.memory_space<vmem>>, vector<16xf32>,
      %parallel_loop3A_439 = arith.addi %parallel_loop3A_423, %mul3A_155 : vector<16xi32>
      %parallel_loop3A_440 = arith.constant 1 : i32
      %parallel_loop3A_441 = arith.index_cast %parallel_loop3A_440 : i32 to index
      %parallel_loop3A_442 = arith.index_cast %parallel_loop3A_425 : i32 to index
      %parallel_loop3A_443 = tpu.vector_load %arg11[%parallel_loop3A_441, %parallel_loop3A_442] {strides = array<i32>} : memref<8x1024xf32, #tpu.memory_space<vmem>>, vector<16xf32>,
      %parallel_loop3A_444 = tpu.vector_load_idx %arg8[%parallel_loop3A_439] : memref<30730xf32, #tpu.memory_space<vmem>>[vector<16xi32>], vector<16xf32>,
      %parallel_loop3A_445 = tpu.vector_load_idx %arg9[%parallel_loop3A_439] : memref<30730xf32, #tpu.memory_space<vmem>>[vector<16xi32>], vector<16xf32>,
      %parallel_loop3A_446 = arith.mulf %parallel_loop3A_445, %parallel_loop3A_443 : vector<16xf32>
      %parallel_loop3A_447 = arith.addf %parallel_loop3A_444, %parallel_loop3A_446 : vector<16xf32>
      %parallel_loop3A_448 = arith.constant 1 : i32
      %parallel_loop3A_449 = arith.index_cast %parallel_loop3A_448 : i32 to index
      %parallel_loop3A_450 = arith.index_cast %parallel_loop3A_425 : i32 to index
      %parallel_loop3A_451 = tpu.vector_load %arg11[%parallel_loop3A_449, %parallel_loop3A_450] {strides = array<i32>} : memref<8x1024xf32, #tpu.memory_space<vmem>>, vector<16xf32>,
      tpu.vector_store %arg11[%parallel_loop3A_449, %parallel_loop3A_450], %parallel_loop3A_447 {strides = array<i32>} : memref<8x1024xf32, #tpu.memory_space<vmem>>, vector<16xf32>,
      %parallel_loop3A_452 = arith.addi %parallel_loop3A_423, %mul3A_161 : vector<16xi32>
      %parallel_loop3A_453 = arith.constant 2 : i32
      %parallel_loop3A_454 = arith.index_cast %parallel_loop3A_453 : i32 to index
      %parallel_loop3A_455 = arith.index_cast %parallel_loop3A_425 : i32 to index
      %parallel_loop3A_456 = tpu.vector_load %arg11[%parallel_loop3A_454, %parallel_loop3A_455] {strides = array<i32>} : memref<8x1024xf32, #tpu.memory_space<vmem>>, vector<16xf32>,
      %parallel_loop3A_457 = tpu.vector_load_idx %arg8[%parallel_loop3A_452] : memref<30730xf32, #tpu.memory_space<vmem>>[vector<16xi32>], vector<16xf32>,
      %parallel_loop3A_458 = tpu.vector_load_idx %arg9[%parallel_loop3A_452] : memref<30730xf32, #tpu.memory_space<vmem>>[vector<16xi32>], vector<16xf32>,
      %parallel_loop3A_459 = arith.mulf %parallel_loop3A_458, %parallel_loop3A_456 : vector<16xf32>
      %parallel_loop3A_460 = arith.addf %parallel_loop3A_457, %parallel_loop3A_459 : vector<16xf32>
      %parallel_loop3A_461 = arith.constant 2 : i32
      %parallel_loop3A_462 = arith.index_cast %parallel_loop3A_461 : i32 to index
      %parallel_loop3A_463 = arith.index_cast %parallel_loop3A_425 : i32 to index
      %parallel_loop3A_464 = tpu.vector_load %arg11[%parallel_loop3A_462, %parallel_loop3A_463] {strides = array<i32>} : memref<8x1024xf32, #tpu.memory_space<vmem>>, vector<16xf32>,
      tpu.vector_store %arg11[%parallel_loop3A_462, %parallel_loop3A_463], %parallel_loop3A_460 {strides = array<i32>} : memref<8x1024xf32, #tpu.memory_space<vmem>>, vector<16xf32>,
      %parallel_loop3A_465 = arith.addi %parallel_loop3A_423, %mul3A_167 : vector<16xi32>
      %parallel_loop3A_466 = arith.constant 3 : i32
      %parallel_loop3A_467 = arith.index_cast %parallel_loop3A_466 : i32 to index
      %parallel_loop3A_468 = arith.index_cast %parallel_loop3A_425 : i32 to index
      %parallel_loop3A_469 = tpu.vector_load %arg11[%parallel_loop3A_467, %parallel_loop3A_468] {strides = array<i32>} : memref<8x1024xf32, #tpu.memory_space<vmem>>, vector<16xf32>,
      %parallel_loop3A_470 = tpu.vector_load_idx %arg8[%parallel_loop3A_465] : memref<30730xf32, #tpu.memory_space<vmem>>[vector<16xi32>], vector<16xf32>,
      %parallel_loop3A_471 = tpu.vector_load_idx %arg9[%parallel_loop3A_465] : memref<30730xf32, #tpu.memory_space<vmem>>[vector<16xi32>], vector<16xf32>,
      %parallel_loop3A_472 = arith.mulf %parallel_loop3A_471, %parallel_loop3A_469 : vector<16xf32>
      %parallel_loop3A_473 = arith.addf %parallel_loop3A_470, %parallel_loop3A_472 : vector<16xf32>
      %parallel_loop3A_474 = arith.constant 3 : i32
      %parallel_loop3A_475 = arith.index_cast %parallel_loop3A_474 : i32 to index
      %parallel_loop3A_476 = arith.index_cast %parallel_loop3A_425 : i32 to index
      %parallel_loop3A_477 = tpu.vector_load %arg11[%parallel_loop3A_475, %parallel_loop3A_476] {strides = array<i32>} : memref<8x1024xf32, #tpu.memory_space<vmem>>, vector<16xf32>,
      tpu.vector_store %arg11[%parallel_loop3A_475, %parallel_loop3A_476], %parallel_loop3A_473 {strides = array<i32>} : memref<8x1024xf32, #tpu.memory_space<vmem>>, vector<16xf32>,
      %parallel_loop3A_478 = arith.addi %parallel_loop3A_423, %mul3A_173 : vector<16xi32>
      %parallel_loop3A_479 = arith.constant 4 : i32
      %parallel_loop3A_480 = arith.index_cast %parallel_loop3A_479 : i32 to index
      %parallel_loop3A_481 = arith.index_cast %parallel_loop3A_425 : i32 to index
      %parallel_loop3A_482 = tpu.vector_load %arg11[%parallel_loop3A_480, %parallel_loop3A_481] {strides = array<i32>} : memref<8x1024xf32, #tpu.memory_space<vmem>>, vector<16xf32>,
      %parallel_loop3A_483 = tpu.vector_load_idx %arg8[%parallel_loop3A_478] : memref<30730xf32, #tpu.memory_space<vmem>>[vector<16xi32>], vector<16xf32>,
      %parallel_loop3A_484 = tpu.vector_load_idx %arg9[%parallel_loop3A_478] : memref<30730xf32, #tpu.memory_space<vmem>>[vector<16xi32>], vector<16xf32>,
      %parallel_loop3A_485 = arith.mulf %parallel_loop3A_484, %parallel_loop3A_482 : vector<16xf32>
      %parallel_loop3A_486 = arith.addf %parallel_loop3A_483, %parallel_loop3A_485 : vector<16xf32>
      %parallel_loop3A_487 = arith.constant 4 : i32
      %parallel_loop3A_488 = arith.index_cast %parallel_loop3A_487 : i32 to index
      %parallel_loop3A_489 = arith.index_cast %parallel_loop3A_425 : i32 to index
      %parallel_loop3A_490 = tpu.vector_load %arg11[%parallel_loop3A_488, %parallel_loop3A_489] {strides = array<i32>} : memref<8x1024xf32, #tpu.memory_space<vmem>>, vector<16xf32>,
      tpu.vector_store %arg11[%parallel_loop3A_488, %parallel_loop3A_489], %parallel_loop3A_486 {strides = array<i32>} : memref<8x1024xf32, #tpu.memory_space<vmem>>, vector<16xf32>,
      %parallel_loop3A_491 = arith.addi %parallel_loop3A_423, %mul3A_179 : vector<16xi32>
      %parallel_loop3A_492 = arith.constant 5 : i32
      %parallel_loop3A_493 = arith.index_cast %parallel_loop3A_492 : i32 to index
      %parallel_loop3A_494 = arith.index_cast %parallel_loop3A_425 : i32 to index
      %parallel_loop3A_495 = tpu.vector_load %arg11[%parallel_loop3A_493, %parallel_loop3A_494] {strides = array<i32>} : memref<8x1024xf32, #tpu.memory_space<vmem>>, vector<16xf32>,
      %parallel_loop3A_496 = tpu.vector_load_idx %arg8[%parallel_loop3A_491] : memref<30730xf32, #tpu.memory_space<vmem>>[vector<16xi32>], vector<16xf32>,
      %parallel_loop3A_497 = tpu.vector_load_idx %arg9[%parallel_loop3A_491] : memref<30730xf32, #tpu.memory_space<vmem>>[vector<16xi32>], vector<16xf32>,
      %parallel_loop3A_498 = arith.mulf %parallel_loop3A_497, %parallel_loop3A_495 : vector<16xf32>
      %parallel_loop3A_499 = arith.addf %parallel_loop3A_496, %parallel_loop3A_498 : vector<16xf32>
      %parallel_loop3A_500 = arith.constant 5 : i32
      %parallel_loop3A_501 = arith.index_cast %parallel_loop3A_500 : i32 to index
      %parallel_loop3A_502 = arith.index_cast %parallel_loop3A_425 : i32 to index
      %parallel_loop3A_503 = tpu.vector_load %arg11[%parallel_loop3A_501, %parallel_loop3A_502] {strides = array<i32>} : memref<8x1024xf32, #tpu.memory_space<vmem>>, vector<16xf32>,
      tpu.vector_store %arg11[%parallel_loop3A_501, %parallel_loop3A_502], %parallel_loop3A_499 {strides = array<i32>} : memref<8x1024xf32, #tpu.memory_space<vmem>>, vector<16xf32>,
      %parallel_loop3A_504 = arith.addi %parallel_loop3A_423, %mul3A_185 : vector<16xi32>
      %parallel_loop3A_505 = arith.constant 6 : i32
      %parallel_loop3A_506 = arith.index_cast %parallel_loop3A_505 : i32 to index
      %parallel_loop3A_507 = arith.index_cast %parallel_loop3A_425 : i32 to index
      %parallel_loop3A_508 = tpu.vector_load %arg11[%parallel_loop3A_506, %parallel_loop3A_507] {strides = array<i32>} : memref<8x1024xf32, #tpu.memory_space<vmem>>, vector<16xf32>,
      %parallel_loop3A_509 = tpu.vector_load_idx %arg8[%parallel_loop3A_504] : memref<30730xf32, #tpu.memory_space<vmem>>[vector<16xi32>], vector<16xf32>,
      %parallel_loop3A_510 = tpu.vector_load_idx %arg9[%parallel_loop3A_504] : memref<30730xf32, #tpu.memory_space<vmem>>[vector<16xi32>], vector<16xf32>,
      %parallel_loop3A_511 = arith.mulf %parallel_loop3A_510, %parallel_loop3A_508 : vector<16xf32>
      %parallel_loop3A_512 = arith.addf %parallel_loop3A_509, %parallel_loop3A_511 : vector<16xf32>
      %parallel_loop3A_513 = arith.constant 6 : i32
      %parallel_loop3A_514 = arith.index_cast %parallel_loop3A_513 : i32 to index
      %parallel_loop3A_515 = arith.index_cast %parallel_loop3A_425 : i32 to index
      %parallel_loop3A_516 = tpu.vector_load %arg11[%parallel_loop3A_514, %parallel_loop3A_515] {strides = array<i32>} : memref<8x1024xf32, #tpu.memory_space<vmem>>, vector<16xf32>,
      tpu.vector_store %arg11[%parallel_loop3A_514, %parallel_loop3A_515], %parallel_loop3A_512 {strides = array<i32>} : memref<8x1024xf32, #tpu.memory_space<vmem>>, vector<16xf32>,
      %parallel_loop3A_517 = arith.addi %parallel_loop3A_423, %mul3A_191 : vector<16xi32>
      %parallel_loop3A_518 = arith.constant 7 : i32
      %parallel_loop3A_519 = arith.index_cast %parallel_loop3A_518 : i32 to index
      %parallel_loop3A_520 = arith.index_cast %parallel_loop3A_425 : i32 to index
      %parallel_loop3A_521 = tpu.vector_load %arg11[%parallel_loop3A_519, %parallel_loop3A_520] {strides = array<i32>} : memref<8x1024xf32, #tpu.memory_space<vmem>>, vector<16xf32>,
      %parallel_loop3A_522 = tpu.vector_load_idx %arg8[%parallel_loop3A_517] : memref<30730xf32, #tpu.memory_space<vmem>>[vector<16xi32>], vector<16xf32>,
      %parallel_loop3A_523 = tpu.vector_load_idx %arg9[%parallel_loop3A_517] : memref<30730xf32, #tpu.memory_space<vmem>>[vector<16xi32>], vector<16xf32>,
      %parallel_loop3A_524 = arith.mulf %parallel_loop3A_523, %parallel_loop3A_521 : vector<16xf32>
      %parallel_loop3A_525 = arith.addf %parallel_loop3A_522, %parallel_loop3A_524 : vector<16xf32>
      %parallel_loop3A_526 = arith.constant 7 : i32
      %parallel_loop3A_527 = arith.index_cast %parallel_loop3A_526 : i32 to index
      %parallel_loop3A_528 = arith.index_cast %parallel_loop3A_425 : i32 to index
      %parallel_loop3A_529 = tpu.vector_load %arg11[%parallel_loop3A_527, %parallel_loop3A_528] {strides = array<i32>} : memref<8x1024xf32, #tpu.memory_space<vmem>>, vector<16xf32>,
      tpu.vector_store %arg11[%parallel_loop3A_527, %parallel_loop3A_528], %parallel_loop3A_525 {strides = array<i32>} : memref<8x1024xf32, #tpu.memory_space<vmem>>, vector<16xf32>,
    } {sc.loop_unroll_factor = 2 : i64, sc.parallel_access}
    %add3A_195 = arith.constant 0 : i32
    %add3A_196 = arith.addi %mul3A_2, %add3A_195 : i32
    %dma_start3A_197 = tpu.memref_reshape %arg6 : memref<3x32x32x4096xf32, #tpu.memory_space<hbm>> -> memref<96x32x4096xf32, #tpu.memory_space<hbm>>
    %dma_start3A_198 = arith.constant 0 : i32
    %dma_start3A_199 = arith.constant 1024 : i32
    %dma_start3A_200 = tpu.memref_slice %dma_start3A_197[%add3A_196, %dma_start3A_198, %dma_start3A_199] : memref<96x32x4096xf32, #tpu.memory_space<hbm>> -> memref<1x8x1024xf32, #tpu.memory_space<hbm>>
    %dma_start3A_201 = tpu.memref_squeeze %dma_start3A_200 : memref<1x8x1024xf32, #tpu.memory_space<hbm>> -> memref<8x1024xf32, #tpu.memory_space<hbm>>
    %dma_start3A_202 = tpu.memref_reshape %arg6 : memref<3x32x32x4096xf32, #tpu.memory_space<hbm>> -> memref<96x32x4096xf32, #tpu.memory_space<hbm>>
    %dma_start3A_203 = arith.constant 0 : i32
    %dma_start3A_204 = arith.constant 1024 : i32
    %dma_start3A_205 = tpu.memref_slice %dma_start3A_202[%add3A_196, %dma_start3A_203, %dma_start3A_204] : memref<96x32x4096xf32, #tpu.memory_space<hbm>> -> memref<1x8x1024xf32, #tpu.memory_space<hbm>>
    %dma_start3A_206 = tpu.memref_squeeze %dma_start3A_205 : memref<1x8x1024xf32, #tpu.memory_space<hbm>> -> memref<8x1024xf32, #tpu.memory_space<hbm>>
    tpu.enqueue_dma source(%arg11 : memref<8x1024xf32, #tpu.memory_space<vmem>>) target(%dma_start3A_206 : memref<8x1024xf32, #tpu.memory_space<hbm>>) target_semaphore(%arg19 : memref<!tpu.dma_semaphore, #tpu.memory_space<semaphore_mem>>)
    %scan3A = arith.constant 0 : i32
    %scan3A_207 = arith.constant 0 : i32
    %scan3A_208 = arith.constant 11 : i32
    %scan3A_209 = arith.addi %scan3A_207, %scan3A_208 : i32
    %scan3A_210 = arith.constant 1 : i32
    %scan3A_211 = scf.for %scan3A_417 = %scan3A_207 to %scan3A_209 step %scan3A_210 iter_args(%scan3A_418 = %scan3A) -> (i32)  : i32 {
      %mul3A_419 = arith.constant 4 : i32
      %mul3A_420 = arith.muli %mul3A_419, %scan3A_417 : i32
      %add3A_421 = arith.constant 2 : i32
      %add3A_422 = arith.addi %mul3A_420, %add3A_421 : i32
      %add3A_423 = arith.constant 0 : i32
      %add3A_424 = arith.addi %add3A_422, %add3A_423 : i32
      %dma_wait3A_425 = arith.constant 0 : i32
      %dma_wait3A_426 = tpu.memref_reshape %arg6 : memref<3x32x32x4096xf32, #tpu.memory_space<hbm>> -> memref<96x32x4096xf32, #tpu.memory_space<hbm>>
      %dma_wait3A_427 = arith.constant 0 : i32
      %dma_wait3A_428 = arith.constant 0 : i32
      %dma_wait3A_429 = tpu.memref_slice %dma_wait3A_426[%dma_wait3A_425, %dma_wait3A_427, %dma_wait3A_428] : memref<96x32x4096xf32, #tpu.memory_space<hbm>> -> memref<1x8x1024xf32, #tpu.memory_space<hbm>>
      %dma_wait3A_430 = tpu.memref_squeeze %dma_wait3A_429 : memref<1x8x1024xf32, #tpu.memory_space<hbm>> -> memref<8x1024xf32, #tpu.memory_space<hbm>>
      %dma_wait3A_431 = tpu.memref_reshape %arg6 : memref<3x32x32x4096xf32, #tpu.memory_space<hbm>> -> memref<96x32x4096xf32, #tpu.memory_space<hbm>>
      %dma_wait3A_432 = arith.constant 0 : i32
      %dma_wait3A_433 = arith.constant 0 : i32
      %dma_wait3A_434 = tpu.memref_slice %dma_wait3A_431[%dma_wait3A_425, %dma_wait3A_432, %dma_wait3A_433] : memref<96x32x4096xf32, #tpu.memory_space<hbm>> -> memref<1x8x1024xf32, #tpu.memory_space<hbm>>
      %dma_wait3A_435 = tpu.memref_squeeze %dma_wait3A_434 : memref<1x8x1024xf32, #tpu.memory_space<hbm>> -> memref<8x1024xf32, #tpu.memory_space<hbm>>
      tpu.wait_dma2 semaphore(%arg18 : memref<!tpu.dma_semaphore, #tpu.memory_space<semaphore_mem>>) src(%arg10 : memref<8x1024xf32, #tpu.memory_space<vmem>>) dst(%dma_wait3A_435 : memref<8x1024xf32, #tpu.memory_space<hbm>>)
      %add3A_436 = arith.constant 2 : i32
      %add3A_437 = arith.addi %add3A_424, %add3A_436 : i32
      %jit3A = arith.constant 16 : i32
      %div3A = arith.divsi %add3A_437, %jit3A : i32
      %sign3A = arith.constant 0 : i32
      %sign3A_438 = arith.cmpi sgt, %add3A_437, %sign3A : i32
      %sign3A_439 = arith.extui %sign3A_438 : i1 to i32
      %sign3A_440 = arith.constant 0 : i32
      %sign3A_441 = arith.cmpi slt, %add3A_437, %sign3A_440 : i32
      %sign3A_442 = arith.extui %sign3A_441 : i1 to i32
      %sign3A_443 = arith.subi %sign3A_439, %sign3A_442 : i32
      %sign3A_444 = arith.constant 0 : i32
      %sign3A_445 = arith.cmpi sgt, %jit3A, %sign3A_444 : i32
      %sign3A_446 = arith.extui %sign3A_445 : i1 to i32
      %sign3A_447 = arith.constant 0 : i32
      %sign3A_448 = arith.cmpi slt, %jit3A, %sign3A_447 : i32
      %sign3A_449 = arith.extui %sign3A_448 : i1 to i32
      %sign3A_450 = arith.subi %sign3A_446, %sign3A_449 : i32
      %ne3A = arith.cmpi ne, %sign3A_443, %sign3A_450 : i32
      %rem3A = arith.remsi %add3A_437, %jit3A : i32
      %ne3A_451 = arith.constant 0 : i32
      %ne3A_452 = arith.cmpi ne, %rem3A, %ne3A_451 : i32
      %and3A = arith.andi %ne3A, %ne3A_452 : i1
      %sub3A = arith.constant 1 : i32
      %sub3A_453 = arith.subi %div3A, %sub3A : i32
      %select_n3A = arith.select %and3A, %sub3A_453, %div3A : i32
      %add3A_454 = arith.addi %mul3A_2, %select_n3A : i32
      %jit3A_455 = arith.constant 4 : i32
      %div3A_456 = arith.divsi %add3A_437, %jit3A_455 : i32
      %sign3A_457 = arith.constant 0 : i32
      %sign3A_458 = arith.cmpi sgt, %add3A_437, %sign3A_457 : i32
      %sign3A_459 = arith.extui %sign3A_458 : i1 to i32
      %sign3A_460 = arith.constant 0 : i32
      %sign3A_461 = arith.cmpi slt, %add3A_437, %sign3A_460 : i32
      %sign3A_462 = arith.extui %sign3A_461 : i1 to i32
      %sign3A_463 = arith.subi %sign3A_459, %sign3A_462 : i32
      %sign3A_464 = arith.constant 0 : i32
      %sign3A_465 = arith.cmpi sgt, %jit3A_455, %sign3A_464 : i32
      %sign3A_466 = arith.extui %sign3A_465 : i1 to i32
      %sign3A_467 = arith.constant 0 : i32
      %sign3A_468 = arith.cmpi slt, %jit3A_455, %sign3A_467 : i32
      %sign3A_469 = arith.extui %sign3A_468 : i1 to i32
      %sign3A_470 = arith.subi %sign3A_466, %sign3A_469 : i32
      %ne3A_471 = arith.cmpi ne, %sign3A_463, %sign3A_470 : i32
      %rem3A_472 = arith.remsi %add3A_437, %jit3A_455 : i32
      %ne3A_473 = arith.constant 0 : i32
      %ne3A_474 = arith.cmpi ne, %rem3A_472, %ne3A_473 : i32
      %and3A_475 = arith.andi %ne3A_471, %ne3A_474 : i1
      %sub3A_476 = arith.constant 1 : i32
      %sub3A_477 = arith.subi %div3A_456, %sub3A_476 : i32
      %select_n3A_478 = arith.select %and3A_475, %sub3A_477, %div3A_456 : i32
      %jit3A_479 = arith.constant 4 : i32
      %eq3A = arith.constant 0 : i32
      %eq3A_480 = arith.cmpi eq, %jit3A_479, %eq3A : i32
      %jit3A_481 = arith.constant 1 : i32
      %select_n3A_482 = arith.select %eq3A_480, %jit3A_481, %jit3A_479 : i32
      %rem3A_483 = arith.remsi %select_n3A_478, %select_n3A_482 : i32
      %ne3A_484 = arith.constant 0 : i32
      %ne3A_485 = arith.cmpi ne, %rem3A_483, %ne3A_484 : i32
      %lt3A = arith.constant 0 : i32
      %lt3A_486 = arith.cmpi slt, %rem3A_483, %lt3A : i32
      %lt3A_487 = arith.constant 0 : i32
      %lt3A_488 = arith.cmpi slt, %select_n3A_482, %lt3A_487 : i32
      %ne3A_489 = arith.xori %lt3A_486, %lt3A_488 : i1
      %and3A_490 = arith.andi %ne3A_489, %ne3A_485 : i1
      %add3A_491 = arith.addi %rem3A_483, %select_n3A_482 : i32
      %select_n3A_492 = arith.select %and3A_490, %add3A_491, %rem3A_483 : i32
      %mul3A_493 = arith.constant 8 : i32
      %mul3A_494 = arith.muli %select_n3A_492, %mul3A_493 : i32
      %jit3A_495 = arith.constant 4 : i32
      %eq3A_496 = arith.constant 0 : i32
      %eq3A_497 = arith.cmpi eq, %jit3A_495, %eq3A_496 : i32
      %jit3A_498 = arith.constant 1 : i32
      %select_n3A_499 = arith.select %eq3A_497, %jit3A_498, %jit3A_495 : i32
      %rem3A_500 = arith.remsi %add3A_437, %select_n3A_499 : i32
      %ne3A_501 = arith.constant 0 : i32
      %ne3A_502 = arith.cmpi ne, %rem3A_500, %ne3A_501 : i32
      %lt3A_503 = arith.constant 0 : i32
      %lt3A_504 = arith.cmpi slt, %rem3A_500, %lt3A_503 : i32
      %lt3A_505 = arith.constant 0 : i32
      %lt3A_506 = arith.cmpi slt, %select_n3A_499, %lt3A_505 : i32
      %ne3A_507 = arith.xori %lt3A_504, %lt3A_506 : i1
      %and3A_508 = arith.andi %ne3A_507, %ne3A_502 : i1
      %add3A_509 = arith.addi %rem3A_500, %select_n3A_499 : i32
      %select_n3A_510 = arith.select %and3A_508, %add3A_509, %rem3A_500 : i32
      %mul3A_511 = arith.constant 1024 : i32
      %mul3A_512 = arith.muli %select_n3A_510, %mul3A_511 : i32
      %dma_start3A_513 = tpu.memref_reshape %arg5 : memref<3x32x32x4096xf32, #tpu.memory_space<hbm>> -> memref<96x32x4096xf32, #tpu.memory_space<hbm>>
      %dma_start3A_514 = tpu.memref_slice %dma_start3A_513[%add3A_454, %mul3A_494, %mul3A_512] : memref<96x32x4096xf32, #tpu.memory_space<hbm>> -> memref<1x8x1024xf32, #tpu.memory_space<hbm>>
      %dma_start3A_515 = tpu.memref_squeeze %dma_start3A_514 : memref<1x8x1024xf32, #tpu.memory_space<hbm>> -> memref<8x1024xf32, #tpu.memory_space<hbm>>
      %dma_start3A_516 = tpu.memref_reshape %arg5 : memref<3x32x32x4096xf32, #tpu.memory_space<hbm>> -> memref<96x32x4096xf32, #tpu.memory_space<hbm>>
      %dma_start3A_517 = tpu.memref_slice %dma_start3A_516[%add3A_454, %mul3A_494, %mul3A_512] : memref<96x32x4096xf32, #tpu.memory_space<hbm>> -> memref<1x8x1024xf32, #tpu.memory_space<hbm>>
      %dma_start3A_518 = tpu.memref_squeeze %dma_start3A_517 : memref<1x8x1024xf32, #tpu.memory_space<hbm>> -> memref<8x1024xf32, #tpu.memory_space<hbm>>
      tpu.enqueue_dma source(%dma_start3A_518 : memref<8x1024xf32, #tpu.memory_space<hbm>>) target(%arg10 : memref<8x1024xf32, #tpu.memory_space<vmem>>) target_semaphore(%arg14 : memref<!tpu.dma_semaphore, #tpu.memory_space<semaphore_mem>>)
      %dma_wait3A_519 = arith.constant 0 : i32
      %dma_wait3A_520 = tpu.memref_reshape %arg5 : memref<3x32x32x4096xf32, #tpu.memory_space<hbm>> -> memref<96x32x4096xf32, #tpu.memory_space<hbm>>
      %dma_wait3A_521 = arith.constant 0 : i32
      %dma_wait3A_522 = arith.constant 0 : i32
      %dma_wait3A_523 = tpu.memref_slice %dma_wait3A_520[%dma_wait3A_519, %dma_wait3A_521, %dma_wait3A_522] : memref<96x32x4096xf32, #tpu.memory_space<hbm>> -> memref<1x8x1024xf32, #tpu.memory_space<hbm>>
      %dma_wait3A_524 = tpu.memref_squeeze %dma_wait3A_523 : memref<1x8x1024xf32, #tpu.memory_space<hbm>> -> memref<8x1024xf32, #tpu.memory_space<hbm>>
      %dma_wait3A_525 = tpu.memref_reshape %arg5 : memref<3x32x32x4096xf32, #tpu.memory_space<hbm>> -> memref<96x32x4096xf32, #tpu.memory_space<hbm>>
      %dma_wait3A_526 = arith.constant 0 : i32
      %dma_wait3A_527 = arith.constant 0 : i32
      %dma_wait3A_528 = tpu.memref_slice %dma_wait3A_525[%dma_wait3A_519, %dma_wait3A_526, %dma_wait3A_527] : memref<96x32x4096xf32, #tpu.memory_space<hbm>> -> memref<1x8x1024xf32, #tpu.memory_space<hbm>>
      %dma_wait3A_529 = tpu.memref_squeeze %dma_wait3A_528 : memref<1x8x1024xf32, #tpu.memory_space<hbm>> -> memref<8x1024xf32, #tpu.memory_space<hbm>>
      tpu.wait_dma2 semaphore(%arg16 : memref<!tpu.dma_semaphore, #tpu.memory_space<semaphore_mem>>) src(%dma_wait3A_529 : memref<8x1024xf32, #tpu.memory_space<hbm>>) dst(%arg12 : memref<8x1024xf32, #tpu.memory_space<vmem>>)
      %jit3A_530 = arith.constant 16 : i32
      %div3A_531 = arith.divsi %add3A_424, %jit3A_530 : i32
      %sign3A_532 = arith.constant 0 : i32
      %sign3A_533 = arith.cmpi sgt, %add3A_424, %sign3A_532 : i32
      %sign3A_534 = arith.extui %sign3A_533 : i1 to i32
      %sign3A_535 = arith.constant 0 : i32
      %sign3A_536 = arith.cmpi slt, %add3A_424, %sign3A_535 : i32
      %sign3A_537 = arith.extui %sign3A_536 : i1 to i32
      %sign3A_538 = arith.subi %sign3A_534, %sign3A_537 : i32
      %sign3A_539 = arith.constant 0 : i32
      %sign3A_540 = arith.cmpi sgt, %jit3A_530, %sign3A_539 : i32
      %sign3A_541 = arith.extui %sign3A_540 : i1 to i32
      %sign3A_542 = arith.constant 0 : i32
      %sign3A_543 = arith.cmpi slt, %jit3A_530, %sign3A_542 : i32
      %sign3A_544 = arith.extui %sign3A_543 : i1 to i32
      %sign3A_545 = arith.subi %sign3A_541, %sign3A_544 : i32
      %ne3A_546 = arith.cmpi ne, %sign3A_538, %sign3A_545 : i32
      %rem3A_547 = arith.remsi %add3A_424, %jit3A_530 : i32
      %ne3A_548 = arith.constant 0 : i32
      %ne3A_549 = arith.cmpi ne, %rem3A_547, %ne3A_548 : i32
      %and3A_550 = arith.andi %ne3A_546, %ne3A_549 : i1
      %sub3A_551 = arith.constant 1 : i32
      %sub3A_552 = arith.subi %div3A_531, %sub3A_551 : i32
      %select_n3A_553 = arith.select %and3A_550, %sub3A_552, %div3A_531 : i32
      %add3A_554 = arith.addi %mul3A_2, %select_n3A_553 : i32
      %jit3A_555 = arith.constant 4 : i32
      %div3A_556 = arith.divsi %add3A_424, %jit3A_555 : i32
      %sign3A_557 = arith.constant 0 : i32
      %sign3A_558 = arith.cmpi sgt, %add3A_424, %sign3A_557 : i32
      %sign3A_559 = arith.extui %sign3A_558 : i1 to i32
      %sign3A_560 = arith.constant 0 : i32
      %sign3A_561 = arith.cmpi slt, %add3A_424, %sign3A_560 : i32
      %sign3A_562 = arith.extui %sign3A_561 : i1 to i32
      %sign3A_563 = arith.subi %sign3A_559, %sign3A_562 : i32
      %sign3A_564 = arith.constant 0 : i32
      %sign3A_565 = arith.cmpi sgt, %jit3A_555, %sign3A_564 : i32
      %sign3A_566 = arith.extui %sign3A_565 : i1 to i32
      %sign3A_567 = arith.constant 0 : i32
      %sign3A_568 = arith.cmpi slt, %jit3A_555, %sign3A_567 : i32
      %sign3A_569 = arith.extui %sign3A_568 : i1 to i32
      %sign3A_570 = arith.subi %sign3A_566, %sign3A_569 : i32
      %ne3A_571 = arith.cmpi ne, %sign3A_563, %sign3A_570 : i32
      %rem3A_572 = arith.remsi %add3A_424, %jit3A_555 : i32
      %ne3A_573 = arith.constant 0 : i32
      %ne3A_574 = arith.cmpi ne, %rem3A_572, %ne3A_573 : i32
      %and3A_575 = arith.andi %ne3A_571, %ne3A_574 : i1
      %sub3A_576 = arith.constant 1 : i32
      %sub3A_577 = arith.subi %div3A_556, %sub3A_576 : i32
      %select_n3A_578 = arith.select %and3A_575, %sub3A_577, %div3A_556 : i32
      %jit3A_579 = arith.constant 4 : i32
      %eq3A_580 = arith.constant 0 : i32
      %eq3A_581 = arith.cmpi eq, %jit3A_579, %eq3A_580 : i32
      %jit3A_582 = arith.constant 1 : i32
      %select_n3A_583 = arith.select %eq3A_581, %jit3A_582, %jit3A_579 : i32
      %rem3A_584 = arith.remsi %select_n3A_578, %select_n3A_583 : i32
      %ne3A_585 = arith.constant 0 : i32
      %ne3A_586 = arith.cmpi ne, %rem3A_584, %ne3A_585 : i32
      %lt3A_587 = arith.constant 0 : i32
      %lt3A_588 = arith.cmpi slt, %rem3A_584, %lt3A_587 : i32
      %lt3A_589 = arith.constant 0 : i32
      %lt3A_590 = arith.cmpi slt, %select_n3A_583, %lt3A_589 : i32
      %ne3A_591 = arith.xori %lt3A_588, %lt3A_590 : i1
      %and3A_592 = arith.andi %ne3A_591, %ne3A_586 : i1
      %add3A_593 = arith.addi %rem3A_584, %select_n3A_583 : i32
      %select_n3A_594 = arith.select %and3A_592, %add3A_593, %rem3A_584 : i32
      %mul3A_595 = arith.constant 8 : i32
      %mul3A_596 = arith.muli %select_n3A_594, %mul3A_595 : i32
      %jit3A_597 = arith.constant 4 : i32
      %eq3A_598 = arith.constant 0 : i32
      %eq3A_599 = arith.cmpi eq, %jit3A_597, %eq3A_598 : i32
      %jit3A_600 = arith.constant 1 : i32
      %select_n3A_601 = arith.select %eq3A_599, %jit3A_600, %jit3A_597 : i32
      %rem3A_602 = arith.remsi %add3A_424, %select_n3A_601 : i32
      %ne3A_603 = arith.constant 0 : i32
      %ne3A_604 = arith.cmpi ne, %rem3A_602, %ne3A_603 : i32
      %lt3A_605 = arith.constant 0 : i32
      %lt3A_606 = arith.cmpi slt, %rem3A_602, %lt3A_605 : i32
      %lt3A_607 = arith.constant 0 : i32
      %lt3A_608 = arith.cmpi slt, %select_n3A_601, %lt3A_607 : i32
      %ne3A_609 = arith.xori %lt3A_606, %lt3A_608 : i1
      %and3A_610 = arith.andi %ne3A_609, %ne3A_604 : i1
      %add3A_611 = arith.addi %rem3A_602, %select_n3A_601 : i32
      %select_n3A_612 = arith.select %and3A_610, %add3A_611, %rem3A_602 : i32
      %mul3A_613 = arith.constant 1024 : i32
      %mul3A_614 = arith.muli %select_n3A_612, %mul3A_613 : i32
      %mul3A_615 = arith.constant 32 : i32
      %mul3A_616 = arith.muli %add3A_554, %mul3A_615 : i32
      %add3A_617 = arith.addi %mul3A_616, %mul3A_596 : i32
      %broadcast_in_dim3A_618 = arith.constant 1 : i32
      %broadcast_in_dim3A_619 = vector.broadcast %broadcast_in_dim3A_618 : i32 to vector<16xi32>
      %add3A_620 = arith.constant 0 : i32
      %add3A_621 = arith.addi %add3A_617, %add3A_620 : i32
      %mul3A_622 = vector.broadcast %add3A_621 : i32 to vector<16xi32>
      %mul3A_623 = arith.muli %broadcast_in_dim3A_619, %mul3A_622 : vector<16xi32>
      %broadcast_in_dim3A_624 = arith.constant 1 : i32
      %broadcast_in_dim3A_625 = vector.broadcast %broadcast_in_dim3A_624 : i32 to vector<16xi32>
      %add3A_626 = arith.constant 1 : i32
      %add3A_627 = arith.addi %add3A_617, %add3A_626 : i32
      %mul3A_628 = vector.broadcast %add3A_627 : i32 to vector<16xi32>
      %mul3A_629 = arith.muli %broadcast_in_dim3A_625, %mul3A_628 : vector<16xi32>
      %broadcast_in_dim3A_630 = arith.constant 1 : i32
      %broadcast_in_dim3A_631 = vector.broadcast %broadcast_in_dim3A_630 : i32 to vector<16xi32>
      %add3A_632 = arith.constant 2 : i32
      %add3A_633 = arith.addi %add3A_617, %add3A_632 : i32
      %mul3A_634 = vector.broadcast %add3A_633 : i32 to vector<16xi32>
      %mul3A_635 = arith.muli %broadcast_in_dim3A_631, %mul3A_634 : vector<16xi32>
      %broadcast_in_dim3A_636 = arith.constant 1 : i32
      %broadcast_in_dim3A_637 = vector.broadcast %broadcast_in_dim3A_636 : i32 to vector<16xi32>
      %add3A_638 = arith.constant 3 : i32
      %add3A_639 = arith.addi %add3A_617, %add3A_638 : i32
      %mul3A_640 = vector.broadcast %add3A_639 : i32 to vector<16xi32>
      %mul3A_641 = arith.muli %broadcast_in_dim3A_637, %mul3A_640 : vector<16xi32>
      %broadcast_in_dim3A_642 = arith.constant 1 : i32
      %broadcast_in_dim3A_643 = vector.broadcast %broadcast_in_dim3A_642 : i32 to vector<16xi32>
      %add3A_644 = arith.constant 4 : i32
      %add3A_645 = arith.addi %add3A_617, %add3A_644 : i32
      %mul3A_646 = vector.broadcast %add3A_645 : i32 to vector<16xi32>
      %mul3A_647 = arith.muli %broadcast_in_dim3A_643, %mul3A_646 : vector<16xi32>
      %broadcast_in_dim3A_648 = arith.constant 1 : i32
      %broadcast_in_dim3A_649 = vector.broadcast %broadcast_in_dim3A_648 : i32 to vector<16xi32>
      %add3A_650 = arith.constant 5 : i32
      %add3A_651 = arith.addi %add3A_617, %add3A_650 : i32
      %mul3A_652 = vector.broadcast %add3A_651 : i32 to vector<16xi32>
      %mul3A_653 = arith.muli %broadcast_in_dim3A_649, %mul3A_652 : vector<16xi32>
      %broadcast_in_dim3A_654 = arith.constant 1 : i32
      %broadcast_in_dim3A_655 = vector.broadcast %broadcast_in_dim3A_654 : i32 to vector<16xi32>
      %add3A_656 = arith.constant 6 : i32
      %add3A_657 = arith.addi %add3A_617, %add3A_656 : i32
      %mul3A_658 = vector.broadcast %add3A_657 : i32 to vector<16xi32>
      %mul3A_659 = arith.muli %broadcast_in_dim3A_655, %mul3A_658 : vector<16xi32>
      %broadcast_in_dim3A_660 = arith.constant 1 : i32
      %broadcast_in_dim3A_661 = vector.broadcast %broadcast_in_dim3A_660 : i32 to vector<16xi32>
      %add3A_662 = arith.constant 7 : i32
      %add3A_663 = arith.addi %add3A_617, %add3A_662 : i32
      %mul3A_664 = vector.broadcast %add3A_663 : i32 to vector<16xi32>
      %mul3A_665 = arith.muli %broadcast_in_dim3A_661, %mul3A_664 : vector<16xi32>
      %parallel_loop3A_666 = arith.constant 0 : i32
      %parallel_loop3A_667 = arith.constant 64 : i32
      %parallel_loop3A_668 = arith.constant 1 : i32
      scf.for %parallel_loop3A_1814 = %parallel_loop3A_666 to %parallel_loop3A_667 step %parallel_loop3A_668  : i32 {
        %parallel_loop3A_1815 = arith.constant 16 : i32
        %parallel_loop3A_1816 = arith.muli %parallel_loop3A_1814, %parallel_loop3A_1815 : i32
        %parallel_loop3A_1817 = arith.addi %mul3A_614, %parallel_loop3A_1816 : i32
        %parallel_loop3A_1818 = arith.index_cast %parallel_loop3A_1817 : i32 to index
        %parallel_loop3A_1819 = tpu.vector_load %arg7[%parallel_loop3A_1818] {strides = array<i32>} : memref<4096xi32, #tpu.memory_space<vmem>>, vector<16xi32>,
        %parallel_loop3A_1820 = arith.constant 16 : i32
        %parallel_loop3A_1821 = arith.muli %parallel_loop3A_1814, %parallel_loop3A_1820 : i32
        %parallel_loop3A_1822 = arith.addi %parallel_loop3A_1819, %mul3A_623 : vector<16xi32>
        %parallel_loop3A_1823 = arith.constant 0 : i32
        %parallel_loop3A_1824 = arith.index_cast %parallel_loop3A_1823 : i32 to index
        %parallel_loop3A_1825 = arith.index_cast %parallel_loop3A_1821 : i32 to index
        %parallel_loop3A_1826 = tpu.vector_load %arg12[%parallel_loop3A_1824, %parallel_loop3A_1825] {strides = array<i32>} : memref<8x1024xf32, #tpu.memory_space<vmem>>, vector<16xf32>,
        %parallel_loop3A_1827 = tpu.vector_load_idx %arg8[%parallel_loop3A_1822] : memref<30730xf32, #tpu.memory_space<vmem>>[vector<16xi32>], vector<16xf32>,
        %parallel_loop3A_1828 = tpu.vector_load_idx %arg9[%parallel_loop3A_1822] : memref<30730xf32, #tpu.memory_space<vmem>>[vector<16xi32>], vector<16xf32>,
        %parallel_loop3A_1829 = arith.mulf %parallel_loop3A_1828, %parallel_loop3A_1826 : vector<16xf32>
        %parallel_loop3A_1830 = arith.addf %parallel_loop3A_1827, %parallel_loop3A_1829 : vector<16xf32>
        %parallel_loop3A_1831 = arith.constant 0 : i32
        %parallel_loop3A_1832 = arith.index_cast %parallel_loop3A_1831 : i32 to index
        %parallel_loop3A_1833 = arith.index_cast %parallel_loop3A_1821 : i32 to index
        %parallel_loop3A_1834 = tpu.vector_load %arg12[%parallel_loop3A_1832, %parallel_loop3A_1833] {strides = array<i32>} : memref<8x1024xf32, #tpu.memory_space<vmem>>, vector<16xf32>,
        tpu.vector_store %arg12[%parallel_loop3A_1832, %parallel_loop3A_1833], %parallel_loop3A_1830 {strides = array<i32>} : memref<8x1024xf32, #tpu.memory_space<vmem>>, vector<16xf32>,
        %parallel_loop3A_1835 = arith.addi %parallel_loop3A_1819, %mul3A_629 : vector<16xi32>
        %parallel_loop3A_1836 = arith.constant 1 : i32
        %parallel_loop3A_1837 = arith.index_cast %parallel_loop3A_1836 : i32 to index
        %parallel_loop3A_1838 = arith.index_cast %parallel_loop3A_1821 : i32 to index
        %parallel_loop3A_1839 = tpu.vector_load %arg12[%parallel_loop3A_1837, %parallel_loop3A_1838] {strides = array<i32>} : memref<8x1024xf32, #tpu.memory_space<vmem>>, vector<16xf32>,
        %parallel_loop3A_1840 = tpu.vector_load_idx %arg8[%parallel_loop3A_1835] : memref<30730xf32, #tpu.memory_space<vmem>>[vector<16xi32>], vector<16xf32>,
        %parallel_loop3A_1841 = tpu.vector_load_idx %arg9[%parallel_loop3A_1835] : memref<30730xf32, #tpu.memory_space<vmem>>[vector<16xi32>], vector<16xf32>,
        %parallel_loop3A_1842 = arith.mulf %parallel_loop3A_1841, %parallel_loop3A_1839 : vector<16xf32>
        %parallel_loop3A_1843 = arith.addf %parallel_loop3A_1840, %parallel_loop3A_1842 : vector<16xf32>
        %parallel_loop3A_1844 = arith.constant 1 : i32
        %parallel_loop3A_1845 = arith.index_cast %parallel_loop3A_1844 : i32 to index
        %parallel_loop3A_1846 = arith.index_cast %parallel_loop3A_1821 : i32 to index
        %parallel_loop3A_1847 = tpu.vector_load %arg12[%parallel_loop3A_1845, %parallel_loop3A_1846] {strides = array<i32>} : memref<8x1024xf32, #tpu.memory_space<vmem>>, vector<16xf32>,
        tpu.vector_store %arg12[%parallel_loop3A_1845, %parallel_loop3A_1846], %parallel_loop3A_1843 {strides = array<i32>} : memref<8x1024xf32, #tpu.memory_space<vmem>>, vector<16xf32>,
        %parallel_loop3A_1848 = arith.addi %parallel_loop3A_1819, %mul3A_635 : vector<16xi32>
        %parallel_loop3A_1849 = arith.constant 2 : i32
        %parallel_loop3A_1850 = arith.index_cast %parallel_loop3A_1849 : i32 to index
        %parallel_loop3A_1851 = arith.index_cast %parallel_loop3A_1821 : i32 to index
        %parallel_loop3A_1852 = tpu.vector_load %arg12[%parallel_loop3A_1850, %parallel_loop3A_1851] {strides = array<i32>} : memref<8x1024xf32, #tpu.memory_space<vmem>>, vector<16xf32>,
        %parallel_loop3A_1853 = tpu.vector_load_idx %arg8[%parallel_loop3A_1848] : memref<30730xf32, #tpu.memory_space<vmem>>[vector<16xi32>], vector<16xf32>,
        %parallel_loop3A_1854 = tpu.vector_load_idx %arg9[%parallel_loop3A_1848] : memref<30730xf32, #tpu.memory_space<vmem>>[vector<16xi32>], vector<16xf32>,
        %parallel_loop3A_1855 = arith.mulf %parallel_loop3A_1854, %parallel_loop3A_1852 : vector<16xf32>
        %parallel_loop3A_1856 = arith.addf %parallel_loop3A_1853, %parallel_loop3A_1855 : vector<16xf32>
        %parallel_loop3A_1857 = arith.constant 2 : i32
        %parallel_loop3A_1858 = arith.index_cast %parallel_loop3A_1857 : i32 to index
        %parallel_loop3A_1859 = arith.index_cast %parallel_loop3A_1821 : i32 to index
        %parallel_loop3A_1860 = tpu.vector_load %arg12[%parallel_loop3A_1858, %parallel_loop3A_1859] {strides = array<i32>} : memref<8x1024xf32, #tpu.memory_space<vmem>>, vector<16xf32>,
        tpu.vector_store %arg12[%parallel_loop3A_1858, %parallel_loop3A_1859], %parallel_loop3A_1856 {strides = array<i32>} : memref<8x1024xf32, #tpu.memory_space<vmem>>, vector<16xf32>,
        %parallel_loop3A_1861 = arith.addi %parallel_loop3A_1819, %mul3A_641 : vector<16xi32>
        %parallel_loop3A_1862 = arith.constant 3 : i32
        %parallel_loop3A_1863 = arith.index_cast %parallel_loop3A_1862 : i32 to index
        %parallel_loop3A_1864 = arith.index_cast %parallel_loop3A_1821 : i32 to index
        %parallel_loop3A_1865 = tpu.vector_load %arg12[%parallel_loop3A_1863, %parallel_loop3A_1864] {strides = array<i32>} : memref<8x1024xf32, #tpu.memory_space<vmem>>, vector<16xf32>,
        %parallel_loop3A_1866 = tpu.vector_load_idx %arg8[%parallel_loop3A_1861] : memref<30730xf32, #tpu.memory_space<vmem>>[vector<16xi32>], vector<16xf32>,
        %parallel_loop3A_1867 = tpu.vector_load_idx %arg9[%parallel_loop3A_1861] : memref<30730xf32, #tpu.memory_space<vmem>>[vector<16xi32>], vector<16xf32>,
        %parallel_loop3A_1868 = arith.mulf %parallel_loop3A_1867, %parallel_loop3A_1865 : vector<16xf32>
        %parallel_loop3A_1869 = arith.addf %parallel_loop3A_1866, %parallel_loop3A_1868 : vector<16xf32>
        %parallel_loop3A_1870 = arith.constant 3 : i32
        %parallel_loop3A_1871 = arith.index_cast %parallel_loop3A_1870 : i32 to index
        %parallel_loop3A_1872 = arith.index_cast %parallel_loop3A_1821 : i32 to index
        %parallel_loop3A_1873 = tpu.vector_load %arg12[%parallel_loop3A_1871, %parallel_loop3A_1872] {strides = array<i32>} : memref<8x1024xf32, #tpu.memory_space<vmem>>, vector<16xf32>,
        tpu.vector_store %arg12[%parallel_loop3A_1871, %parallel_loop3A_1872], %parallel_loop3A_1869 {strides = array<i32>} : memref<8x1024xf32, #tpu.memory_space<vmem>>, vector<16xf32>,
        %parallel_loop3A_1874 = arith.addi %parallel_loop3A_1819, %mul3A_647 : vector<16xi32>
        %parallel_loop3A_1875 = arith.constant 4 : i32
        %parallel_loop3A_1876 = arith.index_cast %parallel_loop3A_1875 : i32 to index
        %parallel_loop3A_1877 = arith.index_cast %parallel_loop3A_1821 : i32 to index
        %parallel_loop3A_1878 = tpu.vector_load %arg12[%parallel_loop3A_1876, %parallel_loop3A_1877] {strides = array<i32>} : memref<8x1024xf32, #tpu.memory_space<vmem>>, vector<16xf32>,
        %parallel_loop3A_1879 = tpu.vector_load_idx %arg8[%parallel_loop3A_1874] : memref<30730xf32, #tpu.memory_space<vmem>>[vector<16xi32>], vector<16xf32>,
        %parallel_loop3A_1880 = tpu.vector_load_idx %arg9[%parallel_loop3A_1874] : memref<30730xf32, #tpu.memory_space<vmem>>[vector<16xi32>], vector<16xf32>,
        %parallel_loop3A_1881 = arith.mulf %parallel_loop3A_1880, %parallel_loop3A_1878 : vector<16xf32>
        %parallel_loop3A_1882 = arith.addf %parallel_loop3A_1879, %parallel_loop3A_1881 : vector<16xf32>
        %parallel_loop3A_1883 = arith.constant 4 : i32
        %parallel_loop3A_1884 = arith.index_cast %parallel_loop3A_1883 : i32 to index
        %parallel_loop3A_1885 = arith.index_cast %parallel_loop3A_1821 : i32 to index
        %parallel_loop3A_1886 = tpu.vector_load %arg12[%parallel_loop3A_1884, %parallel_loop3A_1885] {strides = array<i32>} : memref<8x1024xf32, #tpu.memory_space<vmem>>, vector<16xf32>,
        tpu.vector_store %arg12[%parallel_loop3A_1884, %parallel_loop3A_1885], %parallel_loop3A_1882 {strides = array<i32>} : memref<8x1024xf32, #tpu.memory_space<vmem>>, vector<16xf32>,
        %parallel_loop3A_1887 = arith.addi %parallel_loop3A_1819, %mul3A_653 : vector<16xi32>
        %parallel_loop3A_1888 = arith.constant 5 : i32
        %parallel_loop3A_1889 = arith.index_cast %parallel_loop3A_1888 : i32 to index
        %parallel_loop3A_1890 = arith.index_cast %parallel_loop3A_1821 : i32 to index
        %parallel_loop3A_1891 = tpu.vector_load %arg12[%parallel_loop3A_1889, %parallel_loop3A_1890] {strides = array<i32>} : memref<8x1024xf32, #tpu.memory_space<vmem>>, vector<16xf32>,
        %parallel_loop3A_1892 = tpu.vector_load_idx %arg8[%parallel_loop3A_1887] : memref<30730xf32, #tpu.memory_space<vmem>>[vector<16xi32>], vector<16xf32>,
        %parallel_loop3A_1893 = tpu.vector_load_idx %arg9[%parallel_loop3A_1887] : memref<30730xf32, #tpu.memory_space<vmem>>[vector<16xi32>], vector<16xf32>,
        %parallel_loop3A_1894 = arith.mulf %parallel_loop3A_1893, %parallel_loop3A_1891 : vector<16xf32>
        %parallel_loop3A_1895 = arith.addf %parallel_loop3A_1892, %parallel_loop3A_1894 : vector<16xf32>
        %parallel_loop3A_1896 = arith.constant 5 : i32
        %parallel_loop3A_1897 = arith.index_cast %parallel_loop3A_1896 : i32 to index
        %parallel_loop3A_1898 = arith.index_cast %parallel_loop3A_1821 : i32 to index
        %parallel_loop3A_1899 = tpu.vector_load %arg12[%parallel_loop3A_1897, %parallel_loop3A_1898] {strides = array<i32>} : memref<8x1024xf32, #tpu.memory_space<vmem>>, vector<16xf32>,
        tpu.vector_store %arg12[%parallel_loop3A_1897, %parallel_loop3A_1898], %parallel_loop3A_1895 {strides = array<i32>} : memref<8x1024xf32, #tpu.memory_space<vmem>>, vector<16xf32>,
        %parallel_loop3A_1900 = arith.addi %parallel_loop3A_1819, %mul3A_659 : vector<16xi32>
        %parallel_loop3A_1901 = arith.constant 6 : i32
        %parallel_loop3A_1902 = arith.index_cast %parallel_loop3A_1901 : i32 to index
        %parallel_loop3A_1903 = arith.index_cast %parallel_loop3A_1821 : i32 to index
        %parallel_loop3A_1904 = tpu.vector_load %arg12[%parallel_loop3A_1902, %parallel_loop3A_1903] {strides = array<i32>} : memref<8x1024xf32, #tpu.memory_space<vmem>>, vector<16xf32>,
        %parallel_loop3A_1905 = tpu.vector_load_idx %arg8[%parallel_loop3A_1900] : memref<30730xf32, #tpu.memory_space<vmem>>[vector<16xi32>], vector<16xf32>,
        %parallel_loop3A_1906 = tpu.vector_load_idx %arg9[%parallel_loop3A_1900] : memref<30730xf32, #tpu.memory_space<vmem>>[vector<16xi32>], vector<16xf32>,
        %parallel_loop3A_1907 = arith.mulf %parallel_loop3A_1906, %parallel_loop3A_1904 : vector<16xf32>
        %parallel_loop3A_1908 = arith.addf %parallel_loop3A_1905, %parallel_loop3A_1907 : vector<16xf32>
        %parallel_loop3A_1909 = arith.constant 6 : i32
        %parallel_loop3A_1910 = arith.index_cast %parallel_loop3A_1909 : i32 to index
        %parallel_loop3A_1911 = arith.index_cast %parallel_loop3A_1821 : i32 to index
        %parallel_loop3A_1912 = tpu.vector_load %arg12[%parallel_loop3A_1910, %parallel_loop3A_1911] {strides = array<i32>} : memref<8x1024xf32, #tpu.memory_space<vmem>>, vector<16xf32>,
        tpu.vector_store %arg12[%parallel_loop3A_1910, %parallel_loop3A_1911], %parallel_loop3A_1908 {strides = array<i32>} : memref<8x1024xf32, #tpu.memory_space<vmem>>, vector<16xf32>,
        %parallel_loop3A_1913 = arith.addi %parallel_loop3A_1819, %mul3A_665 : vector<16xi32>
        %parallel_loop3A_1914 = arith.constant 7 : i32
        %parallel_loop3A_1915 = arith.index_cast %parallel_loop3A_1914 : i32 to index
        %parallel_loop3A_1916 = arith.index_cast %parallel_loop3A_1821 : i32 to index
        %parallel_loop3A_1917 = tpu.vector_load %arg12[%parallel_loop3A_1915, %parallel_loop3A_1916] {strides = array<i32>} : memref<8x1024xf32, #tpu.memory_space<vmem>>, vector<16xf32>,
        %parallel_loop3A_1918 = tpu.vector_load_idx %arg8[%parallel_loop3A_1913] : memref<30730xf32, #tpu.memory_space<vmem>>[vector<16xi32>], vector<16xf32>,
        %parallel_loop3A_1919 = tpu.vector_load_idx %arg9[%parallel_loop3A_1913] : memref<30730xf32, #tpu.memory_space<vmem>>[vector<16xi32>], vector<16xf32>,
        %parallel_loop3A_1920 = arith.mulf %parallel_loop3A_1919, %parallel_loop3A_1917 : vector<16xf32>
        %parallel_loop3A_1921 = arith.addf %parallel_loop3A_1918, %parallel_loop3A_1920 : vector<16xf32>
        %parallel_loop3A_1922 = arith.constant 7 : i32
        %parallel_loop3A_1923 = arith.index_cast %parallel_loop3A_1922 : i32 to index
        %parallel_loop3A_1924 = arith.index_cast %parallel_loop3A_1821 : i32 to index
        %parallel_loop3A_1925 = tpu.vector_load %arg12[%parallel_loop3A_1923, %parallel_loop3A_1924] {strides = array<i32>} : memref<8x1024xf32, #tpu.memory_space<vmem>>, vector<16xf32>,
        tpu.vector_store %arg12[%parallel_loop3A_1923, %parallel_loop3A_1924], %parallel_loop3A_1921 {strides = array<i32>} : memref<8x1024xf32, #tpu.memory_space<vmem>>, vector<16xf32>,
      } {sc.loop_unroll_factor = 2 : i64, sc.parallel_access}
      %jit3A_669 = arith.constant 16 : i32
      %div3A_670 = arith.divsi %add3A_424, %jit3A_669 : i32
      %sign3A_671 = arith.constant 0 : i32
      %sign3A_672 = arith.cmpi sgt, %add3A_424, %sign3A_671 : i32
      %sign3A_673 = arith.extui %sign3A_672 : i1 to i32
      %sign3A_674 = arith.constant 0 : i32
      %sign3A_675 = arith.cmpi slt, %add3A_424, %sign3A_674 : i32
      %sign3A_676 = arith.extui %sign3A_675 : i1 to i32
      %sign3A_677 = arith.subi %sign3A_673, %sign3A_676 : i32
      %sign3A_678 = arith.constant 0 : i32
      %sign3A_679 = arith.cmpi sgt, %jit3A_669, %sign3A_678 : i32
      %sign3A_680 = arith.extui %sign3A_679 : i1 to i32
      %sign3A_681 = arith.constant 0 : i32
      %sign3A_682 = arith.cmpi slt, %jit3A_669, %sign3A_681 : i32
      %sign3A_683 = arith.extui %sign3A_682 : i1 to i32
      %sign3A_684 = arith.subi %sign3A_680, %sign3A_683 : i32
      %ne3A_685 = arith.cmpi ne, %sign3A_677, %sign3A_684 : i32
      %rem3A_686 = arith.remsi %add3A_424, %jit3A_669 : i32
      %ne3A_687 = arith.constant 0 : i32
      %ne3A_688 = arith.cmpi ne, %rem3A_686, %ne3A_687 : i32
      %and3A_689 = arith.andi %ne3A_685, %ne3A_688 : i1
      %sub3A_690 = arith.constant 1 : i32
      %sub3A_691 = arith.subi %div3A_670, %sub3A_690 : i32
      %select_n3A_692 = arith.select %and3A_689, %sub3A_691, %div3A_670 : i32
      %add3A_693 = arith.addi %mul3A_2, %select_n3A_692 : i32
      %jit3A_694 = arith.constant 4 : i32
      %div3A_695 = arith.divsi %add3A_424, %jit3A_694 : i32
      %sign3A_696 = arith.constant 0 : i32
      %sign3A_697 = arith.cmpi sgt, %add3A_424, %sign3A_696 : i32
      %sign3A_698 = arith.extui %sign3A_697 : i1 to i32
      %sign3A_699 = arith.constant 0 : i32
      %sign3A_700 = arith.cmpi slt, %add3A_424, %sign3A_699 : i32
      %sign3A_701 = arith.extui %sign3A_700 : i1 to i32
      %sign3A_702 = arith.subi %sign3A_698, %sign3A_701 : i32
      %sign3A_703 = arith.constant 0 : i32
      %sign3A_704 = arith.cmpi sgt, %jit3A_694, %sign3A_703 : i32
      %sign3A_705 = arith.extui %sign3A_704 : i1 to i32
      %sign3A_706 = arith.constant 0 : i32
      %sign3A_707 = arith.cmpi slt, %jit3A_694, %sign3A_706 : i32
      %sign3A_708 = arith.extui %sign3A_707 : i1 to i32
      %sign3A_709 = arith.subi %sign3A_705, %sign3A_708 : i32
      %ne3A_710 = arith.cmpi ne, %sign3A_702, %sign3A_709 : i32
      %rem3A_711 = arith.remsi %add3A_424, %jit3A_694 : i32
      %ne3A_712 = arith.constant 0 : i32
      %ne3A_713 = arith.cmpi ne, %rem3A_711, %ne3A_712 : i32
      %and3A_714 = arith.andi %ne3A_710, %ne3A_713 : i1
      %sub3A_715 = arith.constant 1 : i32
      %sub3A_716 = arith.subi %div3A_695, %sub3A_715 : i32
      %select_n3A_717 = arith.select %and3A_714, %sub3A_716, %div3A_695 : i32
      %jit3A_718 = arith.constant 4 : i32
      %eq3A_719 = arith.constant 0 : i32
      %eq3A_720 = arith.cmpi eq, %jit3A_718, %eq3A_719 : i32
      %jit3A_721 = arith.constant 1 : i32
      %select_n3A_722 = arith.select %eq3A_720, %jit3A_721, %jit3A_718 : i32
      %rem3A_723 = arith.remsi %select_n3A_717, %select_n3A_722 : i32
      %ne3A_724 = arith.constant 0 : i32
      %ne3A_725 = arith.cmpi ne, %rem3A_723, %ne3A_724 : i32
      %lt3A_726 = arith.constant 0 : i32
      %lt3A_727 = arith.cmpi slt, %rem3A_723, %lt3A_726 : i32
      %lt3A_728 = arith.constant 0 : i32
      %lt3A_729 = arith.cmpi slt, %select_n3A_722, %lt3A_728 : i32
      %ne3A_730 = arith.xori %lt3A_727, %lt3A_729 : i1
      %and3A_731 = arith.andi %ne3A_730, %ne3A_725 : i1
      %add3A_732 = arith.addi %rem3A_723, %select_n3A_722 : i32
      %select_n3A_733 = arith.select %and3A_731, %add3A_732, %rem3A_723 : i32
      %mul3A_734 = arith.constant 8 : i32
      %mul3A_735 = arith.muli %select_n3A_733, %mul3A_734 : i32
      %jit3A_736 = arith.constant 4 : i32
      %eq3A_737 = arith.constant 0 : i32
      %eq3A_738 = arith.cmpi eq, %jit3A_736, %eq3A_737 : i32
      %jit3A_739 = arith.constant 1 : i32
      %select_n3A_740 = arith.select %eq3A_738, %jit3A_739, %jit3A_736 : i32
      %rem3A_741 = arith.remsi %add3A_424, %select_n3A_740 : i32
      %ne3A_742 = arith.constant 0 : i32
      %ne3A_743 = arith.cmpi ne, %rem3A_741, %ne3A_742 : i32
      %lt3A_744 = arith.constant 0 : i32
      %lt3A_745 = arith.cmpi slt, %rem3A_741, %lt3A_744 : i32
      %lt3A_746 = arith.constant 0 : i32
      %lt3A_747 = arith.cmpi slt, %select_n3A_740, %lt3A_746 : i32
      %ne3A_748 = arith.xori %lt3A_745, %lt3A_747 : i1
      %and3A_749 = arith.andi %ne3A_748, %ne3A_743 : i1
      %add3A_750 = arith.addi %rem3A_741, %select_n3A_740 : i32
      %select_n3A_751 = arith.select %and3A_749, %add3A_750, %rem3A_741 : i32
      %mul3A_752 = arith.constant 1024 : i32
      %mul3A_753 = arith.muli %select_n3A_751, %mul3A_752 : i32
      %dma_start3A_754 = tpu.memref_reshape %arg6 : memref<3x32x32x4096xf32, #tpu.memory_space<hbm>> -> memref<96x32x4096xf32, #tpu.memory_space<hbm>>
      %dma_start3A_755 = tpu.memref_slice %dma_start3A_754[%add3A_693, %mul3A_735, %mul3A_753] : memref<96x32x4096xf32, #tpu.memory_space<hbm>> -> memref<1x8x1024xf32, #tpu.memory_space<hbm>>
      %dma_start3A_756 = tpu.memref_squeeze %dma_start3A_755 : memref<1x8x1024xf32, #tpu.memory_space<hbm>> -> memref<8x1024xf32, #tpu.memory_space<hbm>>
      %dma_start3A_757 = tpu.memref_reshape %arg6 : memref<3x32x32x4096xf32, #tpu.memory_space<hbm>> -> memref<96x32x4096xf32, #tpu.memory_space<hbm>>
      %dma_start3A_758 = tpu.memref_slice %dma_start3A_757[%add3A_693, %mul3A_735, %mul3A_753] : memref<96x32x4096xf32, #tpu.memory_space<hbm>> -> memref<1x8x1024xf32, #tpu.memory_space<hbm>>
      %dma_start3A_759 = tpu.memref_squeeze %dma_start3A_758 : memref<1x8x1024xf32, #tpu.memory_space<hbm>> -> memref<8x1024xf32, #tpu.memory_space<hbm>>
      tpu.enqueue_dma source(%arg12 : memref<8x1024xf32, #tpu.memory_space<vmem>>) target(%dma_start3A_759 : memref<8x1024xf32, #tpu.memory_space<hbm>>) target_semaphore(%arg20 : memref<!tpu.dma_semaphore, #tpu.memory_space<semaphore_mem>>)
      %mul3A_760 = arith.constant 4 : i32
      %mul3A_761 = arith.muli %mul3A_760, %scan3A_417 : i32
      %add3A_762 = arith.constant 2 : i32
      %add3A_763 = arith.addi %mul3A_761, %add3A_762 : i32
      %add3A_764 = arith.constant 1 : i32
      %add3A_765 = arith.addi %add3A_763, %add3A_764 : i32
      %dma_wait3A_766 = arith.constant 0 : i32
      %dma_wait3A_767 = tpu.memref_reshape %arg6 : memref<3x32x32x4096xf32, #tpu.memory_space<hbm>> -> memref<96x32x4096xf32, #tpu.memory_space<hbm>>
      %dma_wait3A_768 = arith.constant 0 : i32
      %dma_wait3A_769 = arith.constant 0 : i32
      %dma_wait3A_770 = tpu.memref_slice %dma_wait3A_767[%dma_wait3A_766, %dma_wait3A_768, %dma_wait3A_769] : memref<96x32x4096xf32, #tpu.memory_space<hbm>> -> memref<1x8x1024xf32, #tpu.memory_space<hbm>>
      %dma_wait3A_771 = tpu.memref_squeeze %dma_wait3A_770 : memref<1x8x1024xf32, #tpu.memory_space<hbm>> -> memref<8x1024xf32, #tpu.memory_space<hbm>>
      %dma_wait3A_772 = tpu.memref_reshape %arg6 : memref<3x32x32x4096xf32, #tpu.memory_space<hbm>> -> memref<96x32x4096xf32, #tpu.memory_space<hbm>>
      %dma_wait3A_773 = arith.constant 0 : i32
      %dma_wait3A_774 = arith.constant 0 : i32
      %dma_wait3A_775 = tpu.memref_slice %dma_wait3A_772[%dma_wait3A_766, %dma_wait3A_773, %dma_wait3A_774] : memref<96x32x4096xf32, #tpu.memory_space<hbm>> -> memref<1x8x1024xf32, #tpu.memory_space<hbm>>
      %dma_wait3A_776 = tpu.memref_squeeze %dma_wait3A_775 : memref<1x8x1024xf32, #tpu.memory_space<hbm>> -> memref<8x1024xf32, #tpu.memory_space<hbm>>
      tpu.wait_dma2 semaphore(%arg19 : memref<!tpu.dma_semaphore, #tpu.memory_space<semaphore_mem>>) src(%arg11 : memref<8x1024xf32, #tpu.memory_space<vmem>>) dst(%dma_wait3A_776 : memref<8x1024xf32, #tpu.memory_space<hbm>>)
      %add3A_777 = arith.constant 2 : i32
      %add3A_778 = arith.addi %add3A_765, %add3A_777 : i32
      %jit3A_779 = arith.constant 16 : i32
      %div3A_780 = arith.divsi %add3A_778, %jit3A_779 : i32
      %sign3A_781 = arith.constant 0 : i32
      %sign3A_782 = arith.cmpi sgt, %add3A_778, %sign3A_781 : i32
      %sign3A_783 = arith.extui %sign3A_782 : i1 to i32
      %sign3A_784 = arith.constant 0 : i32
      %sign3A_785 = arith.cmpi slt, %add3A_778, %sign3A_784 : i32
      %sign3A_786 = arith.extui %sign3A_785 : i1 to i32
      %sign3A_787 = arith.subi %sign3A_783, %sign3A_786 : i32
      %sign3A_788 = arith.constant 0 : i32
      %sign3A_789 = arith.cmpi sgt, %jit3A_779, %sign3A_788 : i32
      %sign3A_790 = arith.extui %sign3A_789 : i1 to i32
      %sign3A_791 = arith.constant 0 : i32
      %sign3A_792 = arith.cmpi slt, %jit3A_779, %sign3A_791 : i32
      %sign3A_793 = arith.extui %sign3A_792 : i1 to i32
      %sign3A_794 = arith.subi %sign3A_790, %sign3A_793 : i32
      %ne3A_795 = arith.cmpi ne, %sign3A_787, %sign3A_794 : i32
      %rem3A_796 = arith.remsi %add3A_778, %jit3A_779 : i32
      %ne3A_797 = arith.constant 0 : i32
      %ne3A_798 = arith.cmpi ne, %rem3A_796, %ne3A_797 : i32
      %and3A_799 = arith.andi %ne3A_795, %ne3A_798 : i1
      %sub3A_800 = arith.constant 1 : i32
      %sub3A_801 = arith.subi %div3A_780, %sub3A_800 : i32
      %select_n3A_802 = arith.select %and3A_799, %sub3A_801, %div3A_780 : i32
      %add3A_803 = arith.addi %mul3A_2, %select_n3A_802 : i32
      %jit3A_804 = arith.constant 4 : i32
      %div3A_805 = arith.divsi %add3A_778, %jit3A_804 : i32
      %sign3A_806 = arith.constant 0 : i32
      %sign3A_807 = arith.cmpi sgt, %add3A_778, %sign3A_806 : i32
      %sign3A_808 = arith.extui %sign3A_807 : i1 to i32
      %sign3A_809 = arith.constant 0 : i32
      %sign3A_810 = arith.cmpi slt, %add3A_778, %sign3A_809 : i32
      %sign3A_811 = arith.extui %sign3A_810 : i1 to i32
      %sign3A_812 = arith.subi %sign3A_808, %sign3A_811 : i32
      %sign3A_813 = arith.constant 0 : i32
      %sign3A_814 = arith.cmpi sgt, %jit3A_804, %sign3A_813 : i32
      %sign3A_815 = arith.extui %sign3A_814 : i1 to i32
      %sign3A_816 = arith.constant 0 : i32
      %sign3A_817 = arith.cmpi slt, %jit3A_804, %sign3A_816 : i32
      %sign3A_818 = arith.extui %sign3A_817 : i1 to i32
      %sign3A_819 = arith.subi %sign3A_815, %sign3A_818 : i32
      %ne3A_820 = arith.cmpi ne, %sign3A_812, %sign3A_819 : i32
      %rem3A_821 = arith.remsi %add3A_778, %jit3A_804 : i32
      %ne3A_822 = arith.constant 0 : i32
      %ne3A_823 = arith.cmpi ne, %rem3A_821, %ne3A_822 : i32
      %and3A_824 = arith.andi %ne3A_820, %ne3A_823 : i1
      %sub3A_825 = arith.constant 1 : i32
      %sub3A_826 = arith.subi %div3A_805, %sub3A_825 : i32
      %select_n3A_827 = arith.select %and3A_824, %sub3A_826, %div3A_805 : i32
      %jit3A_828 = arith.constant 4 : i32
      %eq3A_829 = arith.constant 0 : i32
      %eq3A_830 = arith.cmpi eq, %jit3A_828, %eq3A_829 : i32
      %jit3A_831 = arith.constant 1 : i32
      %select_n3A_832 = arith.select %eq3A_830, %jit3A_831, %jit3A_828 : i32
      %rem3A_833 = arith.remsi %select_n3A_827, %select_n3A_832 : i32
      %ne3A_834 = arith.constant 0 : i32
      %ne3A_835 = arith.cmpi ne, %rem3A_833, %ne3A_834 : i32
      %lt3A_836 = arith.constant 0 : i32
      %lt3A_837 = arith.cmpi slt, %rem3A_833, %lt3A_836 : i32
      %lt3A_838 = arith.constant 0 : i32
      %lt3A_839 = arith.cmpi slt, %select_n3A_832, %lt3A_838 : i32
      %ne3A_840 = arith.xori %lt3A_837, %lt3A_839 : i1
      %and3A_841 = arith.andi %ne3A_840, %ne3A_835 : i1
      %add3A_842 = arith.addi %rem3A_833, %select_n3A_832 : i32
      %select_n3A_843 = arith.select %and3A_841, %add3A_842, %rem3A_833 : i32
      %mul3A_844 = arith.constant 8 : i32
      %mul3A_845 = arith.muli %select_n3A_843, %mul3A_844 : i32
      %jit3A_846 = arith.constant 4 : i32
      %eq3A_847 = arith.constant 0 : i32
      %eq3A_848 = arith.cmpi eq, %jit3A_846, %eq3A_847 : i32
      %jit3A_849 = arith.constant 1 : i32
      %select_n3A_850 = arith.select %eq3A_848, %jit3A_849, %jit3A_846 : i32
      %rem3A_851 = arith.remsi %add3A_778, %select_n3A_850 : i32
      %ne3A_852 = arith.constant 0 : i32
      %ne3A_853 = arith.cmpi ne, %rem3A_851, %ne3A_852 : i32
      %lt3A_854 = arith.constant 0 : i32
      %lt3A_855 = arith.cmpi slt, %rem3A_851, %lt3A_854 : i32
      %lt3A_856 = arith.constant 0 : i32
      %lt3A_857 = arith.cmpi slt, %select_n3A_850, %lt3A_856 : i32
      %ne3A_858 = arith.xori %lt3A_855, %lt3A_857 : i1
      %and3A_859 = arith.andi %ne3A_858, %ne3A_853 : i1
      %add3A_860 = arith.addi %rem3A_851, %select_n3A_850 : i32
      %select_n3A_861 = arith.select %and3A_859, %add3A_860, %rem3A_851 : i32
      %mul3A_862 = arith.constant 1024 : i32
      %mul3A_863 = arith.muli %select_n3A_861, %mul3A_862 : i32
      %dma_start3A_864 = tpu.memref_reshape %arg5 : memref<3x32x32x4096xf32, #tpu.memory_space<hbm>> -> memref<96x32x4096xf32, #tpu.memory_space<hbm>>
      %dma_start3A_865 = tpu.memref_slice %dma_start3A_864[%add3A_803, %mul3A_845, %mul3A_863] : memref<96x32x4096xf32, #tpu.memory_space<hbm>> -> memref<1x8x1024xf32, #tpu.memory_space<hbm>>
      %dma_start3A_866 = tpu.memref_squeeze %dma_start3A_865 : memref<1x8x1024xf32, #tpu.memory_space<hbm>> -> memref<8x1024xf32, #tpu.memory_space<hbm>>
      %dma_start3A_867 = tpu.memref_reshape %arg5 : memref<3x32x32x4096xf32, #tpu.memory_space<hbm>> -> memref<96x32x4096xf32, #tpu.memory_space<hbm>>
      %dma_start3A_868 = tpu.memref_slice %dma_start3A_867[%add3A_803, %mul3A_845, %mul3A_863] : memref<96x32x4096xf32, #tpu.memory_space<hbm>> -> memref<1x8x1024xf32, #tpu.memory_space<hbm>>
      %dma_start3A_869 = tpu.memref_squeeze %dma_start3A_868 : memref<1x8x1024xf32, #tpu.memory_space<hbm>> -> memref<8x1024xf32, #tpu.memory_space<hbm>>
      tpu.enqueue_dma source(%dma_start3A_869 : memref<8x1024xf32, #tpu.memory_space<hbm>>) target(%arg11 : memref<8x1024xf32, #tpu.memory_space<vmem>>) target_semaphore(%arg15 : memref<!tpu.dma_semaphore, #tpu.memory_space<semaphore_mem>>)
      %dma_wait3A_870 = arith.constant 0 : i32
      %dma_wait3A_871 = tpu.memref_reshape %arg5 : memref<3x32x32x4096xf32, #tpu.memory_space<hbm>> -> memref<96x32x4096xf32, #tpu.memory_space<hbm>>
      %dma_wait3A_872 = arith.constant 0 : i32
      %dma_wait3A_873 = arith.constant 0 : i32
      %dma_wait3A_874 = tpu.memref_slice %dma_wait3A_871[%dma_wait3A_870, %dma_wait3A_872, %dma_wait3A_873] : memref<96x32x4096xf32, #tpu.memory_space<hbm>> -> memref<1x8x1024xf32, #tpu.memory_space<hbm>>
      %dma_wait3A_875 = tpu.memref_squeeze %dma_wait3A_874 : memref<1x8x1024xf32, #tpu.memory_space<hbm>> -> memref<8x1024xf32, #tpu.memory_space<hbm>>
      %dma_wait3A_876 = tpu.memref_reshape %arg5 : memref<3x32x32x4096xf32, #tpu.memory_space<hbm>> -> memref<96x32x4096xf32, #tpu.memory_space<hbm>>
      %dma_wait3A_877 = arith.constant 0 : i32
      %dma_wait3A_878 = arith.constant 0 : i32
      %dma_wait3A_879 = tpu.memref_slice %dma_wait3A_876[%dma_wait3A_870, %dma_wait3A_877, %dma_wait3A_878] : memref<96x32x4096xf32, #tpu.memory_space<hbm>> -> memref<1x8x1024xf32, #tpu.memory_space<hbm>>
      %dma_wait3A_880 = tpu.memref_squeeze %dma_wait3A_879 : memref<1x8x1024xf32, #tpu.memory_space<hbm>> -> memref<8x1024xf32, #tpu.memory_space<hbm>>
      tpu.wait_dma2 semaphore(%arg17 : memref<!tpu.dma_semaphore, #tpu.memory_space<semaphore_mem>>) src(%dma_wait3A_880 : memref<8x1024xf32, #tpu.memory_space<hbm>>) dst(%arg13 : memref<8x1024xf32, #tpu.memory_space<vmem>>)
      %jit3A_881 = arith.constant 16 : i32
      %div3A_882 = arith.divsi %add3A_765, %jit3A_881 : i32
      %sign3A_883 = arith.constant 0 : i32
      %sign3A_884 = arith.cmpi sgt, %add3A_765, %sign3A_883 : i32
      %sign3A_885 = arith.extui %sign3A_884 : i1 to i32
      %sign3A_886 = arith.constant 0 : i32
      %sign3A_887 = arith.cmpi slt, %add3A_765, %sign3A_886 : i32
      %sign3A_888 = arith.extui %sign3A_887 : i1 to i32
      %sign3A_889 = arith.subi %sign3A_885, %sign3A_888 : i32
      %sign3A_890 = arith.constant 0 : i32
      %sign3A_891 = arith.cmpi sgt, %jit3A_881, %sign3A_890 : i32
      %sign3A_892 = arith.extui %sign3A_891 : i1 to i32
      %sign3A_893 = arith.constant 0 : i32
      %sign3A_894 = arith.cmpi slt, %jit3A_881, %sign3A_893 : i32
      %sign3A_895 = arith.extui %sign3A_894 : i1 to i32
      %sign3A_896 = arith.subi %sign3A_892, %sign3A_895 : i32
      %ne3A_897 = arith.cmpi ne, %sign3A_889, %sign3A_896 : i32
      %rem3A_898 = arith.remsi %add3A_765, %jit3A_881 : i32
      %ne3A_899 = arith.constant 0 : i32
      %ne3A_900 = arith.cmpi ne, %rem3A_898, %ne3A_899 : i32
      %and3A_901 = arith.andi %ne3A_897, %ne3A_900 : i1
      %sub3A_902 = arith.constant 1 : i32
      %sub3A_903 = arith.subi %div3A_882, %sub3A_902 : i32
      %select_n3A_904 = arith.select %and3A_901, %sub3A_903, %div3A_882 : i32
      %add3A_905 = arith.addi %mul3A_2, %select_n3A_904 : i32
      %jit3A_906 = arith.constant 4 : i32
      %div3A_907 = arith.divsi %add3A_765, %jit3A_906 : i32
      %sign3A_908 = arith.constant 0 : i32
      %sign3A_909 = arith.cmpi sgt, %add3A_765, %sign3A_908 : i32
      %sign3A_910 = arith.extui %sign3A_909 : i1 to i32
      %sign3A_911 = arith.constant 0 : i32
      %sign3A_912 = arith.cmpi slt, %add3A_765, %sign3A_911 : i32
      %sign3A_913 = arith.extui %sign3A_912 : i1 to i32
      %sign3A_914 = arith.subi %sign3A_910, %sign3A_913 : i32
      %sign3A_915 = arith.constant 0 : i32
      %sign3A_916 = arith.cmpi sgt, %jit3A_906, %sign3A_915 : i32
      %sign3A_917 = arith.extui %sign3A_916 : i1 to i32
      %sign3A_918 = arith.constant 0 : i32
      %sign3A_919 = arith.cmpi slt, %jit3A_906, %sign3A_918 : i32
      %sign3A_920 = arith.extui %sign3A_919 : i1 to i32
      %sign3A_921 = arith.subi %sign3A_917, %sign3A_920 : i32
      %ne3A_922 = arith.cmpi ne, %sign3A_914, %sign3A_921 : i32
      %rem3A_923 = arith.remsi %add3A_765, %jit3A_906 : i32
      %ne3A_924 = arith.constant 0 : i32
      %ne3A_925 = arith.cmpi ne, %rem3A_923, %ne3A_924 : i32
      %and3A_926 = arith.andi %ne3A_922, %ne3A_925 : i1
      %sub3A_927 = arith.constant 1 : i32
      %sub3A_928 = arith.subi %div3A_907, %sub3A_927 : i32
      %select_n3A_929 = arith.select %and3A_926, %sub3A_928, %div3A_907 : i32
      %jit3A_930 = arith.constant 4 : i32
      %eq3A_931 = arith.constant 0 : i32
      %eq3A_932 = arith.cmpi eq, %jit3A_930, %eq3A_931 : i32
      %jit3A_933 = arith.constant 1 : i32
      %select_n3A_934 = arith.select %eq3A_932, %jit3A_933, %jit3A_930 : i32
      %rem3A_935 = arith.remsi %select_n3A_929, %select_n3A_934 : i32
      %ne3A_936 = arith.constant 0 : i32
      %ne3A_937 = arith.cmpi ne, %rem3A_935, %ne3A_936 : i32
      %lt3A_938 = arith.constant 0 : i32
      %lt3A_939 = arith.cmpi slt, %rem3A_935, %lt3A_938 : i32
      %lt3A_940 = arith.constant 0 : i32
      %lt3A_941 = arith.cmpi slt, %select_n3A_934, %lt3A_940 : i32
      %ne3A_942 = arith.xori %lt3A_939, %lt3A_941 : i1
      %and3A_943 = arith.andi %ne3A_942, %ne3A_937 : i1
      %add3A_944 = arith.addi %rem3A_935, %select_n3A_934 : i32
      %select_n3A_945 = arith.select %and3A_943, %add3A_944, %rem3A_935 : i32
      %mul3A_946 = arith.constant 8 : i32
      %mul3A_947 = arith.muli %select_n3A_945, %mul3A_946 : i32
      %jit3A_948 = arith.constant 4 : i32
      %eq3A_949 = arith.constant 0 : i32
      %eq3A_950 = arith.cmpi eq, %jit3A_948, %eq3A_949 : i32
      %jit3A_951 = arith.constant 1 : i32
      %select_n3A_952 = arith.select %eq3A_950, %jit3A_951, %jit3A_948 : i32
      %rem3A_953 = arith.remsi %add3A_765, %select_n3A_952 : i32
      %ne3A_954 = arith.constant 0 : i32
      %ne3A_955 = arith.cmpi ne, %rem3A_953, %ne3A_954 : i32
      %lt3A_956 = arith.constant 0 : i32
      %lt3A_957 = arith.cmpi slt, %rem3A_953, %lt3A_956 : i32
      %lt3A_958 = arith.constant 0 : i32
      %lt3A_959 = arith.cmpi slt, %select_n3A_952, %lt3A_958 : i32
      %ne3A_960 = arith.xori %lt3A_957, %lt3A_959 : i1
      %and3A_961 = arith.andi %ne3A_960, %ne3A_955 : i1
      %add3A_962 = arith.addi %rem3A_953, %select_n3A_952 : i32
      %select_n3A_963 = arith.select %and3A_961, %add3A_962, %rem3A_953 : i32
      %mul3A_964 = arith.constant 1024 : i32
      %mul3A_965 = arith.muli %select_n3A_963, %mul3A_964 : i32
      %mul3A_966 = arith.constant 32 : i32
      %mul3A_967 = arith.muli %add3A_905, %mul3A_966 : i32
      %add3A_968 = arith.addi %mul3A_967, %mul3A_947 : i32
      %broadcast_in_dim3A_969 = arith.constant 1 : i32
      %broadcast_in_dim3A_970 = vector.broadcast %broadcast_in_dim3A_969 : i32 to vector<16xi32>
      %add3A_971 = arith.constant 0 : i32
      %add3A_972 = arith.addi %add3A_968, %add3A_971 : i32
      %mul3A_973 = vector.broadcast %add3A_972 : i32 to vector<16xi32>
      %mul3A_974 = arith.muli %broadcast_in_dim3A_970, %mul3A_973 : vector<16xi32>
      %broadcast_in_dim3A_975 = arith.constant 1 : i32
      %broadcast_in_dim3A_976 = vector.broadcast %broadcast_in_dim3A_975 : i32 to vector<16xi32>
      %add3A_977 = arith.constant 1 : i32
      %add3A_978 = arith.addi %add3A_968, %add3A_977 : i32
      %mul3A_979 = vector.broadcast %add3A_978 : i32 to vector<16xi32>
      %mul3A_980 = arith.muli %broadcast_in_dim3A_976, %mul3A_979 : vector<16xi32>
      %broadcast_in_dim3A_981 = arith.constant 1 : i32
      %broadcast_in_dim3A_982 = vector.broadcast %broadcast_in_dim3A_981 : i32 to vector<16xi32>
      %add3A_983 = arith.constant 2 : i32
      %add3A_984 = arith.addi %add3A_968, %add3A_983 : i32
      %mul3A_985 = vector.broadcast %add3A_984 : i32 to vector<16xi32>
      %mul3A_986 = arith.muli %broadcast_in_dim3A_982, %mul3A_985 : vector<16xi32>
      %broadcast_in_dim3A_987 = arith.constant 1 : i32
      %broadcast_in_dim3A_988 = vector.broadcast %broadcast_in_dim3A_987 : i32 to vector<16xi32>
      %add3A_989 = arith.constant 3 : i32
      %add3A_990 = arith.addi %add3A_968, %add3A_989 : i32
      %mul3A_991 = vector.broadcast %add3A_990 : i32 to vector<16xi32>
      %mul3A_992 = arith.muli %broadcast_in_dim3A_988, %mul3A_991 : vector<16xi32>
      %broadcast_in_dim3A_993 = arith.constant 1 : i32
      %broadcast_in_dim3A_994 = vector.broadcast %broadcast_in_dim3A_993 : i32 to vector<16xi32>
      %add3A_995 = arith.constant 4 : i32
      %add3A_996 = arith.addi %add3A_968, %add3A_995 : i32
      %mul3A_997 = vector.broadcast %add3A_996 : i32 to vector<16xi32>
      %mul3A_998 = arith.muli %broadcast_in_dim3A_994, %mul3A_997 : vector<16xi32>
      %broadcast_in_dim3A_999 = arith.constant 1 : i32
      %broadcast_in_dim3A_1000 = vector.broadcast %broadcast_in_dim3A_999 : i32 to vector<16xi32>
      %add3A_1001 = arith.constant 5 : i32
      %add3A_1002 = arith.addi %add3A_968, %add3A_1001 : i32
      %mul3A_1003 = vector.broadcast %add3A_1002 : i32 to vector<16xi32>
      %mul3A_1004 = arith.muli %broadcast_in_dim3A_1000, %mul3A_1003 : vector<16xi32>
      %broadcast_in_dim3A_1005 = arith.constant 1 : i32
      %broadcast_in_dim3A_1006 = vector.broadcast %broadcast_in_dim3A_1005 : i32 to vector<16xi32>
      %add3A_1007 = arith.constant 6 : i32
      %add3A_1008 = arith.addi %add3A_968, %add3A_1007 : i32
      %mul3A_1009 = vector.broadcast %add3A_1008 : i32 to vector<16xi32>
      %mul3A_1010 = arith.muli %broadcast_in_dim3A_1006, %mul3A_1009 : vector<16xi32>
      %broadcast_in_dim3A_1011 = arith.constant 1 : i32
      %broadcast_in_dim3A_1012 = vector.broadcast %broadcast_in_dim3A_1011 : i32 to vector<16xi32>
      %add3A_1013 = arith.constant 7 : i32
      %add3A_1014 = arith.addi %add3A_968, %add3A_1013 : i32
      %mul3A_1015 = vector.broadcast %add3A_1014 : i32 to vector<16xi32>
      %mul3A_1016 = arith.muli %broadcast_in_dim3A_1012, %mul3A_1015 : vector<16xi32>
      %parallel_loop3A_1017 = arith.constant 0 : i32
      %parallel_loop3A_1018 = arith.constant 64 : i32
      %parallel_loop3A_1019 = arith.constant 1 : i32
      scf.for %parallel_loop3A_1814 = %parallel_loop3A_1017 to %parallel_loop3A_1018 step %parallel_loop3A_1019  : i32 {
        %parallel_loop3A_1815 = arith.constant 16 : i32
        %parallel_loop3A_1816 = arith.muli %parallel_loop3A_1814, %parallel_loop3A_1815 : i32
        %parallel_loop3A_1817 = arith.addi %mul3A_965, %parallel_loop3A_1816 : i32
        %parallel_loop3A_1818 = arith.index_cast %parallel_loop3A_1817 : i32 to index
        %parallel_loop3A_1819 = tpu.vector_load %arg7[%parallel_loop3A_1818] {strides = array<i32>} : memref<4096xi32, #tpu.memory_space<vmem>>, vector<16xi32>,
        %parallel_loop3A_1820 = arith.constant 16 : i32
        %parallel_loop3A_1821 = arith.muli %parallel_loop3A_1814, %parallel_loop3A_1820 : i32
        %parallel_loop3A_1822 = arith.addi %parallel_loop3A_1819, %mul3A_974 : vector<16xi32>
        %parallel_loop3A_1823 = arith.constant 0 : i32
        %parallel_loop3A_1824 = arith.index_cast %parallel_loop3A_1823 : i32 to index
        %parallel_loop3A_1825 = arith.index_cast %parallel_loop3A_1821 : i32 to index
        %parallel_loop3A_1826 = tpu.vector_load %arg13[%parallel_loop3A_1824, %parallel_loop3A_1825] {strides = array<i32>} : memref<8x1024xf32, #tpu.memory_space<vmem>>, vector<16xf32>,
        %parallel_loop3A_1827 = tpu.vector_load_idx %arg8[%parallel_loop3A_1822] : memref<30730xf32, #tpu.memory_space<vmem>>[vector<16xi32>], vector<16xf32>,
        %parallel_loop3A_1828 = tpu.vector_load_idx %arg9[%parallel_loop3A_1822] : memref<30730xf32, #tpu.memory_space<vmem>>[vector<16xi32>], vector<16xf32>,
        %parallel_loop3A_1829 = arith.mulf %parallel_loop3A_1828, %parallel_loop3A_1826 : vector<16xf32>
        %parallel_loop3A_1830 = arith.addf %parallel_loop3A_1827, %parallel_loop3A_1829 : vector<16xf32>
        %parallel_loop3A_1831 = arith.constant 0 : i32
        %parallel_loop3A_1832 = arith.index_cast %parallel_loop3A_1831 : i32 to index
        %parallel_loop3A_1833 = arith.index_cast %parallel_loop3A_1821 : i32 to index
        %parallel_loop3A_1834 = tpu.vector_load %arg13[%parallel_loop3A_1832, %parallel_loop3A_1833] {strides = array<i32>} : memref<8x1024xf32, #tpu.memory_space<vmem>>, vector<16xf32>,
        tpu.vector_store %arg13[%parallel_loop3A_1832, %parallel_loop3A_1833], %parallel_loop3A_1830 {strides = array<i32>} : memref<8x1024xf32, #tpu.memory_space<vmem>>, vector<16xf32>,
        %parallel_loop3A_1835 = arith.addi %parallel_loop3A_1819, %mul3A_980 : vector<16xi32>
        %parallel_loop3A_1836 = arith.constant 1 : i32
        %parallel_loop3A_1837 = arith.index_cast %parallel_loop3A_1836 : i32 to index
        %parallel_loop3A_1838 = arith.index_cast %parallel_loop3A_1821 : i32 to index
        %parallel_loop3A_1839 = tpu.vector_load %arg13[%parallel_loop3A_1837, %parallel_loop3A_1838] {strides = array<i32>} : memref<8x1024xf32, #tpu.memory_space<vmem>>, vector<16xf32>,
        %parallel_loop3A_1840 = tpu.vector_load_idx %arg8[%parallel_loop3A_1835] : memref<30730xf32, #tpu.memory_space<vmem>>[vector<16xi32>], vector<16xf32>,
        %parallel_loop3A_1841 = tpu.vector_load_idx %arg9[%parallel_loop3A_1835] : memref<30730xf32, #tpu.memory_space<vmem>>[vector<16xi32>], vector<16xf32>,
        %parallel_loop3A_1842 = arith.mulf %parallel_loop3A_1841, %parallel_loop3A_1839 : vector<16xf32>
        %parallel_loop3A_1843 = arith.addf %parallel_loop3A_1840, %parallel_loop3A_1842 : vector<16xf32>
        %parallel_loop3A_1844 = arith.constant 1 : i32
        %parallel_loop3A_1845 = arith.index_cast %parallel_loop3A_1844 : i32 to index
        %parallel_loop3A_1846 = arith.index_cast %parallel_loop3A_1821 : i32 to index
        %parallel_loop3A_1847 = tpu.vector_load %arg13[%parallel_loop3A_1845, %parallel_loop3A_1846] {strides = array<i32>} : memref<8x1024xf32, #tpu.memory_space<vmem>>, vector<16xf32>,
        tpu.vector_store %arg13[%parallel_loop3A_1845, %parallel_loop3A_1846], %parallel_loop3A_1843 {strides = array<i32>} : memref<8x1024xf32, #tpu.memory_space<vmem>>, vector<16xf32>,
        %parallel_loop3A_1848 = arith.addi %parallel_loop3A_1819, %mul3A_986 : vector<16xi32>
        %parallel_loop3A_1849 = arith.constant 2 : i32
        %parallel_loop3A_1850 = arith.index_cast %parallel_loop3A_1849 : i32 to index
        %parallel_loop3A_1851 = arith.index_cast %parallel_loop3A_1821 : i32 to index
        %parallel_loop3A_1852 = tpu.vector_load %arg13[%parallel_loop3A_1850, %parallel_loop3A_1851] {strides = array<i32>} : memref<8x1024xf32, #tpu.memory_space<vmem>>, vector<16xf32>,
        %parallel_loop3A_1853 = tpu.vector_load_idx %arg8[%parallel_loop3A_1848] : memref<30730xf32, #tpu.memory_space<vmem>>[vector<16xi32>], vector<16xf32>,
        %parallel_loop3A_1854 = tpu.vector_load_idx %arg9[%parallel_loop3A_1848] : memref<30730xf32, #tpu.memory_space<vmem>>[vector<16xi32>], vector<16xf32>,
        %parallel_loop3A_1855 = arith.mulf %parallel_loop3A_1854, %parallel_loop3A_1852 : vector<16xf32>
        %parallel_loop3A_1856 = arith.addf %parallel_loop3A_1853, %parallel_loop3A_1855 : vector<16xf32>
        %parallel_loop3A_1857 = arith.constant 2 : i32
        %parallel_loop3A_1858 = arith.index_cast %parallel_loop3A_1857 : i32 to index
        %parallel_loop3A_1859 = arith.index_cast %parallel_loop3A_1821 : i32 to index
        %parallel_loop3A_1860 = tpu.vector_load %arg13[%parallel_loop3A_1858, %parallel_loop3A_1859] {strides = array<i32>} : memref<8x1024xf32, #tpu.memory_space<vmem>>, vector<16xf32>,
        tpu.vector_store %arg13[%parallel_loop3A_1858, %parallel_loop3A_1859], %parallel_loop3A_1856 {strides = array<i32>} : memref<8x1024xf32, #tpu.memory_space<vmem>>, vector<16xf32>,
        %parallel_loop3A_1861 = arith.addi %parallel_loop3A_1819, %mul3A_992 : vector<16xi32>
        %parallel_loop3A_1862 = arith.constant 3 : i32
        %parallel_loop3A_1863 = arith.index_cast %parallel_loop3A_1862 : i32 to index
        %parallel_loop3A_1864 = arith.index_cast %parallel_loop3A_1821 : i32 to index
        %parallel_loop3A_1865 = tpu.vector_load %arg13[%parallel_loop3A_1863, %parallel_loop3A_1864] {strides = array<i32>} : memref<8x1024xf32, #tpu.memory_space<vmem>>, vector<16xf32>,
        %parallel_loop3A_1866 = tpu.vector_load_idx %arg8[%parallel_loop3A_1861] : memref<30730xf32, #tpu.memory_space<vmem>>[vector<16xi32>], vector<16xf32>,
        %parallel_loop3A_1867 = tpu.vector_load_idx %arg9[%parallel_loop3A_1861] : memref<30730xf32, #tpu.memory_space<vmem>>[vector<16xi32>], vector<16xf32>,
        %parallel_loop3A_1868 = arith.mulf %parallel_loop3A_1867, %parallel_loop3A_1865 : vector<16xf32>
        %parallel_loop3A_1869 = arith.addf %parallel_loop3A_1866, %parallel_loop3A_1868 : vector<16xf32>
        %parallel_loop3A_1870 = arith.constant 3 : i32
        %parallel_loop3A_1871 = arith.index_cast %parallel_loop3A_1870 : i32 to index
        %parallel_loop3A_1872 = arith.index_cast %parallel_loop3A_1821 : i32 to index
        %parallel_loop3A_1873 = tpu.vector_load %arg13[%parallel_loop3A_1871, %parallel_loop3A_1872] {strides = array<i32>} : memref<8x1024xf32, #tpu.memory_space<vmem>>, vector<16xf32>,
        tpu.vector_store %arg13[%parallel_loop3A_1871, %parallel_loop3A_1872], %parallel_loop3A_1869 {strides = array<i32>} : memref<8x1024xf32, #tpu.memory_space<vmem>>, vector<16xf32>,
        %parallel_loop3A_1874 = arith.addi %parallel_loop3A_1819, %mul3A_998 : vector<16xi32>
        %parallel_loop3A_1875 = arith.constant 4 : i32
        %parallel_loop3A_1876 = arith.index_cast %parallel_loop3A_1875 : i32 to index
        %parallel_loop3A_1877 = arith.index_cast %parallel_loop3A_1821 : i32 to index
        %parallel_loop3A_1878 = tpu.vector_load %arg13[%parallel_loop3A_1876, %parallel_loop3A_1877] {strides = array<i32>} : memref<8x1024xf32, #tpu.memory_space<vmem>>, vector<16xf32>,
        %parallel_loop3A_1879 = tpu.vector_load_idx %arg8[%parallel_loop3A_1874] : memref<30730xf32, #tpu.memory_space<vmem>>[vector<16xi32>], vector<16xf32>,
        %parallel_loop3A_1880 = tpu.vector_load_idx %arg9[%parallel_loop3A_1874] : memref<30730xf32, #tpu.memory_space<vmem>>[vector<16xi32>], vector<16xf32>,
        %parallel_loop3A_1881 = arith.mulf %parallel_loop3A_1880, %parallel_loop3A_1878 : vector<16xf32>
        %parallel_loop3A_1882 = arith.addf %parallel_loop3A_1879, %parallel_loop3A_1881 : vector<16xf32>
        %parallel_loop3A_1883 = arith.constant 4 : i32
        %parallel_loop3A_1884 = arith.index_cast %parallel_loop3A_1883 : i32 to index
        %parallel_loop3A_1885 = arith.index_cast %parallel_loop3A_1821 : i32 to index
        %parallel_loop3A_1886 = tpu.vector_load %arg13[%parallel_loop3A_1884, %parallel_loop3A_1885] {strides = array<i32>} : memref<8x1024xf32, #tpu.memory_space<vmem>>, vector<16xf32>,
        tpu.vector_store %arg13[%parallel_loop3A_1884, %parallel_loop3A_1885], %parallel_loop3A_1882 {strides = array<i32>} : memref<8x1024xf32, #tpu.memory_space<vmem>>, vector<16xf32>,
        %parallel_loop3A_1887 = arith.addi %parallel_loop3A_1819, %mul3A_1004 : vector<16xi32>
        %parallel_loop3A_1888 = arith.constant 5 : i32
        %parallel_loop3A_1889 = arith.index_cast %parallel_loop3A_1888 : i32 to index
        %parallel_loop3A_1890 = arith.index_cast %parallel_loop3A_1821 : i32 to index
        %parallel_loop3A_1891 = tpu.vector_load %arg13[%parallel_loop3A_1889, %parallel_loop3A_1890] {strides = array<i32>} : memref<8x1024xf32, #tpu.memory_space<vmem>>, vector<16xf32>,
        %parallel_loop3A_1892 = tpu.vector_load_idx %arg8[%parallel_loop3A_1887] : memref<30730xf32, #tpu.memory_space<vmem>>[vector<16xi32>], vector<16xf32>,
        %parallel_loop3A_1893 = tpu.vector_load_idx %arg9[%parallel_loop3A_1887] : memref<30730xf32, #tpu.memory_space<vmem>>[vector<16xi32>], vector<16xf32>,
        %parallel_loop3A_1894 = arith.mulf %parallel_loop3A_1893, %parallel_loop3A_1891 : vector<16xf32>
        %parallel_loop3A_1895 = arith.addf %parallel_loop3A_1892, %parallel_loop3A_1894 : vector<16xf32>
        %parallel_loop3A_1896 = arith.constant 5 : i32
        %parallel_loop3A_1897 = arith.index_cast %parallel_loop3A_1896 : i32 to index
        %parallel_loop3A_1898 = arith.index_cast %parallel_loop3A_1821 : i32 to index
        %parallel_loop3A_1899 = tpu.vector_load %arg13[%parallel_loop3A_1897, %parallel_loop3A_1898] {strides = array<i32>} : memref<8x1024xf32, #tpu.memory_space<vmem>>, vector<16xf32>,
        tpu.vector_store %arg13[%parallel_loop3A_1897, %parallel_loop3A_1898], %parallel_loop3A_1895 {strides = array<i32>} : memref<8x1024xf32, #tpu.memory_space<vmem>>, vector<16xf32>,
        %parallel_loop3A_1900 = arith.addi %parallel_loop3A_1819, %mul3A_1010 : vector<16xi32>
        %parallel_loop3A_1901 = arith.constant 6 : i32
        %parallel_loop3A_1902 = arith.index_cast %parallel_loop3A_1901 : i32 to index
        %parallel_loop3A_1903 = arith.index_cast %parallel_loop3A_1821 : i32 to index
        %parallel_loop3A_1904 = tpu.vector_load %arg13[%parallel_loop3A_1902, %parallel_loop3A_1903] {strides = array<i32>} : memref<8x1024xf32, #tpu.memory_space<vmem>>, vector<16xf32>,
        %parallel_loop3A_1905 = tpu.vector_load_idx %arg8[%parallel_loop3A_1900] : memref<30730xf32, #tpu.memory_space<vmem>>[vector<16xi32>], vector<16xf32>,
        %parallel_loop3A_1906 = tpu.vector_load_idx %arg9[%parallel_loop3A_1900] : memref<30730xf32, #tpu.memory_space<vmem>>[vector<16xi32>], vector<16xf32>,
        %parallel_loop3A_1907 = arith.mulf %parallel_loop3A_1906, %parallel_loop3A_1904 : vector<16xf32>
        %parallel_loop3A_1908 = arith.addf %parallel_loop3A_1905, %parallel_loop3A_1907 : vector<16xf32>
        %parallel_loop3A_1909 = arith.constant 6 : i32
        %parallel_loop3A_1910 = arith.index_cast %parallel_loop3A_1909 : i32 to index
        %parallel_loop3A_1911 = arith.index_cast %parallel_loop3A_1821 : i32 to index
        %parallel_loop3A_1912 = tpu.vector_load %arg13[%parallel_loop3A_1910, %parallel_loop3A_1911] {strides = array<i32>} : memref<8x1024xf32, #tpu.memory_space<vmem>>, vector<16xf32>,
        tpu.vector_store %arg13[%parallel_loop3A_1910, %parallel_loop3A_1911], %parallel_loop3A_1908 {strides = array<i32>} : memref<8x1024xf32, #tpu.memory_space<vmem>>, vector<16xf32>,
        %parallel_loop3A_1913 = arith.addi %parallel_loop3A_1819, %mul3A_1016 : vector<16xi32>
        %parallel_loop3A_1914 = arith.constant 7 : i32
        %parallel_loop3A_1915 = arith.index_cast %parallel_loop3A_1914 : i32 to index
        %parallel_loop3A_1916 = arith.index_cast %parallel_loop3A_1821 : i32 to index
        %parallel_loop3A_1917 = tpu.vector_load %arg13[%parallel_loop3A_1915, %parallel_loop3A_1916] {strides = array<i32>} : memref<8x1024xf32, #tpu.memory_space<vmem>>, vector<16xf32>,
        %parallel_loop3A_1918 = tpu.vector_load_idx %arg8[%parallel_loop3A_1913] : memref<30730xf32, #tpu.memory_space<vmem>>[vector<16xi32>], vector<16xf32>,
        %parallel_loop3A_1919 = tpu.vector_load_idx %arg9[%parallel_loop3A_1913] : memref<30730xf32, #tpu.memory_space<vmem>>[vector<16xi32>], vector<16xf32>,
        %parallel_loop3A_1920 = arith.mulf %parallel_loop3A_1919, %parallel_loop3A_1917 : vector<16xf32>
        %parallel_loop3A_1921 = arith.addf %parallel_loop3A_1918, %parallel_loop3A_1920 : vector<16xf32>
        %parallel_loop3A_1922 = arith.constant 7 : i32
        %parallel_loop3A_1923 = arith.index_cast %parallel_loop3A_1922 : i32 to index
        %parallel_loop3A_1924 = arith.index_cast %parallel_loop3A_1821 : i32 to index
        %parallel_loop3A_1925 = tpu.vector_load %arg13[%parallel_loop3A_1923, %parallel_loop3A_1924] {strides = array<i32>} : memref<8x1024xf32, #tpu.memory_space<vmem>>, vector<16xf32>,
        tpu.vector_store %arg13[%parallel_loop3A_1923, %parallel_loop3A_1924], %parallel_loop3A_1921 {strides = array<i32>} : memref<8x1024xf32, #tpu.memory_space<vmem>>, vector<16xf32>,
      } {sc.loop_unroll_factor = 2 : i64, sc.parallel_access}
      %jit3A_1020 = arith.constant 16 : i32
      %div3A_1021 = arith.divsi %add3A_765, %jit3A_1020 : i32
      %sign3A_1022 = arith.constant 0 : i32
      %sign3A_1023 = arith.cmpi sgt, %add3A_765, %sign3A_1022 : i32
      %sign3A_1024 = arith.extui %sign3A_1023 : i1 to i32
      %sign3A_1025 = arith.constant 0 : i32
      %sign3A_1026 = arith.cmpi slt, %add3A_765, %sign3A_1025 : i32
      %sign3A_1027 = arith.extui %sign3A_1026 : i1 to i32
      %sign3A_1028 = arith.subi %sign3A_1024, %sign3A_1027 : i32
      %sign3A_1029 = arith.constant 0 : i32
      %sign3A_1030 = arith.cmpi sgt, %jit3A_1020, %sign3A_1029 : i32
      %sign3A_1031 = arith.extui %sign3A_1030 : i1 to i32
      %sign3A_1032 = arith.constant 0 : i32
      %sign3A_1033 = arith.cmpi slt, %jit3A_1020, %sign3A_1032 : i32
      %sign3A_1034 = arith.extui %sign3A_1033 : i1 to i32
      %sign3A_1035 = arith.subi %sign3A_1031, %sign3A_1034 : i32
      %ne3A_1036 = arith.cmpi ne, %sign3A_1028, %sign3A_1035 : i32
      %rem3A_1037 = arith.remsi %add3A_765, %jit3A_1020 : i32
      %ne3A_1038 = arith.constant 0 : i32
      %ne3A_1039 = arith.cmpi ne, %rem3A_1037, %ne3A_1038 : i32
      %and3A_1040 = arith.andi %ne3A_1036, %ne3A_1039 : i1
      %sub3A_1041 = arith.constant 1 : i32
      %sub3A_1042 = arith.subi %div3A_1021, %sub3A_1041 : i32
      %select_n3A_1043 = arith.select %and3A_1040, %sub3A_1042, %div3A_1021 : i32
      %add3A_1044 = arith.addi %mul3A_2, %select_n3A_1043 : i32
      %jit3A_1045 = arith.constant 4 : i32
      %div3A_1046 = arith.divsi %add3A_765, %jit3A_1045 : i32
      %sign3A_1047 = arith.constant 0 : i32
      %sign3A_1048 = arith.cmpi sgt, %add3A_765, %sign3A_1047 : i32
      %sign3A_1049 = arith.extui %sign3A_1048 : i1 to i32
      %sign3A_1050 = arith.constant 0 : i32
      %sign3A_1051 = arith.cmpi slt, %add3A_765, %sign3A_1050 : i32
      %sign3A_1052 = arith.extui %sign3A_1051 : i1 to i32
      %sign3A_1053 = arith.subi %sign3A_1049, %sign3A_1052 : i32
      %sign3A_1054 = arith.constant 0 : i32
      %sign3A_1055 = arith.cmpi sgt, %jit3A_1045, %sign3A_1054 : i32
      %sign3A_1056 = arith.extui %sign3A_1055 : i1 to i32
      %sign3A_1057 = arith.constant 0 : i32
      %sign3A_1058 = arith.cmpi slt, %jit3A_1045, %sign3A_1057 : i32
      %sign3A_1059 = arith.extui %sign3A_1058 : i1 to i32
      %sign3A_1060 = arith.subi %sign3A_1056, %sign3A_1059 : i32
      %ne3A_1061 = arith.cmpi ne, %sign3A_1053, %sign3A_1060 : i32
      %rem3A_1062 = arith.remsi %add3A_765, %jit3A_1045 : i32
      %ne3A_1063 = arith.constant 0 : i32
      %ne3A_1064 = arith.cmpi ne, %rem3A_1062, %ne3A_1063 : i32
      %and3A_1065 = arith.andi %ne3A_1061, %ne3A_1064 : i1
      %sub3A_1066 = arith.constant 1 : i32
      %sub3A_1067 = arith.subi %div3A_1046, %sub3A_1066 : i32
      %select_n3A_1068 = arith.select %and3A_1065, %sub3A_1067, %div3A_1046 : i32
      %jit3A_1069 = arith.constant 4 : i32
      %eq3A_1070 = arith.constant 0 : i32
      %eq3A_1071 = arith.cmpi eq, %jit3A_1069, %eq3A_1070 : i32
      %jit3A_1072 = arith.constant 1 : i32
      %select_n3A_1073 = arith.select %eq3A_1071, %jit3A_1072, %jit3A_1069 : i32
      %rem3A_1074 = arith.remsi %select_n3A_1068, %select_n3A_1073 : i32
      %ne3A_1075 = arith.constant 0 : i32
      %ne3A_1076 = arith.cmpi ne, %rem3A_1074, %ne3A_1075 : i32
      %lt3A_1077 = arith.constant 0 : i32
      %lt3A_1078 = arith.cmpi slt, %rem3A_1074, %lt3A_1077 : i32
      %lt3A_1079 = arith.constant 0 : i32
      %lt3A_1080 = arith.cmpi slt, %select_n3A_1073, %lt3A_1079 : i32
      %ne3A_1081 = arith.xori %lt3A_1078, %lt3A_1080 : i1
      %and3A_1082 = arith.andi %ne3A_1081, %ne3A_1076 : i1
      %add3A_1083 = arith.addi %rem3A_1074, %select_n3A_1073 : i32
      %select_n3A_1084 = arith.select %and3A_1082, %add3A_1083, %rem3A_1074 : i32
      %mul3A_1085 = arith.constant 8 : i32
      %mul3A_1086 = arith.muli %select_n3A_1084, %mul3A_1085 : i32
      %jit3A_1087 = arith.constant 4 : i32
      %eq3A_1088 = arith.constant 0 : i32
      %eq3A_1089 = arith.cmpi eq, %jit3A_1087, %eq3A_1088 : i32
      %jit3A_1090 = arith.constant 1 : i32
      %select_n3A_1091 = arith.select %eq3A_1089, %jit3A_1090, %jit3A_1087 : i32
      %rem3A_1092 = arith.remsi %add3A_765, %select_n3A_1091 : i32
      %ne3A_1093 = arith.constant 0 : i32
      %ne3A_1094 = arith.cmpi ne, %rem3A_1092, %ne3A_1093 : i32
      %lt3A_1095 = arith.constant 0 : i32
      %lt3A_1096 = arith.cmpi slt, %rem3A_1092, %lt3A_1095 : i32
      %lt3A_1097 = arith.constant 0 : i32
      %lt3A_1098 = arith.cmpi slt, %select_n3A_1091, %lt3A_1097 : i32
      %ne3A_1099 = arith.xori %lt3A_1096, %lt3A_1098 : i1
      %and3A_1100 = arith.andi %ne3A_1099, %ne3A_1094 : i1
      %add3A_1101 = arith.addi %rem3A_1092, %select_n3A_1091 : i32
      %select_n3A_1102 = arith.select %and3A_1100, %add3A_1101, %rem3A_1092 : i32
      %mul3A_1103 = arith.constant 1024 : i32
      %mul3A_1104 = arith.muli %select_n3A_1102, %mul3A_1103 : i32
      %dma_start3A_1105 = tpu.memref_reshape %arg6 : memref<3x32x32x4096xf32, #tpu.memory_space<hbm>> -> memref<96x32x4096xf32, #tpu.memory_space<hbm>>
      %dma_start3A_1106 = tpu.memref_slice %dma_start3A_1105[%add3A_1044, %mul3A_1086, %mul3A_1104] : memref<96x32x4096xf32, #tpu.memory_space<hbm>> -> memref<1x8x1024xf32, #tpu.memory_space<hbm>>
      %dma_start3A_1107 = tpu.memref_squeeze %dma_start3A_1106 : memref<1x8x1024xf32, #tpu.memory_space<hbm>> -> memref<8x1024xf32, #tpu.memory_space<hbm>>
      %dma_start3A_1108 = tpu.memref_reshape %arg6 : memref<3x32x32x4096xf32, #tpu.memory_space<hbm>> -> memref<96x32x4096xf32, #tpu.memory_space<hbm>>
      %dma_start3A_1109 = tpu.memref_slice %dma_start3A_1108[%add3A_1044, %mul3A_1086, %mul3A_1104] : memref<96x32x4096xf32, #tpu.memory_space<hbm>> -> memref<1x8x1024xf32, #tpu.memory_space<hbm>>
      %dma_start3A_1110 = tpu.memref_squeeze %dma_start3A_1109 : memref<1x8x1024xf32, #tpu.memory_space<hbm>> -> memref<8x1024xf32, #tpu.memory_space<hbm>>
      tpu.enqueue_dma source(%arg13 : memref<8x1024xf32, #tpu.memory_space<vmem>>) target(%dma_start3A_1110 : memref<8x1024xf32, #tpu.memory_space<hbm>>) target_semaphore(%arg21 : memref<!tpu.dma_semaphore, #tpu.memory_space<semaphore_mem>>)
      %mul3A_1111 = arith.constant 4 : i32
      %mul3A_1112 = arith.muli %mul3A_1111, %scan3A_417 : i32
      %add3A_1113 = arith.constant 2 : i32
      %add3A_1114 = arith.addi %mul3A_1112, %add3A_1113 : i32
      %add3A_1115 = arith.constant 2 : i32
      %add3A_1116 = arith.addi %add3A_1114, %add3A_1115 : i32
      %dma_wait3A_1117 = arith.constant 0 : i32
      %dma_wait3A_1118 = tpu.memref_reshape %arg6 : memref<3x32x32x4096xf32, #tpu.memory_space<hbm>> -> memref<96x32x4096xf32, #tpu.memory_space<hbm>>
      %dma_wait3A_1119 = arith.constant 0 : i32
      %dma_wait3A_1120 = arith.constant 0 : i32
      %dma_wait3A_1121 = tpu.memref_slice %dma_wait3A_1118[%dma_wait3A_1117, %dma_wait3A_1119, %dma_wait3A_1120] : memref<96x32x4096xf32, #tpu.memory_space<hbm>> -> memref<1x8x1024xf32, #tpu.memory_space<hbm>>
      %dma_wait3A_1122 = tpu.memref_squeeze %dma_wait3A_1121 : memref<1x8x1024xf32, #tpu.memory_space<hbm>> -> memref<8x1024xf32, #tpu.memory_space<hbm>>
      %dma_wait3A_1123 = tpu.memref_reshape %arg6 : memref<3x32x32x4096xf32, #tpu.memory_space<hbm>> -> memref<96x32x4096xf32, #tpu.memory_space<hbm>>
      %dma_wait3A_1124 = arith.constant 0 : i32
      %dma_wait3A_1125 = arith.constant 0 : i32
      %dma_wait3A_1126 = tpu.memref_slice %dma_wait3A_1123[%dma_wait3A_1117, %dma_wait3A_1124, %dma_wait3A_1125] : memref<96x32x4096xf32, #tpu.memory_space<hbm>> -> memref<1x8x1024xf32, #tpu.memory_space<hbm>>
      %dma_wait3A_1127 = tpu.memref_squeeze %dma_wait3A_1126 : memref<1x8x1024xf32, #tpu.memory_space<hbm>> -> memref<8x1024xf32, #tpu.memory_space<hbm>>
      tpu.wait_dma2 semaphore(%arg20 : memref<!tpu.dma_semaphore, #tpu.memory_space<semaphore_mem>>) src(%arg12 : memref<8x1024xf32, #tpu.memory_space<vmem>>) dst(%dma_wait3A_1127 : memref<8x1024xf32, #tpu.memory_space<hbm>>)
      %add3A_1128 = arith.constant 2 : i32
      %add3A_1129 = arith.addi %add3A_1116, %add3A_1128 : i32
      %jit3A_1130 = arith.constant 16 : i32
      %div3A_1131 = arith.divsi %add3A_1129, %jit3A_1130 : i32
      %sign3A_1132 = arith.constant 0 : i32
      %sign3A_1133 = arith.cmpi sgt, %add3A_1129, %sign3A_1132 : i32
      %sign3A_1134 = arith.extui %sign3A_1133 : i1 to i32
      %sign3A_1135 = arith.constant 0 : i32
      %sign3A_1136 = arith.cmpi slt, %add3A_1129, %sign3A_1135 : i32
      %sign3A_1137 = arith.extui %sign3A_1136 : i1 to i32
      %sign3A_1138 = arith.subi %sign3A_1134, %sign3A_1137 : i32
      %sign3A_1139 = arith.constant 0 : i32
      %sign3A_1140 = arith.cmpi sgt, %jit3A_1130, %sign3A_1139 : i32
      %sign3A_1141 = arith.extui %sign3A_1140 : i1 to i32
      %sign3A_1142 = arith.constant 0 : i32
      %sign3A_1143 = arith.cmpi slt, %jit3A_1130, %sign3A_1142 : i32
      %sign3A_1144 = arith.extui %sign3A_1143 : i1 to i32
      %sign3A_1145 = arith.subi %sign3A_1141, %sign3A_1144 : i32
      %ne3A_1146 = arith.cmpi ne, %sign3A_1138, %sign3A_1145 : i32
      %rem3A_1147 = arith.remsi %add3A_1129, %jit3A_1130 : i32
      %ne3A_1148 = arith.constant 0 : i32
      %ne3A_1149 = arith.cmpi ne, %rem3A_1147, %ne3A_1148 : i32
      %and3A_1150 = arith.andi %ne3A_1146, %ne3A_1149 : i1
      %sub3A_1151 = arith.constant 1 : i32
      %sub3A_1152 = arith.subi %div3A_1131, %sub3A_1151 : i32
      %select_n3A_1153 = arith.select %and3A_1150, %sub3A_1152, %div3A_1131 : i32
      %add3A_1154 = arith.addi %mul3A_2, %select_n3A_1153 : i32
      %jit3A_1155 = arith.constant 4 : i32
      %div3A_1156 = arith.divsi %add3A_1129, %jit3A_1155 : i32
      %sign3A_1157 = arith.constant 0 : i32
      %sign3A_1158 = arith.cmpi sgt, %add3A_1129, %sign3A_1157 : i32
      %sign3A_1159 = arith.extui %sign3A_1158 : i1 to i32
      %sign3A_1160 = arith.constant 0 : i32
      %sign3A_1161 = arith.cmpi slt, %add3A_1129, %sign3A_1160 : i32
      %sign3A_1162 = arith.extui %sign3A_1161 : i1 to i32
      %sign3A_1163 = arith.subi %sign3A_1159, %sign3A_1162 : i32
      %sign3A_1164 = arith.constant 0 : i32
      %sign3A_1165 = arith.cmpi sgt, %jit3A_1155, %sign3A_1164 : i32
      %sign3A_1166 = arith.extui %sign3A_1165 : i1 to i32
      %sign3A_1167 = arith.constant 0 : i32
      %sign3A_1168 = arith.cmpi slt, %jit3A_1155, %sign3A_1167 : i32
      %sign3A_1169 = arith.extui %sign3A_1168 : i1 to i32
      %sign3A_1170 = arith.subi %sign3A_1166, %sign3A_1169 : i32
      %ne3A_1171 = arith.cmpi ne, %sign3A_1163, %sign3A_1170 : i32
      %rem3A_1172 = arith.remsi %add3A_1129, %jit3A_1155 : i32
      %ne3A_1173 = arith.constant 0 : i32
      %ne3A_1174 = arith.cmpi ne, %rem3A_1172, %ne3A_1173 : i32
      %and3A_1175 = arith.andi %ne3A_1171, %ne3A_1174 : i1
      %sub3A_1176 = arith.constant 1 : i32
      %sub3A_1177 = arith.subi %div3A_1156, %sub3A_1176 : i32
      %select_n3A_1178 = arith.select %and3A_1175, %sub3A_1177, %div3A_1156 : i32
      %jit3A_1179 = arith.constant 4 : i32
      %eq3A_1180 = arith.constant 0 : i32
      %eq3A_1181 = arith.cmpi eq, %jit3A_1179, %eq3A_1180 : i32
      %jit3A_1182 = arith.constant 1 : i32
      %select_n3A_1183 = arith.select %eq3A_1181, %jit3A_1182, %jit3A_1179 : i32
      %rem3A_1184 = arith.remsi %select_n3A_1178, %select_n3A_1183 : i32
      %ne3A_1185 = arith.constant 0 : i32
      %ne3A_1186 = arith.cmpi ne, %rem3A_1184, %ne3A_1185 : i32
      %lt3A_1187 = arith.constant 0 : i32
      %lt3A_1188 = arith.cmpi slt, %rem3A_1184, %lt3A_1187 : i32
      %lt3A_1189 = arith.constant 0 : i32
      %lt3A_1190 = arith.cmpi slt, %select_n3A_1183, %lt3A_1189 : i32
      %ne3A_1191 = arith.xori %lt3A_1188, %lt3A_1190 : i1
      %and3A_1192 = arith.andi %ne3A_1191, %ne3A_1186 : i1
      %add3A_1193 = arith.addi %rem3A_1184, %select_n3A_1183 : i32
      %select_n3A_1194 = arith.select %and3A_1192, %add3A_1193, %rem3A_1184 : i32
      %mul3A_1195 = arith.constant 8 : i32
      %mul3A_1196 = arith.muli %select_n3A_1194, %mul3A_1195 : i32
      %jit3A_1197 = arith.constant 4 : i32
      %eq3A_1198 = arith.constant 0 : i32
      %eq3A_1199 = arith.cmpi eq, %jit3A_1197, %eq3A_1198 : i32
      %jit3A_1200 = arith.constant 1 : i32
      %select_n3A_1201 = arith.select %eq3A_1199, %jit3A_1200, %jit3A_1197 : i32
      %rem3A_1202 = arith.remsi %add3A_1129, %select_n3A_1201 : i32
      %ne3A_1203 = arith.constant 0 : i32
      %ne3A_1204 = arith.cmpi ne, %rem3A_1202, %ne3A_1203 : i32
      %lt3A_1205 = arith.constant 0 : i32
      %lt3A_1206 = arith.cmpi slt, %rem3A_1202, %lt3A_1205 : i32
      %lt3A_1207 = arith.constant 0 : i32
      %lt3A_1208 = arith.cmpi slt, %select_n3A_1201, %lt3A_1207 : i32
      %ne3A_1209 = arith.xori %lt3A_1206, %lt3A_1208 : i1
      %and3A_1210 = arith.andi %ne3A_1209, %ne3A_1204 : i1
      %add3A_1211 = arith.addi %rem3A_1202, %select_n3A_1201 : i32
      %select_n3A_1212 = arith.select %and3A_1210, %add3A_1211, %rem3A_1202 : i32
      %mul3A_1213 = arith.constant 1024 : i32
      %mul3A_1214 = arith.muli %select_n3A_1212, %mul3A_1213 : i32
      %dma_start3A_1215 = tpu.memref_reshape %arg5 : memref<3x32x32x4096xf32, #tpu.memory_space<hbm>> -> memref<96x32x4096xf32, #tpu.memory_space<hbm>>
      %dma_start3A_1216 = tpu.memref_slice %dma_start3A_1215[%add3A_1154, %mul3A_1196, %mul3A_1214] : memref<96x32x4096xf32, #tpu.memory_space<hbm>> -> memref<1x8x1024xf32, #tpu.memory_space<hbm>>
      %dma_start3A_1217 = tpu.memref_squeeze %dma_start3A_1216 : memref<1x8x1024xf32, #tpu.memory_space<hbm>> -> memref<8x1024xf32, #tpu.memory_space<hbm>>
      %dma_start3A_1218 = tpu.memref_reshape %arg5 : memref<3x32x32x4096xf32, #tpu.memory_space<hbm>> -> memref<96x32x4096xf32, #tpu.memory_space<hbm>>
      %dma_start3A_1219 = tpu.memref_slice %dma_start3A_1218[%add3A_1154, %mul3A_1196, %mul3A_1214] : memref<96x32x4096xf32, #tpu.memory_space<hbm>> -> memref<1x8x1024xf32, #tpu.memory_space<hbm>>
      %dma_start3A_1220 = tpu.memref_squeeze %dma_start3A_1219 : memref<1x8x1024xf32, #tpu.memory_space<hbm>> -> memref<8x1024xf32, #tpu.memory_space<hbm>>
      tpu.enqueue_dma source(%dma_start3A_1220 : memref<8x1024xf32, #tpu.memory_space<hbm>>) target(%arg12 : memref<8x1024xf32, #tpu.memory_space<vmem>>) target_semaphore(%arg16 : memref<!tpu.dma_semaphore, #tpu.memory_space<semaphore_mem>>)
      %dma_wait3A_1221 = arith.constant 0 : i32
      %dma_wait3A_1222 = tpu.memref_reshape %arg5 : memref<3x32x32x4096xf32, #tpu.memory_space<hbm>> -> memref<96x32x4096xf32, #tpu.memory_space<hbm>>
      %dma_wait3A_1223 = arith.constant 0 : i32
      %dma_wait3A_1224 = arith.constant 0 : i32
      %dma_wait3A_1225 = tpu.memref_slice %dma_wait3A_1222[%dma_wait3A_1221, %dma_wait3A_1223, %dma_wait3A_1224] : memref<96x32x4096xf32, #tpu.memory_space<hbm>> -> memref<1x8x1024xf32, #tpu.memory_space<hbm>>
      %dma_wait3A_1226 = tpu.memref_squeeze %dma_wait3A_1225 : memref<1x8x1024xf32, #tpu.memory_space<hbm>> -> memref<8x1024xf32, #tpu.memory_space<hbm>>
      %dma_wait3A_1227 = tpu.memref_reshape %arg5 : memref<3x32x32x4096xf32, #tpu.memory_space<hbm>> -> memref<96x32x4096xf32, #tpu.memory_space<hbm>>
      %dma_wait3A_1228 = arith.constant 0 : i32
      %dma_wait3A_1229 = arith.constant 0 : i32
      %dma_wait3A_1230 = tpu.memref_slice %dma_wait3A_1227[%dma_wait3A_1221, %dma_wait3A_1228, %dma_wait3A_1229] : memref<96x32x4096xf32, #tpu.memory_space<hbm>> -> memref<1x8x1024xf32, #tpu.memory_space<hbm>>
      %dma_wait3A_1231 = tpu.memref_squeeze %dma_wait3A_1230 : memref<1x8x1024xf32, #tpu.memory_space<hbm>> -> memref<8x1024xf32, #tpu.memory_space<hbm>>
      tpu.wait_dma2 semaphore(%arg14 : memref<!tpu.dma_semaphore, #tpu.memory_space<semaphore_mem>>) src(%dma_wait3A_1231 : memref<8x1024xf32, #tpu.memory_space<hbm>>) dst(%arg10 : memref<8x1024xf32, #tpu.memory_space<vmem>>)
      %jit3A_1232 = arith.constant 16 : i32
      %div3A_1233 = arith.divsi %add3A_1116, %jit3A_1232 : i32
      %sign3A_1234 = arith.constant 0 : i32
      %sign3A_1235 = arith.cmpi sgt, %add3A_1116, %sign3A_1234 : i32
      %sign3A_1236 = arith.extui %sign3A_1235 : i1 to i32
      %sign3A_1237 = arith.constant 0 : i32
      %sign3A_1238 = arith.cmpi slt, %add3A_1116, %sign3A_1237 : i32
      %sign3A_1239 = arith.extui %sign3A_1238 : i1 to i32
      %sign3A_1240 = arith.subi %sign3A_1236, %sign3A_1239 : i32
      %sign3A_1241 = arith.constant 0 : i32
      %sign3A_1242 = arith.cmpi sgt, %jit3A_1232, %sign3A_1241 : i32
      %sign3A_1243 = arith.extui %sign3A_1242 : i1 to i32
      %sign3A_1244 = arith.constant 0 : i32
      %sign3A_1245 = arith.cmpi slt, %jit3A_1232, %sign3A_1244 : i32
      %sign3A_1246 = arith.extui %sign3A_1245 : i1 to i32
      %sign3A_1247 = arith.subi %sign3A_1243, %sign3A_1246 : i32
      %ne3A_1248 = arith.cmpi ne, %sign3A_1240, %sign3A_1247 : i32
      %rem3A_1249 = arith.remsi %add3A_1116, %jit3A_1232 : i32
      %ne3A_1250 = arith.constant 0 : i32
      %ne3A_1251 = arith.cmpi ne, %rem3A_1249, %ne3A_1250 : i32
      %and3A_1252 = arith.andi %ne3A_1248, %ne3A_1251 : i1
      %sub3A_1253 = arith.constant 1 : i32
      %sub3A_1254 = arith.subi %div3A_1233, %sub3A_1253 : i32
      %select_n3A_1255 = arith.select %and3A_1252, %sub3A_1254, %div3A_1233 : i32
      %add3A_1256 = arith.addi %mul3A_2, %select_n3A_1255 : i32
      %jit3A_1257 = arith.constant 4 : i32
      %div3A_1258 = arith.divsi %add3A_1116, %jit3A_1257 : i32
      %sign3A_1259 = arith.constant 0 : i32
      %sign3A_1260 = arith.cmpi sgt, %add3A_1116, %sign3A_1259 : i32
      %sign3A_1261 = arith.extui %sign3A_1260 : i1 to i32
      %sign3A_1262 = arith.constant 0 : i32
      %sign3A_1263 = arith.cmpi slt, %add3A_1116, %sign3A_1262 : i32
      %sign3A_1264 = arith.extui %sign3A_1263 : i1 to i32
      %sign3A_1265 = arith.subi %sign3A_1261, %sign3A_1264 : i32
      %sign3A_1266 = arith.constant 0 : i32
      %sign3A_1267 = arith.cmpi sgt, %jit3A_1257, %sign3A_1266 : i32
      %sign3A_1268 = arith.extui %sign3A_1267 : i1 to i32
      %sign3A_1269 = arith.constant 0 : i32
      %sign3A_1270 = arith.cmpi slt, %jit3A_1257, %sign3A_1269 : i32
      %sign3A_1271 = arith.extui %sign3A_1270 : i1 to i32
      %sign3A_1272 = arith.subi %sign3A_1268, %sign3A_1271 : i32
      %ne3A_1273 = arith.cmpi ne, %sign3A_1265, %sign3A_1272 : i32
      %rem3A_1274 = arith.remsi %add3A_1116, %jit3A_1257 : i32
      %ne3A_1275 = arith.constant 0 : i32
      %ne3A_1276 = arith.cmpi ne, %rem3A_1274, %ne3A_1275 : i32
      %and3A_1277 = arith.andi %ne3A_1273, %ne3A_1276 : i1
      %sub3A_1278 = arith.constant 1 : i32
      %sub3A_1279 = arith.subi %div3A_1258, %sub3A_1278 : i32
      %select_n3A_1280 = arith.select %and3A_1277, %sub3A_1279, %div3A_1258 : i32
      %jit3A_1281 = arith.constant 4 : i32
      %eq3A_1282 = arith.constant 0 : i32
      %eq3A_1283 = arith.cmpi eq, %jit3A_1281, %eq3A_1282 : i32
      %jit3A_1284 = arith.constant 1 : i32
      %select_n3A_1285 = arith.select %eq3A_1283, %jit3A_1284, %jit3A_1281 : i32
      %rem3A_1286 = arith.remsi %select_n3A_1280, %select_n3A_1285 : i32
      %ne3A_1287 = arith.constant 0 : i32
      %ne3A_1288 = arith.cmpi ne, %rem3A_1286, %ne3A_1287 : i32
      %lt3A_1289 = arith.constant 0 : i32
      %lt3A_1290 = arith.cmpi slt, %rem3A_1286, %lt3A_1289 : i32
      %lt3A_1291 = arith.constant 0 : i32
      %lt3A_1292 = arith.cmpi slt, %select_n3A_1285, %lt3A_1291 : i32
      %ne3A_1293 = arith.xori %lt3A_1290, %lt3A_1292 : i1
      %and3A_1294 = arith.andi %ne3A_1293, %ne3A_1288 : i1
      %add3A_1295 = arith.addi %rem3A_1286, %select_n3A_1285 : i32
      %select_n3A_1296 = arith.select %and3A_1294, %add3A_1295, %rem3A_1286 : i32
      %mul3A_1297 = arith.constant 8 : i32
      %mul3A_1298 = arith.muli %select_n3A_1296, %mul3A_1297 : i32
      %jit3A_1299 = arith.constant 4 : i32
      %eq3A_1300 = arith.constant 0 : i32
      %eq3A_1301 = arith.cmpi eq, %jit3A_1299, %eq3A_1300 : i32
      %jit3A_1302 = arith.constant 1 : i32
      %select_n3A_1303 = arith.select %eq3A_1301, %jit3A_1302, %jit3A_1299 : i32
      %rem3A_1304 = arith.remsi %add3A_1116, %select_n3A_1303 : i32
      %ne3A_1305 = arith.constant 0 : i32
      %ne3A_1306 = arith.cmpi ne, %rem3A_1304, %ne3A_1305 : i32
      %lt3A_1307 = arith.constant 0 : i32
      %lt3A_1308 = arith.cmpi slt, %rem3A_1304, %lt3A_1307 : i32
      %lt3A_1309 = arith.constant 0 : i32
      %lt3A_1310 = arith.cmpi slt, %select_n3A_1303, %lt3A_1309 : i32
      %ne3A_1311 = arith.xori %lt3A_1308, %lt3A_1310 : i1
      %and3A_1312 = arith.andi %ne3A_1311, %ne3A_1306 : i1
      %add3A_1313 = arith.addi %rem3A_1304, %select_n3A_1303 : i32
      %select_n3A_1314 = arith.select %and3A_1312, %add3A_1313, %rem3A_1304 : i32
      %mul3A_1315 = arith.constant 1024 : i32
      %mul3A_1316 = arith.muli %select_n3A_1314, %mul3A_1315 : i32
      %mul3A_1317 = arith.constant 32 : i32
      %mul3A_1318 = arith.muli %add3A_1256, %mul3A_1317 : i32
      %add3A_1319 = arith.addi %mul3A_1318, %mul3A_1298 : i32
      %broadcast_in_dim3A_1320 = arith.constant 1 : i32
      %broadcast_in_dim3A_1321 = vector.broadcast %broadcast_in_dim3A_1320 : i32 to vector<16xi32>
      %add3A_1322 = arith.constant 0 : i32
      %add3A_1323 = arith.addi %add3A_1319, %add3A_1322 : i32
      %mul3A_1324 = vector.broadcast %add3A_1323 : i32 to vector<16xi32>
      %mul3A_1325 = arith.muli %broadcast_in_dim3A_1321, %mul3A_1324 : vector<16xi32>
      %broadcast_in_dim3A_1326 = arith.constant 1 : i32
      %broadcast_in_dim3A_1327 = vector.broadcast %broadcast_in_dim3A_1326 : i32 to vector<16xi32>
      %add3A_1328 = arith.constant 1 : i32
      %add3A_1329 = arith.addi %add3A_1319, %add3A_1328 : i32
      %mul3A_1330 = vector.broadcast %add3A_1329 : i32 to vector<16xi32>
      %mul3A_1331 = arith.muli %broadcast_in_dim3A_1327, %mul3A_1330 : vector<16xi32>
      %broadcast_in_dim3A_1332 = arith.constant 1 : i32
      %broadcast_in_dim3A_1333 = vector.broadcast %broadcast_in_dim3A_1332 : i32 to vector<16xi32>
      %add3A_1334 = arith.constant 2 : i32
      %add3A_1335 = arith.addi %add3A_1319, %add3A_1334 : i32
      %mul3A_1336 = vector.broadcast %add3A_1335 : i32 to vector<16xi32>
      %mul3A_1337 = arith.muli %broadcast_in_dim3A_1333, %mul3A_1336 : vector<16xi32>
      %broadcast_in_dim3A_1338 = arith.constant 1 : i32
      %broadcast_in_dim3A_1339 = vector.broadcast %broadcast_in_dim3A_1338 : i32 to vector<16xi32>
      %add3A_1340 = arith.constant 3 : i32
      %add3A_1341 = arith.addi %add3A_1319, %add3A_1340 : i32
      %mul3A_1342 = vector.broadcast %add3A_1341 : i32 to vector<16xi32>
      %mul3A_1343 = arith.muli %broadcast_in_dim3A_1339, %mul3A_1342 : vector<16xi32>
      %broadcast_in_dim3A_1344 = arith.constant 1 : i32
      %broadcast_in_dim3A_1345 = vector.broadcast %broadcast_in_dim3A_1344 : i32 to vector<16xi32>
      %add3A_1346 = arith.constant 4 : i32
      %add3A_1347 = arith.addi %add3A_1319, %add3A_1346 : i32
      %mul3A_1348 = vector.broadcast %add3A_1347 : i32 to vector<16xi32>
      %mul3A_1349 = arith.muli %broadcast_in_dim3A_1345, %mul3A_1348 : vector<16xi32>
      %broadcast_in_dim3A_1350 = arith.constant 1 : i32
      %broadcast_in_dim3A_1351 = vector.broadcast %broadcast_in_dim3A_1350 : i32 to vector<16xi32>
      %add3A_1352 = arith.constant 5 : i32
      %add3A_1353 = arith.addi %add3A_1319, %add3A_1352 : i32
      %mul3A_1354 = vector.broadcast %add3A_1353 : i32 to vector<16xi32>
      %mul3A_1355 = arith.muli %broadcast_in_dim3A_1351, %mul3A_1354 : vector<16xi32>
      %broadcast_in_dim3A_1356 = arith.constant 1 : i32
      %broadcast_in_dim3A_1357 = vector.broadcast %broadcast_in_dim3A_1356 : i32 to vector<16xi32>
      %add3A_1358 = arith.constant 6 : i32
      %add3A_1359 = arith.addi %add3A_1319, %add3A_1358 : i32
      %mul3A_1360 = vector.broadcast %add3A_1359 : i32 to vector<16xi32>
      %mul3A_1361 = arith.muli %broadcast_in_dim3A_1357, %mul3A_1360 : vector<16xi32>
      %broadcast_in_dim3A_1362 = arith.constant 1 : i32
      %broadcast_in_dim3A_1363 = vector.broadcast %broadcast_in_dim3A_1362 : i32 to vector<16xi32>
      %add3A_1364 = arith.constant 7 : i32
      %add3A_1365 = arith.addi %add3A_1319, %add3A_1364 : i32
      %mul3A_1366 = vector.broadcast %add3A_1365 : i32 to vector<16xi32>
      %mul3A_1367 = arith.muli %broadcast_in_dim3A_1363, %mul3A_1366 : vector<16xi32>
      %parallel_loop3A_1368 = arith.constant 0 : i32
      %parallel_loop3A_1369 = arith.constant 64 : i32
      %parallel_loop3A_1370 = arith.constant 1 : i32
      scf.for %parallel_loop3A_1814 = %parallel_loop3A_1368 to %parallel_loop3A_1369 step %parallel_loop3A_1370  : i32 {
        %parallel_loop3A_1815 = arith.constant 16 : i32
        %parallel_loop3A_1816 = arith.muli %parallel_loop3A_1814, %parallel_loop3A_1815 : i32
        %parallel_loop3A_1817 = arith.addi %mul3A_1316, %parallel_loop3A_1816 : i32
        %parallel_loop3A_1818 = arith.index_cast %parallel_loop3A_1817 : i32 to index
        %parallel_loop3A_1819 = tpu.vector_load %arg7[%parallel_loop3A_1818] {strides = array<i32>} : memref<4096xi32, #tpu.memory_space<vmem>>, vector<16xi32>,
        %parallel_loop3A_1820 = arith.constant 16 : i32
        %parallel_loop3A_1821 = arith.muli %parallel_loop3A_1814, %parallel_loop3A_1820 : i32
        %parallel_loop3A_1822 = arith.addi %parallel_loop3A_1819, %mul3A_1325 : vector<16xi32>
        %parallel_loop3A_1823 = arith.constant 0 : i32
        %parallel_loop3A_1824 = arith.index_cast %parallel_loop3A_1823 : i32 to index
        %parallel_loop3A_1825 = arith.index_cast %parallel_loop3A_1821 : i32 to index
        %parallel_loop3A_1826 = tpu.vector_load %arg10[%parallel_loop3A_1824, %parallel_loop3A_1825] {strides = array<i32>} : memref<8x1024xf32, #tpu.memory_space<vmem>>, vector<16xf32>,
        %parallel_loop3A_1827 = tpu.vector_load_idx %arg8[%parallel_loop3A_1822] : memref<30730xf32, #tpu.memory_space<vmem>>[vector<16xi32>], vector<16xf32>,
        %parallel_loop3A_1828 = tpu.vector_load_idx %arg9[%parallel_loop3A_1822] : memref<30730xf32, #tpu.memory_space<vmem>>[vector<16xi32>], vector<16xf32>,
        %parallel_loop3A_1829 = arith.mulf %parallel_loop3A_1828, %parallel_loop3A_1826 : vector<16xf32>
        %parallel_loop3A_1830 = arith.addf %parallel_loop3A_1827, %parallel_loop3A_1829 : vector<16xf32>
        %parallel_loop3A_1831 = arith.constant 0 : i32
        %parallel_loop3A_1832 = arith.index_cast %parallel_loop3A_1831 : i32 to index
        %parallel_loop3A_1833 = arith.index_cast %parallel_loop3A_1821 : i32 to index
        %parallel_loop3A_1834 = tpu.vector_load %arg10[%parallel_loop3A_1832, %parallel_loop3A_1833] {strides = array<i32>} : memref<8x1024xf32, #tpu.memory_space<vmem>>, vector<16xf32>,
        tpu.vector_store %arg10[%parallel_loop3A_1832, %parallel_loop3A_1833], %parallel_loop3A_1830 {strides = array<i32>} : memref<8x1024xf32, #tpu.memory_space<vmem>>, vector<16xf32>,
        %parallel_loop3A_1835 = arith.addi %parallel_loop3A_1819, %mul3A_1331 : vector<16xi32>
        %parallel_loop3A_1836 = arith.constant 1 : i32
        %parallel_loop3A_1837 = arith.index_cast %parallel_loop3A_1836 : i32 to index
        %parallel_loop3A_1838 = arith.index_cast %parallel_loop3A_1821 : i32 to index
        %parallel_loop3A_1839 = tpu.vector_load %arg10[%parallel_loop3A_1837, %parallel_loop3A_1838] {strides = array<i32>} : memref<8x1024xf32, #tpu.memory_space<vmem>>, vector<16xf32>,
        %parallel_loop3A_1840 = tpu.vector_load_idx %arg8[%parallel_loop3A_1835] : memref<30730xf32, #tpu.memory_space<vmem>>[vector<16xi32>], vector<16xf32>,
        %parallel_loop3A_1841 = tpu.vector_load_idx %arg9[%parallel_loop3A_1835] : memref<30730xf32, #tpu.memory_space<vmem>>[vector<16xi32>], vector<16xf32>,
        %parallel_loop3A_1842 = arith.mulf %parallel_loop3A_1841, %parallel_loop3A_1839 : vector<16xf32>
        %parallel_loop3A_1843 = arith.addf %parallel_loop3A_1840, %parallel_loop3A_1842 : vector<16xf32>
        %parallel_loop3A_1844 = arith.constant 1 : i32
        %parallel_loop3A_1845 = arith.index_cast %parallel_loop3A_1844 : i32 to index
        %parallel_loop3A_1846 = arith.index_cast %parallel_loop3A_1821 : i32 to index
        %parallel_loop3A_1847 = tpu.vector_load %arg10[%parallel_loop3A_1845, %parallel_loop3A_1846] {strides = array<i32>} : memref<8x1024xf32, #tpu.memory_space<vmem>>, vector<16xf32>,
        tpu.vector_store %arg10[%parallel_loop3A_1845, %parallel_loop3A_1846], %parallel_loop3A_1843 {strides = array<i32>} : memref<8x1024xf32, #tpu.memory_space<vmem>>, vector<16xf32>,
        %parallel_loop3A_1848 = arith.addi %parallel_loop3A_1819, %mul3A_1337 : vector<16xi32>
        %parallel_loop3A_1849 = arith.constant 2 : i32
        %parallel_loop3A_1850 = arith.index_cast %parallel_loop3A_1849 : i32 to index
        %parallel_loop3A_1851 = arith.index_cast %parallel_loop3A_1821 : i32 to index
        %parallel_loop3A_1852 = tpu.vector_load %arg10[%parallel_loop3A_1850, %parallel_loop3A_1851] {strides = array<i32>} : memref<8x1024xf32, #tpu.memory_space<vmem>>, vector<16xf32>,
        %parallel_loop3A_1853 = tpu.vector_load_idx %arg8[%parallel_loop3A_1848] : memref<30730xf32, #tpu.memory_space<vmem>>[vector<16xi32>], vector<16xf32>,
        %parallel_loop3A_1854 = tpu.vector_load_idx %arg9[%parallel_loop3A_1848] : memref<30730xf32, #tpu.memory_space<vmem>>[vector<16xi32>], vector<16xf32>,
        %parallel_loop3A_1855 = arith.mulf %parallel_loop3A_1854, %parallel_loop3A_1852 : vector<16xf32>
        %parallel_loop3A_1856 = arith.addf %parallel_loop3A_1853, %parallel_loop3A_1855 : vector<16xf32>
        %parallel_loop3A_1857 = arith.constant 2 : i32
        %parallel_loop3A_1858 = arith.index_cast %parallel_loop3A_1857 : i32 to index
        %parallel_loop3A_1859 = arith.index_cast %parallel_loop3A_1821 : i32 to index
        %parallel_loop3A_1860 = tpu.vector_load %arg10[%parallel_loop3A_1858, %parallel_loop3A_1859] {strides = array<i32>} : memref<8x1024xf32, #tpu.memory_space<vmem>>, vector<16xf32>,
        tpu.vector_store %arg10[%parallel_loop3A_1858, %parallel_loop3A_1859], %parallel_loop3A_1856 {strides = array<i32>} : memref<8x1024xf32, #tpu.memory_space<vmem>>, vector<16xf32>,
        %parallel_loop3A_1861 = arith.addi %parallel_loop3A_1819, %mul3A_1343 : vector<16xi32>
        %parallel_loop3A_1862 = arith.constant 3 : i32
        %parallel_loop3A_1863 = arith.index_cast %parallel_loop3A_1862 : i32 to index
        %parallel_loop3A_1864 = arith.index_cast %parallel_loop3A_1821 : i32 to index
        %parallel_loop3A_1865 = tpu.vector_load %arg10[%parallel_loop3A_1863, %parallel_loop3A_1864] {strides = array<i32>} : memref<8x1024xf32, #tpu.memory_space<vmem>>, vector<16xf32>,
        %parallel_loop3A_1866 = tpu.vector_load_idx %arg8[%parallel_loop3A_1861] : memref<30730xf32, #tpu.memory_space<vmem>>[vector<16xi32>], vector<16xf32>,
        %parallel_loop3A_1867 = tpu.vector_load_idx %arg9[%parallel_loop3A_1861] : memref<30730xf32, #tpu.memory_space<vmem>>[vector<16xi32>], vector<16xf32>,
        %parallel_loop3A_1868 = arith.mulf %parallel_loop3A_1867, %parallel_loop3A_1865 : vector<16xf32>
        %parallel_loop3A_1869 = arith.addf %parallel_loop3A_1866, %parallel_loop3A_1868 : vector<16xf32>
        %parallel_loop3A_1870 = arith.constant 3 : i32
        %parallel_loop3A_1871 = arith.index_cast %parallel_loop3A_1870 : i32 to index
        %parallel_loop3A_1872 = arith.index_cast %parallel_loop3A_1821 : i32 to index
        %parallel_loop3A_1873 = tpu.vector_load %arg10[%parallel_loop3A_1871, %parallel_loop3A_1872] {strides = array<i32>} : memref<8x1024xf32, #tpu.memory_space<vmem>>, vector<16xf32>,
        tpu.vector_store %arg10[%parallel_loop3A_1871, %parallel_loop3A_1872], %parallel_loop3A_1869 {strides = array<i32>} : memref<8x1024xf32, #tpu.memory_space<vmem>>, vector<16xf32>,
        %parallel_loop3A_1874 = arith.addi %parallel_loop3A_1819, %mul3A_1349 : vector<16xi32>
        %parallel_loop3A_1875 = arith.constant 4 : i32
        %parallel_loop3A_1876 = arith.index_cast %parallel_loop3A_1875 : i32 to index
        %parallel_loop3A_1877 = arith.index_cast %parallel_loop3A_1821 : i32 to index
        %parallel_loop3A_1878 = tpu.vector_load %arg10[%parallel_loop3A_1876, %parallel_loop3A_1877] {strides = array<i32>} : memref<8x1024xf32, #tpu.memory_space<vmem>>, vector<16xf32>,
        %parallel_loop3A_1879 = tpu.vector_load_idx %arg8[%parallel_loop3A_1874] : memref<30730xf32, #tpu.memory_space<vmem>>[vector<16xi32>], vector<16xf32>,
        %parallel_loop3A_1880 = tpu.vector_load_idx %arg9[%parallel_loop3A_1874] : memref<30730xf32, #tpu.memory_space<vmem>>[vector<16xi32>], vector<16xf32>,
        %parallel_loop3A_1881 = arith.mulf %parallel_loop3A_1880, %parallel_loop3A_1878 : vector<16xf32>
        %parallel_loop3A_1882 = arith.addf %parallel_loop3A_1879, %parallel_loop3A_1881 : vector<16xf32>
        %parallel_loop3A_1883 = arith.constant 4 : i32
        %parallel_loop3A_1884 = arith.index_cast %parallel_loop3A_1883 : i32 to index
        %parallel_loop3A_1885 = arith.index_cast %parallel_loop3A_1821 : i32 to index
        %parallel_loop3A_1886 = tpu.vector_load %arg10[%parallel_loop3A_1884, %parallel_loop3A_1885] {strides = array<i32>} : memref<8x1024xf32, #tpu.memory_space<vmem>>, vector<16xf32>,
        tpu.vector_store %arg10[%parallel_loop3A_1884, %parallel_loop3A_1885], %parallel_loop3A_1882 {strides = array<i32>} : memref<8x1024xf32, #tpu.memory_space<vmem>>, vector<16xf32>,
        %parallel_loop3A_1887 = arith.addi %parallel_loop3A_1819, %mul3A_1355 : vector<16xi32>
        %parallel_loop3A_1888 = arith.constant 5 : i32
        %parallel_loop3A_1889 = arith.index_cast %parallel_loop3A_1888 : i32 to index
        %parallel_loop3A_1890 = arith.index_cast %parallel_loop3A_1821 : i32 to index
        %parallel_loop3A_1891 = tpu.vector_load %arg10[%parallel_loop3A_1889, %parallel_loop3A_1890] {strides = array<i32>} : memref<8x1024xf32, #tpu.memory_space<vmem>>, vector<16xf32>,
        %parallel_loop3A_1892 = tpu.vector_load_idx %arg8[%parallel_loop3A_1887] : memref<30730xf32, #tpu.memory_space<vmem>>[vector<16xi32>], vector<16xf32>,
        %parallel_loop3A_1893 = tpu.vector_load_idx %arg9[%parallel_loop3A_1887] : memref<30730xf32, #tpu.memory_space<vmem>>[vector<16xi32>], vector<16xf32>,
        %parallel_loop3A_1894 = arith.mulf %parallel_loop3A_1893, %parallel_loop3A_1891 : vector<16xf32>
        %parallel_loop3A_1895 = arith.addf %parallel_loop3A_1892, %parallel_loop3A_1894 : vector<16xf32>
        %parallel_loop3A_1896 = arith.constant 5 : i32
        %parallel_loop3A_1897 = arith.index_cast %parallel_loop3A_1896 : i32 to index
        %parallel_loop3A_1898 = arith.index_cast %parallel_loop3A_1821 : i32 to index
        %parallel_loop3A_1899 = tpu.vector_load %arg10[%parallel_loop3A_1897, %parallel_loop3A_1898] {strides = array<i32>} : memref<8x1024xf32, #tpu.memory_space<vmem>>, vector<16xf32>,
        tpu.vector_store %arg10[%parallel_loop3A_1897, %parallel_loop3A_1898], %parallel_loop3A_1895 {strides = array<i32>} : memref<8x1024xf32, #tpu.memory_space<vmem>>, vector<16xf32>,
        %parallel_loop3A_1900 = arith.addi %parallel_loop3A_1819, %mul3A_1361 : vector<16xi32>
        %parallel_loop3A_1901 = arith.constant 6 : i32
        %parallel_loop3A_1902 = arith.index_cast %parallel_loop3A_1901 : i32 to index
        %parallel_loop3A_1903 = arith.index_cast %parallel_loop3A_1821 : i32 to index
        %parallel_loop3A_1904 = tpu.vector_load %arg10[%parallel_loop3A_1902, %parallel_loop3A_1903] {strides = array<i32>} : memref<8x1024xf32, #tpu.memory_space<vmem>>, vector<16xf32>,
        %parallel_loop3A_1905 = tpu.vector_load_idx %arg8[%parallel_loop3A_1900] : memref<30730xf32, #tpu.memory_space<vmem>>[vector<16xi32>], vector<16xf32>,
        %parallel_loop3A_1906 = tpu.vector_load_idx %arg9[%parallel_loop3A_1900] : memref<30730xf32, #tpu.memory_space<vmem>>[vector<16xi32>], vector<16xf32>,
        %parallel_loop3A_1907 = arith.mulf %parallel_loop3A_1906, %parallel_loop3A_1904 : vector<16xf32>
        %parallel_loop3A_1908 = arith.addf %parallel_loop3A_1905, %parallel_loop3A_1907 : vector<16xf32>
        %parallel_loop3A_1909 = arith.constant 6 : i32
        %parallel_loop3A_1910 = arith.index_cast %parallel_loop3A_1909 : i32 to index
        %parallel_loop3A_1911 = arith.index_cast %parallel_loop3A_1821 : i32 to index
        %parallel_loop3A_1912 = tpu.vector_load %arg10[%parallel_loop3A_1910, %parallel_loop3A_1911] {strides = array<i32>} : memref<8x1024xf32, #tpu.memory_space<vmem>>, vector<16xf32>,
        tpu.vector_store %arg10[%parallel_loop3A_1910, %parallel_loop3A_1911], %parallel_loop3A_1908 {strides = array<i32>} : memref<8x1024xf32, #tpu.memory_space<vmem>>, vector<16xf32>,
        %parallel_loop3A_1913 = arith.addi %parallel_loop3A_1819, %mul3A_1367 : vector<16xi32>
        %parallel_loop3A_1914 = arith.constant 7 : i32
        %parallel_loop3A_1915 = arith.index_cast %parallel_loop3A_1914 : i32 to index
        %parallel_loop3A_1916 = arith.index_cast %parallel_loop3A_1821 : i32 to index
        %parallel_loop3A_1917 = tpu.vector_load %arg10[%parallel_loop3A_1915, %parallel_loop3A_1916] {strides = array<i32>} : memref<8x1024xf32, #tpu.memory_space<vmem>>, vector<16xf32>,
        %parallel_loop3A_1918 = tpu.vector_load_idx %arg8[%parallel_loop3A_1913] : memref<30730xf32, #tpu.memory_space<vmem>>[vector<16xi32>], vector<16xf32>,
        %parallel_loop3A_1919 = tpu.vector_load_idx %arg9[%parallel_loop3A_1913] : memref<30730xf32, #tpu.memory_space<vmem>>[vector<16xi32>], vector<16xf32>,
        %parallel_loop3A_1920 = arith.mulf %parallel_loop3A_1919, %parallel_loop3A_1917 : vector<16xf32>
        %parallel_loop3A_1921 = arith.addf %parallel_loop3A_1918, %parallel_loop3A_1920 : vector<16xf32>
        %parallel_loop3A_1922 = arith.constant 7 : i32
        %parallel_loop3A_1923 = arith.index_cast %parallel_loop3A_1922 : i32 to index
        %parallel_loop3A_1924 = arith.index_cast %parallel_loop3A_1821 : i32 to index
        %parallel_loop3A_1925 = tpu.vector_load %arg10[%parallel_loop3A_1923, %parallel_loop3A_1924] {strides = array<i32>} : memref<8x1024xf32, #tpu.memory_space<vmem>>, vector<16xf32>,
        tpu.vector_store %arg10[%parallel_loop3A_1923, %parallel_loop3A_1924], %parallel_loop3A_1921 {strides = array<i32>} : memref<8x1024xf32, #tpu.memory_space<vmem>>, vector<16xf32>,
      } {sc.loop_unroll_factor = 2 : i64, sc.parallel_access}
      %jit3A_1371 = arith.constant 16 : i32
      %div3A_1372 = arith.divsi %add3A_1116, %jit3A_1371 : i32
      %sign3A_1373 = arith.constant 0 : i32
      %sign3A_1374 = arith.cmpi sgt, %add3A_1116, %sign3A_1373 : i32
      %sign3A_1375 = arith.extui %sign3A_1374 : i1 to i32
      %sign3A_1376 = arith.constant 0 : i32
      %sign3A_1377 = arith.cmpi slt, %add3A_1116, %sign3A_1376 : i32
      %sign3A_1378 = arith.extui %sign3A_1377 : i1 to i32
      %sign3A_1379 = arith.subi %sign3A_1375, %sign3A_1378 : i32
      %sign3A_1380 = arith.constant 0 : i32
      %sign3A_1381 = arith.cmpi sgt, %jit3A_1371, %sign3A_1380 : i32
      %sign3A_1382 = arith.extui %sign3A_1381 : i1 to i32
      %sign3A_1383 = arith.constant 0 : i32
      %sign3A_1384 = arith.cmpi slt, %jit3A_1371, %sign3A_1383 : i32
      %sign3A_1385 = arith.extui %sign3A_1384 : i1 to i32
      %sign3A_1386 = arith.subi %sign3A_1382, %sign3A_1385 : i32
      %ne3A_1387 = arith.cmpi ne, %sign3A_1379, %sign3A_1386 : i32
      %rem3A_1388 = arith.remsi %add3A_1116, %jit3A_1371 : i32
      %ne3A_1389 = arith.constant 0 : i32
      %ne3A_1390 = arith.cmpi ne, %rem3A_1388, %ne3A_1389 : i32
      %and3A_1391 = arith.andi %ne3A_1387, %ne3A_1390 : i1
      %sub3A_1392 = arith.constant 1 : i32
      %sub3A_1393 = arith.subi %div3A_1372, %sub3A_1392 : i32
      %select_n3A_1394 = arith.select %and3A_1391, %sub3A_1393, %div3A_1372 : i32
      %add3A_1395 = arith.addi %mul3A_2, %select_n3A_1394 : i32
      %jit3A_1396 = arith.constant 4 : i32
      %div3A_1397 = arith.divsi %add3A_1116, %jit3A_1396 : i32
      %sign3A_1398 = arith.constant 0 : i32
      %sign3A_1399 = arith.cmpi sgt, %add3A_1116, %sign3A_1398 : i32
      %sign3A_1400 = arith.extui %sign3A_1399 : i1 to i32
      %sign3A_1401 = arith.constant 0 : i32
      %sign3A_1402 = arith.cmpi slt, %add3A_1116, %sign3A_1401 : i32
      %sign3A_1403 = arith.extui %sign3A_1402 : i1 to i32
      %sign3A_1404 = arith.subi %sign3A_1400, %sign3A_1403 : i32
      %sign3A_1405 = arith.constant 0 : i32
      %sign3A_1406 = arith.cmpi sgt, %jit3A_1396, %sign3A_1405 : i32
      %sign3A_1407 = arith.extui %sign3A_1406 : i1 to i32
      %sign3A_1408 = arith.constant 0 : i32
      %sign3A_1409 = arith.cmpi slt, %jit3A_1396, %sign3A_1408 : i32
      %sign3A_1410 = arith.extui %sign3A_1409 : i1 to i32
      %sign3A_1411 = arith.subi %sign3A_1407, %sign3A_1410 : i32
      %ne3A_1412 = arith.cmpi ne, %sign3A_1404, %sign3A_1411 : i32
      %rem3A_1413 = arith.remsi %add3A_1116, %jit3A_1396 : i32
      %ne3A_1414 = arith.constant 0 : i32
      %ne3A_1415 = arith.cmpi ne, %rem3A_1413, %ne3A_1414 : i32
      %and3A_1416 = arith.andi %ne3A_1412, %ne3A_1415 : i1
      %sub3A_1417 = arith.constant 1 : i32
      %sub3A_1418 = arith.subi %div3A_1397, %sub3A_1417 : i32
      %select_n3A_1419 = arith.select %and3A_1416, %sub3A_1418, %div3A_1397 : i32
      %jit3A_1420 = arith.constant 4 : i32
      %eq3A_1421 = arith.constant 0 : i32
      %eq3A_1422 = arith.cmpi eq, %jit3A_1420, %eq3A_1421 : i32
      %jit3A_1423 = arith.constant 1 : i32
      %select_n3A_1424 = arith.select %eq3A_1422, %jit3A_1423, %jit3A_1420 : i32
      %rem3A_1425 = arith.remsi %select_n3A_1419, %select_n3A_1424 : i32
      %ne3A_1426 = arith.constant 0 : i32
      %ne3A_1427 = arith.cmpi ne, %rem3A_1425, %ne3A_1426 : i32
      %lt3A_1428 = arith.constant 0 : i32
      %lt3A_1429 = arith.cmpi slt, %rem3A_1425, %lt3A_1428 : i32
      %lt3A_1430 = arith.constant 0 : i32
      %lt3A_1431 = arith.cmpi slt, %select_n3A_1424, %lt3A_1430 : i32
      %ne3A_1432 = arith.xori %lt3A_1429, %lt3A_1431 : i1
      %and3A_1433 = arith.andi %ne3A_1432, %ne3A_1427 : i1
      %add3A_1434 = arith.addi %rem3A_1425, %select_n3A_1424 : i32
      %select_n3A_1435 = arith.select %and3A_1433, %add3A_1434, %rem3A_1425 : i32
      %mul3A_1436 = arith.constant 8 : i32
      %mul3A_1437 = arith.muli %select_n3A_1435, %mul3A_1436 : i32
      %jit3A_1438 = arith.constant 4 : i32
      %eq3A_1439 = arith.constant 0 : i32
      %eq3A_1440 = arith.cmpi eq, %jit3A_1438, %eq3A_1439 : i32
      %jit3A_1441 = arith.constant 1 : i32
      %select_n3A_1442 = arith.select %eq3A_1440, %jit3A_1441, %jit3A_1438 : i32
      %rem3A_1443 = arith.remsi %add3A_1116, %select_n3A_1442 : i32
      %ne3A_1444 = arith.constant 0 : i32
      %ne3A_1445 = arith.cmpi ne, %rem3A_1443, %ne3A_1444 : i32
      %lt3A_1446 = arith.constant 0 : i32
      %lt3A_1447 = arith.cmpi slt, %rem3A_1443, %lt3A_1446 : i32
      %lt3A_1448 = arith.constant 0 : i32
      %lt3A_1449 = arith.cmpi slt, %select_n3A_1442, %lt3A_1448 : i32
      %ne3A_1450 = arith.xori %lt3A_1447, %lt3A_1449 : i1
      %and3A_1451 = arith.andi %ne3A_1450, %ne3A_1445 : i1
      %add3A_1452 = arith.addi %rem3A_1443, %select_n3A_1442 : i32
      %select_n3A_1453 = arith.select %and3A_1451, %add3A_1452, %rem3A_1443 : i32
      %mul3A_1454 = arith.constant 1024 : i32
      %mul3A_1455 = arith.muli %select_n3A_1453, %mul3A_1454 : i32
      %dma_start3A_1456 = tpu.memref_reshape %arg6 : memref<3x32x32x4096xf32, #tpu.memory_space<hbm>> -> memref<96x32x4096xf32, #tpu.memory_space<hbm>>
      %dma_start3A_1457 = tpu.memref_slice %dma_start3A_1456[%add3A_1395, %mul3A_1437, %mul3A_1455] : memref<96x32x4096xf32, #tpu.memory_space<hbm>> -> memref<1x8x1024xf32, #tpu.memory_space<hbm>>
      %dma_start3A_1458 = tpu.memref_squeeze %dma_start3A_1457 : memref<1x8x1024xf32, #tpu.memory_space<hbm>> -> memref<8x1024xf32, #tpu.memory_space<hbm>>
      %dma_start3A_1459 = tpu.memref_reshape %arg6 : memref<3x32x32x4096xf32, #tpu.memory_space<hbm>> -> memref<96x32x4096xf32, #tpu.memory_space<hbm>>
      %dma_start3A_1460 = tpu.memref_slice %dma_start3A_1459[%add3A_1395, %mul3A_1437, %mul3A_1455] : memref<96x32x4096xf32, #tpu.memory_space<hbm>> -> memref<1x8x1024xf32, #tpu.memory_space<hbm>>
      %dma_start3A_1461 = tpu.memref_squeeze %dma_start3A_1460 : memref<1x8x1024xf32, #tpu.memory_space<hbm>> -> memref<8x1024xf32, #tpu.memory_space<hbm>>
      tpu.enqueue_dma source(%arg10 : memref<8x1024xf32, #tpu.memory_space<vmem>>) target(%dma_start3A_1461 : memref<8x1024xf32, #tpu.memory_space<hbm>>) target_semaphore(%arg18 : memref<!tpu.dma_semaphore, #tpu.memory_space<semaphore_mem>>)
      %mul3A_1462 = arith.constant 4 : i32
      %mul3A_1463 = arith.muli %mul3A_1462, %scan3A_417 : i32
      %add3A_1464 = arith.constant 2 : i32
      %add3A_1465 = arith.addi %mul3A_1463, %add3A_1464 : i32
      %add3A_1466 = arith.constant 3 : i32
      %add3A_1467 = arith.addi %add3A_1465, %add3A_1466 : i32
      %dma_wait3A_1468 = arith.constant 0 : i32
      %dma_wait3A_1469 = tpu.memref_reshape %arg6 : memref<3x32x32x4096xf32, #tpu.memory_space<hbm>> -> memref<96x32x4096xf32, #tpu.memory_space<hbm>>
      %dma_wait3A_1470 = arith.constant 0 : i32
      %dma_wait3A_1471 = arith.constant 0 : i32
      %dma_wait3A_1472 = tpu.memref_slice %dma_wait3A_1469[%dma_wait3A_1468, %dma_wait3A_1470, %dma_wait3A_1471] : memref<96x32x4096xf32, #tpu.memory_space<hbm>> -> memref<1x8x1024xf32, #tpu.memory_space<hbm>>
      %dma_wait3A_1473 = tpu.memref_squeeze %dma_wait3A_1472 : memref<1x8x1024xf32, #tpu.memory_space<hbm>> -> memref<8x1024xf32, #tpu.memory_space<hbm>>
      %dma_wait3A_1474 = tpu.memref_reshape %arg6 : memref<3x32x32x4096xf32, #tpu.memory_space<hbm>> -> memref<96x32x4096xf32, #tpu.memory_space<hbm>>
      %dma_wait3A_1475 = arith.constant 0 : i32
      %dma_wait3A_1476 = arith.constant 0 : i32
      %dma_wait3A_1477 = tpu.memref_slice %dma_wait3A_1474[%dma_wait3A_1468, %dma_wait3A_1475, %dma_wait3A_1476] : memref<96x32x4096xf32, #tpu.memory_space<hbm>> -> memref<1x8x1024xf32, #tpu.memory_space<hbm>>
      %dma_wait3A_1478 = tpu.memref_squeeze %dma_wait3A_1477 : memref<1x8x1024xf32, #tpu.memory_space<hbm>> -> memref<8x1024xf32, #tpu.memory_space<hbm>>
      tpu.wait_dma2 semaphore(%arg21 : memref<!tpu.dma_semaphore, #tpu.memory_space<semaphore_mem>>) src(%arg13 : memref<8x1024xf32, #tpu.memory_space<vmem>>) dst(%dma_wait3A_1478 : memref<8x1024xf32, #tpu.memory_space<hbm>>)
      %add3A_1479 = arith.constant 2 : i32
      %add3A_1480 = arith.addi %add3A_1467, %add3A_1479 : i32
      %jit3A_1481 = arith.constant 16 : i32
      %div3A_1482 = arith.divsi %add3A_1480, %jit3A_1481 : i32
      %sign3A_1483 = arith.constant 0 : i32
      %sign3A_1484 = arith.cmpi sgt, %add3A_1480, %sign3A_1483 : i32
      %sign3A_1485 = arith.extui %sign3A_1484 : i1 to i32
      %sign3A_1486 = arith.constant 0 : i32
      %sign3A_1487 = arith.cmpi slt, %add3A_1480, %sign3A_1486 : i32
      %sign3A_1488 = arith.extui %sign3A_1487 : i1 to i32
      %sign3A_1489 = arith.subi %sign3A_1485, %sign3A_1488 : i32
      %sign3A_1490 = arith.constant 0 : i32
      %sign3A_1491 = arith.cmpi sgt, %jit3A_1481, %sign3A_1490 : i32
      %sign3A_1492 = arith.extui %sign3A_1491 : i1 to i32
      %sign3A_1493 = arith.constant 0 : i32
      %sign3A_1494 = arith.cmpi slt, %jit3A_1481, %sign3A_1493 : i32
      %sign3A_1495 = arith.extui %sign3A_1494 : i1 to i32
      %sign3A_1496 = arith.subi %sign3A_1492, %sign3A_1495 : i32
      %ne3A_1497 = arith.cmpi ne, %sign3A_1489, %sign3A_1496 : i32
      %rem3A_1498 = arith.remsi %add3A_1480, %jit3A_1481 : i32
      %ne3A_1499 = arith.constant 0 : i32
      %ne3A_1500 = arith.cmpi ne, %rem3A_1498, %ne3A_1499 : i32
      %and3A_1501 = arith.andi %ne3A_1497, %ne3A_1500 : i1
      %sub3A_1502 = arith.constant 1 : i32
      %sub3A_1503 = arith.subi %div3A_1482, %sub3A_1502 : i32
      %select_n3A_1504 = arith.select %and3A_1501, %sub3A_1503, %div3A_1482 : i32
      %add3A_1505 = arith.addi %mul3A_2, %select_n3A_1504 : i32
      %jit3A_1506 = arith.constant 4 : i32
      %div3A_1507 = arith.divsi %add3A_1480, %jit3A_1506 : i32
      %sign3A_1508 = arith.constant 0 : i32
      %sign3A_1509 = arith.cmpi sgt, %add3A_1480, %sign3A_1508 : i32
      %sign3A_1510 = arith.extui %sign3A_1509 : i1 to i32
      %sign3A_1511 = arith.constant 0 : i32
      %sign3A_1512 = arith.cmpi slt, %add3A_1480, %sign3A_1511 : i32
      %sign3A_1513 = arith.extui %sign3A_1512 : i1 to i32
      %sign3A_1514 = arith.subi %sign3A_1510, %sign3A_1513 : i32
      %sign3A_1515 = arith.constant 0 : i32
      %sign3A_1516 = arith.cmpi sgt, %jit3A_1506, %sign3A_1515 : i32
      %sign3A_1517 = arith.extui %sign3A_1516 : i1 to i32
      %sign3A_1518 = arith.constant 0 : i32
      %sign3A_1519 = arith.cmpi slt, %jit3A_1506, %sign3A_1518 : i32
      %sign3A_1520 = arith.extui %sign3A_1519 : i1 to i32
      %sign3A_1521 = arith.subi %sign3A_1517, %sign3A_1520 : i32
      %ne3A_1522 = arith.cmpi ne, %sign3A_1514, %sign3A_1521 : i32
      %rem3A_1523 = arith.remsi %add3A_1480, %jit3A_1506 : i32
      %ne3A_1524 = arith.constant 0 : i32
      %ne3A_1525 = arith.cmpi ne, %rem3A_1523, %ne3A_1524 : i32
      %and3A_1526 = arith.andi %ne3A_1522, %ne3A_1525 : i1
      %sub3A_1527 = arith.constant 1 : i32
      %sub3A_1528 = arith.subi %div3A_1507, %sub3A_1527 : i32
      %select_n3A_1529 = arith.select %and3A_1526, %sub3A_1528, %div3A_1507 : i32
      %jit3A_1530 = arith.constant 4 : i32
      %eq3A_1531 = arith.constant 0 : i32
      %eq3A_1532 = arith.cmpi eq, %jit3A_1530, %eq3A_1531 : i32
      %jit3A_1533 = arith.constant 1 : i32
      %select_n3A_1534 = arith.select %eq3A_1532, %jit3A_1533, %jit3A_1530 : i32
      %rem3A_1535 = arith.remsi %select_n3A_1529, %select_n3A_1534 : i32
      %ne3A_1536 = arith.constant 0 : i32
      %ne3A_1537 = arith.cmpi ne, %rem3A_1535, %ne3A_1536 : i32
      %lt3A_1538 = arith.constant 0 : i32
      %lt3A_1539 = arith.cmpi slt, %rem3A_1535, %lt3A_1538 : i32
      %lt3A_1540 = arith.constant 0 : i32
      %lt3A_1541 = arith.cmpi slt, %select_n3A_1534, %lt3A_1540 : i32
      %ne3A_1542 = arith.xori %lt3A_1539, %lt3A_1541 : i1
      %and3A_1543 = arith.andi %ne3A_1542, %ne3A_1537 : i1
      %add3A_1544 = arith.addi %rem3A_1535, %select_n3A_1534 : i32
      %select_n3A_1545 = arith.select %and3A_1543, %add3A_1544, %rem3A_1535 : i32
      %mul3A_1546 = arith.constant 8 : i32
      %mul3A_1547 = arith.muli %select_n3A_1545, %mul3A_1546 : i32
      %jit3A_1548 = arith.constant 4 : i32
      %eq3A_1549 = arith.constant 0 : i32
      %eq3A_1550 = arith.cmpi eq, %jit3A_1548, %eq3A_1549 : i32
      %jit3A_1551 = arith.constant 1 : i32
      %select_n3A_1552 = arith.select %eq3A_1550, %jit3A_1551, %jit3A_1548 : i32
      %rem3A_1553 = arith.remsi %add3A_1480, %select_n3A_1552 : i32
      %ne3A_1554 = arith.constant 0 : i32
      %ne3A_1555 = arith.cmpi ne, %rem3A_1553, %ne3A_1554 : i32
      %lt3A_1556 = arith.constant 0 : i32
      %lt3A_1557 = arith.cmpi slt, %rem3A_1553, %lt3A_1556 : i32
      %lt3A_1558 = arith.constant 0 : i32
      %lt3A_1559 = arith.cmpi slt, %select_n3A_1552, %lt3A_1558 : i32
      %ne3A_1560 = arith.xori %lt3A_1557, %lt3A_1559 : i1
      %and3A_1561 = arith.andi %ne3A_1560, %ne3A_1555 : i1
      %add3A_1562 = arith.addi %rem3A_1553, %select_n3A_1552 : i32
      %select_n3A_1563 = arith.select %and3A_1561, %add3A_1562, %rem3A_1553 : i32
      %mul3A_1564 = arith.constant 1024 : i32
      %mul3A_1565 = arith.muli %select_n3A_1563, %mul3A_1564 : i32
      %dma_start3A_1566 = tpu.memref_reshape %arg5 : memref<3x32x32x4096xf32, #tpu.memory_space<hbm>> -> memref<96x32x4096xf32, #tpu.memory_space<hbm>>
      %dma_start3A_1567 = tpu.memref_slice %dma_start3A_1566[%add3A_1505, %mul3A_1547, %mul3A_1565] : memref<96x32x4096xf32, #tpu.memory_space<hbm>> -> memref<1x8x1024xf32, #tpu.memory_space<hbm>>
      %dma_start3A_1568 = tpu.memref_squeeze %dma_start3A_1567 : memref<1x8x1024xf32, #tpu.memory_space<hbm>> -> memref<8x1024xf32, #tpu.memory_space<hbm>>
      %dma_start3A_1569 = tpu.memref_reshape %arg5 : memref<3x32x32x4096xf32, #tpu.memory_space<hbm>> -> memref<96x32x4096xf32, #tpu.memory_space<hbm>>
      %dma_start3A_1570 = tpu.memref_slice %dma_start3A_1569[%add3A_1505, %mul3A_1547, %mul3A_1565] : memref<96x32x4096xf32, #tpu.memory_space<hbm>> -> memref<1x8x1024xf32, #tpu.memory_space<hbm>>
      %dma_start3A_1571 = tpu.memref_squeeze %dma_start3A_1570 : memref<1x8x1024xf32, #tpu.memory_space<hbm>> -> memref<8x1024xf32, #tpu.memory_space<hbm>>
      tpu.enqueue_dma source(%dma_start3A_1571 : memref<8x1024xf32, #tpu.memory_space<hbm>>) target(%arg13 : memref<8x1024xf32, #tpu.memory_space<vmem>>) target_semaphore(%arg17 : memref<!tpu.dma_semaphore, #tpu.memory_space<semaphore_mem>>)
      %dma_wait3A_1572 = arith.constant 0 : i32
      %dma_wait3A_1573 = tpu.memref_reshape %arg5 : memref<3x32x32x4096xf32, #tpu.memory_space<hbm>> -> memref<96x32x4096xf32, #tpu.memory_space<hbm>>
      %dma_wait3A_1574 = arith.constant 0 : i32
      %dma_wait3A_1575 = arith.constant 0 : i32
      %dma_wait3A_1576 = tpu.memref_slice %dma_wait3A_1573[%dma_wait3A_1572, %dma_wait3A_1574, %dma_wait3A_1575] : memref<96x32x4096xf32, #tpu.memory_space<hbm>> -> memref<1x8x1024xf32, #tpu.memory_space<hbm>>
      %dma_wait3A_1577 = tpu.memref_squeeze %dma_wait3A_1576 : memref<1x8x1024xf32, #tpu.memory_space<hbm>> -> memref<8x1024xf32, #tpu.memory_space<hbm>>
      %dma_wait3A_1578 = tpu.memref_reshape %arg5 : memref<3x32x32x4096xf32, #tpu.memory_space<hbm>> -> memref<96x32x4096xf32, #tpu.memory_space<hbm>>
      %dma_wait3A_1579 = arith.constant 0 : i32
      %dma_wait3A_1580 = arith.constant 0 : i32
      %dma_wait3A_1581 = tpu.memref_slice %dma_wait3A_1578[%dma_wait3A_1572, %dma_wait3A_1579, %dma_wait3A_1580] : memref<96x32x4096xf32, #tpu.memory_space<hbm>> -> memref<1x8x1024xf32, #tpu.memory_space<hbm>>
      %dma_wait3A_1582 = tpu.memref_squeeze %dma_wait3A_1581 : memref<1x8x1024xf32, #tpu.memory_space<hbm>> -> memref<8x1024xf32, #tpu.memory_space<hbm>>
      tpu.wait_dma2 semaphore(%arg15 : memref<!tpu.dma_semaphore, #tpu.memory_space<semaphore_mem>>) src(%dma_wait3A_1582 : memref<8x1024xf32, #tpu.memory_space<hbm>>) dst(%arg11 : memref<8x1024xf32, #tpu.memory_space<vmem>>)
      %jit3A_1583 = arith.constant 16 : i32
      %div3A_1584 = arith.divsi %add3A_1467, %jit3A_1583 : i32
      %sign3A_1585 = arith.constant 0 : i32
      %sign3A_1586 = arith.cmpi sgt, %add3A_1467, %sign3A_1585 : i32
      %sign3A_1587 = arith.extui %sign3A_1586 : i1 to i32
      %sign3A_1588 = arith.constant 0 : i32
      %sign3A_1589 = arith.cmpi slt, %add3A_1467, %sign3A_1588 : i32
      %sign3A_1590 = arith.extui %sign3A_1589 : i1 to i32
      %sign3A_1591 = arith.subi %sign3A_1587, %sign3A_1590 : i32
      %sign3A_1592 = arith.constant 0 : i32
      %sign3A_1593 = arith.cmpi sgt, %jit3A_1583, %sign3A_1592 : i32
      %sign3A_1594 = arith.extui %sign3A_1593 : i1 to i32
      %sign3A_1595 = arith.constant 0 : i32
      %sign3A_1596 = arith.cmpi slt, %jit3A_1583, %sign3A_1595 : i32
      %sign3A_1597 = arith.extui %sign3A_1596 : i1 to i32
      %sign3A_1598 = arith.subi %sign3A_1594, %sign3A_1597 : i32
      %ne3A_1599 = arith.cmpi ne, %sign3A_1591, %sign3A_1598 : i32
      %rem3A_1600 = arith.remsi %add3A_1467, %jit3A_1583 : i32
      %ne3A_1601 = arith.constant 0 : i32
      %ne3A_1602 = arith.cmpi ne, %rem3A_1600, %ne3A_1601 : i32
      %and3A_1603 = arith.andi %ne3A_1599, %ne3A_1602 : i1
      %sub3A_1604 = arith.constant 1 : i32
      %sub3A_1605 = arith.subi %div3A_1584, %sub3A_1604 : i32
      %select_n3A_1606 = arith.select %and3A_1603, %sub3A_1605, %div3A_1584 : i32
      %add3A_1607 = arith.addi %mul3A_2, %select_n3A_1606 : i32
      %jit3A_1608 = arith.constant 4 : i32
      %div3A_1609 = arith.divsi %add3A_1467, %jit3A_1608 : i32
      %sign3A_1610 = arith.constant 0 : i32
      %sign3A_1611 = arith.cmpi sgt, %add3A_1467, %sign3A_1610 : i32
      %sign3A_1612 = arith.extui %sign3A_1611 : i1 to i32
      %sign3A_1613 = arith.constant 0 : i32
      %sign3A_1614 = arith.cmpi slt, %add3A_1467, %sign3A_1613 : i32
      %sign3A_1615 = arith.extui %sign3A_1614 : i1 to i32
      %sign3A_1616 = arith.subi %sign3A_1612, %sign3A_1615 : i32
      %sign3A_1617 = arith.constant 0 : i32
      %sign3A_1618 = arith.cmpi sgt, %jit3A_1608, %sign3A_1617 : i32
      %sign3A_1619 = arith.extui %sign3A_1618 : i1 to i32
      %sign3A_1620 = arith.constant 0 : i32
      %sign3A_1621 = arith.cmpi slt, %jit3A_1608, %sign3A_1620 : i32
      %sign3A_1622 = arith.extui %sign3A_1621 : i1 to i32
      %sign3A_1623 = arith.subi %sign3A_1619, %sign3A_1622 : i32
      %ne3A_1624 = arith.cmpi ne, %sign3A_1616, %sign3A_1623 : i32
      %rem3A_1625 = arith.remsi %add3A_1467, %jit3A_1608 : i32
      %ne3A_1626 = arith.constant 0 : i32
      %ne3A_1627 = arith.cmpi ne, %rem3A_1625, %ne3A_1626 : i32
      %and3A_1628 = arith.andi %ne3A_1624, %ne3A_1627 : i1
      %sub3A_1629 = arith.constant 1 : i32
      %sub3A_1630 = arith.subi %div3A_1609, %sub3A_1629 : i32
      %select_n3A_1631 = arith.select %and3A_1628, %sub3A_1630, %div3A_1609 : i32
      %jit3A_1632 = arith.constant 4 : i32
      %eq3A_1633 = arith.constant 0 : i32
      %eq3A_1634 = arith.cmpi eq, %jit3A_1632, %eq3A_1633 : i32
      %jit3A_1635 = arith.constant 1 : i32
      %select_n3A_1636 = arith.select %eq3A_1634, %jit3A_1635, %jit3A_1632 : i32
      %rem3A_1637 = arith.remsi %select_n3A_1631, %select_n3A_1636 : i32
      %ne3A_1638 = arith.constant 0 : i32
      %ne3A_1639 = arith.cmpi ne, %rem3A_1637, %ne3A_1638 : i32
      %lt3A_1640 = arith.constant 0 : i32
      %lt3A_1641 = arith.cmpi slt, %rem3A_1637, %lt3A_1640 : i32
      %lt3A_1642 = arith.constant 0 : i32
      %lt3A_1643 = arith.cmpi slt, %select_n3A_1636, %lt3A_1642 : i32
      %ne3A_1644 = arith.xori %lt3A_1641, %lt3A_1643 : i1
      %and3A_1645 = arith.andi %ne3A_1644, %ne3A_1639 : i1
      %add3A_1646 = arith.addi %rem3A_1637, %select_n3A_1636 : i32
      %select_n3A_1647 = arith.select %and3A_1645, %add3A_1646, %rem3A_1637 : i32
      %mul3A_1648 = arith.constant 8 : i32
      %mul3A_1649 = arith.muli %select_n3A_1647, %mul3A_1648 : i32
      %jit3A_1650 = arith.constant 4 : i32
      %eq3A_1651 = arith.constant 0 : i32
      %eq3A_1652 = arith.cmpi eq, %jit3A_1650, %eq3A_1651 : i32
      %jit3A_1653 = arith.constant 1 : i32
      %select_n3A_1654 = arith.select %eq3A_1652, %jit3A_1653, %jit3A_1650 : i32
      %rem3A_1655 = arith.remsi %add3A_1467, %select_n3A_1654 : i32
      %ne3A_1656 = arith.constant 0 : i32
      %ne3A_1657 = arith.cmpi ne, %rem3A_1655, %ne3A_1656 : i32
      %lt3A_1658 = arith.constant 0 : i32
      %lt3A_1659 = arith.cmpi slt, %rem3A_1655, %lt3A_1658 : i32
      %lt3A_1660 = arith.constant 0 : i32
      %lt3A_1661 = arith.cmpi slt, %select_n3A_1654, %lt3A_1660 : i32
      %ne3A_1662 = arith.xori %lt3A_1659, %lt3A_1661 : i1
      %and3A_1663 = arith.andi %ne3A_1662, %ne3A_1657 : i1
      %add3A_1664 = arith.addi %rem3A_1655, %select_n3A_1654 : i32
      %select_n3A_1665 = arith.select %and3A_1663, %add3A_1664, %rem3A_1655 : i32
      %mul3A_1666 = arith.constant 1024 : i32
      %mul3A_1667 = arith.muli %select_n3A_1665, %mul3A_1666 : i32
      %mul3A_1668 = arith.constant 32 : i32
      %mul3A_1669 = arith.muli %add3A_1607, %mul3A_1668 : i32
      %add3A_1670 = arith.addi %mul3A_1669, %mul3A_1649 : i32
      %broadcast_in_dim3A_1671 = arith.constant 1 : i32
      %broadcast_in_dim3A_1672 = vector.broadcast %broadcast_in_dim3A_1671 : i32 to vector<16xi32>
      %add3A_1673 = arith.constant 0 : i32
      %add3A_1674 = arith.addi %add3A_1670, %add3A_1673 : i32
      %mul3A_1675 = vector.broadcast %add3A_1674 : i32 to vector<16xi32>
      %mul3A_1676 = arith.muli %broadcast_in_dim3A_1672, %mul3A_1675 : vector<16xi32>
      %broadcast_in_dim3A_1677 = arith.constant 1 : i32
      %broadcast_in_dim3A_1678 = vector.broadcast %broadcast_in_dim3A_1677 : i32 to vector<16xi32>
      %add3A_1679 = arith.constant 1 : i32
      %add3A_1680 = arith.addi %add3A_1670, %add3A_1679 : i32
      %mul3A_1681 = vector.broadcast %add3A_1680 : i32 to vector<16xi32>
      %mul3A_1682 = arith.muli %broadcast_in_dim3A_1678, %mul3A_1681 : vector<16xi32>
      %broadcast_in_dim3A_1683 = arith.constant 1 : i32
      %broadcast_in_dim3A_1684 = vector.broadcast %broadcast_in_dim3A_1683 : i32 to vector<16xi32>
      %add3A_1685 = arith.constant 2 : i32
      %add3A_1686 = arith.addi %add3A_1670, %add3A_1685 : i32
      %mul3A_1687 = vector.broadcast %add3A_1686 : i32 to vector<16xi32>
      %mul3A_1688 = arith.muli %broadcast_in_dim3A_1684, %mul3A_1687 : vector<16xi32>
      %broadcast_in_dim3A_1689 = arith.constant 1 : i32
      %broadcast_in_dim3A_1690 = vector.broadcast %broadcast_in_dim3A_1689 : i32 to vector<16xi32>
      %add3A_1691 = arith.constant 3 : i32
      %add3A_1692 = arith.addi %add3A_1670, %add3A_1691 : i32
      %mul3A_1693 = vector.broadcast %add3A_1692 : i32 to vector<16xi32>
      %mul3A_1694 = arith.muli %broadcast_in_dim3A_1690, %mul3A_1693 : vector<16xi32>
      %broadcast_in_dim3A_1695 = arith.constant 1 : i32
      %broadcast_in_dim3A_1696 = vector.broadcast %broadcast_in_dim3A_1695 : i32 to vector<16xi32>
      %add3A_1697 = arith.constant 4 : i32
      %add3A_1698 = arith.addi %add3A_1670, %add3A_1697 : i32
      %mul3A_1699 = vector.broadcast %add3A_1698 : i32 to vector<16xi32>
      %mul3A_1700 = arith.muli %broadcast_in_dim3A_1696, %mul3A_1699 : vector<16xi32>
      %broadcast_in_dim3A_1701 = arith.constant 1 : i32
      %broadcast_in_dim3A_1702 = vector.broadcast %broadcast_in_dim3A_1701 : i32 to vector<16xi32>
      %add3A_1703 = arith.constant 5 : i32
      %add3A_1704 = arith.addi %add3A_1670, %add3A_1703 : i32
      %mul3A_1705 = vector.broadcast %add3A_1704 : i32 to vector<16xi32>
      %mul3A_1706 = arith.muli %broadcast_in_dim3A_1702, %mul3A_1705 : vector<16xi32>
      %broadcast_in_dim3A_1707 = arith.constant 1 : i32
      %broadcast_in_dim3A_1708 = vector.broadcast %broadcast_in_dim3A_1707 : i32 to vector<16xi32>
      %add3A_1709 = arith.constant 6 : i32
      %add3A_1710 = arith.addi %add3A_1670, %add3A_1709 : i32
      %mul3A_1711 = vector.broadcast %add3A_1710 : i32 to vector<16xi32>
      %mul3A_1712 = arith.muli %broadcast_in_dim3A_1708, %mul3A_1711 : vector<16xi32>
      %broadcast_in_dim3A_1713 = arith.constant 1 : i32
      %broadcast_in_dim3A_1714 = vector.broadcast %broadcast_in_dim3A_1713 : i32 to vector<16xi32>
      %add3A_1715 = arith.constant 7 : i32
      %add3A_1716 = arith.addi %add3A_1670, %add3A_1715 : i32
      %mul3A_1717 = vector.broadcast %add3A_1716 : i32 to vector<16xi32>
      %mul3A_1718 = arith.muli %broadcast_in_dim3A_1714, %mul3A_1717 : vector<16xi32>
      %parallel_loop3A_1719 = arith.constant 0 : i32
      %parallel_loop3A_1720 = arith.constant 64 : i32
      %parallel_loop3A_1721 = arith.constant 1 : i32
      scf.for %parallel_loop3A_1814 = %parallel_loop3A_1719 to %parallel_loop3A_1720 step %parallel_loop3A_1721  : i32 {
        %parallel_loop3A_1815 = arith.constant 16 : i32
        %parallel_loop3A_1816 = arith.muli %parallel_loop3A_1814, %parallel_loop3A_1815 : i32
        %parallel_loop3A_1817 = arith.addi %mul3A_1667, %parallel_loop3A_1816 : i32
        %parallel_loop3A_1818 = arith.index_cast %parallel_loop3A_1817 : i32 to index
        %parallel_loop3A_1819 = tpu.vector_load %arg7[%parallel_loop3A_1818] {strides = array<i32>} : memref<4096xi32, #tpu.memory_space<vmem>>, vector<16xi32>,
        %parallel_loop3A_1820 = arith.constant 16 : i32
        %parallel_loop3A_1821 = arith.muli %parallel_loop3A_1814, %parallel_loop3A_1820 : i32
        %parallel_loop3A_1822 = arith.addi %parallel_loop3A_1819, %mul3A_1676 : vector<16xi32>
        %parallel_loop3A_1823 = arith.constant 0 : i32
        %parallel_loop3A_1824 = arith.index_cast %parallel_loop3A_1823 : i32 to index
        %parallel_loop3A_1825 = arith.index_cast %parallel_loop3A_1821 : i32 to index
        %parallel_loop3A_1826 = tpu.vector_load %arg11[%parallel_loop3A_1824, %parallel_loop3A_1825] {strides = array<i32>} : memref<8x1024xf32, #tpu.memory_space<vmem>>, vector<16xf32>,
        %parallel_loop3A_1827 = tpu.vector_load_idx %arg8[%parallel_loop3A_1822] : memref<30730xf32, #tpu.memory_space<vmem>>[vector<16xi32>], vector<16xf32>,
        %parallel_loop3A_1828 = tpu.vector_load_idx %arg9[%parallel_loop3A_1822] : memref<30730xf32, #tpu.memory_space<vmem>>[vector<16xi32>], vector<16xf32>,
        %parallel_loop3A_1829 = arith.mulf %parallel_loop3A_1828, %parallel_loop3A_1826 : vector<16xf32>
        %parallel_loop3A_1830 = arith.addf %parallel_loop3A_1827, %parallel_loop3A_1829 : vector<16xf32>
        %parallel_loop3A_1831 = arith.constant 0 : i32
        %parallel_loop3A_1832 = arith.index_cast %parallel_loop3A_1831 : i32 to index
        %parallel_loop3A_1833 = arith.index_cast %parallel_loop3A_1821 : i32 to index
        %parallel_loop3A_1834 = tpu.vector_load %arg11[%parallel_loop3A_1832, %parallel_loop3A_1833] {strides = array<i32>} : memref<8x1024xf32, #tpu.memory_space<vmem>>, vector<16xf32>,
        tpu.vector_store %arg11[%parallel_loop3A_1832, %parallel_loop3A_1833], %parallel_loop3A_1830 {strides = array<i32>} : memref<8x1024xf32, #tpu.memory_space<vmem>>, vector<16xf32>,
        %parallel_loop3A_1835 = arith.addi %parallel_loop3A_1819, %mul3A_1682 : vector<16xi32>
        %parallel_loop3A_1836 = arith.constant 1 : i32
        %parallel_loop3A_1837 = arith.index_cast %parallel_loop3A_1836 : i32 to index
        %parallel_loop3A_1838 = arith.index_cast %parallel_loop3A_1821 : i32 to index
        %parallel_loop3A_1839 = tpu.vector_load %arg11[%parallel_loop3A_1837, %parallel_loop3A_1838] {strides = array<i32>} : memref<8x1024xf32, #tpu.memory_space<vmem>>, vector<16xf32>,
        %parallel_loop3A_1840 = tpu.vector_load_idx %arg8[%parallel_loop3A_1835] : memref<30730xf32, #tpu.memory_space<vmem>>[vector<16xi32>], vector<16xf32>,
        %parallel_loop3A_1841 = tpu.vector_load_idx %arg9[%parallel_loop3A_1835] : memref<30730xf32, #tpu.memory_space<vmem>>[vector<16xi32>], vector<16xf32>,
        %parallel_loop3A_1842 = arith.mulf %parallel_loop3A_1841, %parallel_loop3A_1839 : vector<16xf32>
        %parallel_loop3A_1843 = arith.addf %parallel_loop3A_1840, %parallel_loop3A_1842 : vector<16xf32>
        %parallel_loop3A_1844 = arith.constant 1 : i32
        %parallel_loop3A_1845 = arith.index_cast %parallel_loop3A_1844 : i32 to index
        %parallel_loop3A_1846 = arith.index_cast %parallel_loop3A_1821 : i32 to index
        %parallel_loop3A_1847 = tpu.vector_load %arg11[%parallel_loop3A_1845, %parallel_loop3A_1846] {strides = array<i32>} : memref<8x1024xf32, #tpu.memory_space<vmem>>, vector<16xf32>,
        tpu.vector_store %arg11[%parallel_loop3A_1845, %parallel_loop3A_1846], %parallel_loop3A_1843 {strides = array<i32>} : memref<8x1024xf32, #tpu.memory_space<vmem>>, vector<16xf32>,
        %parallel_loop3A_1848 = arith.addi %parallel_loop3A_1819, %mul3A_1688 : vector<16xi32>
        %parallel_loop3A_1849 = arith.constant 2 : i32
        %parallel_loop3A_1850 = arith.index_cast %parallel_loop3A_1849 : i32 to index
        %parallel_loop3A_1851 = arith.index_cast %parallel_loop3A_1821 : i32 to index
        %parallel_loop3A_1852 = tpu.vector_load %arg11[%parallel_loop3A_1850, %parallel_loop3A_1851] {strides = array<i32>} : memref<8x1024xf32, #tpu.memory_space<vmem>>, vector<16xf32>,
        %parallel_loop3A_1853 = tpu.vector_load_idx %arg8[%parallel_loop3A_1848] : memref<30730xf32, #tpu.memory_space<vmem>>[vector<16xi32>], vector<16xf32>,
        %parallel_loop3A_1854 = tpu.vector_load_idx %arg9[%parallel_loop3A_1848] : memref<30730xf32, #tpu.memory_space<vmem>>[vector<16xi32>], vector<16xf32>,
        %parallel_loop3A_1855 = arith.mulf %parallel_loop3A_1854, %parallel_loop3A_1852 : vector<16xf32>
        %parallel_loop3A_1856 = arith.addf %parallel_loop3A_1853, %parallel_loop3A_1855 : vector<16xf32>
        %parallel_loop3A_1857 = arith.constant 2 : i32
        %parallel_loop3A_1858 = arith.index_cast %parallel_loop3A_1857 : i32 to index
        %parallel_loop3A_1859 = arith.index_cast %parallel_loop3A_1821 : i32 to index
        %parallel_loop3A_1860 = tpu.vector_load %arg11[%parallel_loop3A_1858, %parallel_loop3A_1859] {strides = array<i32>} : memref<8x1024xf32, #tpu.memory_space<vmem>>, vector<16xf32>,
        tpu.vector_store %arg11[%parallel_loop3A_1858, %parallel_loop3A_1859], %parallel_loop3A_1856 {strides = array<i32>} : memref<8x1024xf32, #tpu.memory_space<vmem>>, vector<16xf32>,
        %parallel_loop3A_1861 = arith.addi %parallel_loop3A_1819, %mul3A_1694 : vector<16xi32>
        %parallel_loop3A_1862 = arith.constant 3 : i32
        %parallel_loop3A_1863 = arith.index_cast %parallel_loop3A_1862 : i32 to index
        %parallel_loop3A_1864 = arith.index_cast %parallel_loop3A_1821 : i32 to index
        %parallel_loop3A_1865 = tpu.vector_load %arg11[%parallel_loop3A_1863, %parallel_loop3A_1864] {strides = array<i32>} : memref<8x1024xf32, #tpu.memory_space<vmem>>, vector<16xf32>,
        %parallel_loop3A_1866 = tpu.vector_load_idx %arg8[%parallel_loop3A_1861] : memref<30730xf32, #tpu.memory_space<vmem>>[vector<16xi32>], vector<16xf32>,
        %parallel_loop3A_1867 = tpu.vector_load_idx %arg9[%parallel_loop3A_1861] : memref<30730xf32, #tpu.memory_space<vmem>>[vector<16xi32>], vector<16xf32>,
        %parallel_loop3A_1868 = arith.mulf %parallel_loop3A_1867, %parallel_loop3A_1865 : vector<16xf32>
        %parallel_loop3A_1869 = arith.addf %parallel_loop3A_1866, %parallel_loop3A_1868 : vector<16xf32>
        %parallel_loop3A_1870 = arith.constant 3 : i32
        %parallel_loop3A_1871 = arith.index_cast %parallel_loop3A_1870 : i32 to index
        %parallel_loop3A_1872 = arith.index_cast %parallel_loop3A_1821 : i32 to index
        %parallel_loop3A_1873 = tpu.vector_load %arg11[%parallel_loop3A_1871, %parallel_loop3A_1872] {strides = array<i32>} : memref<8x1024xf32, #tpu.memory_space<vmem>>, vector<16xf32>,
        tpu.vector_store %arg11[%parallel_loop3A_1871, %parallel_loop3A_1872], %parallel_loop3A_1869 {strides = array<i32>} : memref<8x1024xf32, #tpu.memory_space<vmem>>, vector<16xf32>,
        %parallel_loop3A_1874 = arith.addi %parallel_loop3A_1819, %mul3A_1700 : vector<16xi32>
        %parallel_loop3A_1875 = arith.constant 4 : i32
        %parallel_loop3A_1876 = arith.index_cast %parallel_loop3A_1875 : i32 to index
        %parallel_loop3A_1877 = arith.index_cast %parallel_loop3A_1821 : i32 to index
        %parallel_loop3A_1878 = tpu.vector_load %arg11[%parallel_loop3A_1876, %parallel_loop3A_1877] {strides = array<i32>} : memref<8x1024xf32, #tpu.memory_space<vmem>>, vector<16xf32>,
        %parallel_loop3A_1879 = tpu.vector_load_idx %arg8[%parallel_loop3A_1874] : memref<30730xf32, #tpu.memory_space<vmem>>[vector<16xi32>], vector<16xf32>,
        %parallel_loop3A_1880 = tpu.vector_load_idx %arg9[%parallel_loop3A_1874] : memref<30730xf32, #tpu.memory_space<vmem>>[vector<16xi32>], vector<16xf32>,
        %parallel_loop3A_1881 = arith.mulf %parallel_loop3A_1880, %parallel_loop3A_1878 : vector<16xf32>
        %parallel_loop3A_1882 = arith.addf %parallel_loop3A_1879, %parallel_loop3A_1881 : vector<16xf32>
        %parallel_loop3A_1883 = arith.constant 4 : i32
        %parallel_loop3A_1884 = arith.index_cast %parallel_loop3A_1883 : i32 to index
        %parallel_loop3A_1885 = arith.index_cast %parallel_loop3A_1821 : i32 to index
        %parallel_loop3A_1886 = tpu.vector_load %arg11[%parallel_loop3A_1884, %parallel_loop3A_1885] {strides = array<i32>} : memref<8x1024xf32, #tpu.memory_space<vmem>>, vector<16xf32>,
        tpu.vector_store %arg11[%parallel_loop3A_1884, %parallel_loop3A_1885], %parallel_loop3A_1882 {strides = array<i32>} : memref<8x1024xf32, #tpu.memory_space<vmem>>, vector<16xf32>,
        %parallel_loop3A_1887 = arith.addi %parallel_loop3A_1819, %mul3A_1706 : vector<16xi32>
        %parallel_loop3A_1888 = arith.constant 5 : i32
        %parallel_loop3A_1889 = arith.index_cast %parallel_loop3A_1888 : i32 to index
        %parallel_loop3A_1890 = arith.index_cast %parallel_loop3A_1821 : i32 to index
        %parallel_loop3A_1891 = tpu.vector_load %arg11[%parallel_loop3A_1889, %parallel_loop3A_1890] {strides = array<i32>} : memref<8x1024xf32, #tpu.memory_space<vmem>>, vector<16xf32>,
        %parallel_loop3A_1892 = tpu.vector_load_idx %arg8[%parallel_loop3A_1887] : memref<30730xf32, #tpu.memory_space<vmem>>[vector<16xi32>], vector<16xf32>,
        %parallel_loop3A_1893 = tpu.vector_load_idx %arg9[%parallel_loop3A_1887] : memref<30730xf32, #tpu.memory_space<vmem>>[vector<16xi32>], vector<16xf32>,
        %parallel_loop3A_1894 = arith.mulf %parallel_loop3A_1893, %parallel_loop3A_1891 : vector<16xf32>
        %parallel_loop3A_1895 = arith.addf %parallel_loop3A_1892, %parallel_loop3A_1894 : vector<16xf32>
        %parallel_loop3A_1896 = arith.constant 5 : i32
        %parallel_loop3A_1897 = arith.index_cast %parallel_loop3A_1896 : i32 to index
        %parallel_loop3A_1898 = arith.index_cast %parallel_loop3A_1821 : i32 to index
        %parallel_loop3A_1899 = tpu.vector_load %arg11[%parallel_loop3A_1897, %parallel_loop3A_1898] {strides = array<i32>} : memref<8x1024xf32, #tpu.memory_space<vmem>>, vector<16xf32>,
        tpu.vector_store %arg11[%parallel_loop3A_1897, %parallel_loop3A_1898], %parallel_loop3A_1895 {strides = array<i32>} : memref<8x1024xf32, #tpu.memory_space<vmem>>, vector<16xf32>,
        %parallel_loop3A_1900 = arith.addi %parallel_loop3A_1819, %mul3A_1712 : vector<16xi32>
        %parallel_loop3A_1901 = arith.constant 6 : i32
        %parallel_loop3A_1902 = arith.index_cast %parallel_loop3A_1901 : i32 to index
        %parallel_loop3A_1903 = arith.index_cast %parallel_loop3A_1821 : i32 to index
        %parallel_loop3A_1904 = tpu.vector_load %arg11[%parallel_loop3A_1902, %parallel_loop3A_1903] {strides = array<i32>} : memref<8x1024xf32, #tpu.memory_space<vmem>>, vector<16xf32>,
        %parallel_loop3A_1905 = tpu.vector_load_idx %arg8[%parallel_loop3A_1900] : memref<30730xf32, #tpu.memory_space<vmem>>[vector<16xi32>], vector<16xf32>,
        %parallel_loop3A_1906 = tpu.vector_load_idx %arg9[%parallel_loop3A_1900] : memref<30730xf32, #tpu.memory_space<vmem>>[vector<16xi32>], vector<16xf32>,
        %parallel_loop3A_1907 = arith.mulf %parallel_loop3A_1906, %parallel_loop3A_1904 : vector<16xf32>
        %parallel_loop3A_1908 = arith.addf %parallel_loop3A_1905, %parallel_loop3A_1907 : vector<16xf32>
        %parallel_loop3A_1909 = arith.constant 6 : i32
        %parallel_loop3A_1910 = arith.index_cast %parallel_loop3A_1909 : i32 to index
        %parallel_loop3A_1911 = arith.index_cast %parallel_loop3A_1821 : i32 to index
        %parallel_loop3A_1912 = tpu.vector_load %arg11[%parallel_loop3A_1910, %parallel_loop3A_1911] {strides = array<i32>} : memref<8x1024xf32, #tpu.memory_space<vmem>>, vector<16xf32>,
        tpu.vector_store %arg11[%parallel_loop3A_1910, %parallel_loop3A_1911], %parallel_loop3A_1908 {strides = array<i32>} : memref<8x1024xf32, #tpu.memory_space<vmem>>, vector<16xf32>,
        %parallel_loop3A_1913 = arith.addi %parallel_loop3A_1819, %mul3A_1718 : vector<16xi32>
        %parallel_loop3A_1914 = arith.constant 7 : i32
        %parallel_loop3A_1915 = arith.index_cast %parallel_loop3A_1914 : i32 to index
        %parallel_loop3A_1916 = arith.index_cast %parallel_loop3A_1821 : i32 to index
        %parallel_loop3A_1917 = tpu.vector_load %arg11[%parallel_loop3A_1915, %parallel_loop3A_1916] {strides = array<i32>} : memref<8x1024xf32, #tpu.memory_space<vmem>>, vector<16xf32>,
        %parallel_loop3A_1918 = tpu.vector_load_idx %arg8[%parallel_loop3A_1913] : memref<30730xf32, #tpu.memory_space<vmem>>[vector<16xi32>], vector<16xf32>,
        %parallel_loop3A_1919 = tpu.vector_load_idx %arg9[%parallel_loop3A_1913] : memref<30730xf32, #tpu.memory_space<vmem>>[vector<16xi32>], vector<16xf32>,
        %parallel_loop3A_1920 = arith.mulf %parallel_loop3A_1919, %parallel_loop3A_1917 : vector<16xf32>
        %parallel_loop3A_1921 = arith.addf %parallel_loop3A_1918, %parallel_loop3A_1920 : vector<16xf32>
        %parallel_loop3A_1922 = arith.constant 7 : i32
        %parallel_loop3A_1923 = arith.index_cast %parallel_loop3A_1922 : i32 to index
        %parallel_loop3A_1924 = arith.index_cast %parallel_loop3A_1821 : i32 to index
        %parallel_loop3A_1925 = tpu.vector_load %arg11[%parallel_loop3A_1923, %parallel_loop3A_1924] {strides = array<i32>} : memref<8x1024xf32, #tpu.memory_space<vmem>>, vector<16xf32>,
        tpu.vector_store %arg11[%parallel_loop3A_1923, %parallel_loop3A_1924], %parallel_loop3A_1921 {strides = array<i32>} : memref<8x1024xf32, #tpu.memory_space<vmem>>, vector<16xf32>,
      } {sc.loop_unroll_factor = 2 : i64, sc.parallel_access}
      %jit3A_1722 = arith.constant 16 : i32
      %div3A_1723 = arith.divsi %add3A_1467, %jit3A_1722 : i32
      %sign3A_1724 = arith.constant 0 : i32
      %sign3A_1725 = arith.cmpi sgt, %add3A_1467, %sign3A_1724 : i32
      %sign3A_1726 = arith.extui %sign3A_1725 : i1 to i32
      %sign3A_1727 = arith.constant 0 : i32
      %sign3A_1728 = arith.cmpi slt, %add3A_1467, %sign3A_1727 : i32
      %sign3A_1729 = arith.extui %sign3A_1728 : i1 to i32
      %sign3A_1730 = arith.subi %sign3A_1726, %sign3A_1729 : i32
      %sign3A_1731 = arith.constant 0 : i32
      %sign3A_1732 = arith.cmpi sgt, %jit3A_1722, %sign3A_1731 : i32
      %sign3A_1733 = arith.extui %sign3A_1732 : i1 to i32
      %sign3A_1734 = arith.constant 0 : i32
      %sign3A_1735 = arith.cmpi slt, %jit3A_1722, %sign3A_1734 : i32
      %sign3A_1736 = arith.extui %sign3A_1735 : i1 to i32
      %sign3A_1737 = arith.subi %sign3A_1733, %sign3A_1736 : i32
      %ne3A_1738 = arith.cmpi ne, %sign3A_1730, %sign3A_1737 : i32
      %rem3A_1739 = arith.remsi %add3A_1467, %jit3A_1722 : i32
      %ne3A_1740 = arith.constant 0 : i32
      %ne3A_1741 = arith.cmpi ne, %rem3A_1739, %ne3A_1740 : i32
      %and3A_1742 = arith.andi %ne3A_1738, %ne3A_1741 : i1
      %sub3A_1743 = arith.constant 1 : i32
      %sub3A_1744 = arith.subi %div3A_1723, %sub3A_1743 : i32
      %select_n3A_1745 = arith.select %and3A_1742, %sub3A_1744, %div3A_1723 : i32
      %add3A_1746 = arith.addi %mul3A_2, %select_n3A_1745 : i32
      %jit3A_1747 = arith.constant 4 : i32
      %div3A_1748 = arith.divsi %add3A_1467, %jit3A_1747 : i32
      %sign3A_1749 = arith.constant 0 : i32
      %sign3A_1750 = arith.cmpi sgt, %add3A_1467, %sign3A_1749 : i32
      %sign3A_1751 = arith.extui %sign3A_1750 : i1 to i32
      %sign3A_1752 = arith.constant 0 : i32
      %sign3A_1753 = arith.cmpi slt, %add3A_1467, %sign3A_1752 : i32
      %sign3A_1754 = arith.extui %sign3A_1753 : i1 to i32
      %sign3A_1755 = arith.subi %sign3A_1751, %sign3A_1754 : i32
      %sign3A_1756 = arith.constant 0 : i32
      %sign3A_1757 = arith.cmpi sgt, %jit3A_1747, %sign3A_1756 : i32
      %sign3A_1758 = arith.extui %sign3A_1757 : i1 to i32
      %sign3A_1759 = arith.constant 0 : i32
      %sign3A_1760 = arith.cmpi slt, %jit3A_1747, %sign3A_1759 : i32
      %sign3A_1761 = arith.extui %sign3A_1760 : i1 to i32
      %sign3A_1762 = arith.subi %sign3A_1758, %sign3A_1761 : i32
      %ne3A_1763 = arith.cmpi ne, %sign3A_1755, %sign3A_1762 : i32
      %rem3A_1764 = arith.remsi %add3A_1467, %jit3A_1747 : i32
      %ne3A_1765 = arith.constant 0 : i32
      %ne3A_1766 = arith.cmpi ne, %rem3A_1764, %ne3A_1765 : i32
      %and3A_1767 = arith.andi %ne3A_1763, %ne3A_1766 : i1
      %sub3A_1768 = arith.constant 1 : i32
      %sub3A_1769 = arith.subi %div3A_1748, %sub3A_1768 : i32
      %select_n3A_1770 = arith.select %and3A_1767, %sub3A_1769, %div3A_1748 : i32
      %jit3A_1771 = arith.constant 4 : i32
      %eq3A_1772 = arith.constant 0 : i32
      %eq3A_1773 = arith.cmpi eq, %jit3A_1771, %eq3A_1772 : i32
      %jit3A_1774 = arith.constant 1 : i32
      %select_n3A_1775 = arith.select %eq3A_1773, %jit3A_1774, %jit3A_1771 : i32
      %rem3A_1776 = arith.remsi %select_n3A_1770, %select_n3A_1775 : i32
      %ne3A_1777 = arith.constant 0 : i32
      %ne3A_1778 = arith.cmpi ne, %rem3A_1776, %ne3A_1777 : i32
      %lt3A_1779 = arith.constant 0 : i32
      %lt3A_1780 = arith.cmpi slt, %rem3A_1776, %lt3A_1779 : i32
      %lt3A_1781 = arith.constant 0 : i32
      %lt3A_1782 = arith.cmpi slt, %select_n3A_1775, %lt3A_1781 : i32
      %ne3A_1783 = arith.xori %lt3A_1780, %lt3A_1782 : i1
      %and3A_1784 = arith.andi %ne3A_1783, %ne3A_1778 : i1
      %add3A_1785 = arith.addi %rem3A_1776, %select_n3A_1775 : i32
      %select_n3A_1786 = arith.select %and3A_1784, %add3A_1785, %rem3A_1776 : i32
      %mul3A_1787 = arith.constant 8 : i32
      %mul3A_1788 = arith.muli %select_n3A_1786, %mul3A_1787 : i32
      %jit3A_1789 = arith.constant 4 : i32
      %eq3A_1790 = arith.constant 0 : i32
      %eq3A_1791 = arith.cmpi eq, %jit3A_1789, %eq3A_1790 : i32
      %jit3A_1792 = arith.constant 1 : i32
      %select_n3A_1793 = arith.select %eq3A_1791, %jit3A_1792, %jit3A_1789 : i32
      %rem3A_1794 = arith.remsi %add3A_1467, %select_n3A_1793 : i32
      %ne3A_1795 = arith.constant 0 : i32
      %ne3A_1796 = arith.cmpi ne, %rem3A_1794, %ne3A_1795 : i32
      %lt3A_1797 = arith.constant 0 : i32
      %lt3A_1798 = arith.cmpi slt, %rem3A_1794, %lt3A_1797 : i32
      %lt3A_1799 = arith.constant 0 : i32
      %lt3A_1800 = arith.cmpi slt, %select_n3A_1793, %lt3A_1799 : i32
      %ne3A_1801 = arith.xori %lt3A_1798, %lt3A_1800 : i1
      %and3A_1802 = arith.andi %ne3A_1801, %ne3A_1796 : i1
      %add3A_1803 = arith.addi %rem3A_1794, %select_n3A_1793 : i32
      %select_n3A_1804 = arith.select %and3A_1802, %add3A_1803, %rem3A_1794 : i32
      %mul3A_1805 = arith.constant 1024 : i32
      %mul3A_1806 = arith.muli %select_n3A_1804, %mul3A_1805 : i32
      %dma_start3A_1807 = tpu.memref_reshape %arg6 : memref<3x32x32x4096xf32, #tpu.memory_space<hbm>> -> memref<96x32x4096xf32, #tpu.memory_space<hbm>>
      %dma_start3A_1808 = tpu.memref_slice %dma_start3A_1807[%add3A_1746, %mul3A_1788, %mul3A_1806] : memref<96x32x4096xf32, #tpu.memory_space<hbm>> -> memref<1x8x1024xf32, #tpu.memory_space<hbm>>
      %dma_start3A_1809 = tpu.memref_squeeze %dma_start3A_1808 : memref<1x8x1024xf32, #tpu.memory_space<hbm>> -> memref<8x1024xf32, #tpu.memory_space<hbm>>
      %dma_start3A_1810 = tpu.memref_reshape %arg6 : memref<3x32x32x4096xf32, #tpu.memory_space<hbm>> -> memref<96x32x4096xf32, #tpu.memory_space<hbm>>
      %dma_start3A_1811 = tpu.memref_slice %dma_start3A_1810[%add3A_1746, %mul3A_1788, %mul3A_1806] : memref<96x32x4096xf32, #tpu.memory_space<hbm>> -> memref<1x8x1024xf32, #tpu.memory_space<hbm>>
      %dma_start3A_1812 = tpu.memref_squeeze %dma_start3A_1811 : memref<1x8x1024xf32, #tpu.memory_space<hbm>> -> memref<8x1024xf32, #tpu.memory_space<hbm>>
      tpu.enqueue_dma source(%arg11 : memref<8x1024xf32, #tpu.memory_space<vmem>>) target(%dma_start3A_1812 : memref<8x1024xf32, #tpu.memory_space<hbm>>) target_semaphore(%arg19 : memref<!tpu.dma_semaphore, #tpu.memory_space<semaphore_mem>>)
      %scan3A_1813 = arith.constant 0 : i32
      scf.yield %scan3A_1813 : i32
    }
    %scan3A_212 = arith.constant 11 : i32
    %dma_wait3A_213 = arith.constant 0 : i32
    %dma_wait3A_214 = tpu.memref_reshape %arg5 : memref<3x32x32x4096xf32, #tpu.memory_space<hbm>> -> memref<96x32x4096xf32, #tpu.memory_space<hbm>>
    %dma_wait3A_215 = arith.constant 0 : i32
    %dma_wait3A_216 = arith.constant 0 : i32
    %dma_wait3A_217 = tpu.memref_slice %dma_wait3A_214[%dma_wait3A_213, %dma_wait3A_215, %dma_wait3A_216] : memref<96x32x4096xf32, #tpu.memory_space<hbm>> -> memref<1x8x1024xf32, #tpu.memory_space<hbm>>
    %dma_wait3A_218 = tpu.memref_squeeze %dma_wait3A_217 : memref<1x8x1024xf32, #tpu.memory_space<hbm>> -> memref<8x1024xf32, #tpu.memory_space<hbm>>
    %dma_wait3A_219 = tpu.memref_reshape %arg5 : memref<3x32x32x4096xf32, #tpu.memory_space<hbm>> -> memref<96x32x4096xf32, #tpu.memory_space<hbm>>
    %dma_wait3A_220 = arith.constant 0 : i32
    %dma_wait3A_221 = arith.constant 0 : i32
    %dma_wait3A_222 = tpu.memref_slice %dma_wait3A_219[%dma_wait3A_213, %dma_wait3A_220, %dma_wait3A_221] : memref<96x32x4096xf32, #tpu.memory_space<hbm>> -> memref<1x8x1024xf32, #tpu.memory_space<hbm>>
    %dma_wait3A_223 = tpu.memref_squeeze %dma_wait3A_222 : memref<1x8x1024xf32, #tpu.memory_space<hbm>> -> memref<8x1024xf32, #tpu.memory_space<hbm>>
    tpu.wait_dma2 semaphore(%arg16 : memref<!tpu.dma_semaphore, #tpu.memory_space<semaphore_mem>>) src(%dma_wait3A_223 : memref<8x1024xf32, #tpu.memory_space<hbm>>) dst(%arg12 : memref<8x1024xf32, #tpu.memory_space<vmem>>)
    %add3A_224 = arith.constant 2 : i32
    %add3A_225 = arith.addi %mul3A_2, %add3A_224 : i32
    %mul3A_226 = arith.constant 32 : i32
    %mul3A_227 = arith.muli %add3A_225, %mul3A_226 : i32
    %add3A_228 = arith.constant 24 : i32
    %add3A_229 = arith.addi %mul3A_227, %add3A_228 : i32
    %broadcast_in_dim3A_230 = arith.constant 1 : i32
    %broadcast_in_dim3A_231 = vector.broadcast %broadcast_in_dim3A_230 : i32 to vector<16xi32>
    %add3A_232 = arith.constant 0 : i32
    %add3A_233 = arith.addi %add3A_229, %add3A_232 : i32
    %mul3A_234 = vector.broadcast %add3A_233 : i32 to vector<16xi32>
    %mul3A_235 = arith.muli %broadcast_in_dim3A_231, %mul3A_234 : vector<16xi32>
    %broadcast_in_dim3A_236 = arith.constant 1 : i32
    %broadcast_in_dim3A_237 = vector.broadcast %broadcast_in_dim3A_236 : i32 to vector<16xi32>
    %add3A_238 = arith.constant 1 : i32
    %add3A_239 = arith.addi %add3A_229, %add3A_238 : i32
    %mul3A_240 = vector.broadcast %add3A_239 : i32 to vector<16xi32>
    %mul3A_241 = arith.muli %broadcast_in_dim3A_237, %mul3A_240 : vector<16xi32>
    %broadcast_in_dim3A_242 = arith.constant 1 : i32
    %broadcast_in_dim3A_243 = vector.broadcast %broadcast_in_dim3A_242 : i32 to vector<16xi32>
    %add3A_244 = arith.constant 2 : i32
    %add3A_245 = arith.addi %add3A_229, %add3A_244 : i32
    %mul3A_246 = vector.broadcast %add3A_245 : i32 to vector<16xi32>
    %mul3A_247 = arith.muli %broadcast_in_dim3A_243, %mul3A_246 : vector<16xi32>
    %broadcast_in_dim3A_248 = arith.constant 1 : i32
    %broadcast_in_dim3A_249 = vector.broadcast %broadcast_in_dim3A_248 : i32 to vector<16xi32>
    %add3A_250 = arith.constant 3 : i32
    %add3A_251 = arith.addi %add3A_229, %add3A_250 : i32
    %mul3A_252 = vector.broadcast %add3A_251 : i32 to vector<16xi32>
    %mul3A_253 = arith.muli %broadcast_in_dim3A_249, %mul3A_252 : vector<16xi32>
    %broadcast_in_dim3A_254 = arith.constant 1 : i32
    %broadcast_in_dim3A_255 = vector.broadcast %broadcast_in_dim3A_254 : i32 to vector<16xi32>
    %add3A_256 = arith.constant 4 : i32
    %add3A_257 = arith.addi %add3A_229, %add3A_256 : i32
    %mul3A_258 = vector.broadcast %add3A_257 : i32 to vector<16xi32>
    %mul3A_259 = arith.muli %broadcast_in_dim3A_255, %mul3A_258 : vector<16xi32>
    %broadcast_in_dim3A_260 = arith.constant 1 : i32
    %broadcast_in_dim3A_261 = vector.broadcast %broadcast_in_dim3A_260 : i32 to vector<16xi32>
    %add3A_262 = arith.constant 5 : i32
    %add3A_263 = arith.addi %add3A_229, %add3A_262 : i32
    %mul3A_264 = vector.broadcast %add3A_263 : i32 to vector<16xi32>
    %mul3A_265 = arith.muli %broadcast_in_dim3A_261, %mul3A_264 : vector<16xi32>
    %broadcast_in_dim3A_266 = arith.constant 1 : i32
    %broadcast_in_dim3A_267 = vector.broadcast %broadcast_in_dim3A_266 : i32 to vector<16xi32>
    %add3A_268 = arith.constant 6 : i32
    %add3A_269 = arith.addi %add3A_229, %add3A_268 : i32
    %mul3A_270 = vector.broadcast %add3A_269 : i32 to vector<16xi32>
    %mul3A_271 = arith.muli %broadcast_in_dim3A_267, %mul3A_270 : vector<16xi32>
    %broadcast_in_dim3A_272 = arith.constant 1 : i32
    %broadcast_in_dim3A_273 = vector.broadcast %broadcast_in_dim3A_272 : i32 to vector<16xi32>
    %add3A_274 = arith.constant 7 : i32
    %add3A_275 = arith.addi %add3A_229, %add3A_274 : i32
    %mul3A_276 = vector.broadcast %add3A_275 : i32 to vector<16xi32>
    %mul3A_277 = arith.muli %broadcast_in_dim3A_273, %mul3A_276 : vector<16xi32>
    %parallel_loop3A_278 = arith.constant 0 : i32
    %parallel_loop3A_279 = arith.constant 64 : i32
    %parallel_loop3A_280 = arith.constant 1 : i32
    scf.for %parallel_loop3A_417 = %parallel_loop3A_278 to %parallel_loop3A_279 step %parallel_loop3A_280  : i32 {
      %parallel_loop3A_418 = arith.constant 16 : i32
      %parallel_loop3A_419 = arith.muli %parallel_loop3A_417, %parallel_loop3A_418 : i32
      %parallel_loop3A_420 = arith.constant 2048 : i32
      %parallel_loop3A_421 = arith.addi %parallel_loop3A_420, %parallel_loop3A_419 : i32
      %parallel_loop3A_422 = arith.index_cast %parallel_loop3A_421 : i32 to index
      %parallel_loop3A_423 = tpu.vector_load %arg7[%parallel_loop3A_422] {strides = array<i32>} : memref<4096xi32, #tpu.memory_space<vmem>>, vector<16xi32>,
      %parallel_loop3A_424 = arith.constant 16 : i32
      %parallel_loop3A_425 = arith.muli %parallel_loop3A_417, %parallel_loop3A_424 : i32
      %parallel_loop3A_426 = arith.addi %parallel_loop3A_423, %mul3A_235 : vector<16xi32>
      %parallel_loop3A_427 = arith.constant 0 : i32
      %parallel_loop3A_428 = arith.index_cast %parallel_loop3A_427 : i32 to index
      %parallel_loop3A_429 = arith.index_cast %parallel_loop3A_425 : i32 to index
      %parallel_loop3A_430 = tpu.vector_load %arg12[%parallel_loop3A_428, %parallel_loop3A_429] {strides = array<i32>} : memref<8x1024xf32, #tpu.memory_space<vmem>>, vector<16xf32>,
      %parallel_loop3A_431 = tpu.vector_load_idx %arg8[%parallel_loop3A_426] : memref<30730xf32, #tpu.memory_space<vmem>>[vector<16xi32>], vector<16xf32>,
      %parallel_loop3A_432 = tpu.vector_load_idx %arg9[%parallel_loop3A_426] : memref<30730xf32, #tpu.memory_space<vmem>>[vector<16xi32>], vector<16xf32>,
      %parallel_loop3A_433 = arith.mulf %parallel_loop3A_432, %parallel_loop3A_430 : vector<16xf32>
      %parallel_loop3A_434 = arith.addf %parallel_loop3A_431, %parallel_loop3A_433 : vector<16xf32>
      %parallel_loop3A_435 = arith.constant 0 : i32
      %parallel_loop3A_436 = arith.index_cast %parallel_loop3A_435 : i32 to index
      %parallel_loop3A_437 = arith.index_cast %parallel_loop3A_425 : i32 to index
      %parallel_loop3A_438 = tpu.vector_load %arg12[%parallel_loop3A_436, %parallel_loop3A_437] {strides = array<i32>} : memref<8x1024xf32, #tpu.memory_space<vmem>>, vector<16xf32>,
      tpu.vector_store %arg12[%parallel_loop3A_436, %parallel_loop3A_437], %parallel_loop3A_434 {strides = array<i32>} : memref<8x1024xf32, #tpu.memory_space<vmem>>, vector<16xf32>,
      %parallel_loop3A_439 = arith.addi %parallel_loop3A_423, %mul3A_241 : vector<16xi32>
      %parallel_loop3A_440 = arith.constant 1 : i32
      %parallel_loop3A_441 = arith.index_cast %parallel_loop3A_440 : i32 to index
      %parallel_loop3A_442 = arith.index_cast %parallel_loop3A_425 : i32 to index
      %parallel_loop3A_443 = tpu.vector_load %arg12[%parallel_loop3A_441, %parallel_loop3A_442] {strides = array<i32>} : memref<8x1024xf32, #tpu.memory_space<vmem>>, vector<16xf32>,
      %parallel_loop3A_444 = tpu.vector_load_idx %arg8[%parallel_loop3A_439] : memref<30730xf32, #tpu.memory_space<vmem>>[vector<16xi32>], vector<16xf32>,
      %parallel_loop3A_445 = tpu.vector_load_idx %arg9[%parallel_loop3A_439] : memref<30730xf32, #tpu.memory_space<vmem>>[vector<16xi32>], vector<16xf32>,
      %parallel_loop3A_446 = arith.mulf %parallel_loop3A_445, %parallel_loop3A_443 : vector<16xf32>
      %parallel_loop3A_447 = arith.addf %parallel_loop3A_444, %parallel_loop3A_446 : vector<16xf32>
      %parallel_loop3A_448 = arith.constant 1 : i32
      %parallel_loop3A_449 = arith.index_cast %parallel_loop3A_448 : i32 to index
      %parallel_loop3A_450 = arith.index_cast %parallel_loop3A_425 : i32 to index
      %parallel_loop3A_451 = tpu.vector_load %arg12[%parallel_loop3A_449, %parallel_loop3A_450] {strides = array<i32>} : memref<8x1024xf32, #tpu.memory_space<vmem>>, vector<16xf32>,
      tpu.vector_store %arg12[%parallel_loop3A_449, %parallel_loop3A_450], %parallel_loop3A_447 {strides = array<i32>} : memref<8x1024xf32, #tpu.memory_space<vmem>>, vector<16xf32>,
      %parallel_loop3A_452 = arith.addi %parallel_loop3A_423, %mul3A_247 : vector<16xi32>
      %parallel_loop3A_453 = arith.constant 2 : i32
      %parallel_loop3A_454 = arith.index_cast %parallel_loop3A_453 : i32 to index
      %parallel_loop3A_455 = arith.index_cast %parallel_loop3A_425 : i32 to index
      %parallel_loop3A_456 = tpu.vector_load %arg12[%parallel_loop3A_454, %parallel_loop3A_455] {strides = array<i32>} : memref<8x1024xf32, #tpu.memory_space<vmem>>, vector<16xf32>,
      %parallel_loop3A_457 = tpu.vector_load_idx %arg8[%parallel_loop3A_452] : memref<30730xf32, #tpu.memory_space<vmem>>[vector<16xi32>], vector<16xf32>,
      %parallel_loop3A_458 = tpu.vector_load_idx %arg9[%parallel_loop3A_452] : memref<30730xf32, #tpu.memory_space<vmem>>[vector<16xi32>], vector<16xf32>,
      %parallel_loop3A_459 = arith.mulf %parallel_loop3A_458, %parallel_loop3A_456 : vector<16xf32>
      %parallel_loop3A_460 = arith.addf %parallel_loop3A_457, %parallel_loop3A_459 : vector<16xf32>
      %parallel_loop3A_461 = arith.constant 2 : i32
      %parallel_loop3A_462 = arith.index_cast %parallel_loop3A_461 : i32 to index
      %parallel_loop3A_463 = arith.index_cast %parallel_loop3A_425 : i32 to index
      %parallel_loop3A_464 = tpu.vector_load %arg12[%parallel_loop3A_462, %parallel_loop3A_463] {strides = array<i32>} : memref<8x1024xf32, #tpu.memory_space<vmem>>, vector<16xf32>,
      tpu.vector_store %arg12[%parallel_loop3A_462, %parallel_loop3A_463], %parallel_loop3A_460 {strides = array<i32>} : memref<8x1024xf32, #tpu.memory_space<vmem>>, vector<16xf32>,
      %parallel_loop3A_465 = arith.addi %parallel_loop3A_423, %mul3A_253 : vector<16xi32>
      %parallel_loop3A_466 = arith.constant 3 : i32
      %parallel_loop3A_467 = arith.index_cast %parallel_loop3A_466 : i32 to index
      %parallel_loop3A_468 = arith.index_cast %parallel_loop3A_425 : i32 to index
      %parallel_loop3A_469 = tpu.vector_load %arg12[%parallel_loop3A_467, %parallel_loop3A_468] {strides = array<i32>} : memref<8x1024xf32, #tpu.memory_space<vmem>>, vector<16xf32>,
      %parallel_loop3A_470 = tpu.vector_load_idx %arg8[%parallel_loop3A_465] : memref<30730xf32, #tpu.memory_space<vmem>>[vector<16xi32>], vector<16xf32>,
      %parallel_loop3A_471 = tpu.vector_load_idx %arg9[%parallel_loop3A_465] : memref<30730xf32, #tpu.memory_space<vmem>>[vector<16xi32>], vector<16xf32>,
      %parallel_loop3A_472 = arith.mulf %parallel_loop3A_471, %parallel_loop3A_469 : vector<16xf32>
      %parallel_loop3A_473 = arith.addf %parallel_loop3A_470, %parallel_loop3A_472 : vector<16xf32>
      %parallel_loop3A_474 = arith.constant 3 : i32
      %parallel_loop3A_475 = arith.index_cast %parallel_loop3A_474 : i32 to index
      %parallel_loop3A_476 = arith.index_cast %parallel_loop3A_425 : i32 to index
      %parallel_loop3A_477 = tpu.vector_load %arg12[%parallel_loop3A_475, %parallel_loop3A_476] {strides = array<i32>} : memref<8x1024xf32, #tpu.memory_space<vmem>>, vector<16xf32>,
      tpu.vector_store %arg12[%parallel_loop3A_475, %parallel_loop3A_476], %parallel_loop3A_473 {strides = array<i32>} : memref<8x1024xf32, #tpu.memory_space<vmem>>, vector<16xf32>,
      %parallel_loop3A_478 = arith.addi %parallel_loop3A_423, %mul3A_259 : vector<16xi32>
      %parallel_loop3A_479 = arith.constant 4 : i32
      %parallel_loop3A_480 = arith.index_cast %parallel_loop3A_479 : i32 to index
      %parallel_loop3A_481 = arith.index_cast %parallel_loop3A_425 : i32 to index
      %parallel_loop3A_482 = tpu.vector_load %arg12[%parallel_loop3A_480, %parallel_loop3A_481] {strides = array<i32>} : memref<8x1024xf32, #tpu.memory_space<vmem>>, vector<16xf32>,
      %parallel_loop3A_483 = tpu.vector_load_idx %arg8[%parallel_loop3A_478] : memref<30730xf32, #tpu.memory_space<vmem>>[vector<16xi32>], vector<16xf32>,
      %parallel_loop3A_484 = tpu.vector_load_idx %arg9[%parallel_loop3A_478] : memref<30730xf32, #tpu.memory_space<vmem>>[vector<16xi32>], vector<16xf32>,
      %parallel_loop3A_485 = arith.mulf %parallel_loop3A_484, %parallel_loop3A_482 : vector<16xf32>
      %parallel_loop3A_486 = arith.addf %parallel_loop3A_483, %parallel_loop3A_485 : vector<16xf32>
      %parallel_loop3A_487 = arith.constant 4 : i32
      %parallel_loop3A_488 = arith.index_cast %parallel_loop3A_487 : i32 to index
      %parallel_loop3A_489 = arith.index_cast %parallel_loop3A_425 : i32 to index
      %parallel_loop3A_490 = tpu.vector_load %arg12[%parallel_loop3A_488, %parallel_loop3A_489] {strides = array<i32>} : memref<8x1024xf32, #tpu.memory_space<vmem>>, vector<16xf32>,
      tpu.vector_store %arg12[%parallel_loop3A_488, %parallel_loop3A_489], %parallel_loop3A_486 {strides = array<i32>} : memref<8x1024xf32, #tpu.memory_space<vmem>>, vector<16xf32>,
      %parallel_loop3A_491 = arith.addi %parallel_loop3A_423, %mul3A_265 : vector<16xi32>
      %parallel_loop3A_492 = arith.constant 5 : i32
      %parallel_loop3A_493 = arith.index_cast %parallel_loop3A_492 : i32 to index
      %parallel_loop3A_494 = arith.index_cast %parallel_loop3A_425 : i32 to index
      %parallel_loop3A_495 = tpu.vector_load %arg12[%parallel_loop3A_493, %parallel_loop3A_494] {strides = array<i32>} : memref<8x1024xf32, #tpu.memory_space<vmem>>, vector<16xf32>,
      %parallel_loop3A_496 = tpu.vector_load_idx %arg8[%parallel_loop3A_491] : memref<30730xf32, #tpu.memory_space<vmem>>[vector<16xi32>], vector<16xf32>,
      %parallel_loop3A_497 = tpu.vector_load_idx %arg9[%parallel_loop3A_491] : memref<30730xf32, #tpu.memory_space<vmem>>[vector<16xi32>], vector<16xf32>,
      %parallel_loop3A_498 = arith.mulf %parallel_loop3A_497, %parallel_loop3A_495 : vector<16xf32>
      %parallel_loop3A_499 = arith.addf %parallel_loop3A_496, %parallel_loop3A_498 : vector<16xf32>
      %parallel_loop3A_500 = arith.constant 5 : i32
      %parallel_loop3A_501 = arith.index_cast %parallel_loop3A_500 : i32 to index
      %parallel_loop3A_502 = arith.index_cast %parallel_loop3A_425 : i32 to index
      %parallel_loop3A_503 = tpu.vector_load %arg12[%parallel_loop3A_501, %parallel_loop3A_502] {strides = array<i32>} : memref<8x1024xf32, #tpu.memory_space<vmem>>, vector<16xf32>,
      tpu.vector_store %arg12[%parallel_loop3A_501, %parallel_loop3A_502], %parallel_loop3A_499 {strides = array<i32>} : memref<8x1024xf32, #tpu.memory_space<vmem>>, vector<16xf32>,
      %parallel_loop3A_504 = arith.addi %parallel_loop3A_423, %mul3A_271 : vector<16xi32>
      %parallel_loop3A_505 = arith.constant 6 : i32
      %parallel_loop3A_506 = arith.index_cast %parallel_loop3A_505 : i32 to index
      %parallel_loop3A_507 = arith.index_cast %parallel_loop3A_425 : i32 to index
      %parallel_loop3A_508 = tpu.vector_load %arg12[%parallel_loop3A_506, %parallel_loop3A_507] {strides = array<i32>} : memref<8x1024xf32, #tpu.memory_space<vmem>>, vector<16xf32>,
      %parallel_loop3A_509 = tpu.vector_load_idx %arg8[%parallel_loop3A_504] : memref<30730xf32, #tpu.memory_space<vmem>>[vector<16xi32>], vector<16xf32>,
      %parallel_loop3A_510 = tpu.vector_load_idx %arg9[%parallel_loop3A_504] : memref<30730xf32, #tpu.memory_space<vmem>>[vector<16xi32>], vector<16xf32>,
      %parallel_loop3A_511 = arith.mulf %parallel_loop3A_510, %parallel_loop3A_508 : vector<16xf32>
      %parallel_loop3A_512 = arith.addf %parallel_loop3A_509, %parallel_loop3A_511 : vector<16xf32>
      %parallel_loop3A_513 = arith.constant 6 : i32
      %parallel_loop3A_514 = arith.index_cast %parallel_loop3A_513 : i32 to index
      %parallel_loop3A_515 = arith.index_cast %parallel_loop3A_425 : i32 to index
      %parallel_loop3A_516 = tpu.vector_load %arg12[%parallel_loop3A_514, %parallel_loop3A_515] {strides = array<i32>} : memref<8x1024xf32, #tpu.memory_space<vmem>>, vector<16xf32>,
      tpu.vector_store %arg12[%parallel_loop3A_514, %parallel_loop3A_515], %parallel_loop3A_512 {strides = array<i32>} : memref<8x1024xf32, #tpu.memory_space<vmem>>, vector<16xf32>,
      %parallel_loop3A_517 = arith.addi %parallel_loop3A_423, %mul3A_277 : vector<16xi32>
      %parallel_loop3A_518 = arith.constant 7 : i32
      %parallel_loop3A_519 = arith.index_cast %parallel_loop3A_518 : i32 to index
      %parallel_loop3A_520 = arith.index_cast %parallel_loop3A_425 : i32 to index
      %parallel_loop3A_521 = tpu.vector_load %arg12[%parallel_loop3A_519, %parallel_loop3A_520] {strides = array<i32>} : memref<8x1024xf32, #tpu.memory_space<vmem>>, vector<16xf32>,
      %parallel_loop3A_522 = tpu.vector_load_idx %arg8[%parallel_loop3A_517] : memref<30730xf32, #tpu.memory_space<vmem>>[vector<16xi32>], vector<16xf32>,
      %parallel_loop3A_523 = tpu.vector_load_idx %arg9[%parallel_loop3A_517] : memref<30730xf32, #tpu.memory_space<vmem>>[vector<16xi32>], vector<16xf32>,
      %parallel_loop3A_524 = arith.mulf %parallel_loop3A_523, %parallel_loop3A_521 : vector<16xf32>
      %parallel_loop3A_525 = arith.addf %parallel_loop3A_522, %parallel_loop3A_524 : vector<16xf32>
      %parallel_loop3A_526 = arith.constant 7 : i32
      %parallel_loop3A_527 = arith.index_cast %parallel_loop3A_526 : i32 to index
      %parallel_loop3A_528 = arith.index_cast %parallel_loop3A_425 : i32 to index
      %parallel_loop3A_529 = tpu.vector_load %arg12[%parallel_loop3A_527, %parallel_loop3A_528] {strides = array<i32>} : memref<8x1024xf32, #tpu.memory_space<vmem>>, vector<16xf32>,
      tpu.vector_store %arg12[%parallel_loop3A_527, %parallel_loop3A_528], %parallel_loop3A_525 {strides = array<i32>} : memref<8x1024xf32, #tpu.memory_space<vmem>>, vector<16xf32>,
    } {sc.loop_unroll_factor = 2 : i64, sc.parallel_access}
    %add3A_281 = arith.constant 2 : i32
    %add3A_282 = arith.addi %mul3A_2, %add3A_281 : i32
    %dma_start3A_283 = tpu.memref_reshape %arg6 : memref<3x32x32x4096xf32, #tpu.memory_space<hbm>> -> memref<96x32x4096xf32, #tpu.memory_space<hbm>>
    %dma_start3A_284 = arith.constant 24 : i32
    %dma_start3A_285 = arith.constant 2048 : i32
    %dma_start3A_286 = tpu.memref_slice %dma_start3A_283[%add3A_282, %dma_start3A_284, %dma_start3A_285] : memref<96x32x4096xf32, #tpu.memory_space<hbm>> -> memref<1x8x1024xf32, #tpu.memory_space<hbm>>
    %dma_start3A_287 = tpu.memref_squeeze %dma_start3A_286 : memref<1x8x1024xf32, #tpu.memory_space<hbm>> -> memref<8x1024xf32, #tpu.memory_space<hbm>>
    %dma_start3A_288 = tpu.memref_reshape %arg6 : memref<3x32x32x4096xf32, #tpu.memory_space<hbm>> -> memref<96x32x4096xf32, #tpu.memory_space<hbm>>
    %dma_start3A_289 = arith.constant 24 : i32
    %dma_start3A_290 = arith.constant 2048 : i32
    %dma_start3A_291 = tpu.memref_slice %dma_start3A_288[%add3A_282, %dma_start3A_289, %dma_start3A_290] : memref<96x32x4096xf32, #tpu.memory_space<hbm>> -> memref<1x8x1024xf32, #tpu.memory_space<hbm>>
    %dma_start3A_292 = tpu.memref_squeeze %dma_start3A_291 : memref<1x8x1024xf32, #tpu.memory_space<hbm>> -> memref<8x1024xf32, #tpu.memory_space<hbm>>
    tpu.enqueue_dma source(%arg12 : memref<8x1024xf32, #tpu.memory_space<vmem>>) target(%dma_start3A_292 : memref<8x1024xf32, #tpu.memory_space<hbm>>) target_semaphore(%arg20 : memref<!tpu.dma_semaphore, #tpu.memory_space<semaphore_mem>>)
    %dma_wait3A_293 = arith.constant 0 : i32
    %dma_wait3A_294 = tpu.memref_reshape %arg5 : memref<3x32x32x4096xf32, #tpu.memory_space<hbm>> -> memref<96x32x4096xf32, #tpu.memory_space<hbm>>
    %dma_wait3A_295 = arith.constant 0 : i32
    %dma_wait3A_296 = arith.constant 0 : i32
    %dma_wait3A_297 = tpu.memref_slice %dma_wait3A_294[%dma_wait3A_293, %dma_wait3A_295, %dma_wait3A_296] : memref<96x32x4096xf32, #tpu.memory_space<hbm>> -> memref<1x8x1024xf32, #tpu.memory_space<hbm>>
    %dma_wait3A_298 = tpu.memref_squeeze %dma_wait3A_297 : memref<1x8x1024xf32, #tpu.memory_space<hbm>> -> memref<8x1024xf32, #tpu.memory_space<hbm>>
    %dma_wait3A_299 = tpu.memref_reshape %arg5 : memref<3x32x32x4096xf32, #tpu.memory_space<hbm>> -> memref<96x32x4096xf32, #tpu.memory_space<hbm>>
    %dma_wait3A_300 = arith.constant 0 : i32
    %dma_wait3A_301 = arith.constant 0 : i32
    %dma_wait3A_302 = tpu.memref_slice %dma_wait3A_299[%dma_wait3A_293, %dma_wait3A_300, %dma_wait3A_301] : memref<96x32x4096xf32, #tpu.memory_space<hbm>> -> memref<1x8x1024xf32, #tpu.memory_space<hbm>>
    %dma_wait3A_303 = tpu.memref_squeeze %dma_wait3A_302 : memref<1x8x1024xf32, #tpu.memory_space<hbm>> -> memref<8x1024xf32, #tpu.memory_space<hbm>>
    tpu.wait_dma2 semaphore(%arg17 : memref<!tpu.dma_semaphore, #tpu.memory_space<semaphore_mem>>) src(%dma_wait3A_303 : memref<8x1024xf32, #tpu.memory_space<hbm>>) dst(%arg13 : memref<8x1024xf32, #tpu.memory_space<vmem>>)
    %add3A_304 = arith.constant 2 : i32
    %add3A_305 = arith.addi %mul3A_2, %add3A_304 : i32
    %mul3A_306 = arith.constant 32 : i32
    %mul3A_307 = arith.muli %add3A_305, %mul3A_306 : i32
    %add3A_308 = arith.constant 24 : i32
    %add3A_309 = arith.addi %mul3A_307, %add3A_308 : i32
    %broadcast_in_dim3A_310 = arith.constant 1 : i32
    %broadcast_in_dim3A_311 = vector.broadcast %broadcast_in_dim3A_310 : i32 to vector<16xi32>
    %add3A_312 = arith.constant 0 : i32
    %add3A_313 = arith.addi %add3A_309, %add3A_312 : i32
    %mul3A_314 = vector.broadcast %add3A_313 : i32 to vector<16xi32>
    %mul3A_315 = arith.muli %broadcast_in_dim3A_311, %mul3A_314 : vector<16xi32>
    %broadcast_in_dim3A_316 = arith.constant 1 : i32
    %broadcast_in_dim3A_317 = vector.broadcast %broadcast_in_dim3A_316 : i32 to vector<16xi32>
    %add3A_318 = arith.constant 1 : i32
    %add3A_319 = arith.addi %add3A_309, %add3A_318 : i32
    %mul3A_320 = vector.broadcast %add3A_319 : i32 to vector<16xi32>
    %mul3A_321 = arith.muli %broadcast_in_dim3A_317, %mul3A_320 : vector<16xi32>
    %broadcast_in_dim3A_322 = arith.constant 1 : i32
    %broadcast_in_dim3A_323 = vector.broadcast %broadcast_in_dim3A_322 : i32 to vector<16xi32>
    %add3A_324 = arith.constant 2 : i32
    %add3A_325 = arith.addi %add3A_309, %add3A_324 : i32
    %mul3A_326 = vector.broadcast %add3A_325 : i32 to vector<16xi32>
    %mul3A_327 = arith.muli %broadcast_in_dim3A_323, %mul3A_326 : vector<16xi32>
    %broadcast_in_dim3A_328 = arith.constant 1 : i32
    %broadcast_in_dim3A_329 = vector.broadcast %broadcast_in_dim3A_328 : i32 to vector<16xi32>
    %add3A_330 = arith.constant 3 : i32
    %add3A_331 = arith.addi %add3A_309, %add3A_330 : i32
    %mul3A_332 = vector.broadcast %add3A_331 : i32 to vector<16xi32>
    %mul3A_333 = arith.muli %broadcast_in_dim3A_329, %mul3A_332 : vector<16xi32>
    %broadcast_in_dim3A_334 = arith.constant 1 : i32
    %broadcast_in_dim3A_335 = vector.broadcast %broadcast_in_dim3A_334 : i32 to vector<16xi32>
    %add3A_336 = arith.constant 4 : i32
    %add3A_337 = arith.addi %add3A_309, %add3A_336 : i32
    %mul3A_338 = vector.broadcast %add3A_337 : i32 to vector<16xi32>
    %mul3A_339 = arith.muli %broadcast_in_dim3A_335, %mul3A_338 : vector<16xi32>
    %broadcast_in_dim3A_340 = arith.constant 1 : i32
    %broadcast_in_dim3A_341 = vector.broadcast %broadcast_in_dim3A_340 : i32 to vector<16xi32>
    %add3A_342 = arith.constant 5 : i32
    %add3A_343 = arith.addi %add3A_309, %add3A_342 : i32
    %mul3A_344 = vector.broadcast %add3A_343 : i32 to vector<16xi32>
    %mul3A_345 = arith.muli %broadcast_in_dim3A_341, %mul3A_344 : vector<16xi32>
    %broadcast_in_dim3A_346 = arith.constant 1 : i32
    %broadcast_in_dim3A_347 = vector.broadcast %broadcast_in_dim3A_346 : i32 to vector<16xi32>
    %add3A_348 = arith.constant 6 : i32
    %add3A_349 = arith.addi %add3A_309, %add3A_348 : i32
    %mul3A_350 = vector.broadcast %add3A_349 : i32 to vector<16xi32>
    %mul3A_351 = arith.muli %broadcast_in_dim3A_347, %mul3A_350 : vector<16xi32>
    %broadcast_in_dim3A_352 = arith.constant 1 : i32
    %broadcast_in_dim3A_353 = vector.broadcast %broadcast_in_dim3A_352 : i32 to vector<16xi32>
    %add3A_354 = arith.constant 7 : i32
    %add3A_355 = arith.addi %add3A_309, %add3A_354 : i32
    %mul3A_356 = vector.broadcast %add3A_355 : i32 to vector<16xi32>
    %mul3A_357 = arith.muli %broadcast_in_dim3A_353, %mul3A_356 : vector<16xi32>
    %parallel_loop3A_358 = arith.constant 0 : i32
    %parallel_loop3A_359 = arith.constant 64 : i32
    %parallel_loop3A_360 = arith.constant 1 : i32
    scf.for %parallel_loop3A_417 = %parallel_loop3A_358 to %parallel_loop3A_359 step %parallel_loop3A_360  : i32 {
      %parallel_loop3A_418 = arith.constant 16 : i32
      %parallel_loop3A_419 = arith.muli %parallel_loop3A_417, %parallel_loop3A_418 : i32
      %parallel_loop3A_420 = arith.constant 3072 : i32
      %parallel_loop3A_421 = arith.addi %parallel_loop3A_420, %parallel_loop3A_419 : i32
      %parallel_loop3A_422 = arith.index_cast %parallel_loop3A_421 : i32 to index
      %parallel_loop3A_423 = tpu.vector_load %arg7[%parallel_loop3A_422] {strides = array<i32>} : memref<4096xi32, #tpu.memory_space<vmem>>, vector<16xi32>,
      %parallel_loop3A_424 = arith.constant 16 : i32
      %parallel_loop3A_425 = arith.muli %parallel_loop3A_417, %parallel_loop3A_424 : i32
      %parallel_loop3A_426 = arith.addi %parallel_loop3A_423, %mul3A_315 : vector<16xi32>
      %parallel_loop3A_427 = arith.constant 0 : i32
      %parallel_loop3A_428 = arith.index_cast %parallel_loop3A_427 : i32 to index
      %parallel_loop3A_429 = arith.index_cast %parallel_loop3A_425 : i32 to index
      %parallel_loop3A_430 = tpu.vector_load %arg13[%parallel_loop3A_428, %parallel_loop3A_429] {strides = array<i32>} : memref<8x1024xf32, #tpu.memory_space<vmem>>, vector<16xf32>,
      %parallel_loop3A_431 = tpu.vector_load_idx %arg8[%parallel_loop3A_426] : memref<30730xf32, #tpu.memory_space<vmem>>[vector<16xi32>], vector<16xf32>,
      %parallel_loop3A_432 = tpu.vector_load_idx %arg9[%parallel_loop3A_426] : memref<30730xf32, #tpu.memory_space<vmem>>[vector<16xi32>], vector<16xf32>,
      %parallel_loop3A_433 = arith.mulf %parallel_loop3A_432, %parallel_loop3A_430 : vector<16xf32>
      %parallel_loop3A_434 = arith.addf %parallel_loop3A_431, %parallel_loop3A_433 : vector<16xf32>
      %parallel_loop3A_435 = arith.constant 0 : i32
      %parallel_loop3A_436 = arith.index_cast %parallel_loop3A_435 : i32 to index
      %parallel_loop3A_437 = arith.index_cast %parallel_loop3A_425 : i32 to index
      %parallel_loop3A_438 = tpu.vector_load %arg13[%parallel_loop3A_436, %parallel_loop3A_437] {strides = array<i32>} : memref<8x1024xf32, #tpu.memory_space<vmem>>, vector<16xf32>,
      tpu.vector_store %arg13[%parallel_loop3A_436, %parallel_loop3A_437], %parallel_loop3A_434 {strides = array<i32>} : memref<8x1024xf32, #tpu.memory_space<vmem>>, vector<16xf32>,
      %parallel_loop3A_439 = arith.addi %parallel_loop3A_423, %mul3A_321 : vector<16xi32>
      %parallel_loop3A_440 = arith.constant 1 : i32
      %parallel_loop3A_441 = arith.index_cast %parallel_loop3A_440 : i32 to index
      %parallel_loop3A_442 = arith.index_cast %parallel_loop3A_425 : i32 to index
      %parallel_loop3A_443 = tpu.vector_load %arg13[%parallel_loop3A_441, %parallel_loop3A_442] {strides = array<i32>} : memref<8x1024xf32, #tpu.memory_space<vmem>>, vector<16xf32>,
      %parallel_loop3A_444 = tpu.vector_load_idx %arg8[%parallel_loop3A_439] : memref<30730xf32, #tpu.memory_space<vmem>>[vector<16xi32>], vector<16xf32>,
      %parallel_loop3A_445 = tpu.vector_load_idx %arg9[%parallel_loop3A_439] : memref<30730xf32, #tpu.memory_space<vmem>>[vector<16xi32>], vector<16xf32>,
      %parallel_loop3A_446 = arith.mulf %parallel_loop3A_445, %parallel_loop3A_443 : vector<16xf32>
      %parallel_loop3A_447 = arith.addf %parallel_loop3A_444, %parallel_loop3A_446 : vector<16xf32>
      %parallel_loop3A_448 = arith.constant 1 : i32
      %parallel_loop3A_449 = arith.index_cast %parallel_loop3A_448 : i32 to index
      %parallel_loop3A_450 = arith.index_cast %parallel_loop3A_425 : i32 to index
      %parallel_loop3A_451 = tpu.vector_load %arg13[%parallel_loop3A_449, %parallel_loop3A_450] {strides = array<i32>} : memref<8x1024xf32, #tpu.memory_space<vmem>>, vector<16xf32>,
      tpu.vector_store %arg13[%parallel_loop3A_449, %parallel_loop3A_450], %parallel_loop3A_447 {strides = array<i32>} : memref<8x1024xf32, #tpu.memory_space<vmem>>, vector<16xf32>,
      %parallel_loop3A_452 = arith.addi %parallel_loop3A_423, %mul3A_327 : vector<16xi32>
      %parallel_loop3A_453 = arith.constant 2 : i32
      %parallel_loop3A_454 = arith.index_cast %parallel_loop3A_453 : i32 to index
      %parallel_loop3A_455 = arith.index_cast %parallel_loop3A_425 : i32 to index
      %parallel_loop3A_456 = tpu.vector_load %arg13[%parallel_loop3A_454, %parallel_loop3A_455] {strides = array<i32>} : memref<8x1024xf32, #tpu.memory_space<vmem>>, vector<16xf32>,
      %parallel_loop3A_457 = tpu.vector_load_idx %arg8[%parallel_loop3A_452] : memref<30730xf32, #tpu.memory_space<vmem>>[vector<16xi32>], vector<16xf32>,
      %parallel_loop3A_458 = tpu.vector_load_idx %arg9[%parallel_loop3A_452] : memref<30730xf32, #tpu.memory_space<vmem>>[vector<16xi32>], vector<16xf32>,
      %parallel_loop3A_459 = arith.mulf %parallel_loop3A_458, %parallel_loop3A_456 : vector<16xf32>
      %parallel_loop3A_460 = arith.addf %parallel_loop3A_457, %parallel_loop3A_459 : vector<16xf32>
      %parallel_loop3A_461 = arith.constant 2 : i32
      %parallel_loop3A_462 = arith.index_cast %parallel_loop3A_461 : i32 to index
      %parallel_loop3A_463 = arith.index_cast %parallel_loop3A_425 : i32 to index
      %parallel_loop3A_464 = tpu.vector_load %arg13[%parallel_loop3A_462, %parallel_loop3A_463] {strides = array<i32>} : memref<8x1024xf32, #tpu.memory_space<vmem>>, vector<16xf32>,
      tpu.vector_store %arg13[%parallel_loop3A_462, %parallel_loop3A_463], %parallel_loop3A_460 {strides = array<i32>} : memref<8x1024xf32, #tpu.memory_space<vmem>>, vector<16xf32>,
      %parallel_loop3A_465 = arith.addi %parallel_loop3A_423, %mul3A_333 : vector<16xi32>
      %parallel_loop3A_466 = arith.constant 3 : i32
      %parallel_loop3A_467 = arith.index_cast %parallel_loop3A_466 : i32 to index
      %parallel_loop3A_468 = arith.index_cast %parallel_loop3A_425 : i32 to index
      %parallel_loop3A_469 = tpu.vector_load %arg13[%parallel_loop3A_467, %parallel_loop3A_468] {strides = array<i32>} : memref<8x1024xf32, #tpu.memory_space<vmem>>, vector<16xf32>,
      %parallel_loop3A_470 = tpu.vector_load_idx %arg8[%parallel_loop3A_465] : memref<30730xf32, #tpu.memory_space<vmem>>[vector<16xi32>], vector<16xf32>,
      %parallel_loop3A_471 = tpu.vector_load_idx %arg9[%parallel_loop3A_465] : memref<30730xf32, #tpu.memory_space<vmem>>[vector<16xi32>], vector<16xf32>,
      %parallel_loop3A_472 = arith.mulf %parallel_loop3A_471, %parallel_loop3A_469 : vector<16xf32>
      %parallel_loop3A_473 = arith.addf %parallel_loop3A_470, %parallel_loop3A_472 : vector<16xf32>
      %parallel_loop3A_474 = arith.constant 3 : i32
      %parallel_loop3A_475 = arith.index_cast %parallel_loop3A_474 : i32 to index
      %parallel_loop3A_476 = arith.index_cast %parallel_loop3A_425 : i32 to index
      %parallel_loop3A_477 = tpu.vector_load %arg13[%parallel_loop3A_475, %parallel_loop3A_476] {strides = array<i32>} : memref<8x1024xf32, #tpu.memory_space<vmem>>, vector<16xf32>,
      tpu.vector_store %arg13[%parallel_loop3A_475, %parallel_loop3A_476], %parallel_loop3A_473 {strides = array<i32>} : memref<8x1024xf32, #tpu.memory_space<vmem>>, vector<16xf32>,
      %parallel_loop3A_478 = arith.addi %parallel_loop3A_423, %mul3A_339 : vector<16xi32>
      %parallel_loop3A_479 = arith.constant 4 : i32
      %parallel_loop3A_480 = arith.index_cast %parallel_loop3A_479 : i32 to index
      %parallel_loop3A_481 = arith.index_cast %parallel_loop3A_425 : i32 to index
      %parallel_loop3A_482 = tpu.vector_load %arg13[%parallel_loop3A_480, %parallel_loop3A_481] {strides = array<i32>} : memref<8x1024xf32, #tpu.memory_space<vmem>>, vector<16xf32>,
      %parallel_loop3A_483 = tpu.vector_load_idx %arg8[%parallel_loop3A_478] : memref<30730xf32, #tpu.memory_space<vmem>>[vector<16xi32>], vector<16xf32>,
      %parallel_loop3A_484 = tpu.vector_load_idx %arg9[%parallel_loop3A_478] : memref<30730xf32, #tpu.memory_space<vmem>>[vector<16xi32>], vector<16xf32>,
      %parallel_loop3A_485 = arith.mulf %parallel_loop3A_484, %parallel_loop3A_482 : vector<16xf32>
      %parallel_loop3A_486 = arith.addf %parallel_loop3A_483, %parallel_loop3A_485 : vector<16xf32>
      %parallel_loop3A_487 = arith.constant 4 : i32
      %parallel_loop3A_488 = arith.index_cast %parallel_loop3A_487 : i32 to index
      %parallel_loop3A_489 = arith.index_cast %parallel_loop3A_425 : i32 to index
      %parallel_loop3A_490 = tpu.vector_load %arg13[%parallel_loop3A_488, %parallel_loop3A_489] {strides = array<i32>} : memref<8x1024xf32, #tpu.memory_space<vmem>>, vector<16xf32>,
      tpu.vector_store %arg13[%parallel_loop3A_488, %parallel_loop3A_489], %parallel_loop3A_486 {strides = array<i32>} : memref<8x1024xf32, #tpu.memory_space<vmem>>, vector<16xf32>,
      %parallel_loop3A_491 = arith.addi %parallel_loop3A_423, %mul3A_345 : vector<16xi32>
      %parallel_loop3A_492 = arith.constant 5 : i32
      %parallel_loop3A_493 = arith.index_cast %parallel_loop3A_492 : i32 to index
      %parallel_loop3A_494 = arith.index_cast %parallel_loop3A_425 : i32 to index
      %parallel_loop3A_495 = tpu.vector_load %arg13[%parallel_loop3A_493, %parallel_loop3A_494] {strides = array<i32>} : memref<8x1024xf32, #tpu.memory_space<vmem>>, vector<16xf32>,
      %parallel_loop3A_496 = tpu.vector_load_idx %arg8[%parallel_loop3A_491] : memref<30730xf32, #tpu.memory_space<vmem>>[vector<16xi32>], vector<16xf32>,
      %parallel_loop3A_497 = tpu.vector_load_idx %arg9[%parallel_loop3A_491] : memref<30730xf32, #tpu.memory_space<vmem>>[vector<16xi32>], vector<16xf32>,
      %parallel_loop3A_498 = arith.mulf %parallel_loop3A_497, %parallel_loop3A_495 : vector<16xf32>
      %parallel_loop3A_499 = arith.addf %parallel_loop3A_496, %parallel_loop3A_498 : vector<16xf32>
      %parallel_loop3A_500 = arith.constant 5 : i32
      %parallel_loop3A_501 = arith.index_cast %parallel_loop3A_500 : i32 to index
      %parallel_loop3A_502 = arith.index_cast %parallel_loop3A_425 : i32 to index
      %parallel_loop3A_503 = tpu.vector_load %arg13[%parallel_loop3A_501, %parallel_loop3A_502] {strides = array<i32>} : memref<8x1024xf32, #tpu.memory_space<vmem>>, vector<16xf32>,
      tpu.vector_store %arg13[%parallel_loop3A_501, %parallel_loop3A_502], %parallel_loop3A_499 {strides = array<i32>} : memref<8x1024xf32, #tpu.memory_space<vmem>>, vector<16xf32>,
      %parallel_loop3A_504 = arith.addi %parallel_loop3A_423, %mul3A_351 : vector<16xi32>
      %parallel_loop3A_505 = arith.constant 6 : i32
      %parallel_loop3A_506 = arith.index_cast %parallel_loop3A_505 : i32 to index
      %parallel_loop3A_507 = arith.index_cast %parallel_loop3A_425 : i32 to index
      %parallel_loop3A_508 = tpu.vector_load %arg13[%parallel_loop3A_506, %parallel_loop3A_507] {strides = array<i32>} : memref<8x1024xf32, #tpu.memory_space<vmem>>, vector<16xf32>,
      %parallel_loop3A_509 = tpu.vector_load_idx %arg8[%parallel_loop3A_504] : memref<30730xf32, #tpu.memory_space<vmem>>[vector<16xi32>], vector<16xf32>,
      %parallel_loop3A_510 = tpu.vector_load_idx %arg9[%parallel_loop3A_504] : memref<30730xf32, #tpu.memory_space<vmem>>[vector<16xi32>], vector<16xf32>,
      %parallel_loop3A_511 = arith.mulf %parallel_loop3A_510, %parallel_loop3A_508 : vector<16xf32>
      %parallel_loop3A_512 = arith.addf %parallel_loop3A_509, %parallel_loop3A_511 : vector<16xf32>
      %parallel_loop3A_513 = arith.constant 6 : i32
      %parallel_loop3A_514 = arith.index_cast %parallel_loop3A_513 : i32 to index
      %parallel_loop3A_515 = arith.index_cast %parallel_loop3A_425 : i32 to index
      %parallel_loop3A_516 = tpu.vector_load %arg13[%parallel_loop3A_514, %parallel_loop3A_515] {strides = array<i32>} : memref<8x1024xf32, #tpu.memory_space<vmem>>, vector<16xf32>,
      tpu.vector_store %arg13[%parallel_loop3A_514, %parallel_loop3A_515], %parallel_loop3A_512 {strides = array<i32>} : memref<8x1024xf32, #tpu.memory_space<vmem>>, vector<16xf32>,
      %parallel_loop3A_517 = arith.addi %parallel_loop3A_423, %mul3A_357 : vector<16xi32>
      %parallel_loop3A_518 = arith.constant 7 : i32
      %parallel_loop3A_519 = arith.index_cast %parallel_loop3A_518 : i32 to index
      %parallel_loop3A_520 = arith.index_cast %parallel_loop3A_425 : i32 to index
      %parallel_loop3A_521 = tpu.vector_load %arg13[%parallel_loop3A_519, %parallel_loop3A_520] {strides = array<i32>} : memref<8x1024xf32, #tpu.memory_space<vmem>>, vector<16xf32>,
      %parallel_loop3A_522 = tpu.vector_load_idx %arg8[%parallel_loop3A_517] : memref<30730xf32, #tpu.memory_space<vmem>>[vector<16xi32>], vector<16xf32>,
      %parallel_loop3A_523 = tpu.vector_load_idx %arg9[%parallel_loop3A_517] : memref<30730xf32, #tpu.memory_space<vmem>>[vector<16xi32>], vector<16xf32>,
      %parallel_loop3A_524 = arith.mulf %parallel_loop3A_523, %parallel_loop3A_521 : vector<16xf32>
      %parallel_loop3A_525 = arith.addf %parallel_loop3A_522, %parallel_loop3A_524 : vector<16xf32>
      %parallel_loop3A_526 = arith.constant 7 : i32
      %parallel_loop3A_527 = arith.index_cast %parallel_loop3A_526 : i32 to index
      %parallel_loop3A_528 = arith.index_cast %parallel_loop3A_425 : i32 to index
      %parallel_loop3A_529 = tpu.vector_load %arg13[%parallel_loop3A_527, %parallel_loop3A_528] {strides = array<i32>} : memref<8x1024xf32, #tpu.memory_space<vmem>>, vector<16xf32>,
      tpu.vector_store %arg13[%parallel_loop3A_527, %parallel_loop3A_528], %parallel_loop3A_525 {strides = array<i32>} : memref<8x1024xf32, #tpu.memory_space<vmem>>, vector<16xf32>,
    } {sc.loop_unroll_factor = 2 : i64, sc.parallel_access}
    %add3A_361 = arith.constant 2 : i32
    %add3A_362 = arith.addi %mul3A_2, %add3A_361 : i32
    %dma_start3A_363 = tpu.memref_reshape %arg6 : memref<3x32x32x4096xf32, #tpu.memory_space<hbm>> -> memref<96x32x4096xf32, #tpu.memory_space<hbm>>
    %dma_start3A_364 = arith.constant 24 : i32
    %dma_start3A_365 = arith.constant 3072 : i32
    %dma_start3A_366 = tpu.memref_slice %dma_start3A_363[%add3A_362, %dma_start3A_364, %dma_start3A_365] : memref<96x32x4096xf32, #tpu.memory_space<hbm>> -> memref<1x8x1024xf32, #tpu.memory_space<hbm>>
    %dma_start3A_367 = tpu.memref_squeeze %dma_start3A_366 : memref<1x8x1024xf32, #tpu.memory_space<hbm>> -> memref<8x1024xf32, #tpu.memory_space<hbm>>
    %dma_start3A_368 = tpu.memref_reshape %arg6 : memref<3x32x32x4096xf32, #tpu.memory_space<hbm>> -> memref<96x32x4096xf32, #tpu.memory_space<hbm>>
    %dma_start3A_369 = arith.constant 24 : i32
    %dma_start3A_370 = arith.constant 3072 : i32
    %dma_start3A_371 = tpu.memref_slice %dma_start3A_368[%add3A_362, %dma_start3A_369, %dma_start3A_370] : memref<96x32x4096xf32, #tpu.memory_space<hbm>> -> memref<1x8x1024xf32, #tpu.memory_space<hbm>>
    %dma_start3A_372 = tpu.memref_squeeze %dma_start3A_371 : memref<1x8x1024xf32, #tpu.memory_space<hbm>> -> memref<8x1024xf32, #tpu.memory_space<hbm>>
    tpu.enqueue_dma source(%arg13 : memref<8x1024xf32, #tpu.memory_space<vmem>>) target(%dma_start3A_372 : memref<8x1024xf32, #tpu.memory_space<hbm>>) target_semaphore(%arg21 : memref<!tpu.dma_semaphore, #tpu.memory_space<semaphore_mem>>)
    %dma_wait3A_373 = arith.constant 0 : i32
    %dma_wait3A_374 = tpu.memref_reshape %arg6 : memref<3x32x32x4096xf32, #tpu.memory_space<hbm>> -> memref<96x32x4096xf32, #tpu.memory_space<hbm>>
    %dma_wait3A_375 = arith.constant 0 : i32
    %dma_wait3A_376 = arith.constant 0 : i32
    %dma_wait3A_377 = tpu.memref_slice %dma_wait3A_374[%dma_wait3A_373, %dma_wait3A_375, %dma_wait3A_376] : memref<96x32x4096xf32, #tpu.memory_space<hbm>> -> memref<1x8x1024xf32, #tpu.memory_space<hbm>>
    %dma_wait3A_378 = tpu.memref_squeeze %dma_wait3A_377 : memref<1x8x1024xf32, #tpu.memory_space<hbm>> -> memref<8x1024xf32, #tpu.memory_space<hbm>>
    %dma_wait3A_379 = tpu.memref_reshape %arg6 : memref<3x32x32x4096xf32, #tpu.memory_space<hbm>> -> memref<96x32x4096xf32, #tpu.memory_space<hbm>>
    %dma_wait3A_380 = arith.constant 0 : i32
    %dma_wait3A_381 = arith.constant 0 : i32
    %dma_wait3A_382 = tpu.memref_slice %dma_wait3A_379[%dma_wait3A_373, %dma_wait3A_380, %dma_wait3A_381] : memref<96x32x4096xf32, #tpu.memory_space<hbm>> -> memref<1x8x1024xf32, #tpu.memory_space<hbm>>
    %dma_wait3A_383 = tpu.memref_squeeze %dma_wait3A_382 : memref<1x8x1024xf32, #tpu.memory_space<hbm>> -> memref<8x1024xf32, #tpu.memory_space<hbm>>
    tpu.wait_dma2 semaphore(%arg18 : memref<!tpu.dma_semaphore, #tpu.memory_space<semaphore_mem>>) src(%arg10 : memref<8x1024xf32, #tpu.memory_space<vmem>>) dst(%dma_wait3A_383 : memref<8x1024xf32, #tpu.memory_space<hbm>>)
    %dma_wait3A_384 = arith.constant 0 : i32
    %dma_wait3A_385 = tpu.memref_reshape %arg6 : memref<3x32x32x4096xf32, #tpu.memory_space<hbm>> -> memref<96x32x4096xf32, #tpu.memory_space<hbm>>
    %dma_wait3A_386 = arith.constant 0 : i32
    %dma_wait3A_387 = arith.constant 0 : i32
    %dma_wait3A_388 = tpu.memref_slice %dma_wait3A_385[%dma_wait3A_384, %dma_wait3A_386, %dma_wait3A_387] : memref<96x32x4096xf32, #tpu.memory_space<hbm>> -> memref<1x8x1024xf32, #tpu.memory_space<hbm>>
    %dma_wait3A_389 = tpu.memref_squeeze %dma_wait3A_388 : memref<1x8x1024xf32, #tpu.memory_space<hbm>> -> memref<8x1024xf32, #tpu.memory_space<hbm>>
    %dma_wait3A_390 = tpu.memref_reshape %arg6 : memref<3x32x32x4096xf32, #tpu.memory_space<hbm>> -> memref<96x32x4096xf32, #tpu.memory_space<hbm>>
    %dma_wait3A_391 = arith.constant 0 : i32
    %dma_wait3A_392 = arith.constant 0 : i32
    %dma_wait3A_393 = tpu.memref_slice %dma_wait3A_390[%dma_wait3A_384, %dma_wait3A_391, %dma_wait3A_392] : memref<96x32x4096xf32, #tpu.memory_space<hbm>> -> memref<1x8x1024xf32, #tpu.memory_space<hbm>>
    %dma_wait3A_394 = tpu.memref_squeeze %dma_wait3A_393 : memref<1x8x1024xf32, #tpu.memory_space<hbm>> -> memref<8x1024xf32, #tpu.memory_space<hbm>>
    tpu.wait_dma2 semaphore(%arg19 : memref<!tpu.dma_semaphore, #tpu.memory_space<semaphore_mem>>) src(%arg11 : memref<8x1024xf32, #tpu.memory_space<vmem>>) dst(%dma_wait3A_394 : memref<8x1024xf32, #tpu.memory_space<hbm>>)
    %dma_wait3A_395 = arith.constant 0 : i32
    %dma_wait3A_396 = tpu.memref_reshape %arg6 : memref<3x32x32x4096xf32, #tpu.memory_space<hbm>> -> memref<96x32x4096xf32, #tpu.memory_space<hbm>>
    %dma_wait3A_397 = arith.constant 0 : i32
    %dma_wait3A_398 = arith.constant 0 : i32
    %dma_wait3A_399 = tpu.memref_slice %dma_wait3A_396[%dma_wait3A_395, %dma_wait3A_397, %dma_wait3A_398] : memref<96x32x4096xf32, #tpu.memory_space<hbm>> -> memref<1x8x1024xf32, #tpu.memory_space<hbm>>
    %dma_wait3A_400 = tpu.memref_squeeze %dma_wait3A_399 : memref<1x8x1024xf32, #tpu.memory_space<hbm>> -> memref<8x1024xf32, #tpu.memory_space<hbm>>
    %dma_wait3A_401 = tpu.memref_reshape %arg6 : memref<3x32x32x4096xf32, #tpu.memory_space<hbm>> -> memref<96x32x4096xf32, #tpu.memory_space<hbm>>
    %dma_wait3A_402 = arith.constant 0 : i32
    %dma_wait3A_403 = arith.constant 0 : i32
    %dma_wait3A_404 = tpu.memref_slice %dma_wait3A_401[%dma_wait3A_395, %dma_wait3A_402, %dma_wait3A_403] : memref<96x32x4096xf32, #tpu.memory_space<hbm>> -> memref<1x8x1024xf32, #tpu.memory_space<hbm>>
    %dma_wait3A_405 = tpu.memref_squeeze %dma_wait3A_404 : memref<1x8x1024xf32, #tpu.memory_space<hbm>> -> memref<8x1024xf32, #tpu.memory_space<hbm>>
    tpu.wait_dma2 semaphore(%arg20 : memref<!tpu.dma_semaphore, #tpu.memory_space<semaphore_mem>>) src(%arg12 : memref<8x1024xf32, #tpu.memory_space<vmem>>) dst(%dma_wait3A_405 : memref<8x1024xf32, #tpu.memory_space<hbm>>)
    %dma_wait3A_406 = arith.constant 0 : i32
    %dma_wait3A_407 = tpu.memref_reshape %arg6 : memref<3x32x32x4096xf32, #tpu.memory_space<hbm>> -> memref<96x32x4096xf32, #tpu.memory_space<hbm>>
    %dma_wait3A_408 = arith.constant 0 : i32
    %dma_wait3A_409 = arith.constant 0 : i32
    %dma_wait3A_410 = tpu.memref_slice %dma_wait3A_407[%dma_wait3A_406, %dma_wait3A_408, %dma_wait3A_409] : memref<96x32x4096xf32, #tpu.memory_space<hbm>> -> memref<1x8x1024xf32, #tpu.memory_space<hbm>>
    %dma_wait3A_411 = tpu.memref_squeeze %dma_wait3A_410 : memref<1x8x1024xf32, #tpu.memory_space<hbm>> -> memref<8x1024xf32, #tpu.memory_space<hbm>>
    %dma_wait3A_412 = tpu.memref_reshape %arg6 : memref<3x32x32x4096xf32, #tpu.memory_space<hbm>> -> memref<96x32x4096xf32, #tpu.memory_space<hbm>>
    %dma_wait3A_413 = arith.constant 0 : i32
    %dma_wait3A_414 = arith.constant 0 : i32
    %dma_wait3A_415 = tpu.memref_slice %dma_wait3A_412[%dma_wait3A_406, %dma_wait3A_413, %dma_wait3A_414] : memref<96x32x4096xf32, #tpu.memory_space<hbm>> -> memref<1x8x1024xf32, #tpu.memory_space<hbm>>
    %dma_wait3A_416 = tpu.memref_squeeze %dma_wait3A_415 : memref<1x8x1024xf32, #tpu.memory_space<hbm>> -> memref<8x1024xf32, #tpu.memory_space<hbm>>
    tpu.wait_dma2 semaphore(%arg21 : memref<!tpu.dma_semaphore, #tpu.memory_space<semaphore_mem>>) src(%arg13 : memref<8x1024xf32, #tpu.memory_space<vmem>>) dst(%dma_wait3A_416 : memref<8x1024xf32, #tpu.memory_space<hbm>>)
    return
  }
}

</mosaic_0001>

<sc_bundles>
// kernel: kernel.3.cloned.1.call-start
scs
__scs_entry_jumppad:
0x0: {  	(pc) =	sbr.rel $0x88, $3  }
0x1: {  	(tag) =	ssettag $0x0;
	lr =	simm.s32 $0x1  }
0x2: {  	[smem:$0x3F9D] =	sst lr;
	_ =	strace $0xD0000000  }
0x3: {  	_ = 	snop  }
0x4: {  	_ = 	snop  }
0x5: {  	_ = 	snop  }
0x6: {  	_ = 	snop  }
0x7: {  	_ = 	snop  }
__scs_overlays_trampoline_lowered:
0x8: {  	[smem:$0x3FAC] =	sst s0  }
0x9: {  	[smem:$0x3FAD] =	sst s1  }
0xa: {  	[smem:$0x3FAE] =	sst s2  }
0xb: {  	[smem:$0x3FAF] =	sst s3  }
0xc: {  	[smem:$0x3FB0] =	sst s4  }
0xd: {  	[smem:$0x3FB1] =	sst s5  }
0xe: {  	[smem:$0x3FB2] =	sst s6  }
0xf: {  	[smem:$0x3FB3] =	sst s7  }
0x10: {  	[smem:$0x3FB4] =	sst s8  }
0x11: {  	[smem:$0x3FB5] =	sst s9;
	s0 =	simm.s32 @!p0 $0x0  }
0x12: {  	s1 =	sld [smem:$0x3F9B];
	s0 =	simm.s32 @p0 $0x1  }
0x13: {  	[smem:$0x3FB6] =	sst s0;
	s0 =	simm.s32 @!p1 $0x0  }
0x14: {  	s2 =	sld [smem:$0x3F9A];
	s0 =	simm.s32 @p1 $0x1  }
0x15: {  	[smem:$0x3FB7] =	sst s0;
	s0 =	simm.s32 @!p2 $0x0  }
0x16: {  	s3 =	sld [smem:$0x3FDB];
	s0 =	simm.s32 @p2 $0x1  }
0x17: {  	s4 =	simm.s32 $0x1BF5;
	[smem:$0x3FB9] =	sst s0  }
0x18: {  	s0 =	sld [smem:$0x3F9C];
	_ =	swait.ge [sflag:s4], $0x0  }
0x19: {  	s7 =	sld [smem:$0x3F9D]  }
0x1a: {  	s8 =	sadd.s32 $0xFFFFE003, lr  }
0x1b: {  	s9 =	sadd.s32 $0xFFFFFEF7, lr;
	s5 =	simm.s32 $0xFFFFFFFF;
	p2 =	slt.u32 s8, $0xFFFFF086  }
0x1c: {  	p1 =	slt.u32 s9, $0xF7A;
	s5 =	simm.s32 @!p2 $0x0  }
0x1d: {  	s5 =	simm.s32 @p1 $0x1;
	p0 =	seq.s32 s7, s2  }
0x1e: {  	s7 =	smul.u32 @!p0 $0xF7A, s2;
	p2 =	seq.s32 @!p0 s5, $0x0  }
0x1f: {  	s9 =	smul.u32 $0xF7A, s1;
	s8 =	simm.s32 @!p0 $0x1BF5;
	p2 =	por !p2, p0  }
0x20: {  	[sflag:s8] =	ssyncset.s32 @!p0 $0xFFFFF086;
	s6 =	sadd.s32 @!p0 s3, s7;
	s7 =	simm.s32 @!p0 $0x108  }
0x21: {  	s3 =	sadd.s32 s3, s9;
	s6 =	sadd.s32 @!p0 $0x88, s6;
	s7 =	simm.s32 @p2 $0x1082  }
0x22: {  	[simem:s7], [sflag:s8] =	dma.local @!p0 [hbm:s6], $0xF7A  }
0x23: {  	s9 =	sor.u32 $0xD0000000, s2;
	s6 =	simm.s32 $0x108;
	_ =	swait.ge @!p0 [sflag:s8], $0x0  }
0x24: {  	s3 =	sadd.s32 $0x88, s3;
	s6 =	simm.s32 @!p1 $0x1082;
	[sflag:s4] =	ssyncset.s32 $0xFFFFF086  }
0x25: {  	[simem:s6], [sflag:s4] =	dma.local [hbm:s3], $0xF7A  }
0x26: {  	[smem:$0x3F9D] =	sst s1;
	(tag) =	ssettag s2;
	_ =	strace s9  }
0x27: {  	s1 =	sld [smem:$0x3FAD]  }
0x28: {  	s2 =	sld [smem:$0x3FAE]  }
0x29: {  	s4 =	sld [smem:$0x3FB0]  }
0x2a: {  	p0 =	seq.s32 s5, $0x0;
	s5 =	sld [smem:$0x3FB1]  }
0x2b: {  	s6 =	sld [smem:$0x3FB2]  }
0x2c: {  	s7 =	sld [smem:$0x3FB3]  }
0x2d: {  	s3 =	simm.s32 $0x108;
	s8 =	sld [smem:$0x3FB4]  }
0x2e: {  	s3 =	simm.s32 @!p0 $0x1082;
	s9 =	sld [smem:$0x3FB5]  }
0x2f: {  	lr =	sadd.s32 s0, s3;
	s0 =	sld [smem:$0x3FAC]  }
0x30: {  	s3 =	sld [smem:$0x3FAF]  }
0x31: {  	[smem:$0x3FB8] =	sst s10  }
0x32: {  	s10 =	sld [smem:$0x3FB6];
	_ =	sdelay $0x3  }
0x33: {  	p0 =	seq.s32 s10, $0x1;
	s10 =	sld [smem:$0x3FB8];
	_ =	sdelay $0x3  }
0x34: {  	[smem:$0x3FB8] =	sst s10  }
0x35: {  	s10 =	sld [smem:$0x3FB7];
	_ =	sdelay $0x3  }
0x36: {  	p1 =	seq.s32 s10, $0x1;
	s10 =	sld [smem:$0x3FB8];
	_ =	sdelay $0x3  }
0x37: {  	[smem:$0x3FB8] =	sst s10  }
0x38: {  	s10 =	sld [smem:$0x3FB9]  }
0x39: {  	_ = 	snop;
	(pc) =	sbr.ind lr, $3  }
0x3a: {  	_ = 	snop  }
0x3b: {  	_ = 	snop  }
0x3c: {  	p2 =	seq.s32 s10, $0x1;
	s10 =	sld [smem:$0x3FB8]  }
0x3d: {  	_ =	shalt  }
0x3e: {  	_ =	shalt  }
0x3f: {  	_ =	shalt  }
0x40: {  	_ =	shalt  }
0x41: {  	_ =	shalt  }
0x42: {  	_ =	shalt  }
0x43: {  	_ =	shalt  }
0x44: {  	_ =	shalt  }
0x45: {  	_ =	shalt  }
0x46: {  	_ =	shalt  }
0x47: {  	_ =	shalt  }
0x48: {  	_ =	shalt  }
0x49: {  	_ =	shalt  }
0x4a: {  	_ =	shalt  }
0x4b: {  	_ =	shalt  }
0x4c: {  	_ =	shalt  }
0x4d: {  	_ =	shalt  }
0x4e: {  	_ =	shalt  }
0x4f: {  	_ =	shalt  }
0x50: {  	_ =	shalt  }
0x51: {  	_ =	shalt  }
0x52: {  	_ =	shalt  }
0x53: {  	_ =	shalt  }
0x54: {  	_ =	shalt  }
0x55: {  	_ =	shalt  }
0x56: {  	_ =	shalt  }
0x57: {  	_ =	shalt  }
0x58: {  	_ =	shalt  }
0x59: {  	_ =	shalt  }
0x5a: {  	_ =	shalt  }
0x5b: {  	_ =	shalt  }
0x5c: {  	_ =	shalt  }
0x5d: {  	_ =	shalt  }
0x5e: {  	_ =	shalt  }
0x5f: {  	_ =	shalt  }
0x60: {  	_ =	shalt  }
0x61: {  	_ =	shalt  }
0x62: {  	_ =	shalt  }
0x63: {  	_ =	shalt  }
0x64: {  	_ =	shalt  }
0x65: {  	_ =	shalt  }
0x66: {  	_ =	shalt  }
0x67: {  	_ =	shalt  }
0x68: {  	_ =	shalt  }
0x69: {  	_ =	shalt  }
0x6a: {  	_ =	shalt  }
0x6b: {  	_ =	shalt  }
0x6c: {  	_ =	shalt  }
0x6d: {  	_ =	shalt  }
0x6e: {  	_ =	shalt  }
0x6f: {  	_ =	shalt  }
0x70: {  	_ =	shalt  }
0x71: {  	_ =	shalt  }
0x72: {  	_ =	shalt  }
0x73: {  	_ =	shalt  }
0x74: {  	_ =	shalt  }
0x75: {  	_ =	shalt  }
0x76: {  	_ =	shalt  }
0x77: {  	_ =	shalt  }
0x78: {  	_ =	shalt  }
0x79: {  	_ =	shalt  }
0x7a: {  	_ =	shalt  }
0x7b: {  	_ =	shalt  }
0x7c: {  	_ =	shalt  }
0x7d: {  	_ =	shalt  }
0x7e: {  	_ =	shalt  }
0x7f: {  	_ =	shalt  }
0x80: {  	_ =	shalt  }
0x81: {  	_ =	shalt  }
0x82: {  	_ =	shalt  }
0x83: {  	_ =	shalt  }
0x84: {  	_ =	shalt  }
0x85: {  	_ =	shalt  }
0x86: {  	_ =	shalt  }
0x87: {  	_ =	shalt  }
.Lfunc_end0:
.L_simem_size_0:
called_computation_lowered:
.L_overlay_start_0:
0x88: {  	s2 =	sld [smem:$0x3FD9]  }
0x89: {  	s3 =	sld [smem:$0x3FFE];
	_ =	sdelay $0x1  }
0x8a: {  	s1 =	srdreg.scid  }
0x8b: {  	s0 =	sand.u32 $0x1, s1  }
0x8c: {  	s17 =	sshll.u32 s0, $0xA;
	s2 =	sadd.s32 s3, s2  }
0x8d: {  	s2 =	sadd.s32 s2, s17  }
0x8e: {  	[smem:$0x3FC4] =	sst s2  }
0x8f: {  	_ = 	snop  }
0x90: {  	s2 =	sld [smem:$0x3FC6]  }
0x91: {  	s18 =	sld [smem:$0x3FD0];
	(tm) =	ssettm $0x1  }
0x92: {  	s4 =	sld [smem:$0x3FFB];
	_ =	sdelay $0x3  }
0x93: {  	_ =	strace s4  }
0x94: {  	s4 =	sld [smem:$0x3FFC];
	_ =	sdelay $0x3  }
0x95: {  	_ =	strace s4  }
0x96: {  	s4 =	sld [smem:$0x3FFD];
	_ =	sdelay $0x3  }
0x97: {  	_ =	strace s4  }
0x98: {  	_ =	strace $0x8FFFFFFF  }
0x99: {  	s19 =	sld [smem:$0x3FDB];
	_ =	sdelay $0x1  }
0x9a: {  	s5 =	simm.s32 $_scs_section_size  }
0x9b: {  	s6 =	simm.s32 $_size__tile_overlayer_lowered;
	s7 =	simm.s32 $_tile_overlayer_lowered  }
0x9c: {  	s22 =	simm.s32 $0x1BFF;
	s21 =	sshll.u32 s7, $0x1;
	s4 =	sadd.s32 s5, s19  }
0x9d: {  	s8 =	simm.s32 $0x0;
	s20 =	sshll.u32 s6, $0x1;
	s6 =	sadd.s32 s21, s4  }
0x9e: {  	[timem:s8], [sflag:s22] =	dma.local [hbm:s6], s20  }
0x9f: {  	_ =	swait.ge [sflag:s22], s20  }
0xa0: {  	s5 =	ssub.s32 $0x0, s20;
	[sflag:s22] =	ssyncset.done $0x0  }
0xa1: {  	[sflag:s22] =	ssyncadd.s32 s5;
	_ =	sdelay $0x1  }
0xa2: {  	s23 =	simm.s32 $0x1B8B  }
0xa3: {  	_ =	swait.ge [sflag:s23], $0x1  }
0xa4: {  	[sflag:s23] =	ssyncset.done $0x0  }
0xa5: {  	s25 =	simm.s32 $0x1B8E;
	s24 =	sld [smem:$0x3FFE];
	[sflag:s23] =	ssyncadd.s32 $0xFFFFFFFF  }
0xa6: {  	s26 =	simm.s32 $execute0_lowered;
	[smem:$0x3FD2] =	sst s25  }
0xa7: {  	s6 =	sshll.u32 s26, $0x1;
	_ =	strace $0x80000046;
	[dreg:$0x1] =	wrdreg $0xFFFFFFFF  }
0xa8: {  	s28 =	simm.s32 $_size_execute0_lowered;
	s4 =	sadd.s32 s4, s6;
	[dreg:$0x0] =	wrdreg $0x0  }
0xa9: {  	s6 =	sshll.u32 s28, $0x1;
	[dreg:$0x2] =	wrdreg s4  }
0xaa: {  	[dreg:$0x3] =	wrdreg s6  }
0xab: {  	[dreg:$0x4] =	wrdreg $0xC0  }
0xac: {  	_ =	task [dreg:s8], $0x5FFFF  }
0xad: {  	[dreg:$0x1] =	wrdreg $0xFFFFFFFF  }
0xae: {  	[dreg:$0x0] =	wrdreg $0x60  }
0xaf: {  	[dreg:$0x2] =	wrdreg s24  }
0xb0: {  	[dreg:$0x3] =	wrdreg s2  }
0xb1: {  	[dreg:$0x4] =	wrdreg s18  }
0xb2: {  	[dreg:$0x5] =	wrdreg $0x9  }
0xb3: {  	_ =	task.clear_ibuf [dreg:s8], $0x6FFFF;
	_ =	strace $0x90000046  }
0xb4: {  	s29 =	simm.s32 $0x9;
	_ =	strace $0x80000048  }
0xb5: {  	_ =	swait.ge [sflag:s29], $0x1  }
0xb6: {  	[sflag:s29] =	ssyncadd.s32 $0xFFFFFFFF  }
0xb7: {  	_ =	strace $0x90000048  }
0xb8: {  	_ =	sfence  }
0xb9: {  	s30 =	sld [smem:$0x0];
	_ =	sdelay $0x2  }
0xba: {  	s31 =	sshll.u32 s1, $0xD;
	s1 =	sshrl.u32 s1, $0x2  }
0xbb: {  	s3 =	sand.u32 $0x4000, s31;
	s1 =	sadd.s32 s1, s30  }
0xbc: {  	s0 =	sor.u32 s3, s0;
	s1 =	sshll.u32 s1, $0x11  }
0xbd: {  	s0 =	sor.u32 s1, s0  }
0xbe: {  	s0 =	sadd.s32 $0x8F2B, s0  }
0xbf: {  	[sflag:s0] =	ssyncadd.remote.s32 $0x1  }
0xc0: {  	_ =	sfence.sel $0xFFFF  }
0xc1: {  	[dreg:$0x0] =	wrdreg $0xFFFFFFFF;
	(pc) =	sbr.abs _section_cstart, $3  }
0xc2: {  	[dreg:$0x1] =	wrdreg $0xFFFFFFFF  }
0xc3: {  	_ =	task.clear_ibuf [dreg:s8], $0x2FFFF;
	_ =	strace $0x9FFFFFFF  }
0xc4: {  	(tm) =	ssettm $0x7FFFFFFF  }
0xc5: {  	_ =	shalt  }
tec
execute0_lowered:
.L_overlay_start_1:
0x0: {  	(tag) =	ssettag $0x1  }
0x1: {  	s0 =	rddreg [dreg:$0x0]  }
0x2: {  	s25 =	rddreg [dreg:$0x1]  }
0x3: {  	s8 =	rddreg [dreg:$0x2];
	s17 =	simm.s32 $0x0  }
0x4: {  	s1 =	srdreg.scid;
	s2 =	stileid.u32;
	s29 =	simm.s32 $0x12100  }
0x5: {  	s30 =	simm.s32 $0x5;
	s31 =	simm.s32 $0x6;
	[smem:$0x7FF] =	sst s17  }
0x6: {  	s1 =	sand.u32 $0x1, s1;
	s2 =	sshll.u32 s2, $0x1;
	s23 =	sadd.s32 $0x400, s0  }
0x7: {  	s5 =	sadd.s32 $0x600, s0;
	_ =	strace $0x80000047;
	[dreg:$0x4] =	wrdreg s23  }
0x8: {  	s0 =	sadd.s32 $0x1600, s0;
	s11 =	sadd.s32 $0x800, s25;
	[dreg:$0x5] =	wrdreg s5  }
0x9: {  	s3 =	ssub.s32 $0x2, s1;
	s1 =	sor.u32 s1, s2;
	[dreg:$0x6] =	wrdreg s0  }
0xa: {  	s14 =	sadd.s32 $0xC00, s25;
	[dreg:$0x7] =	wrdreg s11;
	s4 =	smul.u32 $0xC000, s1  }
0xb: {  	[dreg:$0xb] =	wrdreg s14;
	s24 =	sshrl.u32 s3, $0x1;
	s28 =	smul.u32 $0x3, s1  }
0xc: {  	s1 =	smul.u32 $0x60, s1;
	s26 =	ssub.s32 s3, s24;
	s24 =	sadd.s32 $0x800, s8  }
0xd: {  	s10 =	sor.u32 $0x400, s4;
	s12 =	sadd.s32 s25, s4;
	s3 =	sadd.s32 s4, s11  }
0xe: {  	s15 =	sadd.s32 $0x2, s28;
	s6 =	sadd.s32 s8, s4;
	[dreg:$0x12] =	wrdreg s24  }
0xf: {  	s4 =	sadd.s32 s4, s14;
	s0 =	smax.u32 s26, $0x1;
	[dreg:$0x8] =	wrdreg s12  }
0x10: {  	s21 =	sor.u32 $0x1, s1;
	s22 =	sor.u32 $0x2, s1;
	[dreg:$0xa] =	wrdreg s3  }
0x11: {  	s23 =	sor.u32 $0x3, s1;
	s14 =	sor.u32 $0x5, s1;
	[dreg:$0xc] =	wrdreg s6  }
0x12: {  	s26 =	sadd.s32 $0xC00, s8;
	s13 =	sadd.s32 s25, s10;
	[dreg:$0xd] =	wrdreg s4  }
0x13: {  	s16 =	sshll.u32 s15, $0x5;
	s2 =	sadd.s32 s8, s10;
	[dreg:$0x11] =	wrdreg s0  }
0x14: {  	s9 =	sshll.u32 s15, $0xE;
	s3 =	sshllo.u32 s15, $0x5;
	[dreg:$0x13] =	wrdreg s26  }
0x15: {  	s15 =	sor.u32 $0x6, s1;
	[dreg:$0x9] =	wrdreg s13;
	s18 =	sor.u32 $0x18, s16  }
0x16: {  	v0 =	vmov s1;
	s19 =	sor.u32 $0x19, s16;
	s20 =	sor.u32 $0x1A, s16;
	s7 =	sor.u32 $0x1B, s16  }
0x17: {  	v1 =	vmov s21;
	v2 =	vmov s22;
	v3 =	vmov s23;
	s9 =	sadd.s32 s9, s8;
	s10 =	sor.u32 $0x1C, s16;
	s11 =	sor.u32 $0x1D, s16  }
0x18: {  	v5 =	vmov s14;
	s4 =	sor.u32 $0x1E, s16;
	s13 =	sor.u32 $0x4, s1;
	s16 =	sor.u32 $0x7, s1;
	v6 =	vmov s15;
	v15 =	vmov s3  }
0x19: {  	s24 =	simm.s32 $0x8880;
	[dreg:$0xe] =	wrdreg s2;
	s12 =	sadd.s32 $0x3800, s9;
	v4 =	vmov s13;
	v7 =	vmov s16;
	v8 =	vmov s18  }
0x1a: {  	s23 =	simm.s32 $0x1000;
	s9 =	sadd.s32 $0x3C00, s9;
	v9 =	vmov s19;
	v10 =	vmov s20;
	v11 =	vmov s7;
	[dreg:$0xf] =	wrdreg s12  }
0x1b: {  	s26 =	simm.s32 $0x10100;
	s2 =	simm.s32 $0x0;
	v12 =	vmov s10;
	v13 =	vmov s11;
	v14 =	vmov s4;
	[dreg:$0x10] =	wrdreg s9  }
.LBB2_1:
0x1c: {  	[dreg:$0x14] =	wrdreg s2  }
0x1d: {  	s0 =	rddreg [dreg:$0x4];
	s8 =	simm.s32 $0x9  }
0x1e: {  	[tilespmem:s17], [sflag:$0x9] =	stream.linear.gather [hbm4b:s0+s17], $0x1000, $0x38;
	[tilespmem:$0x18100] =	vst v63  }
0x1f: {  	_ =	swait.ge [sflag:s8], $0x1000  }
0x20: {  	[sflag:s8] =	ssyncset.done $0x0  }
0x21: {  	s9 =	rddreg [dreg:$0x5];
	[sflag:s8] =	ssyncadd.s32 $0xFFFFF000  }
0x22: {  	[tilespmem:s23], [sflag:$0x5] =	stream.linear.gather [hbm4b:s9+s17], $0x7880, $0x38;
	[tilespmem:$0x18100] =	vst v63  }
0x23: {  	s10 =	rddreg [dreg:$0x6]  }
0x24: {  	[tilespmem:s24], [sflag:$0x6] =	stream.linear.gather [hbm4b:s10+s17], $0x7880, $0x38;
	[tilespmem:$0x18100] =	vst v63  }
0x25: {  	s11 =	rddreg [dreg:$0x8]  }
0x26: {  	[tilespmem:s26], [sflag:$0x1] =	stream.linear.gather [hbm4b:s11+s17], $0x2000, $0x38;
	[tilespmem:$0x18100] =	vst v63  }
0x27: {  	s12 =	rddreg [dreg:$0x9]  }
0x28: {  	[tilespmem:s29], [sflag:$0x2] =	stream.linear.gather [hbm4b:s12+s17], $0x2000, $0x38;
	[tilespmem:$0x18100] =	vst v63  }
0x29: {  	_ =	swait.ge [sflag:s30], $0x7880  }
0x2a: {  	[sflag:s30] =	ssyncset.done $0x0  }
0x2b: {  	[sflag:s30] =	ssyncadd.s32 $0xFFFF8780  }
0x2c: {  	_ =	swait.ge [sflag:s31], $0x7880  }
0x2d: {  	s1 =	simm.s32 $0x14100;
	[sflag:s31] =	ssyncset.done $0x0  }
0x2e: {  	s3 =	simm.s32 $0x1;
	s13 =	rddreg [dreg:$0xa];
	[sflag:s31] =	ssyncadd.s32 $0xFFFF8780  }
0x2f: {  	[tilespmem:s1], [sflag:$0x3] =	stream.linear.gather [hbm4b:s13+s17], $0x2000, $0x38;
	[tilespmem:$0x18100] =	vst v63  }
0x30: {  	s14 =	sand.u32 $0x60, s17;
	_ =	swait.ge [sflag:s3], $0x2000  }
0x31: {  	s16 =	sand.u32 $0x380, s17;
	s15 =	sor.u32 $0x10, s14;
	[sflag:s3] =	ssyncset.done $0x0  }
0x32: {  	s1 =	sor.u32 s15, s16;
	[sflag:s3] =	ssyncadd.s32 $0xFFFFE000  }
0x33: {  	v16 =	vld [tilespmem:s1+$0x0];
	_ =	sdelay $0x4  }
0x34: {  	v17 =	vadd.s32 v0, v16  }
0x35: {  	s18 =	sand.u32 $0x1C00, s17  }
0x36: {  	s19 =	sor.u32 $0x10100, s18  }
0x37: {  	s5 =	sor.u32 s15, s19  }
0x38: {  	v18 =	vld [tilespmem:s5+$0x0]  }
0x39: {  	v19 =	vld.idx.msk [tilespmem:v17+s24+$0x0], $0xffff;
	_ =	sdelay $0x1  }
0x3a: {  	v17 =	vld.idx.msk [tilespmem:v17+s23+$0x0], $0xffff;
	_ =	sdelay $0x2  }
0x3b: {  	v18 =	vmul.f32 v19, v18;
	v19 =	vadd.s32 v1, v16;
	_ =	sdelay $0x1  }
0x3c: {  	v17 =	vadd.f32 v18, v17;
	_ =	sdelay $0x1  }
0x3d: {  	v18 =	vld [tilespmem:s5+$0x80];
	[tilespmem:s5+$0x0] =	vst v17  }
0x3e: {  	v17 =	vld.idx.msk [tilespmem:v19+s24+$0x0], $0xffff;
	_ =	sdelay $0x1  }
0x3f: {  	v19 =	vld.idx.msk [tilespmem:v19+s23+$0x0], $0xffff;
	_ =	sdelay $0x2  }
0x40: {  	v17 =	vmul.f32 v17, v18;
	v18 =	vadd.s32 v2, v16;
	_ =	sdelay $0x1  }
0x41: {  	v17 =	vadd.f32 v17, v19;
	_ =	sdelay $0x1  }
0x42: {  	v19 =	vld [tilespmem:s5+$0x100];
	[tilespmem:s5+$0x80] =	vst v17  }
0x43: {  	v17 =	vld.idx.msk [tilespmem:v18+s24+$0x0], $0xffff;
	_ =	sdelay $0x1  }
0x44: {  	v18 =	vld.idx.msk [tilespmem:v18+s23+$0x0], $0xffff;
	_ =	sdelay $0x2  }
0x45: {  	v17 =	vmul.f32 v17, v19;
	v19 =	vadd.s32 v3, v16;
	_ =	sdelay $0x1  }
0x46: {  	v17 =	vadd.f32 v17, v18;
	_ =	sdelay $0x1  }
0x47: {  	v20 =	vld [tilespmem:s5+$0x180];
	[tilespmem:s5+$0x100] =	vst v17  }
0x48: {  	v17 =	vld.idx.msk [tilespmem:v19+s24+$0x0], $0xffff  }
0x49: {  	s4 =	simm.s32 $0x20  }
0x4a: {  	s20 =	sand.u32 $0x60, s4;
	v21 =	vld.idx.msk [tilespmem:v19+s23+$0x0], $0xffff  }
0x4b: {  	s21 =	sand.u32 $0x380, s4;
	s7 =	sor.u32 $0x10, s20  }
0x4c: {  	s0 =	sor.u32 s7, s21;
	v18 =	vld [tilespmem:s17+$0x0]  }
0x4d: {  	v19 =	vld [tilespmem:s0+$0x0];
	v17 =	vmul.f32 v17, v20;
	v20 =	vadd.s32 v4, v16;
	_ =	sdelay $0x1  }
0x4e: {  	v17 =	vadd.f32 v17, v21;
	_ =	sdelay $0x1  }
0x4f: {  	s22 =	simm.s32 $0x100;
	v21 =	vld [tilespmem:s5+$0x200];
	[tilespmem:s5+$0x180] =	vst v17;
	v17 =	vadd.s32 v0, v18  }
0x50: {  	s6 =	sand.u32 $0x1C00, s22;
	s3 =	sor.u32 s14, s19;
	v23 =	vadd.s32 v0, v19;
	v22 =	vld.idx.msk [tilespmem:v20+s24+$0x0], $0xffff  }
0x51: {  	s6 =	sor.u32 $0x10100, s6;
	v24 =	vld [tilespmem:s3+$0x0]  }
0x52: {  	s8 =	sor.u32 s7, s6;
	v20 =	vld.idx.msk [tilespmem:v20+s23+$0x0], $0xffff  }
0x53: {  	v25 =	vld [tilespmem:s8+$0x0]  }
0x54: {  	v26 =	vld.idx.msk [tilespmem:v17+s24+$0x0], $0xffff  }
0x55: {  	v27 =	vld.idx.msk [tilespmem:v23+s24+$0x0], $0xffff;
	v21 =	vmul.f32 v22, v21;
	v22 =	vadd.s32 v5, v16  }
0x56: {  	v17 =	vld.idx.msk [tilespmem:v17+s23+$0x0], $0xffff  }
0x57: {  	v23 =	vld.idx.msk [tilespmem:v23+s23+$0x0], $0xffff;
	v20 =	vadd.f32 v21, v20;
	_ =	sdelay $0x1  }
0x58: {  	v21 =	vld [tilespmem:s5+$0x280];
	[tilespmem:s5+$0x200] =	vst v20;
	v20 =	vmul.f32 v26, v24;
	v24 =	vadd.s32 v1, v18  }
0x59: {  	v25 =	vmul.f32 v27, v25;
	v27 =	vadd.s32 v1, v19;
	v26 =	vld.idx.msk [tilespmem:v22+s24+$0x0], $0xffff  }
0x5a: {  	v17 =	vadd.f32 v20, v17;
	v20 =	vld.idx.msk [tilespmem:v22+s23+$0x0], $0xffff  }
0x5b: {  	v22 =	vadd.f32 v25, v23;
	v23 =	vld [tilespmem:s3+$0x80]  }
0x5c: {  	v25 =	vld [tilespmem:s8+$0x80];
	[tilespmem:s3+$0x0] =	vst v17  }
0x5d: {  	[tilespmem:s8+$0x0] =	vst v22;
	v17 =	vld.idx.msk [tilespmem:v24+s24+$0x0], $0xffff  }
0x5e: {  	v22 =	vld.idx.msk [tilespmem:v27+s24+$0x0], $0xffff  }
0x5f: {  	v21 =	vmul.f32 v26, v21;
	v26 =	vadd.s32 v6, v16  }
0x60: {  	v24 =	vld.idx.msk [tilespmem:v24+s23+$0x0], $0xffff  }
0x61: {  	v27 =	vld.idx.msk [tilespmem:v27+s23+$0x0], $0xffff;
	v20 =	vadd.f32 v21, v20  }
0x62: {  	s12 =	sand.u32 $0x3, s17  }
0x63: {  	v21 =	vadd.s32 v2, v18;
	v17 =	vmul.f32 v17, v23;
	v22 =	vmul.f32 v22, v25;
	v25 =	vld [tilespmem:s3+$0x100];
	[tilespmem:s5+$0x280] =	vst v20;
	s5 =	sshll.u32 s12, $0x5  }
0x64: {  	v23 =	vadd.s32 v2, v19;
	v20 =	vld.idx.msk [tilespmem:v26+s24+$0x0], $0xffff;
	s5 =	sadd.s32 $0x0, s5  }
0x65: {  	v26 =	vld.idx.msk [tilespmem:v26+s23+$0x0], $0xffff;
	v17 =	vadd.f32 v17, v24;
	s13 =	sadd.s32 $0x10, s5  }
0x66: {  	v22 =	vadd.f32 v22, v27;
	v24 =	vld [tilespmem:s8+$0x100];
	s9 =	sor.u32 $0x300, s13  }
0x67: {  	[tilespmem:s3+$0x80] =	vst v17;
	v27 =	vld [tilespmem:s9+$0x10100]  }
0x68: {  	[tilespmem:s8+$0x80] =	vst v22;
	v17 =	vld.idx.msk [tilespmem:v21+s24+$0x0], $0xffff  }
0x69: {  	v22 =	vld.idx.msk [tilespmem:v23+s24+$0x0], $0xffff  }
0x6a: {  	v21 =	vld.idx.msk [tilespmem:v21+s23+$0x0], $0xffff  }
0x6b: {  	v23 =	vld.idx.msk [tilespmem:v23+s23+$0x0], $0xffff  }
0x6c: {  	v16 =	vadd.s32 v7, v16;
	v20 =	vmul.f32 v20, v27  }
0x6d: {  	v17 =	vmul.f32 v17, v25  }
0x6e: {  	v28 =	vld [tilespmem:s3+$0x280];
	v22 =	vmul.f32 v22, v24;
	v20 =	vadd.f32 v20, v26  }
0x6f: {  	v25 =	vadd.s32 v3, v18;
	v17 =	vadd.f32 v17, v21;
	v21 =	vld [tilespmem:s3+$0x180]  }
0x70: {  	v24 =	vadd.s32 v3, v19;
	v22 =	vadd.f32 v22, v23;
	v23 =	vld [tilespmem:s8+$0x180];
	[tilespmem:s9+$0x10100] =	vst v20  }
0x71: {  	s7 =	sor.u32 $0x380, s13;
	v26 =	vld.idx.msk [tilespmem:v16+s24+$0x0], $0xffff  }
0x72: {  	v27 =	vld [tilespmem:s7+$0x10100]  }
0x73: {  	[tilespmem:s3+$0x100] =	vst v17;
	v29 =	vld.idx.msk [tilespmem:v16+s23+$0x0], $0xffff  }
0x74: {  	s12 =	simm.s32 $0x40;
	[tilespmem:s8+$0x100] =	vst v22;
	v17 =	vld.idx.msk [tilespmem:v25+s24+$0x0], $0xffff  }
0x75: {  	s13 =	simm.s32 $0x200;
	s9 =	sand.u32 $0x60, s12;
	v22 =	vld.idx.msk [tilespmem:v24+s24+$0x0], $0xffff  }
0x76: {  	s11 =	sand.u32 $0x380, s12;
	s14 =	sand.u32 $0x1C00, s13;
	s10 =	sor.u32 $0x10, s9;
	v25 =	vld.idx.msk [tilespmem:v25+s23+$0x0], $0xffff  }
0x77: {  	s14 =	sor.u32 $0x10100, s14;
	v20 =	vld.idx.msk [tilespmem:v24+s23+$0x0], $0xffff;
	s11 =	sor.u32 s10, s11  }
0x78: {  	s1 =	sor.u32 s10, s14;
	v16 =	vld [tilespmem:s11+$0x0]  }
0x79: {  	v33 =	vld [tilespmem:s1+$0x0]  }
0x7a: {  	v24 =	vadd.s32 v4, v18;
	v21 =	vmul.f32 v17, v21;
	v17 =	vld [tilespmem:s4+$0x0]  }
0x7b: {  	v56 =	vld [tilespmem:s1+$0x80];
	v22 =	vmul.f32 v22, v23;
	v23 =	vadd.s32 v4, v19  }
0x7c: {  	v59 =	vld [tilespmem:s1+$0x100];
	v21 =	vadd.f32 v21, v25  }
0x7d: {  	v20 =	vadd.f32 v22, v20;
	v22 =	vld [tilespmem:s3+$0x200]  }
0x7e: {  	v25 =	vld [tilespmem:s8+$0x200];
	[tilespmem:s3+$0x180] =	vst v21  }
0x7f: {  	[tilespmem:s8+$0x180] =	vst v20;
	v20 =	vld.idx.msk [tilespmem:v24+s24+$0x0], $0xffff;
	v21 =	vadd.s32 v0, v17  }
0x80: {  	v31 =	vadd.s32 v0, v16;
	v30 =	vld.idx.msk [tilespmem:v23+s24+$0x0], $0xffff  }
0x81: {  	v24 =	vld.idx.msk [tilespmem:v24+s23+$0x0], $0xffff  }
0x82: {  	s11 =	sor.u32 s20, s6;
	v23 =	vld.idx.msk [tilespmem:v23+s23+$0x0], $0xffff  }
0x83: {  	v32 =	vld [tilespmem:s11+$0x0]  }
0x84: {  	v34 =	vld.idx.msk [tilespmem:v21+s24+$0x0], $0xffff;
	v20 =	vmul.f32 v20, v22;
	v22 =	vadd.s32 v5, v18  }
0x85: {  	v35 =	vld.idx.msk [tilespmem:v31+s24+$0x0], $0xffff;
	v25 =	vmul.f32 v30, v25;
	v30 =	vadd.s32 v5, v19  }
0x86: {  	v21 =	vld.idx.msk [tilespmem:v21+s23+$0x0], $0xffff;
	v20 =	vadd.f32 v20, v24  }
0x87: {  	v24 =	vld.idx.msk [tilespmem:v31+s23+$0x0], $0xffff;
	v23 =	vadd.f32 v25, v23  }
0x88: {  	v25 =	vld [tilespmem:s8+$0x280];
	[tilespmem:s3+$0x200] =	vst v20  }
0x89: {  	v31 =	vadd.s32 v1, v17;
	[tilespmem:s8+$0x200] =	vst v23;
	v20 =	vld.idx.msk [tilespmem:v22+s24+$0x0], $0xffff;
	v23 =	vmul.f32 v34, v32  }
0x8a: {  	v55 =	vadd.s32 v1, v16;
	v33 =	vmul.f32 v35, v33;
	v54 =	vld.idx.msk [tilespmem:v30+s24+$0x0], $0xffff  }
0x8b: {  	v22 =	vld.idx.msk [tilespmem:v22+s23+$0x0], $0xffff;
	v21 =	vadd.f32 v23, v21  }
0x8c: {  	v23 =	vld.idx.msk [tilespmem:v30+s23+$0x0], $0xffff;
	v24 =	vadd.f32 v33, v24  }
0x8d: {  	v30 =	vld [tilespmem:s11+$0x80];
	[tilespmem:s11+$0x0] =	vst v21  }
0x8e: {  	[tilespmem:s1+$0x0] =	vst v24;
	v24 =	vadd.s32 v6, v18;
	v21 =	vld.idx.msk [tilespmem:v31+s24+$0x0], $0xffff;
	v20 =	vmul.f32 v20, v28  }
0x8f: {  	v28 =	vld.idx.msk [tilespmem:v55+s24+$0x0], $0xffff;
	v25 =	vmul.f32 v54, v25  }
0x90: {  	v31 =	vld.idx.msk [tilespmem:v31+s23+$0x0], $0xffff;
	v20 =	vadd.f32 v20, v22  }
0x91: {  	s15 =	simm.s32 $0x1;
	v57 =	vadd.s32 v6, v19;
	v22 =	vld.idx.msk [tilespmem:v55+s23+$0x0], $0xffff;
	v23 =	vadd.f32 v25, v23  }
0x92: {  	s6 =	sand.u32 $0x3, s15;
	v25 =	vld [tilespmem:s11+$0x100];
	[tilespmem:s3+$0x280] =	vst v20  }
0x93: {  	s16 =	sshll.u32 s6, $0x5;
	[tilespmem:s8+$0x280] =	vst v23;
	v23 =	vadd.s32 v2, v17;
	v20 =	vld.idx.msk [tilespmem:v24+s23+$0x0], $0xffff;
	v21 =	vmul.f32 v21, v30  }
0x94: {  	s19 =	sor.u32 $0x300, s5;
	s3 =	sadd.s32 $0x100, s16;
	v24 =	vld.idx.msk [tilespmem:v24+s24+$0x0], $0xffff;
	v28 =	vmul.f32 v28, v56;
	v30 =	vadd.s32 v2, v16  }
0x95: {  	s18 =	sadd.s32 $0x10, s3;
	v21 =	vadd.f32 v21, v31;
	v31 =	vld [tilespmem:s19+$0x10100]  }
0x96: {  	v58 =	vld.idx.msk [tilespmem:v57+s24+$0x0], $0xffff;
	s16 =	sor.u32 $0x300, s18;
	v22 =	vadd.f32 v28, v22  }
0x97: {  	v28 =	vld [tilespmem:s16+$0x10100];
	[tilespmem:s11+$0x80] =	vst v21  }
0x98: {  	[tilespmem:s1+$0x80] =	vst v22;
	v21 =	vld.idx.msk [tilespmem:v23+s24+$0x0], $0xffff  }
0x99: {  	v22 =	vld.idx.msk [tilespmem:v30+s24+$0x0], $0xffff  }
0x9a: {  	v60 =	vld.idx.msk [tilespmem:v23+s23+$0x0], $0xffff;
	v23 =	vmul.f32 v24, v31  }
0x9b: {  	v24 =	vld.idx.msk [tilespmem:v30+s23+$0x0], $0xffff;
	v30 =	vadd.s32 v7, v18  }
0x9c: {  	v31 =	vld.idx.msk [tilespmem:v57+s23+$0x0], $0xffff;
	v20 =	vadd.f32 v23, v20  }
0x9d: {  	s20 =	sor.u32 s17, s17;
	v18 =	vld [tilespmem:s11+$0x280]  }
0x9e: {  	s5 =	sor.u32 $0x380, s20;
	v61 =	vadd.s32 v3, v17;
	v23 =	vld [tilespmem:s11+$0x180];
	v21 =	vmul.f32 v21, v25;
	[tilespmem:s19+$0x10100] =	vst v20  }
0x9f: {  	v20 =	vmul.f32 v22, v59;
	v62 =	vld [tilespmem:s5+$0x10100]  }
0xa0: {  	v22 =	vadd.s32 v3, v16;
	v21 =	vadd.f32 v21, v60;
	v63 =	vld.idx.msk [tilespmem:v30+s24+$0x0], $0xffff  }
0xa1: {  	v25 =	vadd.f32 v20, v24;
	v20 =	vld.idx.msk [tilespmem:v30+s23+$0x0], $0xffff;
	v30 =	vmul.f32 v58, v28  }
0xa2: {  	v24 =	vld [tilespmem:s1+$0x180];
	[tilespmem:s11+$0x100] =	vst v21;
	v21 =	vadd.s32 v7, v19;
	v19 =	vmul.f32 v26, v27  }
0xa3: {  	s2 =	simm.s32 $0x2;
	v28 =	vld.idx.msk [tilespmem:v61+s24+$0x0], $0xffff;
	v26 =	vadd.f32 v30, v31  }
0xa4: {  	s21 =	sand.u32 $0x3, s2;
	[tilespmem:s1+$0x100] =	vst v25;
	v27 =	vld.idx.msk [tilespmem:v61+s23+$0x0], $0xffff;
	v19 =	vadd.f32 v19, v29  }
0xa5: {  	s15 =	sor.u32 s22, s4;
	s22 =	sshll.u32 s21, $0x5;
	v25 =	vld.idx.msk [tilespmem:v22+s24+$0x0], $0xffff;
	[tilespmem:s16+$0x10100] =	vst v26  }
0xa6: {  	s12 =	sor.u32 s13, s12;
	s6 =	simm.s32 $0x4;
	s0 =	sadd.s32 $0x200, s22;
	v26 =	vld.idx.msk [tilespmem:v22+s23+$0x0], $0xffff;
	[tilespmem:s7+$0x10100] =	vst v19;
	v19 =	vmul.f32 v63, v62  }
0xa7: {  	s17 =	sor.u32 $0x380, s18;
	s16 =	sadd.s32 $0x10, s0;
	s7 =	simm.s32 $0x60;
	v22 =	vld.idx.msk [tilespmem:v21+s24+$0x0], $0xffff  }
.LBB2_2:
0xa8: {  	s20 =	sand.u32 $0x60, s7;
	s6 =	sadd.s32 $0x2, s6;
	v29 =	vld [tilespmem:s17+$0x10100];
	v19 =	vadd.f32 v19, v20  }
0xa9: {  	s10 =	sand.u32 $0x380, s7;
	v23 =	vmul.f32 v28, v23;
	v28 =	vadd.s32 v4, v17;
	s4 =	sadd.s32 $0x20, s4;
	s21 =	sor.u32 $0x10, s20;
	v21 =	vld.idx.msk [tilespmem:v21+s23+$0x0], $0xffff  }
0xaa: {  	p0 =	slt.u32 s6, $0x3E;
	v24 =	vmul.f32 v25, v24;
	v25 =	vadd.s32 v4, v16;
	s10 =	sor.u32 s21, s10;
	v20 =	vld [tilespmem:s4+$0x0];
	[tilespmem:s5+$0x10100] =	vst v19  }
0xab: {  	v23 =	vadd.f32 v23, v27;
	v19 =	vld [tilespmem:s10+$0x0]  }
0xac: {  	v24 =	vadd.f32 v24, v26;
	v26 =	vld [tilespmem:s11+$0x200]  }
0xad: {  	s2 =	sadd.s32 $0x1, s2;
	v27 =	vld [tilespmem:s1+$0x200];
	[tilespmem:s11+$0x180] =	vst v23;
	v22 =	vmul.f32 v22, v29  }
0xae: {  	s5 =	sand.u32 $0x3, s2;
	[tilespmem:s1+$0x180] =	vst v24;
	v23 =	vld.idx.msk [tilespmem:v28+s24+$0x0], $0xffff  }
0xaf: {  	s13 =	sadd.s32 $0x100, s13;
	s5 =	sshll.u32 s5, $0x5;
	v24 =	vadd.s32 v0, v20;
	v29 =	vld.idx.msk [tilespmem:v25+s24+$0x0], $0xffff;
	v21 =	vadd.f32 v22, v21  }
0xb0: {  	s22 =	sand.u32 $0x1C00, s13;
	s19 =	sor.u32 s13, s7;
	s5 =	sadd.s32 s5, s13;
	v22 =	vadd.s32 v0, v19;
	v28 =	vld.idx.msk [tilespmem:v28+s23+$0x0], $0xffff  }
0xb1: {  	s10 =	sor.u32 s9, s14;
	s14 =	sor.u32 $0x10100, s22;
	s18 =	sadd.s32 $0x10, s5;
	v25 =	vld.idx.msk [tilespmem:v25+s23+$0x0], $0xffff;
	[tilespmem:s17+$0x10100] =	vst v21  }
0xb2: {  	s9 =	smov.u32 s20;
	s17 =	sor.u32 s21, s14;
	v21 =	vld [tilespmem:s10+$0x0]  }
0xb3: {  	v30 =	vld [tilespmem:s17+$0x0]  }
0xb4: {  	v23 =	vmul.f32 v23, v26;
	v26 =	vadd.s32 v5, v17;
	v31 =	vld.idx.msk [tilespmem:v24+s24+$0x0], $0xffff  }
0xb5: {  	v27 =	vmul.f32 v29, v27;
	v29 =	vadd.s32 v5, v16;
	v32 =	vld.idx.msk [tilespmem:v22+s24+$0x0], $0xffff  }
0xb6: {  	v23 =	vadd.f32 v23, v28;
	v24 =	vld.idx.msk [tilespmem:v24+s23+$0x0], $0xffff  }
0xb7: {  	v25 =	vadd.f32 v27, v25;
	v22 =	vld.idx.msk [tilespmem:v22+s23+$0x0], $0xffff  }
0xb8: {  	v27 =	vld [tilespmem:s1+$0x280];
	[tilespmem:s11+$0x200] =	vst v23  }
0xb9: {  	[tilespmem:s1+$0x200] =	vst v25;
	v23 =	vld.idx.msk [tilespmem:v26+s24+$0x0], $0xffff  }
0xba: {  	v21 =	vmul.f32 v31, v21;
	v25 =	vadd.s32 v1, v20;
	v28 =	vld.idx.msk [tilespmem:v29+s24+$0x0], $0xffff  }
0xbb: {  	v31 =	vadd.s32 v1, v19;
	v30 =	vmul.f32 v32, v30;
	v26 =	vld.idx.msk [tilespmem:v26+s23+$0x0], $0xffff  }
0xbc: {  	v21 =	vadd.f32 v21, v24;
	v24 =	vld.idx.msk [tilespmem:v29+s23+$0x0], $0xffff  }
0xbd: {  	v22 =	vadd.f32 v30, v22;
	v29 =	vld [tilespmem:s10+$0x80]  }
0xbe: {  	v30 =	vld [tilespmem:s17+$0x80];
	[tilespmem:s10+$0x0] =	vst v21  }
0xbf: {  	v18 =	vmul.f32 v23, v18;
	[tilespmem:s17+$0x0] =	vst v22;
	v21 =	vld.idx.msk [tilespmem:v25+s24+$0x0], $0xffff;
	v22 =	vadd.s32 v6, v17  }
0xc0: {  	v27 =	vmul.f32 v28, v27;
	v23 =	vld.idx.msk [tilespmem:v31+s24+$0x0], $0xffff  }
0xc1: {  	v28 =	vadd.s32 v6, v16;
	v18 =	vadd.f32 v18, v26;
	v25 =	vld.idx.msk [tilespmem:v25+s23+$0x0], $0xffff  }
0xc2: {  	v24 =	vadd.f32 v27, v24;
	v26 =	vld.idx.msk [tilespmem:v31+s23+$0x0], $0xffff  }
0xc3: {  	v27 =	vld [tilespmem:s10+$0x100];
	[tilespmem:s11+$0x280] =	vst v18;
	s11 =	smov.u32 s10  }
0xc4: {  	[tilespmem:s1+$0x280] =	vst v24;
	v18 =	vld.idx.msk [tilespmem:v22+s23+$0x0], $0xffff;
	s1 =	smov.u32 s17  }
0xc5: {  	s10 =	sor.u32 $0x300, s3;
	s3 =	smov.u32 s0;
	s0 =	smov.u32 s5;
	v21 =	vmul.f32 v21, v29;
	v24 =	vadd.s32 v2, v20;
	v22 =	vld.idx.msk [tilespmem:v22+s24+$0x0], $0xffff  }
0xc6: {  	v29 =	vadd.s32 v2, v19;
	v23 =	vmul.f32 v23, v30;
	v30 =	vld.idx.msk [tilespmem:v28+s24+$0x0], $0xffff  }
0xc7: {  	s17 =	sor.u32 $0x300, s16;
	v21 =	vadd.f32 v21, v25;
	v25 =	vld [tilespmem:s10+$0x10100]  }
0xc8: {  	v23 =	vadd.f32 v23, v26;
	v26 =	vld [tilespmem:s17+$0x10100]  }
0xc9: {  	v31 =	vld [tilespmem:s1+$0x100];
	[tilespmem:s11+$0x80] =	vst v21  }
0xca: {  	[tilespmem:s1+$0x80] =	vst v23;
	v21 =	vld.idx.msk [tilespmem:v24+s24+$0x0], $0xffff  }
0xcb: {  	v32 =	vld.idx.msk [tilespmem:v29+s24+$0x0], $0xffff  }
0xcc: {  	v24 =	vld.idx.msk [tilespmem:v24+s23+$0x0], $0xffff;
	v22 =	vmul.f32 v22, v25  }
0xcd: {  	v25 =	vld.idx.msk [tilespmem:v29+s23+$0x0], $0xffff;
	v26 =	vmul.f32 v30, v26;
	v29 =	vadd.s32 v7, v17;
	v17 =	vmov v20  }
0xce: {  	v28 =	vld.idx.msk [tilespmem:v28+s23+$0x0], $0xffff;
	v20 =	vadd.f32 v22, v18  }
0xcf: {  	v18 =	vld [tilespmem:s11+$0x280]  }
0xd0: {  	s5 =	sor.u32 $0x380, s15;
	s15 =	smov.u32 s12;
	s12 =	smov.u32 s19;
	v22 =	vadd.s32 v3, v17;
	v21 =	vmul.f32 v21, v27;
	v23 =	vld [tilespmem:s11+$0x180];
	[tilespmem:s10+$0x10100] =	vst v20  }
0xd1: {  	v30 =	vadd.s32 v3, v19;
	v20 =	vmul.f32 v32, v31;
	v31 =	vld [tilespmem:s5+$0x10100]  }
0xd2: {  	v21 =	vadd.f32 v21, v24;
	v32 =	vld.idx.msk [tilespmem:v29+s24+$0x0], $0xffff  }
0xd3: {  	v25 =	vadd.f32 v20, v25;
	v20 =	vld.idx.msk [tilespmem:v29+s23+$0x0], $0xffff  }
0xd4: {  	v26 =	vadd.f32 v26, v28;
	v24 =	vld [tilespmem:s1+$0x180];
	[tilespmem:s11+$0x100] =	vst v21;
	v21 =	vadd.s32 v7, v16;
	v16 =	vmov v19  }
.Ltmp0:
0xd5: {  	[tilespmem:s1+$0x100] =	vst v25;
	v28 =	vld.idx.msk [tilespmem:v22+s24+$0x0], $0xffff;
	(pc) =	sbr.rel @p0 .LBB2_2-.Ltmp0, $4  }
0xd6: {  	v25 =	vld.idx.msk [tilespmem:v30+s24+$0x0], $0xffff;
	[tilespmem:s17+$0x10100] =	vst v26  }
0xd7: {  	v27 =	vld.idx.msk [tilespmem:v22+s23+$0x0], $0xffff  }
0xd8: {  	v19 =	vmul.f32 v32, v31;
	v26 =	vld.idx.msk [tilespmem:v30+s23+$0x0], $0xffff  }
0xd9: {  	s7 =	sadd.s32 $0x20, s7;
	s17 =	sor.u32 $0x380, s16;
	s16 =	smov.u32 s18;
	v22 =	vld.idx.msk [tilespmem:v21+s24+$0x0], $0xffff  }
0xda: {  	s2 =	sadd.s32 $0x20, s4  }
0xdb: {  	v29 =	vld [tilespmem:s2+$0x0];
	_ =	sdelay $0x4  }
0xdc: {  	v30 =	vadd.s32 v0, v29;
	_ =	sdelay $0x2  }
0xdd: {  	s21 =	sor.u32 s9, s14  }
0xde: {  	v31 =	vld [tilespmem:s21+$0x0]  }
0xdf: {  	v32 =	vld.idx.msk [tilespmem:v30+s24+$0x0], $0xffff;
	_ =	sdelay $0x1  }
0xe0: {  	v30 =	vld.idx.msk [tilespmem:v30+s23+$0x0], $0xffff;
	_ =	sdelay $0x2  }
0xe1: {  	v56 =	vadd.s32 v1, v29;
	v31 =	vmul.f32 v32, v31;
	_ =	sdelay $0x1  }
0xe2: {  	v30 =	vadd.f32 v31, v30;
	_ =	sdelay $0x1  }
0xe3: {  	v57 =	vld [tilespmem:s21+$0x80];
	[tilespmem:s21+$0x0] =	vst v30  }
0xe4: {  	v30 =	vld.idx.msk [tilespmem:v56+s24+$0x0], $0xffff;
	_ =	sdelay $0x1  }
0xe5: {  	v32 =	vld.idx.msk [tilespmem:v56+s23+$0x0], $0xffff;
	_ =	sdelay $0x2  }
0xe6: {  	v58 =	vadd.s32 v2, v29;
	v30 =	vmul.f32 v30, v57;
	_ =	sdelay $0x1  }
0xe7: {  	v30 =	vadd.f32 v30, v32;
	_ =	sdelay $0x1  }
0xe8: {  	v59 =	vld [tilespmem:s21+$0x100];
	[tilespmem:s21+$0x80] =	vst v30  }
0xe9: {  	v30 =	vld.idx.msk [tilespmem:v58+s24+$0x0], $0xffff;
	_ =	sdelay $0x1  }
0xea: {  	v31 =	vld.idx.msk [tilespmem:v58+s23+$0x0], $0xffff;
	_ =	sdelay $0x2  }
0xeb: {  	v60 =	vadd.s32 v3, v29;
	v30 =	vmul.f32 v30, v59;
	_ =	sdelay $0x1  }
0xec: {  	v30 =	vadd.f32 v30, v31;
	_ =	sdelay $0x1  }
0xed: {  	v23 =	vmul.f32 v28, v23;
	v61 =	vadd.s32 v4, v17;
	v62 =	vld [tilespmem:s21+$0x180];
	[tilespmem:s21+$0x100] =	vst v30  }
0xee: {  	v30 =	vld.idx.msk [tilespmem:v60+s24+$0x0], $0xffff  }
0xef: {  	v23 =	vadd.f32 v23, v27  }
0xf0: {  	v24 =	vmul.f32 v25, v24;
	v25 =	vadd.s32 v4, v16;
	v32 =	vld.idx.msk [tilespmem:v60+s23+$0x0], $0xffff  }
0xf1: {  	v27 =	vld [tilespmem:s11+$0x200];
	[tilespmem:s11+$0x180] =	vst v23  }
0xf2: {  	v23 =	vadd.f32 v24, v26;
	v24 =	vld.idx.msk [tilespmem:v61+s24+$0x0], $0xffff  }
0xf3: {  	v26 =	vld [tilespmem:s1+$0x200];
	v63 =	vadd.s32 v4, v29;
	v30 =	vmul.f32 v30, v62  }
0xf4: {  	[tilespmem:s1+$0x180] =	vst v23;
	v23 =	vld.idx.msk [tilespmem:v61+s23+$0x0], $0xffff  }
0xf5: {  	v36 =	vld.idx.msk [tilespmem:v25+s24+$0x0], $0xffff;
	v30 =	vadd.f32 v30, v32  }
0xf6: {  	v37 =	vld [tilespmem:s21+$0x200]  }
0xf7: {  	v25 =	vld.idx.msk [tilespmem:v25+s23+$0x0], $0xffff;
	v24 =	vmul.f32 v24, v27;
	v27 =	vadd.s32 v5, v17;
	[tilespmem:s21+$0x180] =	vst v30  }
0xf8: {  	v30 =	vld.idx.msk [tilespmem:v63+s24+$0x0], $0xffff  }
0xf9: {  	v23 =	vadd.f32 v24, v23  }
0xfa: {  	v24 =	vmul.f32 v36, v26;
	v26 =	vadd.s32 v5, v16;
	v38 =	vld.idx.msk [tilespmem:v63+s23+$0x0], $0xffff  }
0xfb: {  	[tilespmem:s11+$0x200] =	vst v23  }
0xfc: {  	v23 =	vadd.f32 v24, v25;
	v24 =	vld.idx.msk [tilespmem:v27+s24+$0x0], $0xffff  }
0xfd: {  	v39 =	vadd.s32 v5, v29;
	v25 =	vld [tilespmem:s1+$0x280];
	v30 =	vmul.f32 v30, v37  }
0xfe: {  	[tilespmem:s1+$0x200] =	vst v23;
	v23 =	vld.idx.msk [tilespmem:v27+s23+$0x0], $0xffff  }
0xff: {  	v27 =	vld.idx.msk [tilespmem:v26+s24+$0x0], $0xffff;
	v28 =	vadd.f32 v30, v38  }
0x100: {  	v40 =	vld [tilespmem:s21+$0x280]  }
0x101: {  	v26 =	vld.idx.msk [tilespmem:v26+s23+$0x0], $0xffff;
	v18 =	vmul.f32 v24, v18;
	v24 =	vadd.s32 v6, v17;
	[tilespmem:s21+$0x200] =	vst v28  }
0x102: {  	v28 =	vld.idx.msk [tilespmem:v39+s24+$0x0], $0xffff  }
0x103: {  	v18 =	vadd.f32 v18, v23  }
0x104: {  	v23 =	vmul.f32 v27, v25;
	v25 =	vadd.s32 v6, v16;
	v27 =	vld.idx.msk [tilespmem:v39+s23+$0x0], $0xffff  }
0x105: {  	[tilespmem:s11+$0x280] =	vst v18  }
0x106: {  	v18 =	vadd.f32 v23, v26;
	v23 =	vld.idx.msk [tilespmem:v24+s23+$0x0], $0xffff  }
0x107: {  	s3 =	sor.u32 $0x300, s3;
	v41 =	vadd.s32 v6, v29;
	v24 =	vld.idx.msk [tilespmem:v24+s24+$0x0], $0xffff;
	v26 =	vmul.f32 v28, v40  }
0x108: {  	[tilespmem:s1+$0x280] =	vst v18;
	v18 =	vld [tilespmem:s3+$0x10100]  }
0x109: {  	v42 =	vld.idx.msk [tilespmem:v25+s24+$0x0], $0xffff;
	v26 =	vadd.f32 v26, v27  }
0x10a: {  	s22 =	sor.u32 $0x300, s16;
	v25 =	vld.idx.msk [tilespmem:v25+s23+$0x0], $0xffff  }
0x10b: {  	v27 =	vld [tilespmem:s22+$0x10100];
	[tilespmem:s21+$0x280] =	vst v26  }
0x10c: {  	s0 =	sor.u32 $0x300, s0;
	v26 =	vld.idx.msk [tilespmem:v41+s24+$0x0], $0xffff  }
0x10d: {  	v18 =	vmul.f32 v24, v18;
	v24 =	vld [tilespmem:s0+$0x10100]  }
0x10e: {  	v17 =	vadd.s32 v7, v17  }
0x10f: {  	v18 =	vadd.f32 v18, v23;
	v23 =	vld.idx.msk [tilespmem:v41+s23+$0x0], $0xffff  }
0x110: {  	v43 =	vld [tilespmem:s17+$0x10100];
	v16 =	vadd.s32 v7, v16;
	v27 =	vmul.f32 v42, v27  }
0x111: {  	v21 =	vld.idx.msk [tilespmem:v21+s23+$0x0], $0xffff;
	s4 =	sor.u32 $0x380, s15;
	[tilespmem:s3+$0x10100] =	vst v18  }
0x112: {  	v18 =	vld [tilespmem:s4+$0x10100];
	v25 =	vadd.f32 v27, v25;
	v24 =	vmul.f32 v26, v24  }
0x113: {  	v27 =	vadd.s32 v7, v29;
	v26 =	vld.idx.msk [tilespmem:v17+s24+$0x0], $0xffff  }
0x114: {  	v17 =	vld.idx.msk [tilespmem:v17+s23+$0x0], $0xffff;
	[tilespmem:s22+$0x10100] =	vst v25;
	v23 =	vadd.f32 v24, v23  }
0x115: {  	s6 =	sor.u32 $0x380, s16;
	v24 =	vld.idx.msk [tilespmem:v16+s24+$0x0], $0xffff  }
0x116: {  	s7 =	sor.u32 $0x380, s12;
	v25 =	vld [tilespmem:s6+$0x10100];
	[tilespmem:s0+$0x10100] =	vst v23  }
0x117: {  	v23 =	vld [tilespmem:s7+$0x10100]  }
0x118: {  	v29 =	vld.idx.msk [tilespmem:v27+s24+$0x0], $0xffff  }
0x119: {  	v16 =	vld.idx.msk [tilespmem:v16+s23+$0x0], $0xffff  }
0x11a: {  	v22 =	vmul.f32 v22, v43;
	v27 =	vld.idx.msk [tilespmem:v27+s23+$0x0], $0xffff  }
0x11b: {  	v19 =	vadd.f32 v19, v20;
	v18 =	vmul.f32 v26, v18  }
0x11c: {  	v20 =	vadd.f32 v22, v21;
	v21 =	vmul.f32 v24, v25  }
0x11d: {  	[tilespmem:s5+$0x10100] =	vst v19;
	v17 =	vadd.f32 v18, v17;
	v18 =	vmul.f32 v29, v23  }
0x11e: {  	[tilespmem:s17+$0x10100] =	vst v20;
	v16 =	vadd.f32 v21, v16  }
0x11f: {  	[tilespmem:s4+$0x10100] =	vst v17;
	v17 =	vadd.f32 v18, v27  }
0x120: {  	[tilespmem:s6+$0x10100] =	vst v16  }
0x121: {  	[tilespmem:s7+$0x10100] =	vst v17  }
0x122: {  	s8 =	simm.s32 $0x0;
	s1 =	rddreg [dreg:$0xc]  }
0x123: {  	[hbm4b:s1+s8] =	stream.linear.scatter [tilespmem:s26], [sflag:$0x5], $0x2000, $0x38;
	[tilespmem:$0x18100] =	vst v63  }
0x124: {  	s10 =	simm.s32 $0x16100;
	s11 =	simm.s32 $0x2;
	s9 =	rddreg [dreg:$0xd]  }
0x125: {  	[tilespmem:s10], [sflag:$0x4] =	stream.linear.gather [hbm4b:s9+s8], $0x2000, $0x38;
	[tilespmem:$0x18100] =	vst v63  }
0x126: {  	_ =	swait.ge [sflag:s11], $0x2000  }
0x127: {  	[sflag:s11] =	ssyncset.done $0x0  }
0x128: {  	s12 =	sand.u32 $0x3E0, s8;
	[sflag:s11] =	ssyncadd.s32 $0xFFFFE000  }
0x129: {  	v19 =	vld [tilespmem:s12+$0x400];
	_ =	sdelay $0x1  }
0x12a: {  	s13 =	simm.s32 $0x410  }
0x12b: {  	v18 =	vld [tilespmem:s13+$0x0];
	_ =	sdelay $0x1  }
0x12c: {  	v16 =	vadd.s32 v0, v19;
	_ =	sdelay $0x1  }
0x12d: {  	s14 =	sand.u32 $0x60, s8;
	s15 =	sand.u32 $0x1C00, s8  }
0x12e: {  	s16 =	sor.u32 s14, s15;
	v17 =	vadd.s32 v0, v18  }
0x12f: {  	v20 =	vld [tilespmem:s16+$0x12100]  }
0x130: {  	v21 =	vld.idx.msk [tilespmem:v16+s24+$0x0], $0xffff  }
0x131: {  	v23 =	vld [tilespmem:s16+$0x12110]  }
0x132: {  	v16 =	vld.idx.msk [tilespmem:v16+s23+$0x0], $0xffff  }
0x133: {  	v22 =	vld.idx.msk [tilespmem:v17+s24+$0x0], $0xffff;
	_ =	sdelay $0x1  }
0x134: {  	v17 =	vld.idx.msk [tilespmem:v17+s23+$0x0], $0xffff;
	v20 =	vmul.f32 v21, v20;
	v21 =	vadd.s32 v1, v19;
	_ =	sdelay $0x1  }
0x135: {  	v16 =	vadd.f32 v20, v16  }
0x136: {  	v20 =	vmul.f32 v22, v23;
	v22 =	vadd.s32 v1, v18  }
0x137: {  	v23 =	vld [tilespmem:s16+$0x12180];
	[tilespmem:s16+$0x12100] =	vst v16  }
0x138: {  	v16 =	vadd.f32 v20, v17;
	v17 =	vld.idx.msk [tilespmem:v21+s24+$0x0], $0xffff  }
0x139: {  	v20 =	vld.idx.msk [tilespmem:v21+s23+$0x0], $0xffff  }
0x13a: {  	v21 =	vld [tilespmem:s16+$0x12190];
	[tilespmem:s16+$0x12110] =	vst v16  }
0x13b: {  	v16 =	vld.idx.msk [tilespmem:v22+s24+$0x0], $0xffff;
	_ =	sdelay $0x1  }
0x13c: {  	v22 =	vld.idx.msk [tilespmem:v22+s23+$0x0], $0xffff;
	v17 =	vmul.f32 v17, v23;
	v23 =	vadd.s32 v2, v19;
	_ =	sdelay $0x1  }
0x13d: {  	v17 =	vadd.f32 v17, v20  }
0x13e: {  	v16 =	vmul.f32 v16, v21;
	v20 =	vadd.s32 v2, v18  }
0x13f: {  	v24 =	vld [tilespmem:s16+$0x12200];
	[tilespmem:s16+$0x12180] =	vst v17  }
0x140: {  	v16 =	vadd.f32 v16, v22;
	v17 =	vld.idx.msk [tilespmem:v23+s24+$0x0], $0xffff  }
0x141: {  	v21 =	vld [tilespmem:s16+$0x12210]  }
0x142: {  	[tilespmem:s16+$0x12190] =	vst v16;
	v16 =	vld.idx.msk [tilespmem:v23+s23+$0x0], $0xffff  }
0x143: {  	v22 =	vld.idx.msk [tilespmem:v20+s24+$0x0], $0xffff;
	_ =	sdelay $0x1  }
0x144: {  	v23 =	vadd.s32 v3, v19;
	v20 =	vld.idx.msk [tilespmem:v20+s23+$0x0], $0xffff;
	v17 =	vmul.f32 v17, v24;
	_ =	sdelay $0x1  }
0x145: {  	v25 =	vld [tilespmem:s16+$0x12390];
	v16 =	vadd.f32 v17, v16  }
0x146: {  	v27 =	vld [tilespmem:s16+$0x12380];
	v17 =	vmul.f32 v22, v21  }
0x147: {  	v24 =	vld [tilespmem:s16+$0x12280];
	v21 =	vadd.s32 v3, v18;
	[tilespmem:s16+$0x12200] =	vst v16  }
0x148: {  	v16 =	vadd.f32 v17, v20;
	v17 =	vld.idx.msk [tilespmem:v23+s24+$0x0], $0xffff  }
0x149: {  	s17 =	simm.s32 $0x20;
	v22 =	vld [tilespmem:s16+$0x12290]  }
0x14a: {  	s18 =	sand.u32 $0x3E0, s17;
	s4 =	simm.s32 $0x100;
	v20 =	vld.idx.msk [tilespmem:v23+s23+$0x0], $0xffff  }
0x14b: {  	s19 =	sand.u32 $0x60, s17;
	s6 =	sand.u32 $0x1C00, s4;
	[tilespmem:s16+$0x12210] =	vst v16;
	v16 =	vld [tilespmem:s18+$0x400]  }
0x14c: {  	s1 =	sor.u32 s19, s6;
	v23 =	vld.idx.msk [tilespmem:v21+s24+$0x0], $0xffff  }
0x14d: {  	v33 =	vld [tilespmem:s1+$0x12110];
	v26 =	vadd.s32 v4, v19;
	v24 =	vmul.f32 v17, v24  }
0x14e: {  	s3 =	simm.s32 $0x430;
	v21 =	vld.idx.msk [tilespmem:v21+s23+$0x0], $0xffff  }
0x14f: {  	v17 =	vld [tilespmem:s3+$0x0];
	v20 =	vadd.f32 v24, v20  }
0x150: {  	v44 =	vadd.s32 v0, v16;
	v24 =	vld [tilespmem:s16+$0x12310]  }
0x151: {  	v22 =	vmul.f32 v23, v22;
	v23 =	vadd.s32 v4, v18;
	[tilespmem:s16+$0x12280] =	vst v20;
	v20 =	vld [tilespmem:s16+$0x12300]  }
0x152: {  	v45 =	vld.idx.msk [tilespmem:v26+s24+$0x0], $0xffff  }
0x153: {  	v21 =	vadd.f32 v22, v21;
	v22 =	vld.idx.msk [tilespmem:v26+s23+$0x0], $0xffff  }
0x154: {  	v26 =	vld [tilespmem:s1+$0x12100];
	v46 =	vadd.s32 v0, v17  }
0x155: {  	[tilespmem:s16+$0x12290] =	vst v21;
	v47 =	vld.idx.msk [tilespmem:v44+s24+$0x0], $0xffff  }
0x156: {  	v21 =	vld.idx.msk [tilespmem:v23+s24+$0x0], $0xffff  }
0x157: {  	v28 =	vld.idx.msk [tilespmem:v44+s23+$0x0], $0xffff  }
0x158: {  	v48 =	vadd.s32 v5, v19;
	v23 =	vld.idx.msk [tilespmem:v23+s23+$0x0], $0xffff;
	v20 =	vmul.f32 v45, v20  }
0x159: {  	v49 =	vld.idx.msk [tilespmem:v46+s24+$0x0], $0xffff  }
0x15a: {  	v50 =	vld [tilespmem:s1+$0x12210];
	v20 =	vadd.f32 v20, v22  }
0x15b: {  	v22 =	vld.idx.msk [tilespmem:v46+s23+$0x0], $0xffff;
	v21 =	vmul.f32 v21, v24;
	v24 =	vadd.s32 v5, v18  }
0x15c: {  	v52 =	vld [tilespmem:s1+$0x12180];
	[tilespmem:s16+$0x12300] =	vst v20;
	v20 =	vmul.f32 v47, v26  }
0x15d: {  	v21 =	vadd.f32 v21, v23;
	v51 =	vld.idx.msk [tilespmem:v48+s24+$0x0], $0xffff  }
0x15e: {  	v56 =	vld [tilespmem:s1+$0x12190];
	v26 =	vadd.s32 v1, v16;
	v53 =	vmul.f32 v49, v33;
	v20 =	vadd.f32 v20, v28  }
0x15f: {  	v23 =	vld.idx.msk [tilespmem:v48+s23+$0x0], $0xffff;
	[tilespmem:s16+$0x12310] =	vst v21  }
0x160: {  	v54 =	vadd.s32 v1, v17;
	v21 =	vld.idx.msk [tilespmem:v24+s24+$0x0], $0xffff;
	[tilespmem:s1+$0x12100] =	vst v20;
	v20 =	vadd.f32 v53, v22  }
0x161: {  	v57 =	vld [tilespmem:s1+$0x12200]  }
0x162: {  	v22 =	vld.idx.msk [tilespmem:v24+s23+$0x0], $0xffff;
	[tilespmem:s1+$0x12110] =	vst v20;
	v20 =	vmul.f32 v51, v27;
	v27 =	vadd.s32 v6, v19  }
0x163: {  	v24 =	vld.idx.msk [tilespmem:v26+s24+$0x0], $0xffff  }
0x164: {  	s20 =	sand.u32 $0x3, s8;
	v26 =	vld.idx.msk [tilespmem:v26+s23+$0x0], $0xffff;
	v20 =	vadd.f32 v20, v23  }
0x165: {  	s6 =	sshll.u32 s20, $0x5;
	v55 =	vld.idx.msk [tilespmem:v54+s24+$0x0], $0xffff;
	v21 =	vmul.f32 v21, v25;
	v25 =	vadd.s32 v6, v18  }
0x166: {  	s6 =	sadd.s32 $0x0, s6;
	v23 =	vld.idx.msk [tilespmem:v54+s23+$0x0], $0xffff;
	[tilespmem:s16+$0x12380] =	vst v20  }
0x167: {  	s7 =	sor.u32 $0x300, s6;
	v21 =	vadd.f32 v21, v22;
	v20 =	vld.idx.msk [tilespmem:v27+s24+$0x0], $0xffff  }
0x168: {  	v22 =	vmul.f32 v24, v52;
	v24 =	vadd.s32 v2, v16;
	v58 =	vld [tilespmem:s7+$0x12100]  }
0x169: {  	v27 =	vld.idx.msk [tilespmem:v27+s23+$0x0], $0xffff;
	[tilespmem:s16+$0x12390] =	vst v21  }
0x16a: {  	s21 =	sadd.s32 $0x10, s6;
	v21 =	vadd.f32 v22, v26;
	v22 =	vmul.f32 v55, v56;
	v26 =	vadd.s32 v2, v17;
	v59 =	vld.idx.msk [tilespmem:v25+s24+$0x0], $0xffff  }
0x16b: {  	s6 =	sor.u32 $0x300, s21;
	v25 =	vld.idx.msk [tilespmem:v25+s23+$0x0], $0xffff  }
0x16c: {  	[tilespmem:s1+$0x12180] =	vst v21;
	v21 =	vadd.f32 v22, v23;
	v22 =	vld [tilespmem:s6+$0x12100]  }
0x16d: {  	v19 =	vadd.s32 v7, v19;
	v23 =	vld.idx.msk [tilespmem:v24+s24+$0x0], $0xffff;
	v20 =	vmul.f32 v20, v58  }
0x16e: {  	[tilespmem:s1+$0x12190] =	vst v21;
	v21 =	vld.idx.msk [tilespmem:v24+s23+$0x0], $0xffff  }
0x16f: {  	v24 =	vld.idx.msk [tilespmem:v26+s24+$0x0], $0xffff;
	v27 =	vadd.f32 v20, v27  }
0x170: {  	v26 =	vld.idx.msk [tilespmem:v26+s23+$0x0], $0xffff  }
0x171: {  	s0 =	sor.u32 s8, s8;
	v18 =	vadd.s32 v7, v18;
	v20 =	vld [tilespmem:s1+$0x12290];
	v22 =	vmul.f32 v59, v22;
	[tilespmem:s7+$0x12100] =	vst v27  }
0x172: {  	s10 =	sor.u32 $0x380, s0;
	v27 =	vld.idx.msk [tilespmem:v19+s24+$0x0], $0xffff  }
0x173: {  	v23 =	vmul.f32 v23, v57;
	v61 =	vld [tilespmem:s10+$0x12100];
	v25 =	vadd.f32 v22, v25  }
0x174: {  	v60 =	vadd.s32 v3, v16;
	v19 =	vld.idx.msk [tilespmem:v19+s23+$0x0], $0xffff  }
0x175: {  	v22 =	vld [tilespmem:s1+$0x12280];
	v21 =	vadd.f32 v23, v21;
	[tilespmem:s6+$0x12100] =	vst v25  }
0x176: {  	s11 =	sor.u32 $0x380, s21;
	v62 =	vadd.s32 v3, v17;
	v23 =	vmul.f32 v24, v50;
	v63 =	vld.idx.msk [tilespmem:v18+s24+$0x0], $0xffff  }
0x177: {  	[tilespmem:s1+$0x12200] =	vst v21;
	v21 =	vld [tilespmem:s11+$0x12100]  }
0x178: {  	s6 =	simm.s32 $0x1;
	v23 =	vadd.f32 v23, v26;
	v18 =	vld.idx.msk [tilespmem:v18+s23+$0x0], $0xffff;
	v26 =	vmul.f32 v27, v61  }
0x179: {  	s22 =	sand.u32 $0x3, s6;
	v24 =	vld.idx.msk [tilespmem:v60+s24+$0x0], $0xffff  }
0x17a: {  	s0 =	sshll.u32 s22, $0x5;
	v25 =	vld.idx.msk [tilespmem:v60+s23+$0x0], $0xffff;
	[tilespmem:s1+$0x12210] =	vst v23;
	v19 =	vadd.f32 v26, v19  }
0x17b: {  	s2 =	sor.u32 s4, s17;
	s5 =	sadd.s32 $0x100, s0;
	v23 =	vld.idx.msk [tilespmem:v62+s23+$0x0], $0xffff  }
0x17c: {  	s9 =	simm.s32 $0x40;
	s7 =	simm.s32 $0x2;
	s0 =	sadd.s32 $0x10, s5;
	v26 =	vld.idx.msk [tilespmem:v62+s24+$0x0], $0xffff;
	v21 =	vmul.f32 v63, v21;
	[tilespmem:s10+$0x12100] =	vst v19  }
.LBB2_4:
0x17d: {  	s10 =	sand.u32 $0x3E0, s9;
	s7 =	sadd.s32 $0x2, s7;
	v27 =	vld [tilespmem:s1+$0x12390]  }
0x17e: {  	v22 =	vmul.f32 v24, v22;
	v24 =	vadd.s32 v4, v16;
	v19 =	vld [tilespmem:s10+$0x400];
	p0 =	slt.u32 s7, $0x3E  }
0x17f: {  	s3 =	sadd.s32 $0x20, s3;
	v21 =	vadd.f32 v21, v18;
	v28 =	vld [tilespmem:s1+$0x12380]  }
0x180: {  	s6 =	sadd.s32 $0x1, s6;
	v22 =	vadd.f32 v22, v25;
	v18 =	vld [tilespmem:s3+$0x0]  }
0x181: {  	s10 =	sand.u32 $0x3, s6;
	v25 =	vadd.s32 v4, v17;
	v20 =	vmul.f32 v26, v20;
	v26 =	vld [tilespmem:s1+$0x12310];
	[tilespmem:s11+$0x12100] =	vst v21  }
0x182: {  	s4 =	sadd.s32 $0x100, s4;
	s10 =	sshll.u32 s10, $0x5;
	[tilespmem:s1+$0x12280] =	vst v22;
	v21 =	vld [tilespmem:s1+$0x12300]  }
0x183: {  	s12 =	sand.u32 $0x1C00, s4;
	s13 =	sadd.s32 s10, s4;
	s11 =	sand.u32 $0x60, s9;
	v20 =	vadd.f32 v20, v23;
	v22 =	vadd.s32 v0, v19;
	v29 =	vld.idx.msk [tilespmem:v24+s24+$0x0], $0xffff  }
0x184: {  	s10 =	sor.u32 s11, s12;
	s11 =	sor.u32 s4, s9;
	s12 =	sadd.s32 $0x10, s13;
	v23 =	vld.idx.msk [tilespmem:v24+s23+$0x0], $0xffff  }
0x185: {  	v24 =	vld [tilespmem:s10+$0x12100];
	v30 =	vadd.s32 v0, v18;
	[tilespmem:s1+$0x12290] =	vst v20  }
0x186: {  	v20 =	vld.idx.msk [tilespmem:v25+s24+$0x0], $0xffff  }
0x187: {  	v25 =	vld.idx.msk [tilespmem:v25+s23+$0x0], $0xffff  }
0x188: {  	v31 =	vld.idx.msk [tilespmem:v22+s24+$0x0], $0xffff  }
0x189: {  	v21 =	vmul.f32 v29, v21;
	v29 =	vadd.s32 v5, v16;
	v22 =	vld.idx.msk [tilespmem:v22+s23+$0x0], $0xffff  }
0x18a: {  	v32 =	vld.idx.msk [tilespmem:v30+s24+$0x0], $0xffff  }
0x18b: {  	v21 =	vadd.f32 v21, v23;
	v33 =	vld [tilespmem:s10+$0x12110]  }
0x18c: {  	v20 =	vmul.f32 v20, v26;
	v26 =	vadd.s32 v5, v17;
	v23 =	vld.idx.msk [tilespmem:v30+s23+$0x0], $0xffff  }
0x18d: {  	v30 =	vld [tilespmem:s10+$0x12210];
	[tilespmem:s1+$0x12300] =	vst v21  }
0x18e: {  	v21 =	vmul.f32 v31, v24;
	v24 =	vadd.s32 v1, v19;
	v20 =	vadd.f32 v20, v25;
	v31 =	vld.idx.msk [tilespmem:v29+s24+$0x0], $0xffff  }
0x18f: {  	v25 =	vld.idx.msk [tilespmem:v29+s23+$0x0], $0xffff  }
0x190: {  	v21 =	vadd.f32 v21, v22;
	v22 =	vld [tilespmem:s10+$0x12180];
	v29 =	vmul.f32 v32, v33;
	v32 =	vadd.s32 v1, v18;
	[tilespmem:s1+$0x12310] =	vst v20  }
0x191: {  	v20 =	vld.idx.msk [tilespmem:v26+s24+$0x0], $0xffff  }
0x192: {  	[tilespmem:s10+$0x12100] =	vst v21;
	v21 =	vadd.f32 v29, v23;
	v23 =	vld.idx.msk [tilespmem:v26+s23+$0x0], $0xffff  }
0x193: {  	v26 =	vld.idx.msk [tilespmem:v24+s24+$0x0], $0xffff  }
0x194: {  	v24 =	vld.idx.msk [tilespmem:v24+s23+$0x0], $0xffff;
	[tilespmem:s10+$0x12110] =	vst v21;
	v21 =	vmul.f32 v31, v28;
	v28 =	vadd.s32 v6, v16  }
0x195: {  	v29 =	vld.idx.msk [tilespmem:v32+s24+$0x0], $0xffff  }
0x196: {  	v31 =	vld [tilespmem:s10+$0x12190];
	v21 =	vadd.f32 v21, v25  }
0x197: {  	v20 =	vmul.f32 v20, v27;
	v27 =	vadd.s32 v6, v17;
	v25 =	vld.idx.msk [tilespmem:v32+s23+$0x0], $0xffff  }
0x198: {  	v32 =	vld [tilespmem:s10+$0x12200];
	[tilespmem:s1+$0x12380] =	vst v21  }
0x199: {  	s14 =	sor.u32 $0x300, s5;
	s5 =	smov.u32 s13;
	v21 =	vmul.f32 v26, v22;
	v20 =	vadd.f32 v20, v23;
	v22 =	vld.idx.msk [tilespmem:v28+s24+$0x0], $0xffff  }
0x19a: {  	v23 =	vadd.s32 v2, v19;
	v26 =	vld [tilespmem:s14+$0x12100]  }
0x19b: {  	v21 =	vadd.f32 v21, v24;
	v24 =	vmul.f32 v29, v31;
	v28 =	vld.idx.msk [tilespmem:v28+s23+$0x0], $0xffff;
	[tilespmem:s1+$0x12390] =	vst v20;
	s1 =	smov.u32 s10  }
0x19c: {  	v20 =	vadd.s32 v2, v18;
	v29 =	vld.idx.msk [tilespmem:v27+s24+$0x0], $0xffff  }
0x19d: {  	s10 =	sor.u32 $0x300, s0;
	[tilespmem:s1+$0x12180] =	vst v21;
	v21 =	vadd.f32 v24, v25;
	v24 =	vld.idx.msk [tilespmem:v27+s23+$0x0], $0xffff  }
0x19e: {  	v25 =	vld [tilespmem:s10+$0x12100]  }
0x19f: {  	v27 =	vld.idx.msk [tilespmem:v23+s24+$0x0], $0xffff;
	[tilespmem:s1+$0x12190] =	vst v21;
	v21 =	vmul.f32 v22, v26;
	v22 =	vadd.s32 v7, v16;
	v16 =	vmov v19  }
0x1a0: {  	v19 =	vld.idx.msk [tilespmem:v23+s23+$0x0], $0xffff  }
0x1a1: {  	v23 =	vld.idx.msk [tilespmem:v20+s24+$0x0], $0xffff;
	v21 =	vadd.f32 v21, v28  }
0x1a2: {  	v26 =	vld.idx.msk [tilespmem:v20+s23+$0x0], $0xffff  }
0x1a3: {  	v20 =	vld [tilespmem:s1+$0x12290];
	[tilespmem:s14+$0x12100] =	vst v21;
	v21 =	vmul.f32 v29, v25;
	v25 =	vadd.s32 v7, v17;
	v17 =	vmov v18  }
0x1a4: {  	s13 =	sor.u32 $0x380, s2;
	s2 =	smov.u32 s11;
	v18 =	vld.idx.msk [tilespmem:v22+s24+$0x0], $0xffff  }
0x1a5: {  	v28 =	vadd.s32 v3, v16;
	v27 =	vmul.f32 v27, v32;
	v29 =	vld [tilespmem:s13+$0x12100];
	v21 =	vadd.f32 v21, v24  }
0x1a6: {  	v31 =	vld.idx.msk [tilespmem:v22+s23+$0x0], $0xffff  }
0x1a7: {  	v19 =	vadd.f32 v27, v19;
	v23 =	vmul.f32 v23, v30;
	v22 =	vld [tilespmem:s1+$0x12280];
	[tilespmem:s10+$0x12100] =	vst v21  }
0x1a8: {  	s11 =	sor.u32 $0x380, s0;
	s0 =	smov.u32 s12;
	v21 =	vadd.s32 v3, v17;
	v27 =	vld.idx.msk [tilespmem:v25+s24+$0x0], $0xffff  }
0x1a9: {  	[tilespmem:s1+$0x12200] =	vst v19;
	v19 =	vadd.f32 v23, v26;
	v30 =	vld [tilespmem:s11+$0x12100]  }
.Ltmp1:
0x1aa: {  	v24 =	vld.idx.msk [tilespmem:v28+s24+$0x0], $0xffff;
	v23 =	vmul.f32 v18, v29;
	(pc) =	sbr.rel @p0 .LBB2_4-.Ltmp1, $4  }
0x1ab: {  	v18 =	vld.idx.msk [tilespmem:v25+s23+$0x0], $0xffff  }
0x1ac: {  	v25 =	vld.idx.msk [tilespmem:v28+s23+$0x0], $0xffff;
	[tilespmem:s1+$0x12210] =	vst v19;
	v19 =	vadd.f32 v23, v31  }
0x1ad: {  	v26 =	vld.idx.msk [tilespmem:v21+s24+$0x0], $0xffff  }
0x1ae: {  	s9 =	sadd.s32 $0x20, s9;
	v23 =	vld.idx.msk [tilespmem:v21+s23+$0x0], $0xffff;
	[tilespmem:s13+$0x12100] =	vst v19;
	v21 =	vmul.f32 v27, v30  }
0x1af: {  	v19 =	vmul.f32 v24, v22;
	v47 =	vadd.s32 v4, v16;
	_ =	sdelay $0x1  }
0x1b0: {  	v19 =	vadd.f32 v19, v25  }
0x1b1: {  	v50 =	vadd.s32 v4, v17;
	v20 =	vmul.f32 v26, v20  }
0x1b2: {  	v51 =	vld [tilespmem:s1+$0x12300];
	[tilespmem:s1+$0x12280] =	vst v19  }
0x1b3: {  	v27 =	vld.idx.msk [tilespmem:v47+s24+$0x0], $0xffff;
	v20 =	vadd.f32 v20, v23  }
0x1b4: {  	v52 =	vld [tilespmem:s1+$0x12310]  }
0x1b5: {  	v22 =	vld.idx.msk [tilespmem:v47+s23+$0x0], $0xffff;
	[tilespmem:s1+$0x12290] =	vst v20  }
0x1b6: {  	v20 =	vld.idx.msk [tilespmem:v50+s24+$0x0], $0xffff;
	_ =	sdelay $0x1  }
0x1b7: {  	v53 =	vadd.s32 v5, v16;
	v26 =	vld.idx.msk [tilespmem:v50+s23+$0x0], $0xffff;
	v19 =	vmul.f32 v27, v51;
	_ =	sdelay $0x1  }
0x1b8: {  	v19 =	vadd.f32 v19, v22  }
0x1b9: {  	v54 =	vadd.s32 v5, v17;
	v20 =	vmul.f32 v20, v52  }
0x1ba: {  	v48 =	vld [tilespmem:s1+$0x12380];
	[tilespmem:s1+$0x12300] =	vst v19  }
0x1bb: {  	v19 =	vld.idx.msk [tilespmem:v53+s24+$0x0], $0xffff;
	v20 =	vadd.f32 v20, v26  }
0x1bc: {  	v49 =	vld [tilespmem:s1+$0x12390]  }
0x1bd: {  	v55 =	vld.idx.msk [tilespmem:v53+s23+$0x0], $0xffff;
	[tilespmem:s1+$0x12310] =	vst v20  }
0x1be: {  	v20 =	vld.idx.msk [tilespmem:v54+s24+$0x0], $0xffff;
	_ =	sdelay $0x1  }
0x1bf: {  	v56 =	vadd.s32 v6, v16;
	v22 =	vld.idx.msk [tilespmem:v54+s23+$0x0], $0xffff;
	v19 =	vmul.f32 v19, v48;
	_ =	sdelay $0x1  }
0x1c0: {  	v19 =	vadd.f32 v19, v55  }
0x1c1: {  	v57 =	vadd.s32 v6, v17;
	v20 =	vmul.f32 v20, v49  }
0x1c2: {  	[tilespmem:s1+$0x12380] =	vst v19  }
0x1c3: {  	s3 =	sor.u32 $0x300, s5;
	v19 =	vld.idx.msk [tilespmem:v56+s24+$0x0], $0xffff;
	v20 =	vadd.f32 v20, v22  }
0x1c4: {  	v58 =	vld [tilespmem:s3+$0x12100]  }
0x1c5: {  	v24 =	vld.idx.msk [tilespmem:v56+s23+$0x0], $0xffff;
	[tilespmem:s1+$0x12390] =	vst v20  }
0x1c6: {  	s20 =	sor.u32 $0x300, s0;
	v20 =	vld.idx.msk [tilespmem:v57+s24+$0x0], $0xffff  }
0x1c7: {  	v59 =	vld [tilespmem:s20+$0x12100];
	_ =	sdelay $0x1  }
0x1c8: {  	v23 =	vld.idx.msk [tilespmem:v57+s23+$0x0], $0xffff  }
0x1c9: {  	v16 =	vadd.s32 v7, v16;
	v19 =	vmul.f32 v19, v58;
	_ =	sdelay $0x1  }
0x1ca: {  	v17 =	vadd.s32 v7, v17;
	v19 =	vadd.f32 v19, v24;
	v20 =	vmul.f32 v20, v59;
	_ =	sdelay $0x1  }
0x1cb: {  	[tilespmem:s3+$0x12100] =	vst v19;
	v60 =	vadd.f32 v20, v23  }
0x1cc: {  	s2 =	sor.u32 $0x380, s2;
	v61 =	vld.idx.msk [tilespmem:v16+s24+$0x0], $0xffff  }
0x1cd: {  	v62 =	vld [tilespmem:s2+$0x12100];
	[tilespmem:s20+$0x12100] =	vst v60  }
0x1ce: {  	s21 =	sor.u32 $0x380, s0;
	v19 =	vld.idx.msk [tilespmem:v17+s24+$0x0], $0xffff  }
0x1cf: {  	v63 =	vld [tilespmem:s21+$0x12100]  }
0x1d0: {  	v16 =	vld.idx.msk [tilespmem:v16+s23+$0x0], $0xffff  }
0x1d1: {  	v17 =	vld.idx.msk [tilespmem:v17+s23+$0x0], $0xffff;
	_ =	sdelay $0x1  }
0x1d2: {  	v20 =	vmul.f32 v61, v62  }
0x1d3: {  	v18 =	vadd.f32 v21, v18;
	v19 =	vmul.f32 v19, v63  }
0x1d4: {  	v16 =	vadd.f32 v20, v16  }
0x1d5: {  	[tilespmem:s11+$0x12100] =	vst v18;
	v17 =	vadd.f32 v19, v17  }
0x1d6: {  	[tilespmem:s2+$0x12100] =	vst v16  }
0x1d7: {  	[tilespmem:s21+$0x12100] =	vst v17  }
0x1d8: {  	s22 =	simm.s32 $0x0;
	s14 =	simm.s32 $0x0;
	s0 =	rddreg [dreg:$0xe]  }
0x1d9: {  	[hbm4b:s0+s22] =	stream.linear.scatter [tilespmem:s29], [sflag:$0x6], $0x2000, $0x38;
	[tilespmem:$0x18100] =	vst v63  }
.LBB2_6:
0x1da: {  	s15 =	sshll.u32 s14, $0x2  }
0x1db: {  	s0 =	sadd.s32 $0x4, s15  }
0x1dc: {  	s1 =	sshrl.u32 s0, $0x4;
	s0 =	sshll.u32 s0, $0x1  }
0x1dd: {  	s22 =	sadd.s32 s28, s1;
	s11 =	sand.u32 $0x18, s0  }
0x1de: {  	_ =	swait.ge [sflag:s30], $0x2000;
	s17 =	sshll.u32 s22, $0xE;
	s18 =	sshll.u32 s11, $0x9  }
0x1df: {  	s7 =	simm.s32 $0x0;
	[sflag:s30] =	ssyncset.done $0x0;
	s16 =	sor.u32 s18, s17  }
0x1e0: {  	s19 =	simm.s32 $0x3;
	[sflag:s30] =	ssyncadd.s32 $0xFFFFE000;
	s0 =	sadd.s32 s25, s16  }
0x1e1: {  	[tilespmem:s26], [sflag:$0x1] =	stream.linear.gather [hbm4b:s0+s7], $0x2000, $0x38;
	[tilespmem:$0x18100] =	vst v63  }
0x1e2: {  	_ =	swait.ge [sflag:s19], $0x2000  }
0x1e3: {  	[sflag:s19] =	ssyncset.done $0x0  }
0x1e4: {  	s20 =	sand.u32 $0x3E0, s7;
	[sflag:s19] =	ssyncadd.s32 $0xFFFFE000  }
0x1e5: {  	s21 =	sshrl.u32 s14, $0x2;
	v27 =	vld [tilespmem:s20+$0x800]  }
0x1e6: {  	s4 =	sadd.s32 s28, s21;
	s26 =	sshll.u32 s14, $0x3  }
0x1e7: {  	s30 =	simm.s32 $0x810;
	s2 =	sshll.u32 s4, $0x5;
	s17 =	sand.u32 $0x18, s26  }
0x1e8: {  	s0 =	sor.u32 s17, s2;
	v26 =	vld [tilespmem:s30+$0x0]  }
0x1e9: {  	v16 =	vmov s0  }
0x1ea: {  	v17 =	vadd.s32 v16, v27;
	_ =	sdelay $0x1  }
0x1eb: {  	s3 =	sand.u32 $0x60, s7;
	s2 =	sand.u32 $0x1C00, s7  }
0x1ec: {  	s2 =	sor.u32 s3, s2;
	v18 =	vadd.s32 v16, v26  }
0x1ed: {  	v19 =	vld [tilespmem:s2+$0x14100]  }
0x1ee: {  	v20 =	vld.idx.msk [tilespmem:v17+s24+$0x0], $0xffff  }
0x1ef: {  	v23 =	vld [tilespmem:s2+$0x14110]  }
0x1f0: {  	v21 =	vld.idx.msk [tilespmem:v17+s23+$0x0], $0xffff  }
0x1f1: {  	s5 =	sor.u32 $0x1, s0;
	v22 =	vld.idx.msk [tilespmem:v18+s24+$0x0], $0xffff  }
0x1f2: {  	v17 =	vmov s5  }
0x1f3: {  	v18 =	vld.idx.msk [tilespmem:v18+s23+$0x0], $0xffff;
	v19 =	vmul.f32 v20, v19;
	v20 =	vadd.s32 v17, v27;
	_ =	sdelay $0x1  }
0x1f4: {  	v19 =	vadd.f32 v19, v21  }
0x1f5: {  	v21 =	vmul.f32 v22, v23;
	v22 =	vadd.s32 v17, v26  }
0x1f6: {  	v23 =	vld [tilespmem:s2+$0x14180];
	[tilespmem:s2+$0x14100] =	vst v19  }
0x1f7: {  	v18 =	vadd.f32 v21, v18;
	v19 =	vld.idx.msk [tilespmem:v20+s24+$0x0], $0xffff  }
0x1f8: {  	v24 =	vld [tilespmem:s2+$0x14190]  }
0x1f9: {  	v20 =	vld.idx.msk [tilespmem:v20+s23+$0x0], $0xffff;
	[tilespmem:s2+$0x14110] =	vst v18  }
0x1fa: {  	s6 =	sor.u32 $0x2, s0;
	v21 =	vld.idx.msk [tilespmem:v22+s24+$0x0], $0xffff  }
0x1fb: {  	v18 =	vmov s6  }
0x1fc: {  	v22 =	vld.idx.msk [tilespmem:v22+s23+$0x0], $0xffff;
	v19 =	vmul.f32 v19, v23;
	v23 =	vadd.s32 v18, v27;
	_ =	sdelay $0x1  }
0x1fd: {  	v19 =	vadd.f32 v19, v20  }
0x1fe: {  	v20 =	vmul.f32 v21, v24;
	v21 =	vadd.s32 v18, v26  }
0x1ff: {  	v25 =	vld [tilespmem:s2+$0x14200];
	[tilespmem:s2+$0x14180] =	vst v19  }
0x200: {  	v19 =	vadd.f32 v20, v22;
	v20 =	vld.idx.msk [tilespmem:v23+s24+$0x0], $0xffff  }
0x201: {  	v24 =	vld [tilespmem:s2+$0x14210]  }
0x202: {  	v22 =	vld.idx.msk [tilespmem:v23+s23+$0x0], $0xffff;
	[tilespmem:s2+$0x14190] =	vst v19  }
0x203: {  	s8 =	sor.u32 $0x3, s0;
	v23 =	vld.idx.msk [tilespmem:v21+s24+$0x0], $0xffff  }
0x204: {  	v19 =	vmov s8  }
0x205: {  	v21 =	vld.idx.msk [tilespmem:v21+s23+$0x0], $0xffff;
	v20 =	vmul.f32 v20, v25;
	v25 =	vadd.s32 v19, v27  }
0x206: {  	v28 =	vld [tilespmem:s2+$0x14290]  }
0x207: {  	v29 =	vld [tilespmem:s2+$0x14280];
	v20 =	vadd.f32 v20, v22  }
0x208: {  	v31 =	vld [tilespmem:s2+$0x14390];
	v22 =	vmul.f32 v23, v24;
	v23 =	vadd.s32 v19, v26  }
0x209: {  	s13 =	simm.s32 $0x20;
	v32 =	vld [tilespmem:s2+$0x14380];
	[tilespmem:s2+$0x14200] =	vst v20  }
0x20a: {  	s10 =	sand.u32 $0x3E0, s13;
	v20 =	vadd.f32 v22, v21;
	v21 =	vld.idx.msk [tilespmem:v25+s24+$0x0], $0xffff  }
0x20b: {  	v24 =	vld [tilespmem:s10+$0x800]  }
0x20c: {  	v22 =	vld.idx.msk [tilespmem:v25+s23+$0x0], $0xffff;
	[tilespmem:s2+$0x14210] =	vst v20  }
0x20d: {  	s9 =	sor.u32 $0x4, s0;
	v30 =	vld.idx.msk [tilespmem:v23+s24+$0x0], $0xffff  }
0x20e: {  	v33 =	vld [tilespmem:s2+$0x14300];
	v20 =	vmov s9;
	s9 =	simm.s32 $0x100  }
0x20f: {  	s12 =	sand.u32 $0x60, s13;
	s3 =	simm.s32 $0x830;
	v23 =	vld.idx.msk [tilespmem:v23+s23+$0x0], $0xffff;
	s5 =	sand.u32 $0x1C00, s9;
	v21 =	vmul.f32 v21, v29;
	v29 =	vadd.s32 v20, v27  }
0x210: {  	v25 =	vld [tilespmem:s3+$0x0];
	s1 =	sor.u32 s12, s5  }
0x211: {  	v34 =	vadd.s32 v16, v24;
	v39 =	vld [tilespmem:s1+$0x14110];
	v21 =	vadd.f32 v21, v22  }
0x212: {  	v61 =	vld [tilespmem:s1+$0x14210];
	v22 =	vmul.f32 v30, v28;
	v28 =	vadd.s32 v20, v26  }
0x213: {  	v30 =	vld [tilespmem:s2+$0x14310];
	[tilespmem:s2+$0x14280] =	vst v21  }
0x214: {  	v21 =	vadd.f32 v22, v23;
	v35 =	vld.idx.msk [tilespmem:v29+s24+$0x0], $0xffff  }
0x215: {  	v22 =	vld.idx.msk [tilespmem:v29+s23+$0x0], $0xffff;
	v29 =	vadd.s32 v16, v25  }
0x216: {  	v37 =	vld.idx.msk [tilespmem:v34+s24+$0x0], $0xffff;
	[tilespmem:s2+$0x14290] =	vst v21  }
0x217: {  	s18 =	sor.u32 $0x5, s0;
	v36 =	vld.idx.msk [tilespmem:v28+s24+$0x0], $0xffff  }
0x218: {  	v23 =	vld [tilespmem:s1+$0x14100];
	v21 =	vmov s18  }
0x219: {  	v28 =	vld.idx.msk [tilespmem:v28+s23+$0x0], $0xffff;
	v59 =	vadd.s32 v21, v27;
	v33 =	vmul.f32 v35, v33  }
0x21a: {  	v38 =	vld.idx.msk [tilespmem:v29+s24+$0x0], $0xffff  }
0x21b: {  	v34 =	vld.idx.msk [tilespmem:v34+s23+$0x0], $0xffff;
	v22 =	vadd.f32 v33, v22  }
0x21c: {  	v60 =	vadd.s32 v21, v26;
	v29 =	vld.idx.msk [tilespmem:v29+s23+$0x0], $0xffff;
	v30 =	vmul.f32 v36, v30  }
0x21d: {  	v63 =	vld [tilespmem:s1+$0x14180];
	[tilespmem:s2+$0x14300] =	vst v22  }
0x21e: {  	v22 =	vmul.f32 v37, v23;
	v28 =	vadd.f32 v30, v28;
	v62 =	vld.idx.msk [tilespmem:v59+s24+$0x0], $0xffff  }
0x21f: {  	v47 =	vld [tilespmem:s1+$0x14190];
	v23 =	vadd.s32 v17, v24;
	v42 =	vmul.f32 v38, v39  }
0x220: {  	v30 =	vld.idx.msk [tilespmem:v59+s23+$0x0], $0xffff;
	v22 =	vadd.f32 v22, v34;
	[tilespmem:s2+$0x14310] =	vst v28  }
0x221: {  	s19 =	sor.u32 $0x6, s0;
	v43 =	vadd.s32 v17, v25;
	v28 =	vld.idx.msk [tilespmem:v60+s24+$0x0], $0xffff;
	v29 =	vadd.f32 v42, v29  }
0x222: {  	v48 =	vld [tilespmem:s1+$0x14200];
	[tilespmem:s1+$0x14100] =	vst v22;
	v22 =	vmov s19  }
0x223: {  	v33 =	vld.idx.msk [tilespmem:v60+s23+$0x0], $0xffff;
	[tilespmem:s1+$0x14110] =	vst v29;
	v45 =	vadd.s32 v22, v27;
	v29 =	vmul.f32 v62, v32  }
0x224: {  	v44 =	vld.idx.msk [tilespmem:v23+s24+$0x0], $0xffff  }
0x225: {  	s20 =	sand.u32 $0x3, s7;
	v23 =	vld.idx.msk [tilespmem:v23+s23+$0x0], $0xffff;
	v29 =	vadd.f32 v29, v30  }
0x226: {  	s5 =	sshll.u32 s20, $0x5;
	v46 =	vld.idx.msk [tilespmem:v43+s24+$0x0], $0xffff;
	v28 =	vmul.f32 v28, v31;
	v31 =	vadd.s32 v22, v26  }
0x227: {  	s5 =	sadd.s32 $0x0, s5;
	v30 =	vld.idx.msk [tilespmem:v43+s23+$0x0], $0xffff;
	[tilespmem:s2+$0x14380] =	vst v29  }
0x228: {  	s6 =	sor.u32 $0x300, s5;
	v28 =	vadd.f32 v28, v33;
	v29 =	vld.idx.msk [tilespmem:v45+s24+$0x0], $0xffff  }
0x229: {  	v50 =	vadd.s32 v18, v24;
	v49 =	vmul.f32 v44, v63;
	v51 =	vld [tilespmem:s6+$0x14100]  }
0x22a: {  	v32 =	vld.idx.msk [tilespmem:v45+s23+$0x0], $0xffff;
	[tilespmem:s2+$0x14390] =	vst v28  }
0x22b: {  	s21 =	sadd.s32 $0x10, s5;
	v52 =	vmul.f32 v46, v47;
	v28 =	vadd.f32 v49, v23;
	v54 =	vld.idx.msk [tilespmem:v31+s24+$0x0], $0xffff  }
0x22c: {  	s0 =	sor.u32 $0x7, s0;
	v53 =	vadd.s32 v18, v25;
	s5 =	sor.u32 $0x300, s21;
	v31 =	vld.idx.msk [tilespmem:v31+s23+$0x0], $0xffff  }
0x22d: {  	v23 =	vmov s0;
	[tilespmem:s1+$0x14180] =	vst v28;
	v28 =	vadd.f32 v52, v30;
	v30 =	vld [tilespmem:s5+$0x14100]  }
0x22e: {  	v27 =	vadd.s32 v23, v27;
	v55 =	vld.idx.msk [tilespmem:v50+s24+$0x0], $0xffff;
	v29 =	vmul.f32 v29, v51  }
0x22f: {  	v34 =	vld.idx.msk [tilespmem:v50+s23+$0x0], $0xffff  }
0x230: {  	[tilespmem:s1+$0x14190] =	vst v28;
	v28 =	vld [tilespmem:s1+$0x14290];
	v29 =	vadd.f32 v29, v32  }
0x231: {  	v56 =	vld.idx.msk [tilespmem:v53+s24+$0x0], $0xffff  }
0x232: {  	s26 =	sor.u32 s7, s7;
	v26 =	vadd.s32 v23, v26;
	v57 =	vld.idx.msk [tilespmem:v53+s23+$0x0], $0xffff;
	[tilespmem:s6+$0x14100] =	vst v29;
	v29 =	vmul.f32 v54, v30  }
0x233: {  	s10 =	sor.u32 $0x380, s26;
	v58 =	vld.idx.msk [tilespmem:v27+s24+$0x0], $0xffff  }
0x234: {  	v59 =	vadd.s32 v19, v24;
	v30 =	vmul.f32 v55, v48;
	v60 =	vld [tilespmem:s10+$0x14100];
	v29 =	vadd.f32 v29, v31  }
0x235: {  	v27 =	vld.idx.msk [tilespmem:v27+s23+$0x0], $0xffff  }
0x236: {  	v31 =	vadd.f32 v30, v34;
	v30 =	vld [tilespmem:s1+$0x14280];
	[tilespmem:s5+$0x14100] =	vst v29  }
0x237: {  	s18 =	sor.u32 $0x380, s21;
	v29 =	vmul.f32 v56, v61;
	v61 =	vadd.s32 v19, v25;
	v62 =	vld.idx.msk [tilespmem:v26+s24+$0x0], $0xffff  }
0x238: {  	[tilespmem:s1+$0x14200] =	vst v31;
	v63 =	vld [tilespmem:s18+$0x14100]  }
0x239: {  	s6 =	simm.s32 $0x1;
	v32 =	vld.idx.msk [tilespmem:v59+s24+$0x0], $0xffff;
	v29 =	vadd.f32 v29, v57;
	v31 =	vmul.f32 v58, v60  }
0x23a: {  	s30 =	sand.u32 $0x3, s6;
	v26 =	vld.idx.msk [tilespmem:v26+s23+$0x0], $0xffff  }
0x23b: {  	s0 =	sshll.u32 s30, $0x5;
	v33 =	vld.idx.msk [tilespmem:v59+s23+$0x0], $0xffff;
	[tilespmem:s1+$0x14210] =	vst v29;
	v27 =	vadd.f32 v31, v27  }
0x23c: {  	s7 =	simm.s32 $0x2;
	s5 =	sadd.s32 $0x100, s0;
	v34 =	vld.idx.msk [tilespmem:v61+s24+$0x0], $0xffff  }
0x23d: {  	s2 =	sor.u32 s9, s13;
	s13 =	simm.s32 $0x40;
	s0 =	sadd.s32 $0x10, s5;
	v31 =	vld.idx.msk [tilespmem:v61+s23+$0x0], $0xffff;
	[tilespmem:s10+$0x14100] =	vst v27;
	v29 =	vmul.f32 v62, v63  }
.LBB2_7:
0x23e: {  	s10 =	sand.u32 $0x3E0, s13;
	s7 =	sadd.s32 $0x2, s7;
	v35 =	vld [tilespmem:s1+$0x14390]  }
0x23f: {  	v30 =	vmul.f32 v32, v30;
	v32 =	vadd.s32 v20, v24;
	v27 =	vld [tilespmem:s10+$0x800];
	p0 =	slt.u32 s7, $0x3E  }
0x240: {  	s3 =	sadd.s32 $0x20, s3;
	v29 =	vadd.f32 v29, v26;
	v36 =	vld [tilespmem:s1+$0x14380]  }
0x241: {  	s6 =	sadd.s32 $0x1, s6;
	v30 =	vadd.f32 v30, v33;
	v26 =	vld [tilespmem:s3+$0x0]  }
0x242: {  	s10 =	sand.u32 $0x3, s6;
	v33 =	vadd.s32 v20, v25;
	v28 =	vmul.f32 v34, v28;
	v34 =	vld [tilespmem:s1+$0x14310];
	[tilespmem:s18+$0x14100] =	vst v29  }
0x243: {  	s9 =	sadd.s32 $0x100, s9;
	s10 =	sshll.u32 s10, $0x5;
	[tilespmem:s1+$0x14280] =	vst v30;
	v29 =	vld [tilespmem:s1+$0x14300]  }
0x244: {  	s19 =	sand.u32 $0x1C00, s9;
	s20 =	sadd.s32 s10, s9;
	s18 =	sand.u32 $0x60, s13;
	v28 =	vadd.f32 v28, v31;
	v30 =	vadd.s32 v16, v27;
	v37 =	vld.idx.msk [tilespmem:v32+s24+$0x0], $0xffff  }
0x245: {  	s10 =	sor.u32 s18, s19;
	s18 =	sor.u32 s9, s13;
	s19 =	sadd.s32 $0x10, s20;
	v31 =	vld.idx.msk [tilespmem:v32+s23+$0x0], $0xffff  }
0x246: {  	v32 =	vld [tilespmem:s10+$0x14100];
	v38 =	vadd.s32 v16, v26;
	[tilespmem:s1+$0x14290] =	vst v28  }
0x247: {  	v28 =	vld.idx.msk [tilespmem:v33+s24+$0x0], $0xffff  }
0x248: {  	v33 =	vld.idx.msk [tilespmem:v33+s23+$0x0], $0xffff  }
0x249: {  	v39 =	vld.idx.msk [tilespmem:v30+s24+$0x0], $0xffff  }
0x24a: {  	v29 =	vmul.f32 v37, v29;
	v37 =	vadd.s32 v21, v24;
	v30 =	vld.idx.msk [tilespmem:v30+s23+$0x0], $0xffff  }
0x24b: {  	v40 =	vld.idx.msk [tilespmem:v38+s24+$0x0], $0xffff  }
0x24c: {  	v29 =	vadd.f32 v29, v31;
	v41 =	vld [tilespmem:s10+$0x14110]  }
0x24d: {  	v28 =	vmul.f32 v28, v34;
	v34 =	vadd.s32 v21, v25;
	v31 =	vld.idx.msk [tilespmem:v38+s23+$0x0], $0xffff  }
0x24e: {  	v38 =	vld [tilespmem:s10+$0x14210];
	[tilespmem:s1+$0x14300] =	vst v29  }
0x24f: {  	v29 =	vmul.f32 v39, v32;
	v32 =	vadd.s32 v17, v27;
	v28 =	vadd.f32 v28, v33;
	v39 =	vld.idx.msk [tilespmem:v37+s24+$0x0], $0xffff  }
0x250: {  	v33 =	vld.idx.msk [tilespmem:v37+s23+$0x0], $0xffff  }
0x251: {  	v29 =	vadd.f32 v29, v30;
	v30 =	vld [tilespmem:s10+$0x14180];
	v37 =	vmul.f32 v40, v41;
	v40 =	vadd.s32 v17, v26;
	[tilespmem:s1+$0x14310] =	vst v28  }
0x252: {  	v28 =	vld.idx.msk [tilespmem:v34+s24+$0x0], $0xffff  }
0x253: {  	[tilespmem:s10+$0x14100] =	vst v29;
	v29 =	vadd.f32 v37, v31;
	v31 =	vld.idx.msk [tilespmem:v34+s23+$0x0], $0xffff  }
0x254: {  	v34 =	vld.idx.msk [tilespmem:v32+s24+$0x0], $0xffff  }
0x255: {  	v32 =	vld.idx.msk [tilespmem:v32+s23+$0x0], $0xffff;
	[tilespmem:s10+$0x14110] =	vst v29;
	v29 =	vmul.f32 v39, v36;
	v36 =	vadd.s32 v22, v24  }
0x256: {  	v37 =	vld.idx.msk [tilespmem:v40+s24+$0x0], $0xffff  }
0x257: {  	v39 =	vld [tilespmem:s10+$0x14190];
	v29 =	vadd.f32 v29, v33  }
0x258: {  	v28 =	vmul.f32 v28, v35;
	v35 =	vadd.s32 v22, v25;
	v33 =	vld.idx.msk [tilespmem:v40+s23+$0x0], $0xffff  }
0x259: {  	v40 =	vld [tilespmem:s10+$0x14200];
	[tilespmem:s1+$0x14380] =	vst v29  }
0x25a: {  	s21 =	sor.u32 $0x300, s5;
	s5 =	smov.u32 s20;
	v29 =	vmul.f32 v34, v30;
	v28 =	vadd.f32 v28, v31;
	v30 =	vld.idx.msk [tilespmem:v36+s24+$0x0], $0xffff  }
0x25b: {  	v31 =	vadd.s32 v18, v27;
	v34 =	vld [tilespmem:s21+$0x14100]  }
0x25c: {  	v29 =	vadd.f32 v29, v32;
	v32 =	vmul.f32 v37, v39;
	v36 =	vld.idx.msk [tilespmem:v36+s23+$0x0], $0xffff;
	[tilespmem:s1+$0x14390] =	vst v28;
	s1 =	smov.u32 s10  }
0x25d: {  	v28 =	vadd.s32 v18, v26;
	v37 =	vld.idx.msk [tilespmem:v35+s24+$0x0], $0xffff  }
0x25e: {  	s10 =	sor.u32 $0x300, s0;
	[tilespmem:s1+$0x14180] =	vst v29;
	v29 =	vadd.f32 v32, v33;
	v32 =	vld.idx.msk [tilespmem:v35+s23+$0x0], $0xffff  }
0x25f: {  	v33 =	vld [tilespmem:s10+$0x14100]  }
0x260: {  	v35 =	vld.idx.msk [tilespmem:v31+s24+$0x0], $0xffff;
	[tilespmem:s1+$0x14190] =	vst v29;
	v29 =	vmul.f32 v30, v34;
	v30 =	vadd.s32 v23, v24;
	v24 =	vmov v27  }
0x261: {  	v27 =	vld.idx.msk [tilespmem:v31+s23+$0x0], $0xffff  }
0x262: {  	v31 =	vld.idx.msk [tilespmem:v28+s24+$0x0], $0xffff;
	v29 =	vadd.f32 v29, v36  }
0x263: {  	v34 =	vld.idx.msk [tilespmem:v28+s23+$0x0], $0xffff  }
0x264: {  	v28 =	vld [tilespmem:s1+$0x14290];
	[tilespmem:s21+$0x14100] =	vst v29;
	v29 =	vmul.f32 v37, v33;
	v33 =	vadd.s32 v23, v25;
	v25 =	vmov v26  }
0x265: {  	s20 =	sor.u32 $0x380, s2;
	s2 =	smov.u32 s18;
	v26 =	vld.idx.msk [tilespmem:v30+s24+$0x0], $0xffff  }
0x266: {  	v36 =	vadd.s32 v19, v24;
	v35 =	vmul.f32 v35, v40;
	v37 =	vld [tilespmem:s20+$0x14100];
	v29 =	vadd.f32 v29, v32  }
0x267: {  	v39 =	vld.idx.msk [tilespmem:v30+s23+$0x0], $0xffff  }
0x268: {  	v27 =	vadd.f32 v35, v27;
	v31 =	vmul.f32 v31, v38;
	v30 =	vld [tilespmem:s1+$0x14280];
	[tilespmem:s10+$0x14100] =	vst v29  }
0x269: {  	s18 =	sor.u32 $0x380, s0;
	s0 =	smov.u32 s19;
	v29 =	vadd.s32 v19, v25;
	v35 =	vld.idx.msk [tilespmem:v33+s24+$0x0], $0xffff  }
0x26a: {  	[tilespmem:s1+$0x14200] =	vst v27;
	v27 =	vadd.f32 v31, v34;
	v38 =	vld [tilespmem:s18+$0x14100]  }
.Ltmp2:
0x26b: {  	v32 =	vld.idx.msk [tilespmem:v36+s24+$0x0], $0xffff;
	v31 =	vmul.f32 v26, v37;
	(pc) =	sbr.rel @p0 .LBB2_7-.Ltmp2, $4  }
0x26c: {  	v26 =	vld.idx.msk [tilespmem:v33+s23+$0x0], $0xffff  }
0x26d: {  	v33 =	vld.idx.msk [tilespmem:v36+s23+$0x0], $0xffff;
	[tilespmem:s1+$0x14210] =	vst v27;
	v27 =	vadd.f32 v31, v39  }
0x26e: {  	v34 =	vld.idx.msk [tilespmem:v29+s24+$0x0], $0xffff  }
0x26f: {  	s13 =	sadd.s32 $0x20, s13;
	v31 =	vld.idx.msk [tilespmem:v29+s23+$0x0], $0xffff;
	[tilespmem:s20+$0x14100] =	vst v27;
	v29 =	vmul.f32 v35, v38  }
0x270: {  	v27 =	vmul.f32 v32, v30;
	v30 =	vadd.s32 v20, v24;
	_ =	sdelay $0x1  }
0x271: {  	v27 =	vadd.f32 v27, v33  }
0x272: {  	v49 =	vadd.s32 v20, v25;
	v28 =	vmul.f32 v34, v28  }
0x273: {  	[tilespmem:s1+$0x14280] =	vst v27;
	v27 =	vld [tilespmem:s1+$0x14300]  }
0x274: {  	v35 =	vld.idx.msk [tilespmem:v30+s24+$0x0], $0xffff;
	v28 =	vadd.f32 v28, v31  }
0x275: {  	v31 =	vld [tilespmem:s1+$0x14310]  }
0x276: {  	v30 =	vld.idx.msk [tilespmem:v30+s23+$0x0], $0xffff;
	[tilespmem:s1+$0x14290] =	vst v28  }
0x277: {  	v28 =	vld.idx.msk [tilespmem:v49+s24+$0x0], $0xffff;
	_ =	sdelay $0x1  }
0x278: {  	v50 =	vadd.s32 v21, v24;
	v34 =	vld.idx.msk [tilespmem:v49+s23+$0x0], $0xffff;
	v27 =	vmul.f32 v35, v27;
	_ =	sdelay $0x1  }
0x279: {  	v27 =	vadd.f32 v27, v30  }
0x27a: {  	v30 =	vadd.s32 v21, v25;
	v28 =	vmul.f32 v28, v31  }
0x27b: {  	v47 =	vld [tilespmem:s1+$0x14380];
	[tilespmem:s1+$0x14300] =	vst v27  }
0x27c: {  	v27 =	vld.idx.msk [tilespmem:v50+s24+$0x0], $0xffff;
	v28 =	vadd.f32 v28, v34  }
0x27d: {  	v48 =	vld [tilespmem:s1+$0x14390]  }
0x27e: {  	v31 =	vld.idx.msk [tilespmem:v50+s23+$0x0], $0xffff;
	[tilespmem:s1+$0x14310] =	vst v28  }
0x27f: {  	v28 =	vld.idx.msk [tilespmem:v30+s24+$0x0], $0xffff;
	_ =	sdelay $0x1  }
0x280: {  	v51 =	vadd.s32 v22, v24;
	v30 =	vld.idx.msk [tilespmem:v30+s23+$0x0], $0xffff;
	v27 =	vmul.f32 v27, v47;
	_ =	sdelay $0x1  }
0x281: {  	v27 =	vadd.f32 v27, v31  }
0x282: {  	v31 =	vadd.s32 v22, v25;
	v28 =	vmul.f32 v28, v48  }
0x283: {  	[tilespmem:s1+$0x14380] =	vst v27  }
0x284: {  	s3 =	sor.u32 $0x300, s5;
	v27 =	vld.idx.msk [tilespmem:v51+s24+$0x0], $0xffff;
	v28 =	vadd.f32 v28, v30  }
0x285: {  	v30 =	vld [tilespmem:s3+$0x14100]  }
0x286: {  	v32 =	vld.idx.msk [tilespmem:v51+s23+$0x0], $0xffff;
	[tilespmem:s1+$0x14390] =	vst v28  }
0x287: {  	s19 =	sor.u32 $0x300, s0;
	v28 =	vld.idx.msk [tilespmem:v31+s24+$0x0], $0xffff  }
0x288: {  	v52 =	vld [tilespmem:s19+$0x14100];
	_ =	sdelay $0x1  }
0x289: {  	v31 =	vld.idx.msk [tilespmem:v31+s23+$0x0], $0xffff  }
0x28a: {  	v24 =	vadd.s32 v23, v24;
	v27 =	vmul.f32 v27, v30;
	_ =	sdelay $0x1  }
0x28b: {  	v25 =	vadd.s32 v23, v25;
	v27 =	vadd.f32 v27, v32;
	v28 =	vmul.f32 v28, v52;
	_ =	sdelay $0x1  }
0x28c: {  	[tilespmem:s3+$0x14100] =	vst v27;
	v27 =	vadd.f32 v28, v31  }
0x28d: {  	s2 =	sor.u32 $0x380, s2;
	v28 =	vld.idx.msk [tilespmem:v24+s24+$0x0], $0xffff  }
0x28e: {  	v30 =	vld [tilespmem:s2+$0x14100];
	[tilespmem:s19+$0x14100] =	vst v27  }
0x28f: {  	s20 =	sor.u32 $0x380, s0;
	v27 =	vld.idx.msk [tilespmem:v25+s24+$0x0], $0xffff  }
0x290: {  	v31 =	vld [tilespmem:s20+$0x14100]  }
0x291: {  	v24 =	vld.idx.msk [tilespmem:v24+s23+$0x0], $0xffff  }
0x292: {  	v25 =	vld.idx.msk [tilespmem:v25+s23+$0x0], $0xffff;
	_ =	sdelay $0x1  }
0x293: {  	v28 =	vmul.f32 v28, v30  }
0x294: {  	v26 =	vadd.f32 v29, v26;
	v27 =	vmul.f32 v27, v31  }
0x295: {  	v24 =	vadd.f32 v28, v24  }
0x296: {  	[tilespmem:s18+$0x14100] =	vst v26;
	v25 =	vadd.f32 v27, v25  }
0x297: {  	[tilespmem:s2+$0x14100] =	vst v24  }
0x298: {  	s21 =	sshll.u32 s4, $0xE;
	s26 =	sshll.u32 s17, $0x9;
	[tilespmem:s20+$0x14100] =	vst v25  }
0x299: {  	s30 =	simm.s32 $0x14100;
	s4 =	sor.u32 s26, s21;
	s0 =	rddreg [dreg:$0x12]  }
0x29a: {  	s3 =	sadd.s32 $0x5, s15;
	s1 =	sadd.s32 s4, s0;
	s0 =	simm.s32 $0x0  }
0x29b: {  	[hbm4b:s1+s0] =	stream.linear.scatter [tilespmem:s30], [sflag:$0x7], $0x2000, $0x38;
	[tilespmem:$0x18100] =	vst v63  }
0x29c: {  	s5 =	sshrl.u32 s3, $0x4;
	s1 =	sshll.u32 s3, $0x1  }
0x29d: {  	s19 =	sadd.s32 s28, s5;
	s18 =	sand.u32 $0x18, s1  }
0x29e: {  	s6 =	sshll.u32 s19, $0xE;
	s7 =	sshll.u32 s18, $0x9  }
0x29f: {  	_ =	swait.ge [sflag:s31], $0x2000;
	s1 =	sor.u32 s7, s6  }
0x2a0: {  	[sflag:s31] =	ssyncset.done $0x0;
	s17 =	sor.u32 $0x400, s1  }
0x2a1: {  	s8 =	simm.s32 $0x4;
	[sflag:s31] =	ssyncadd.s32 $0xFFFFE000;
	s1 =	sadd.s32 s25, s17  }
0x2a2: {  	[tilespmem:s29], [sflag:$0x2] =	stream.linear.gather [hbm4b:s1+s0], $0x2000, $0x38;
	[tilespmem:$0x18100] =	vst v63  }
0x2a3: {  	_ =	swait.ge [sflag:s8], $0x2000  }
0x2a4: {  	[sflag:s8] =	ssyncset.done $0x0  }
0x2a5: {  	s9 =	sand.u32 $0x3E0, s0;
	[sflag:s8] =	ssyncadd.s32 $0xFFFFE000  }
0x2a6: {  	v27 =	vld [tilespmem:s9+$0xC00];
	_ =	sdelay $0x1  }
0x2a7: {  	s10 =	simm.s32 $0xC10  }
0x2a8: {  	v26 =	vld [tilespmem:s10+$0x0];
	_ =	sdelay $0x1  }
0x2a9: {  	v24 =	vadd.s32 v16, v27;
	_ =	sdelay $0x1  }
0x2aa: {  	s12 =	sand.u32 $0x60, s0;
	s13 =	sand.u32 $0x1C00, s0  }
0x2ab: {  	s20 =	sor.u32 s12, s13;
	v25 =	vadd.s32 v16, v26  }
0x2ac: {  	v28 =	vld [tilespmem:s20+$0x16100]  }
0x2ad: {  	v29 =	vld.idx.msk [tilespmem:v24+s24+$0x0], $0xffff  }
0x2ae: {  	v31 =	vld [tilespmem:s20+$0x16110]  }
0x2af: {  	v24 =	vld.idx.msk [tilespmem:v24+s23+$0x0], $0xffff  }
0x2b0: {  	v30 =	vld.idx.msk [tilespmem:v25+s24+$0x0], $0xffff;
	_ =	sdelay $0x1  }
0x2b1: {  	v25 =	vld.idx.msk [tilespmem:v25+s23+$0x0], $0xffff;
	v28 =	vmul.f32 v29, v28;
	v29 =	vadd.s32 v17, v27;
	_ =	sdelay $0x1  }
0x2b2: {  	v24 =	vadd.f32 v28, v24  }
0x2b3: {  	v28 =	vmul.f32 v30, v31;
	v30 =	vadd.s32 v17, v26  }
0x2b4: {  	v31 =	vld [tilespmem:s20+$0x16180];
	[tilespmem:s20+$0x16100] =	vst v24  }
0x2b5: {  	v24 =	vadd.f32 v28, v25;
	v25 =	vld.idx.msk [tilespmem:v29+s24+$0x0], $0xffff  }
0x2b6: {  	v28 =	vld.idx.msk [tilespmem:v29+s23+$0x0], $0xffff  }
0x2b7: {  	v29 =	vld [tilespmem:s20+$0x16190];
	[tilespmem:s20+$0x16110] =	vst v24  }
0x2b8: {  	v24 =	vld.idx.msk [tilespmem:v30+s24+$0x0], $0xffff;
	_ =	sdelay $0x1  }
0x2b9: {  	v30 =	vld.idx.msk [tilespmem:v30+s23+$0x0], $0xffff;
	v25 =	vmul.f32 v25, v31;
	v31 =	vadd.s32 v18, v27;
	_ =	sdelay $0x1  }
0x2ba: {  	v25 =	vadd.f32 v25, v28  }
0x2bb: {  	v24 =	vmul.f32 v24, v29;
	v28 =	vadd.s32 v18, v26  }
0x2bc: {  	v53 =	vld [tilespmem:s20+$0x16200];
	[tilespmem:s20+$0x16180] =	vst v25  }
0x2bd: {  	v24 =	vadd.f32 v24, v30;
	v25 =	vld.idx.msk [tilespmem:v31+s24+$0x0], $0xffff  }
0x2be: {  	v29 =	vld [tilespmem:s20+$0x16210]  }
0x2bf: {  	[tilespmem:s20+$0x16190] =	vst v24;
	v24 =	vld.idx.msk [tilespmem:v31+s23+$0x0], $0xffff  }
0x2c0: {  	v30 =	vld.idx.msk [tilespmem:v28+s24+$0x0], $0xffff;
	_ =	sdelay $0x1  }
0x2c1: {  	v31 =	vadd.s32 v19, v27;
	v28 =	vld.idx.msk [tilespmem:v28+s23+$0x0], $0xffff;
	v25 =	vmul.f32 v25, v53  }
0x2c2: {  	v54 =	vld [tilespmem:s20+$0x16280]  }
0x2c3: {  	v55 =	vld [tilespmem:s20+$0x16390];
	v24 =	vadd.f32 v25, v24  }
0x2c4: {  	v57 =	vld [tilespmem:s20+$0x16380];
	v25 =	vmul.f32 v30, v29;
	v29 =	vadd.s32 v19, v26  }
0x2c5: {  	v30 =	vld [tilespmem:s20+$0x16290];
	[tilespmem:s20+$0x16200] =	vst v24  }
0x2c6: {  	s21 =	simm.s32 $0x20;
	v24 =	vadd.f32 v25, v28;
	v25 =	vld.idx.msk [tilespmem:v31+s24+$0x0], $0xffff  }
0x2c7: {  	s25 =	sand.u32 $0x3E0, s21;
	v28 =	vld.idx.msk [tilespmem:v31+s23+$0x0], $0xffff  }
0x2c8: {  	[tilespmem:s20+$0x16210] =	vst v24;
	v24 =	vld [tilespmem:s25+$0xC00]  }
0x2c9: {  	v31 =	vld.idx.msk [tilespmem:v29+s24+$0x0], $0xffff  }
0x2ca: {  	v58 =	vld [tilespmem:s20+$0x16310];
	s9 =	simm.s32 $0x100  }
0x2cb: {  	s26 =	sand.u32 $0x60, s21;
	s3 =	simm.s32 $0xC30;
	s6 =	sand.u32 $0x1C00, s9;
	v56 =	vadd.s32 v20, v27;
	v29 =	vld.idx.msk [tilespmem:v29+s23+$0x0], $0xffff;
	v32 =	vmul.f32 v25, v54  }
0x2cc: {  	s1 =	sor.u32 s26, s6;
	v25 =	vld [tilespmem:s3+$0x0]  }
0x2cd: {  	v59 =	vld [tilespmem:s1+$0x16100];
	v36 =	vadd.s32 v16, v24;
	v28 =	vadd.f32 v32, v28  }
0x2ce: {  	v41 =	vld [tilespmem:s1+$0x16110];
	v30 =	vmul.f32 v31, v30;
	v31 =	vadd.s32 v20, v26  }
0x2cf: {  	[tilespmem:s20+$0x16280] =	vst v28;
	v28 =	vld [tilespmem:s20+$0x16300]  }
0x2d0: {  	v29 =	vadd.f32 v30, v29;
	v37 =	vld.idx.msk [tilespmem:v56+s24+$0x0], $0xffff  }
0x2d1: {  	v30 =	vld.idx.msk [tilespmem:v56+s23+$0x0], $0xffff;
	v38 =	vadd.s32 v16, v25  }
0x2d2: {  	[tilespmem:s20+$0x16290] =	vst v29;
	v39 =	vld.idx.msk [tilespmem:v36+s24+$0x0], $0xffff  }
0x2d3: {  	v29 =	vld.idx.msk [tilespmem:v31+s24+$0x0], $0xffff  }
0x2d4: {  	v36 =	vld.idx.msk [tilespmem:v36+s23+$0x0], $0xffff  }
0x2d5: {  	v60 =	vadd.s32 v21, v27;
	v31 =	vld.idx.msk [tilespmem:v31+s23+$0x0], $0xffff;
	v28 =	vmul.f32 v37, v28  }
0x2d6: {  	v40 =	vld.idx.msk [tilespmem:v38+s24+$0x0], $0xffff  }
0x2d7: {  	v62 =	vld [tilespmem:s1+$0x16210];
	v28 =	vadd.f32 v28, v30  }
0x2d8: {  	v61 =	vadd.s32 v21, v26;
	v30 =	vld.idx.msk [tilespmem:v38+s23+$0x0], $0xffff;
	v29 =	vmul.f32 v29, v58  }
0x2d9: {  	v45 =	vld [tilespmem:s1+$0x16180];
	[tilespmem:s20+$0x16300] =	vst v28;
	v28 =	vmul.f32 v39, v59  }
0x2da: {  	v29 =	vadd.f32 v29, v31;
	v44 =	vld.idx.msk [tilespmem:v60+s24+$0x0], $0xffff  }
0x2db: {  	v51 =	vld [tilespmem:s1+$0x16190];
	v63 =	vadd.s32 v17, v24;
	v46 =	vmul.f32 v40, v41;
	v28 =	vadd.f32 v28, v36  }
0x2dc: {  	v31 =	vld.idx.msk [tilespmem:v60+s23+$0x0], $0xffff;
	[tilespmem:s20+$0x16310] =	vst v29  }
0x2dd: {  	v47 =	vadd.s32 v17, v25;
	v29 =	vld.idx.msk [tilespmem:v61+s24+$0x0], $0xffff;
	[tilespmem:s1+$0x16100] =	vst v28;
	v28 =	vadd.f32 v46, v30  }
0x2de: {  	v53 =	vld [tilespmem:s1+$0x16200]  }
0x2df: {  	v49 =	vadd.s32 v22, v27;
	v30 =	vld.idx.msk [tilespmem:v61+s23+$0x0], $0xffff;
	[tilespmem:s1+$0x16110] =	vst v28;
	v28 =	vmul.f32 v44, v57  }
0x2e0: {  	v48 =	vld.idx.msk [tilespmem:v63+s24+$0x0], $0xffff  }
0x2e1: {  	s29 =	sand.u32 $0x3, s0;
	v34 =	vld.idx.msk [tilespmem:v63+s23+$0x0], $0xffff;
	v28 =	vadd.f32 v28, v31  }
0x2e2: {  	s6 =	sshll.u32 s29, $0x5;
	v52 =	vadd.s32 v22, v26;
	v50 =	vld.idx.msk [tilespmem:v47+s24+$0x0], $0xffff;
	v29 =	vmul.f32 v29, v55  }
0x2e3: {  	s6 =	sadd.s32 $0x0, s6;
	v31 =	vld.idx.msk [tilespmem:v47+s23+$0x0], $0xffff;
	[tilespmem:s20+$0x16380] =	vst v28  }
0x2e4: {  	s7 =	sor.u32 $0x300, s6;
	v29 =	vadd.f32 v29, v30;
	v28 =	vld.idx.msk [tilespmem:v49+s24+$0x0], $0xffff  }
0x2e5: {  	v54 =	vadd.s32 v18, v24;
	v30 =	vmul.f32 v48, v45;
	v55 =	vld [tilespmem:s7+$0x16100]  }
0x2e6: {  	v35 =	vld.idx.msk [tilespmem:v49+s23+$0x0], $0xffff;
	[tilespmem:s20+$0x16390] =	vst v29  }
0x2e7: {  	s30 =	sadd.s32 $0x10, s6;
	v56 =	vadd.s32 v18, v25;
	v29 =	vadd.f32 v30, v34;
	v30 =	vmul.f32 v50, v51;
	v57 =	vld.idx.msk [tilespmem:v52+s24+$0x0], $0xffff  }
0x2e8: {  	s6 =	sor.u32 $0x300, s30;
	v33 =	vld.idx.msk [tilespmem:v52+s23+$0x0], $0xffff  }
0x2e9: {  	[tilespmem:s1+$0x16180] =	vst v29;
	v29 =	vadd.f32 v30, v31;
	v30 =	vld [tilespmem:s6+$0x16100]  }
0x2ea: {  	v27 =	vadd.s32 v23, v27;
	v31 =	vld.idx.msk [tilespmem:v54+s24+$0x0], $0xffff;
	v28 =	vmul.f32 v28, v55  }
0x2eb: {  	[tilespmem:s1+$0x16190] =	vst v29;
	v29 =	vld.idx.msk [tilespmem:v54+s23+$0x0], $0xffff  }
0x2ec: {  	v58 =	vld.idx.msk [tilespmem:v56+s24+$0x0], $0xffff;
	v35 =	vadd.f32 v28, v35  }
0x2ed: {  	v34 =	vld.idx.msk [tilespmem:v56+s23+$0x0], $0xffff  }
0x2ee: {  	s0 =	sor.u32 s0, s0;
	v26 =	vadd.s32 v23, v26;
	v28 =	vld [tilespmem:s1+$0x16290];
	v30 =	vmul.f32 v57, v30;
	[tilespmem:s7+$0x16100] =	vst v35  }
0x2ef: {  	s10 =	sor.u32 $0x380, s0;
	v35 =	vld.idx.msk [tilespmem:v27+s24+$0x0], $0xffff  }
0x2f0: {  	v31 =	vmul.f32 v31, v53;
	v60 =	vld [tilespmem:s10+$0x16100];
	v33 =	vadd.f32 v30, v33  }
0x2f1: {  	v59 =	vadd.s32 v19, v24;
	v27 =	vld.idx.msk [tilespmem:v27+s23+$0x0], $0xffff  }
0x2f2: {  	v30 =	vld [tilespmem:s1+$0x16280];
	v29 =	vadd.f32 v31, v29;
	[tilespmem:s6+$0x16100] =	vst v33  }
0x2f3: {  	v61 =	vadd.s32 v19, v25;
	s20 =	sor.u32 $0x380, s30;
	v31 =	vmul.f32 v58, v62;
	v62 =	vld.idx.msk [tilespmem:v26+s24+$0x0], $0xffff  }
0x2f4: {  	[tilespmem:s1+$0x16200] =	vst v29;
	v29 =	vld [tilespmem:s20+$0x16100]  }
0x2f5: {  	s6 =	simm.s32 $0x1;
	v31 =	vadd.f32 v31, v34;
	v26 =	vld.idx.msk [tilespmem:v26+s23+$0x0], $0xffff;
	v63 =	vmul.f32 v35, v60  }
0x2f6: {  	s31 =	sand.u32 $0x3, s6;
	v32 =	vld.idx.msk [tilespmem:v59+s24+$0x0], $0xffff  }
0x2f7: {  	s0 =	sshll.u32 s31, $0x5;
	v33 =	vld.idx.msk [tilespmem:v59+s23+$0x0], $0xffff;
	[tilespmem:s1+$0x16210] =	vst v31;
	v27 =	vadd.f32 v63, v27  }
0x2f8: {  	s13 =	simm.s32 $0x40;
	s5 =	sadd.s32 $0x100, s0;
	v34 =	vld.idx.msk [tilespmem:v61+s24+$0x0], $0xffff  }
0x2f9: {  	s2 =	sor.u32 s9, s21;
	s7 =	simm.s32 $0x2;
	s0 =	sadd.s32 $0x10, s5;
	v31 =	vld.idx.msk [tilespmem:v61+s23+$0x0], $0xffff;
	v29 =	vmul.f32 v62, v29;
	[tilespmem:s10+$0x16100] =	vst v27  }
.LBB2_9:
0x2fa: {  	s10 =	sand.u32 $0x3E0, s13;
	s7 =	sadd.s32 $0x2, s7;
	v35 =	vld [tilespmem:s1+$0x16390]  }
0x2fb: {  	v30 =	vmul.f32 v32, v30;
	v32 =	vadd.s32 v20, v24;
	v27 =	vld [tilespmem:s10+$0xC00];
	p0 =	slt.u32 s7, $0x3E  }
0x2fc: {  	s3 =	sadd.s32 $0x20, s3;
	v29 =	vadd.f32 v29, v26;
	v36 =	vld [tilespmem:s1+$0x16380]  }
0x2fd: {  	s6 =	sadd.s32 $0x1, s6;
	v30 =	vadd.f32 v30, v33;
	v26 =	vld [tilespmem:s3+$0x0]  }
0x2fe: {  	s10 =	sand.u32 $0x3, s6;
	v33 =	vadd.s32 v20, v25;
	v28 =	vmul.f32 v34, v28;
	v34 =	vld [tilespmem:s1+$0x16310];
	[tilespmem:s20+$0x16100] =	vst v29  }
0x2ff: {  	s9 =	sadd.s32 $0x100, s9;
	s10 =	sshll.u32 s10, $0x5;
	[tilespmem:s1+$0x16280] =	vst v30;
	v29 =	vld [tilespmem:s1+$0x16300]  }
0x300: {  	s21 =	sand.u32 $0x1C00, s9;
	s25 =	sadd.s32 s10, s9;
	s20 =	sand.u32 $0x60, s13;
	v28 =	vadd.f32 v28, v31;
	v30 =	vadd.s32 v16, v27;
	v37 =	vld.idx.msk [tilespmem:v32+s24+$0x0], $0xffff  }
0x301: {  	s10 =	sor.u32 s20, s21;
	s20 =	sor.u32 s9, s13;
	s21 =	sadd.s32 $0x10, s25;
	v31 =	vld.idx.msk [tilespmem:v32+s23+$0x0], $0xffff  }
0x302: {  	v32 =	vld [tilespmem:s10+$0x16100];
	v38 =	vadd.s32 v16, v26;
	[tilespmem:s1+$0x16290] =	vst v28  }
0x303: {  	v28 =	vld.idx.msk [tilespmem:v33+s24+$0x0], $0xffff  }
0x304: {  	v33 =	vld.idx.msk [tilespmem:v33+s23+$0x0], $0xffff  }
0x305: {  	v39 =	vld.idx.msk [tilespmem:v30+s24+$0x0], $0xffff  }
0x306: {  	v29 =	vmul.f32 v37, v29;
	v37 =	vadd.s32 v21, v24;
	v30 =	vld.idx.msk [tilespmem:v30+s23+$0x0], $0xffff  }
0x307: {  	v40 =	vld.idx.msk [tilespmem:v38+s24+$0x0], $0xffff  }
0x308: {  	v29 =	vadd.f32 v29, v31;
	v41 =	vld [tilespmem:s10+$0x16110]  }
0x309: {  	v28 =	vmul.f32 v28, v34;
	v34 =	vadd.s32 v21, v25;
	v31 =	vld.idx.msk [tilespmem:v38+s23+$0x0], $0xffff  }
0x30a: {  	v38 =	vld [tilespmem:s10+$0x16210];
	[tilespmem:s1+$0x16300] =	vst v29  }
0x30b: {  	v29 =	vmul.f32 v39, v32;
	v32 =	vadd.s32 v17, v27;
	v28 =	vadd.f32 v28, v33;
	v39 =	vld.idx.msk [tilespmem:v37+s24+$0x0], $0xffff  }
0x30c: {  	v33 =	vld.idx.msk [tilespmem:v37+s23+$0x0], $0xffff  }
0x30d: {  	v29 =	vadd.f32 v29, v30;
	v30 =	vld [tilespmem:s10+$0x16180];
	v37 =	vmul.f32 v40, v41;
	v40 =	vadd.s32 v17, v26;
	[tilespmem:s1+$0x16310] =	vst v28  }
0x30e: {  	v28 =	vld.idx.msk [tilespmem:v34+s24+$0x0], $0xffff  }
0x30f: {  	[tilespmem:s10+$0x16100] =	vst v29;
	v29 =	vadd.f32 v37, v31;
	v31 =	vld.idx.msk [tilespmem:v34+s23+$0x0], $0xffff  }
0x310: {  	v34 =	vld.idx.msk [tilespmem:v32+s24+$0x0], $0xffff  }
0x311: {  	v32 =	vld.idx.msk [tilespmem:v32+s23+$0x0], $0xffff;
	[tilespmem:s10+$0x16110] =	vst v29;
	v29 =	vmul.f32 v39, v36;
	v36 =	vadd.s32 v22, v24  }
0x312: {  	v37 =	vld.idx.msk [tilespmem:v40+s24+$0x0], $0xffff  }
0x313: {  	v39 =	vld [tilespmem:s10+$0x16190];
	v29 =	vadd.f32 v29, v33  }
0x314: {  	v28 =	vmul.f32 v28, v35;
	v35 =	vadd.s32 v22, v25;
	v33 =	vld.idx.msk [tilespmem:v40+s23+$0x0], $0xffff  }
0x315: {  	v40 =	vld [tilespmem:s10+$0x16200];
	[tilespmem:s1+$0x16380] =	vst v29  }
0x316: {  	s26 =	sor.u32 $0x300, s5;
	s5 =	smov.u32 s25;
	v29 =	vmul.f32 v34, v30;
	v28 =	vadd.f32 v28, v31;
	v30 =	vld.idx.msk [tilespmem:v36+s24+$0x0], $0xffff  }
0x317: {  	v31 =	vadd.s32 v18, v27;
	v34 =	vld [tilespmem:s26+$0x16100]  }
0x318: {  	v29 =	vadd.f32 v29, v32;
	v32 =	vmul.f32 v37, v39;
	v36 =	vld.idx.msk [tilespmem:v36+s23+$0x0], $0xffff;
	[tilespmem:s1+$0x16390] =	vst v28;
	s1 =	smov.u32 s10  }
0x319: {  	v28 =	vadd.s32 v18, v26;
	v37 =	vld.idx.msk [tilespmem:v35+s24+$0x0], $0xffff  }
0x31a: {  	s10 =	sor.u32 $0x300, s0;
	[tilespmem:s1+$0x16180] =	vst v29;
	v29 =	vadd.f32 v32, v33;
	v32 =	vld.idx.msk [tilespmem:v35+s23+$0x0], $0xffff  }
0x31b: {  	v33 =	vld [tilespmem:s10+$0x16100]  }
0x31c: {  	v35 =	vld.idx.msk [tilespmem:v31+s24+$0x0], $0xffff;
	[tilespmem:s1+$0x16190] =	vst v29;
	v29 =	vmul.f32 v30, v34;
	v30 =	vadd.s32 v23, v24;
	v24 =	vmov v27  }
0x31d: {  	v27 =	vld.idx.msk [tilespmem:v31+s23+$0x0], $0xffff  }
0x31e: {  	v31 =	vld.idx.msk [tilespmem:v28+s24+$0x0], $0xffff;
	v29 =	vadd.f32 v29, v36  }
0x31f: {  	v34 =	vld.idx.msk [tilespmem:v28+s23+$0x0], $0xffff  }
0x320: {  	v28 =	vld [tilespmem:s1+$0x16290];
	[tilespmem:s26+$0x16100] =	vst v29;
	v29 =	vmul.f32 v37, v33;
	v33 =	vadd.s32 v23, v25;
	v25 =	vmov v26  }
0x321: {  	s25 =	sor.u32 $0x380, s2;
	s2 =	smov.u32 s20;
	v26 =	vld.idx.msk [tilespmem:v30+s24+$0x0], $0xffff  }
0x322: {  	v36 =	vadd.s32 v19, v24;
	v35 =	vmul.f32 v35, v40;
	v37 =	vld [tilespmem:s25+$0x16100];
	v29 =	vadd.f32 v29, v32  }
0x323: {  	v39 =	vld.idx.msk [tilespmem:v30+s23+$0x0], $0xffff  }
0x324: {  	v27 =	vadd.f32 v35, v27;
	v31 =	vmul.f32 v31, v38;
	v30 =	vld [tilespmem:s1+$0x16280];
	[tilespmem:s10+$0x16100] =	vst v29  }
0x325: {  	s20 =	sor.u32 $0x380, s0;
	s0 =	smov.u32 s21;
	v29 =	vadd.s32 v19, v25;
	v35 =	vld.idx.msk [tilespmem:v33+s24+$0x0], $0xffff  }
0x326: {  	[tilespmem:s1+$0x16200] =	vst v27;
	v27 =	vadd.f32 v31, v34;
	v38 =	vld [tilespmem:s20+$0x16100]  }
.Ltmp3:
0x327: {  	v32 =	vld.idx.msk [tilespmem:v36+s24+$0x0], $0xffff;
	v31 =	vmul.f32 v26, v37;
	(pc) =	sbr.rel @p0 .LBB2_9-.Ltmp3, $4  }
0x328: {  	v26 =	vld.idx.msk [tilespmem:v33+s23+$0x0], $0xffff  }
0x329: {  	v33 =	vld.idx.msk [tilespmem:v36+s23+$0x0], $0xffff;
	[tilespmem:s1+$0x16210] =	vst v27;
	v27 =	vadd.f32 v31, v39  }
0x32a: {  	v34 =	vld.idx.msk [tilespmem:v29+s24+$0x0], $0xffff  }
0x32b: {  	s13 =	sadd.s32 $0x20, s13;
	v31 =	vld.idx.msk [tilespmem:v29+s23+$0x0], $0xffff;
	[tilespmem:s25+$0x16100] =	vst v27;
	v29 =	vmul.f32 v35, v38  }
0x32c: {  	v16 =	vmul.f32 v32, v30;
	v17 =	vadd.s32 v20, v24;
	_ =	sdelay $0x1  }
0x32d: {  	v16 =	vadd.f32 v16, v33  }
0x32e: {  	v20 =	vadd.s32 v20, v25;
	v27 =	vmul.f32 v34, v28  }
0x32f: {  	[tilespmem:s1+$0x16280] =	vst v16;
	v16 =	vld [tilespmem:s1+$0x16300]  }
0x330: {  	v28 =	vld.idx.msk [tilespmem:v17+s24+$0x0], $0xffff;
	v27 =	vadd.f32 v27, v31  }
0x331: {  	v30 =	vld [tilespmem:s1+$0x16310]  }
0x332: {  	v17 =	vld.idx.msk [tilespmem:v17+s23+$0x0], $0xffff;
	[tilespmem:s1+$0x16290] =	vst v27  }
0x333: {  	v27 =	vld.idx.msk [tilespmem:v20+s24+$0x0], $0xffff;
	_ =	sdelay $0x1  }
0x334: {  	v20 =	vld.idx.msk [tilespmem:v20+s23+$0x0], $0xffff;
	v16 =	vmul.f32 v28, v16;
	v28 =	vadd.s32 v21, v24;
	_ =	sdelay $0x1  }
0x335: {  	v16 =	vadd.f32 v16, v17  }
0x336: {  	v21 =	vadd.s32 v21, v25;
	v17 =	vmul.f32 v27, v30  }
0x337: {  	v18 =	vld [tilespmem:s1+$0x16380];
	[tilespmem:s1+$0x16300] =	vst v16  }
0x338: {  	v16 =	vld.idx.msk [tilespmem:v28+s24+$0x0], $0xffff;
	v17 =	vadd.f32 v17, v20  }
0x339: {  	v19 =	vld [tilespmem:s1+$0x16390]  }
0x33a: {  	v20 =	vld.idx.msk [tilespmem:v28+s23+$0x0], $0xffff;
	[tilespmem:s1+$0x16310] =	vst v17  }
0x33b: {  	v17 =	vld.idx.msk [tilespmem:v21+s24+$0x0], $0xffff;
	_ =	sdelay $0x1  }
0x33c: {  	v21 =	vld.idx.msk [tilespmem:v21+s23+$0x0], $0xffff;
	v16 =	vmul.f32 v16, v18;
	v18 =	vadd.s32 v22, v24;
	_ =	sdelay $0x1  }
0x33d: {  	v16 =	vadd.f32 v16, v20  }
0x33e: {  	v17 =	vmul.f32 v17, v19;
	v19 =	vadd.s32 v22, v25  }
0x33f: {  	[tilespmem:s1+$0x16380] =	vst v16  }
0x340: {  	s3 =	sor.u32 $0x300, s5;
	v16 =	vld.idx.msk [tilespmem:v18+s24+$0x0], $0xffff;
	v17 =	vadd.f32 v17, v21  }
0x341: {  	v20 =	vld [tilespmem:s3+$0x16100]  }
0x342: {  	v18 =	vld.idx.msk [tilespmem:v18+s23+$0x0], $0xffff;
	[tilespmem:s1+$0x16390] =	vst v17  }
0x343: {  	s9 =	sor.u32 $0x300, s0;
	v17 =	vld.idx.msk [tilespmem:v19+s24+$0x0], $0xffff  }
0x344: {  	v21 =	vld [tilespmem:s9+$0x16100];
	_ =	sdelay $0x1  }
0x345: {  	v19 =	vld.idx.msk [tilespmem:v19+s23+$0x0], $0xffff  }
0x346: {  	v16 =	vmul.f32 v16, v20;
	v20 =	vadd.s32 v23, v24;
	_ =	sdelay $0x1  }
0x347: {  	v16 =	vadd.f32 v16, v18;
	v18 =	vadd.s32 v23, v25;
	v17 =	vmul.f32 v17, v21;
	_ =	sdelay $0x1  }
0x348: {  	[tilespmem:s3+$0x16100] =	vst v16;
	v16 =	vadd.f32 v17, v19  }
0x349: {  	s2 =	sor.u32 $0x380, s2;
	v17 =	vld.idx.msk [tilespmem:v20+s24+$0x0], $0xffff  }
0x34a: {  	v19 =	vld [tilespmem:s2+$0x16100];
	[tilespmem:s9+$0x16100] =	vst v16  }
0x34b: {  	s10 =	sor.u32 $0x380, s0;
	v16 =	vld.idx.msk [tilespmem:v18+s24+$0x0], $0xffff  }
0x34c: {  	v21 =	vld [tilespmem:s10+$0x16100]  }
0x34d: {  	v20 =	vld.idx.msk [tilespmem:v20+s23+$0x0], $0xffff  }
0x34e: {  	v18 =	vld.idx.msk [tilespmem:v18+s23+$0x0], $0xffff;
	_ =	sdelay $0x1  }
0x34f: {  	v17 =	vmul.f32 v17, v19  }
0x350: {  	v19 =	vadd.f32 v29, v26;
	v16 =	vmul.f32 v16, v21  }
0x351: {  	v17 =	vadd.f32 v17, v20  }
0x352: {  	[tilespmem:s20+$0x16100] =	vst v19;
	v16 =	vadd.f32 v16, v18  }
0x353: {  	[tilespmem:s2+$0x16100] =	vst v17  }
0x354: {  	s12 =	simm.s32 $0x16100;
	s13 =	sadd.s32 $0x6, s15;
	[tilespmem:s10+$0x16100] =	vst v16  }
0x355: {  	s21 =	simm.s32 $0x7;
	s26 =	simm.s32 $0x14100;
	s0 =	rddreg [dreg:$0x13]  }
0x356: {  	s1 =	simm.s32 $0x0;
	s20 =	sshrl.u32 s13, $0x4;
	s0 =	sadd.s32 s4, s0  }
0x357: {  	[hbm4b:s0+s1] =	stream.linear.scatter [tilespmem:s12], [sflag:$0x8], $0x2000, $0x38;
	[tilespmem:$0x18100] =	vst v63  }
0x358: {  	s2 =	sadd.s32 s28, s20;
	s0 =	sshll.u32 s13, $0xA;
	_ =	swait.ge [sflag:s21], $0x2000  }
0x359: {  	s2 =	sshll.u32 s2, $0xE;
	s0 =	sand.u32 $0x3000, s0;
	s25 =	rddreg [dreg:$0x7]  }
0x35a: {  	s12 =	smov.u32 s28;
	[sflag:s21] =	ssyncset.done $0x0;
	s0 =	sadd.s32 s0, s25  }
0x35b: {  	s28 =	simm.s32 $0x1;
	[sflag:s21] =	ssyncadd.s32 $0xFFFFE000;
	s0 =	sadd.s32 s2, s0  }
0x35c: {  	[tilespmem:s26], [sflag:$0x3] =	stream.linear.gather [hbm4b:s0+s1], $0x2000, $0x38;
	[tilespmem:$0x18100] =	vst v63  }
0x35d: {  	_ =	swait.ge [sflag:s28], $0x2000  }
0x35e: {  	[sflag:s28] =	ssyncset.done $0x0  }
0x35f: {  	s29 =	simm.s32 $0x10;
	[sflag:s28] =	ssyncadd.s32 $0xFFFFE000  }
0x360: {  	v25 =	vld [tilespmem:s29+$0x0];
	_ =	sdelay $0x1  }
0x361: {  	s5 =	sshll.u32 s22, $0x5  }
0x362: {  	s5 =	sor.u32 s11, s5  }
0x363: {  	v16 =	vmov s5  }
0x364: {  	v17 =	vadd.s32 v16, v25  }
0x365: {  	s6 =	sand.u32 $0x1C00, s1;
	s0 =	simm.s32 $0x10  }
0x366: {  	s3 =	sor.u32 $0x10100, s6;
	s7 =	sand.u32 $0x70, s0  }
0x367: {  	s6 =	sor.u32 s7, s3  }
0x368: {  	v19 =	vld [tilespmem:s6+$0x0]  }
0x369: {  	v18 =	vld.idx.msk [tilespmem:v17+s24+$0x0], $0xffff;
	_ =	sdelay $0x1  }
0x36a: {  	v20 =	vld.idx.msk [tilespmem:v17+s23+$0x0], $0xffff  }
0x36b: {  	s8 =	sor.u32 $0x1, s5  }
0x36c: {  	v17 =	vmov s8  }
0x36d: {  	v18 =	vmul.f32 v18, v19;
	v19 =	vadd.s32 v17, v25  }
0x36e: {  	v26 =	vld [tilespmem:s29+$0xFFFFFFF0]  }
0x36f: {  	v18 =	vadd.f32 v18, v20;
	_ =	sdelay $0x1  }
0x370: {  	v21 =	vld [tilespmem:s6+$0x80];
	[tilespmem:s6+$0x0] =	vst v18  }
0x371: {  	v20 =	vld.idx.msk [tilespmem:v19+s24+$0x0], $0xffff  }
0x372: {  	v22 =	vadd.s32 v16, v26  }
0x373: {  	v19 =	vld.idx.msk [tilespmem:v19+s23+$0x0], $0xffff  }
0x374: {  	s9 =	sor.u32 $0x2, s5  }
0x375: {  	v18 =	vmov s9  }
0x376: {  	s10 =	sand.u32 $0x60, s1;
	v20 =	vmul.f32 v20, v21;
	v21 =	vadd.s32 v18, v25  }
0x377: {  	s4 =	sor.u32 s10, s3;
	v23 =	vld.idx.msk [tilespmem:v22+s24+$0x0], $0xffff  }
0x378: {  	v19 =	vadd.f32 v20, v19;
	v20 =	vld [tilespmem:s4+$0x0]  }
0x379: {  	v27 =	vld [tilespmem:s6+$0x100]  }
0x37a: {  	v22 =	vld.idx.msk [tilespmem:v22+s23+$0x0], $0xffff;
	[tilespmem:s6+$0x80] =	vst v19  }
0x37b: {  	v24 =	vld.idx.msk [tilespmem:v21+s24+$0x0], $0xffff;
	_ =	sdelay $0x1  }
0x37c: {  	v28 =	vadd.s32 v17, v26;
	v21 =	vld.idx.msk [tilespmem:v21+s23+$0x0], $0xffff;
	v20 =	vmul.f32 v23, v20  }
0x37d: {  	s11 =	sor.u32 $0x3, s5  }
0x37e: {  	v19 =	vmov s11;
	v20 =	vadd.f32 v20, v22  }
0x37f: {  	v30 =	vld [tilespmem:s4+$0x100];
	v23 =	vadd.s32 v19, v25;
	v22 =	vmul.f32 v24, v27  }
0x380: {  	v24 =	vld [tilespmem:s4+$0x80];
	[tilespmem:s4+$0x0] =	vst v20  }
0x381: {  	v20 =	vadd.f32 v22, v21;
	v21 =	vld.idx.msk [tilespmem:v28+s24+$0x0], $0xffff  }
0x382: {  	v22 =	vld.idx.msk [tilespmem:v28+s23+$0x0], $0xffff  }
0x383: {  	v28 =	vld [tilespmem:s6+$0x180];
	[tilespmem:s6+$0x100] =	vst v20  }
0x384: {  	v27 =	vld.idx.msk [tilespmem:v23+s24+$0x0], $0xffff  }
0x385: {  	v31 =	vld [tilespmem:s6+$0x200]  }
0x386: {  	v35 =	vld [tilespmem:s4+$0x180];
	v29 =	vadd.s32 v18, v26;
	v21 =	vmul.f32 v21, v24  }
0x387: {  	s13 =	simm.s32 $0x30;
	v23 =	vld.idx.msk [tilespmem:v23+s23+$0x0], $0xffff  }
0x388: {  	v24 =	vld [tilespmem:s13+$0x0];
	v21 =	vadd.f32 v21, v22  }
0x389: {  	v22 =	vmul.f32 v27, v28;
	v28 =	vld [tilespmem:s13+$0xFFFFFFF0];
	s13 =	simm.s32 $0x100  }
0x38a: {  	s20 =	sor.u32 $0x4, s5;
	s3 =	simm.s32 $0x30;
	v37 =	vld [tilespmem:s4+$0x280];
	[tilespmem:s4+$0x80] =	vst v21;
	s21 =	sand.u32 $0x1C00, s13  }
0x38b: {  	s7 =	sand.u32 $0x70, s3;
	v20 =	vmov s20;
	v21 =	vld.idx.msk [tilespmem:v29+s24+$0x0], $0xffff;
	s2 =	sor.u32 $0x10100, s21  }
0x38c: {  	s26 =	simm.s32 $0x20;
	v27 =	vadd.s32 v20, v25;
	v22 =	vadd.f32 v22, v23;
	v23 =	vld.idx.msk [tilespmem:v29+s23+$0x0], $0xffff;
	s9 =	sor.u32 s7, s2  }
0x38d: {  	s25 =	sand.u32 $0x60, s26;
	v61 =	vld [tilespmem:s9+$0x0]  }
0x38e: {  	v29 =	vadd.s32 v16, v24;
	s2 =	sor.u32 s25, s2;
	v39 =	vld [tilespmem:s9+$0x80]  }
0x38f: {  	v40 =	vld [tilespmem:s2+$0x0]  }
0x390: {  	[tilespmem:s6+$0x180] =	vst v22;
	v41 =	vld [tilespmem:s2+$0x100]  }
0x391: {  	v22 =	vld.idx.msk [tilespmem:v27+s24+$0x0], $0xffff  }
0x392: {  	v27 =	vld.idx.msk [tilespmem:v27+s23+$0x0], $0xffff  }
0x393: {  	v60 =	vadd.s32 v19, v26;
	v59 =	vld.idx.msk [tilespmem:v29+s24+$0x0], $0xffff;
	v30 =	vmul.f32 v21, v30  }
0x394: {  	s22 =	sor.u32 $0x5, s5;
	v50 =	vld [tilespmem:s9+$0x100]  }
0x395: {  	v21 =	vmov s22;
	v29 =	vld.idx.msk [tilespmem:v29+s23+$0x0], $0xffff;
	v23 =	vadd.f32 v30, v23  }
0x396: {  	v42 =	vld [tilespmem:s2+$0x180];
	v30 =	vadd.s32 v21, v25;
	v22 =	vmul.f32 v22, v31  }
0x397: {  	v36 =	vadd.s32 v16, v28;
	v31 =	vld [tilespmem:s4+$0x200];
	[tilespmem:s4+$0x100] =	vst v23  }
0x398: {  	v22 =	vadd.f32 v22, v27;
	v23 =	vld.idx.msk [tilespmem:v60+s24+$0x0], $0xffff;
	v27 =	vmul.f32 v59, v61  }
0x399: {  	v62 =	vadd.s32 v17, v24;
	v33 =	vld.idx.msk [tilespmem:v60+s23+$0x0], $0xffff  }
0x39a: {  	[tilespmem:s6+$0x200] =	vst v22;
	v22 =	vadd.f32 v27, v29;
	v27 =	vld [tilespmem:s6+$0x280]  }
0x39b: {  	v38 =	vld.idx.msk [tilespmem:v30+s24+$0x0], $0xffff  }
0x39c: {  	v63 =	vld.idx.msk [tilespmem:v36+s24+$0x0], $0xffff  }
0x39d: {  	s10 =	sor.u32 $0x6, s5;
	v29 =	vld.idx.msk [tilespmem:v30+s23+$0x0], $0xffff;
	[tilespmem:s9+$0x0] =	vst v22  }
0x39e: {  	v49 =	vadd.s32 v20, v26;
	v22 =	vmov s10;
	v30 =	vld.idx.msk [tilespmem:v62+s24+$0x0], $0xffff;
	v23 =	vmul.f32 v23, v35  }
0x39f: {  	s5 =	sor.u32 $0x7, s5;
	v36 =	vld.idx.msk [tilespmem:v36+s23+$0x0], $0xffff;
	v44 =	vadd.s32 v22, v25  }
0x3a0: {  	v32 =	vld.idx.msk [tilespmem:v62+s23+$0x0], $0xffff;
	v33 =	vadd.f32 v23, v33;
	v23 =	vmov s5;
	v27 =	vmul.f32 v38, v27  }
0x3a1: {  	s28 =	sand.u32 $0x7, s1;
	v53 =	vadd.s32 v23, v25;
	v25 =	vld [tilespmem:s2+$0x200]  }
0x3a2: {  	s7 =	sshll.u32 s28, $0x4;
	[tilespmem:s4+$0x180] =	vst v33;
	v27 =	vadd.f32 v27, v29;
	v29 =	vld [tilespmem:s2+$0x80]  }
0x3a3: {  	v45 =	vadd.s32 v18, v24;
	s7 =	sadd.s32 $0x0, s7;
	v30 =	vmul.f32 v30, v39;
	v54 =	vld.idx.msk [tilespmem:v49+s24+$0x0], $0xffff  }
0x3a4: {  	s29 =	sadd.s32 $0x10, s7;
	v56 =	vld.idx.msk [tilespmem:v49+s23+$0x0], $0xffff;
	[tilespmem:s6+$0x280] =	vst v27  }
0x3a5: {  	v34 =	vmul.f32 v63, v40;
	v27 =	vadd.s32 v17, v28;
	s6 =	sor.u32 $0x300, s29;
	v30 =	vadd.f32 v30, v32;
	v46 =	vld.idx.msk [tilespmem:v44+s24+$0x0], $0xffff  }
0x3a6: {  	v47 =	vld [tilespmem:s6+$0x10100]  }
0x3a7: {  	v34 =	vadd.f32 v34, v36;
	v48 =	vld.idx.msk [tilespmem:v44+s23+$0x0], $0xffff;
	[tilespmem:s9+$0x80] =	vst v30  }
0x3a8: {  	v30 =	vld.idx.msk [tilespmem:v45+s24+$0x0], $0xffff  }
0x3a9: {  	v60 =	vadd.s32 v21, v26;
	[tilespmem:s2+$0x0] =	vst v34;
	v39 =	vld.idx.msk [tilespmem:v45+s23+$0x0], $0xffff;
	v31 =	vmul.f32 v54, v31  }
0x3aa: {  	v51 =	vld.idx.msk [tilespmem:v27+s24+$0x0], $0xffff  }
0x3ab: {  	v52 =	vld.idx.msk [tilespmem:v27+s23+$0x0], $0xffff;
	v31 =	vadd.f32 v31, v56;
	v27 =	vmul.f32 v46, v47  }
0x3ac: {  	v47 =	vld [tilespmem:s9+$0x280]  }
0x3ad: {  	[tilespmem:s4+$0x200] =	vst v31;
	v36 =	vadd.f32 v27, v48;
	v27 =	vld [tilespmem:s2+$0x280]  }
0x3ae: {  	v55 =	vadd.s32 v19, v24;
	v30 =	vmul.f32 v30, v50;
	v48 =	vld.idx.msk [tilespmem:v60+s24+$0x0], $0xffff  }
0x3af: {  	v38 =	vld.idx.msk [tilespmem:v60+s23+$0x0], $0xffff  }
0x3b0: {  	v29 =	vmul.f32 v51, v29;
	v57 =	vadd.f32 v30, v39;
	[tilespmem:s6+$0x10100] =	vst v36;
	s6 =	simm.s32 $0x50;
	v51 =	vld [tilespmem:s9+$0x200]  }
0x3b1: {  	v34 =	vld [tilespmem:s6+$0x0]  }
0x3b2: {  	v43 =	vadd.s32 v18, v28;
	v30 =	vld.idx.msk [tilespmem:v53+s24+$0x0], $0xffff;
	v29 =	vadd.f32 v29, v52;
	[tilespmem:s9+$0x100] =	vst v57  }
0x3b3: {  	s0 =	sor.u32 s0, s1;
	v58 =	vld.idx.msk [tilespmem:v55+s24+$0x0], $0xffff  }
0x3b4: {  	s0 =	sor.u32 $0x380, s0;
	[tilespmem:s2+$0x80] =	vst v29;
	v29 =	vld [tilespmem:s9+$0x180]  }
0x3b5: {  	s30 =	simm.s32 $0x200;
	v32 =	vld [tilespmem:s0+$0x10100]  }
0x3b6: {  	s7 =	sand.u32 $0x1C00, s30;
	s5 =	simm.s32 $0x40;
	v61 =	vld.idx.msk [tilespmem:v55+s23+$0x0], $0xffff;
	v50 =	vadd.s32 v16, v34  }
0x3b7: {  	s8 =	sor.u32 $0x10100, s7;
	s28 =	sand.u32 $0x60, s5;
	v59 =	vld.idx.msk [tilespmem:v43+s24+$0x0], $0xffff  }
0x3b8: {  	s11 =	sor.u32 s28, s8;
	v33 =	vld.idx.msk [tilespmem:v53+s23+$0x0], $0xffff  }
0x3b9: {  	v62 =	vadd.s32 v20, v24;
	v36 =	vmul.f32 v48, v37;
	v48 =	vld [tilespmem:s11+$0x0];
	v29 =	vmul.f32 v58, v29  }
0x3ba: {  	v43 =	vld.idx.msk [tilespmem:v43+s23+$0x0], $0xffff  }
0x3bb: {  	v29 =	vadd.f32 v29, v61;
	v53 =	vld.idx.msk [tilespmem:v50+s24+$0x0], $0xffff  }
0x3bc: {  	v31 =	vmul.f32 v59, v41;
	v41 =	vld.idx.msk [tilespmem:v50+s23+$0x0], $0xffff  }
0x3bd: {  	v50 =	vld [tilespmem:s11+$0x180];
	[tilespmem:s9+$0x180] =	vst v29  }
0x3be: {  	v63 =	vadd.s32 v19, v28;
	v29 =	vld.idx.msk [tilespmem:v62+s24+$0x0], $0xffff  }
0x3bf: {  	v49 =	vadd.f32 v31, v43;
	v31 =	vld [tilespmem:s6+$0xFFFFFFF0];
	s6 =	simm.s32 $0x50  }
0x3c0: {  	s10 =	sand.u32 $0x70, s6;
	v35 =	vld.idx.msk [tilespmem:v62+s23+$0x0], $0xffff  }
0x3c1: {  	v43 =	vadd.s32 v22, v26;
	[tilespmem:s2+$0x100] =	vst v49;
	s7 =	sor.u32 s10, s8;
	v49 =	vld [tilespmem:s11+$0x80]  }
0x3c2: {  	v55 =	vld [tilespmem:s7+$0x0]  }
0x3c3: {  	v54 =	vadd.s32 v21, v24;
	v36 =	vadd.f32 v36, v38;
	v44 =	vld.idx.msk [tilespmem:v63+s24+$0x0], $0xffff;
	v29 =	vmul.f32 v29, v51  }
0x3c4: {  	v37 =	vld.idx.msk [tilespmem:v63+s23+$0x0], $0xffff  }
0x3c5: {  	[tilespmem:s4+$0x280] =	vst v36;
	v58 =	vld [tilespmem:s7+$0x80];
	v29 =	vadd.f32 v29, v35  }
0x3c6: {  	v52 =	vadd.s32 v16, v31;
	v45 =	vld.idx.msk [tilespmem:v43+s24+$0x0], $0xffff  }
0x3c7: {  	v56 =	vadd.s32 v17, v34;
	v43 =	vld.idx.msk [tilespmem:v43+s23+$0x0], $0xffff;
	v39 =	vmul.f32 v53, v55;
	[tilespmem:s9+$0x200] =	vst v29  }
0x3c8: {  	v29 =	vld.idx.msk [tilespmem:v54+s24+$0x0], $0xffff  }
0x3c9: {  	v55 =	vld [tilespmem:s7+$0x100];
	v39 =	vadd.f32 v39, v41  }
0x3ca: {  	v36 =	vld.idx.msk [tilespmem:v54+s23+$0x0], $0xffff  }
0x3cb: {  	s20 =	sand.u32 $0x3, s1;
	v46 =	vld.idx.msk [tilespmem:v52+s24+$0x0], $0xffff;
	[tilespmem:s7+$0x0] =	vst v39  }
0x3cc: {  	s21 =	sshll.u32 s20, $0x5;
	v62 =	vadd.s32 v20, v28;
	v42 =	vmul.f32 v44, v42;
	v39 =	vld.idx.msk [tilespmem:v56+s24+$0x0], $0xffff  }
0x3cd: {  	s22 =	sadd.s32 $0x0, s21;
	s29 =	simm.s32 $0x2;
	v57 =	vadd.s32 v22, v24;
	v38 =	vld.idx.msk [tilespmem:v52+s23+$0x0], $0xffff;
	v29 =	vmul.f32 v29, v47  }
0x3ce: {  	s25 =	sor.u32 $0x300, s22;
	s4 =	sand.u32 $0x7, s29;
	v37 =	vadd.f32 v42, v37;
	v40 =	vld.idx.msk [tilespmem:v56+s23+$0x0], $0xffff  }
0x3cf: {  	s4 =	sshll.u32 s4, $0x4;
	v35 =	vld [tilespmem:s25+$0x10100];
	v29 =	vadd.f32 v29, v36  }
0x3d0: {  	s4 =	sadd.s32 $0x100, s4;
	v59 =	vadd.s32 v17, v31;
	v52 =	vld [tilespmem:s7+$0x180];
	[tilespmem:s2+$0x180] =	vst v37;
	v46 =	vmul.f32 v46, v48  }
0x3d1: {  	s4 =	sadd.s32 $0x10, s4;
	v61 =	vadd.s32 v18, v34;
	v56 =	vld.idx.msk [tilespmem:v62+s24+$0x0], $0xffff;
	v39 =	vmul.f32 v39, v58;
	[tilespmem:s9+$0x280] =	vst v29  }
0x3d2: {  	s4 =	sor.u32 $0x300, s4;
	v29 =	vadd.f32 v46, v38;
	v60 =	vld.idx.msk [tilespmem:v57+s24+$0x0], $0xffff  }
0x3d3: {  	v39 =	vadd.f32 v39, v40;
	v51 =	vld [tilespmem:s4+$0x10100]  }
0x3d4: {  	[tilespmem:s11+$0x0] =	vst v29;
	v29 =	vld.idx.msk [tilespmem:v57+s23+$0x0], $0xffff  }
0x3d5: {  	[tilespmem:s7+$0x80] =	vst v39;
	v63 =	vld.idx.msk [tilespmem:v59+s24+$0x0], $0xffff  }
0x3d6: {  	v39 =	vld.idx.msk [tilespmem:v61+s24+$0x0], $0xffff  }
0x3d7: {  	v54 =	vld.idx.msk [tilespmem:v59+s23+$0x0], $0xffff  }
0x3d8: {  	v48 =	vld [tilespmem:s11+$0x100];
	v38 =	vmul.f32 v60, v51  }
0x3d9: {  	v57 =	vadd.s32 v23, v24;
	v46 =	vld.idx.msk [tilespmem:v61+s23+$0x0], $0xffff  }
0x3da: {  	v47 =	vld.idx.msk [tilespmem:v62+s23+$0x0], $0xffff;
	v58 =	vadd.s32 v18, v31;
	v29 =	vadd.f32 v38, v29;
	v59 =	vmul.f32 v63, v49  }
0x3db: {  	v25 =	vmul.f32 v56, v25;
	v56 =	vld [tilespmem:s7+$0x200]  }
0x3dc: {  	v36 =	vld [tilespmem:s11+$0x200];
	v37 =	vmul.f32 v39, v55;
	[tilespmem:s4+$0x10100] =	vst v29;
	v29 =	vadd.f32 v59, v54  }
0x3dd: {  	v24 =	vld [tilespmem:s11+$0x280];
	v60 =	vadd.s32 v19, v34  }
0x3de: {  	s3 =	sor.u32 s3, s13;
	v39 =	vld.idx.msk [tilespmem:v57+s24+$0x0], $0xffff;
	[tilespmem:s11+$0x80] =	vst v29;
	v29 =	vadd.f32 v37, v46  }
0x3df: {  	s31 =	sor.u32 $0x380, s3;
	v61 =	vld.idx.msk [tilespmem:v58+s24+$0x0], $0xffff  }
0x3e0: {  	v40 =	vld [tilespmem:s31+$0x10100];
	[tilespmem:s7+$0x100] =	vst v29;
	v29 =	vadd.s32 v21, v28  }
0x3e1: {  	v62 =	vld.idx.msk [tilespmem:v58+s23+$0x0], $0xffff  }
0x3e2: {  	v25 =	vadd.f32 v25, v47;
	v63 =	vld.idx.msk [tilespmem:v60+s24+$0x0], $0xffff  }
0x3e3: {  	v41 =	vld.idx.msk [tilespmem:v57+s23+$0x0], $0xffff  }
0x3e4: {  	v53 =	vadd.s32 v19, v31;
	[tilespmem:s2+$0x200] =	vst v25;
	v38 =	vld.idx.msk [tilespmem:v60+s23+$0x0], $0xffff;
	v25 =	vmul.f32 v61, v48  }
0x3e5: {  	v54 =	vld.idx.msk [tilespmem:v29+s24+$0x0], $0xffff  }
0x3e6: {  	s8 =	simm.s32 $0x70;
	v29 =	vld.idx.msk [tilespmem:v29+s23+$0x0], $0xffff;
	v37 =	vadd.f32 v25, v62  }
0x3e7: {  	v55 =	vadd.s32 v20, v34;
	v42 =	vmul.f32 v63, v52;
	v25 =	vld [tilespmem:s8+$0x0]  }
0x3e8: {  	[tilespmem:s11+$0x100] =	vst v37;
	v37 =	vld [tilespmem:s8+$0xFFFFFFF0]  }
0x3e9: {  	v35 =	vmul.f32 v45, v35;
	v38 =	vadd.f32 v42, v38;
	v42 =	vld.idx.msk [tilespmem:v53+s24+$0x0], $0xffff  }
0x3ea: {  	v45 =	vadd.s32 v22, v28;
	s9 =	simm.s32 $0x1;
	v44 =	vld.idx.msk [tilespmem:v53+s23+$0x0], $0xffff;
	v27 =	vmul.f32 v54, v27  }
0x3eb: {  	v35 =	vadd.f32 v35, v43;
	s3 =	sand.u32 $0x3, s9;
	v53 =	vld [tilespmem:s7+$0x280];
	[tilespmem:s7+$0x180] =	vst v38  }
0x3ec: {  	s1 =	sor.u32 s1, s1;
	s20 =	sshll.u32 s3, $0x5;
	v38 =	vld.idx.msk [tilespmem:v55+s24+$0x0], $0xffff;
	v27 =	vadd.f32 v27, v29  }
0x3ed: {  	[tilespmem:s25+$0x10100] =	vst v35;
	s4 =	sor.u32 $0x380, s1;
	s1 =	sadd.s32 $0x100, s20;
	s20 =	simm.s32 $0x300;
	v57 =	vld.idx.msk [tilespmem:v55+s23+$0x0], $0xffff;
	v29 =	vadd.s32 v16, v25  }
0x3ee: {  	s22 =	simm.s32 $0x70;
	s21 =	sand.u32 $0x1C00, s20;
	[tilespmem:s2+$0x280] =	vst v27;
	v27 =	vld [tilespmem:s4+$0x10100]  }
0x3ef: {  	s25 =	sand.u32 $0x70, s22;
	s1 =	sor.u32 $0x300, s1;
	v58 =	vadd.s32 v16, v37;
	s2 =	sor.u32 $0x10100, s21;
	v47 =	vld.idx.msk [tilespmem:v45+s24+$0x0], $0xffff  }
0x3f0: {  	v48 =	vld [tilespmem:s1+$0x10100];
	s9 =	sor.u32 s25, s2  }
0x3f1: {  	v60 =	vadd.s32 v21, v34;
	v38 =	vmul.f32 v38, v56;
	v61 =	vld [tilespmem:s9+$0x0]  }
0x3f2: {  	s25 =	simm.s32 $0x60;
	v59 =	vld.idx.msk [tilespmem:v29+s24+$0x0], $0xffff  }
0x3f3: {  	s28 =	sand.u32 $0x60, s25;
	v29 =	vld.idx.msk [tilespmem:v29+s23+$0x0], $0xffff;
	v35 =	vadd.f32 v38, v57  }
0x3f4: {  	s3 =	sor.u32 s28, s2;
	v62 =	vld.idx.msk [tilespmem:v58+s24+$0x0], $0xffff  }
0x3f5: {  	v52 =	vld [tilespmem:s3+$0x0];
	[tilespmem:s7+$0x200] =	vst v35  }
0x3f6: {  	v54 =	vadd.s32 v20, v31;
	v42 =	vmul.f32 v42, v50;
	v35 =	vld.idx.msk [tilespmem:v60+s24+$0x0], $0xffff  }
0x3f7: {  	v46 =	vld.idx.msk [tilespmem:v58+s23+$0x0], $0xffff  }
0x3f8: {  	v63 =	vadd.s32 v17, v25;
	v42 =	vadd.f32 v42, v44;
	v43 =	vld.idx.msk [tilespmem:v60+s23+$0x0], $0xffff;
	v49 =	vmul.f32 v59, v61  }
0x3f9: {  	v50 =	vld [tilespmem:s3+$0x100]  }
0x3fa: {  	v58 =	vld [tilespmem:s9+$0x80];
	[tilespmem:s11+$0x180] =	vst v42;
	v38 =	vmul.f32 v62, v52;
	v29 =	vadd.f32 v49, v29  }
0x3fb: {  	s21 =	simm.s32 $0x4;
	v57 =	vadd.s32 v22, v34;
	v42 =	vld.idx.msk [tilespmem:v54+s24+$0x0], $0xffff;
	v35 =	vmul.f32 v35, v53  }
0x3fc: {  	s29 =	sand.u32 $0x7, s21;
	v49 =	vld [tilespmem:s3+$0x80];
	v38 =	vadd.f32 v38, v46;
	[tilespmem:s9+$0x0] =	vst v29  }
0x3fd: {  	v55 =	vadd.s32 v17, v37;
	s2 =	sshll.u32 s29, $0x4;
	v29 =	vld.idx.msk [tilespmem:v63+s24+$0x0], $0xffff;
	v43 =	vadd.f32 v35, v43  }
0x3fe: {  	s2 =	sadd.s32 $0x200, s2;
	v51 =	vld.idx.msk [tilespmem:v63+s23+$0x0], $0xffff;
	[tilespmem:s3+$0x0] =	vst v38  }
0x3ff: {  	s2 =	sadd.s32 $0x10, s2;
	v38 =	vld [tilespmem:s3+$0x280];
	[tilespmem:s7+$0x280] =	vst v43  }
0x400: {  	s2 =	sor.u32 $0x300, s2;
	v43 =	vld.idx.msk [tilespmem:v57+s24+$0x0], $0xffff  }
0x401: {  	v60 =	vld [tilespmem:s2+$0x10100]  }
0x402: {  	v62 =	vld.idx.msk [tilespmem:v55+s24+$0x0], $0xffff  }
0x403: {  	v59 =	vadd.s32 v18, v25;
	v61 =	vld.idx.msk [tilespmem:v57+s23+$0x0], $0xffff;
	v29 =	vmul.f32 v29, v58  }
0x404: {  	v35 =	vld [tilespmem:s3+$0x180]  }
0x405: {  	v63 =	vld.idx.msk [tilespmem:v55+s23+$0x0], $0xffff;
	v51 =	vadd.f32 v29, v51  }
0x406: {  	v34 =	vadd.s32 v23, v34;
	v57 =	vld [tilespmem:s9+$0x100];
	v43 =	vmul.f32 v43, v60  }
0x407: {  	v29 =	vld [tilespmem:s3+$0x200];
	[tilespmem:s9+$0x80] =	vst v51  }
0x408: {  	v58 =	vadd.s32 v18, v37;
	v49 =	vmul.f32 v62, v49;
	v51 =	vld.idx.msk [tilespmem:v59+s24+$0x0], $0xffff;
	v43 =	vadd.f32 v43, v61  }
0x409: {  	v44 =	vld.idx.msk [tilespmem:v59+s23+$0x0], $0xffff  }
0x40a: {  	s7 =	sor.u32 s6, s30;
	v60 =	vadd.f32 v49, v63;
	v59 =	vld.idx.msk [tilespmem:v54+s23+$0x0], $0xffff;
	[tilespmem:s2+$0x10100] =	vst v43  }
0x40b: {  	s8 =	sor.u32 $0x380, s7;
	v61 =	vld.idx.msk [tilespmem:v34+s24+$0x0], $0xffff  }
0x40c: {  	v30 =	vmul.f32 v30, v32;
	[tilespmem:s3+$0x80] =	vst v60;
	v62 =	vld [tilespmem:s8+$0x10100]  }
0x40d: {  	v54 =	vmul.f32 v39, v40;
	v39 =	vld.idx.msk [tilespmem:v58+s24+$0x0], $0xffff;
	v46 =	vmul.f32 v51, v57;
	v51 =	vadd.s32 v19, v25  }
0x40e: {  	v30 =	vadd.f32 v30, v33;
	v33 =	vadd.s32 v21, v31;
	v36 =	vmul.f32 v42, v36;
	v42 =	vld.idx.msk [tilespmem:v58+s23+$0x0], $0xffff  }
0x40f: {  	v63 =	vld.idx.msk [tilespmem:v34+s23+$0x0], $0xffff;
	v56 =	vadd.f32 v46, v44  }
0x410: {  	[tilespmem:s0+$0x10100] =	vst v30;
	v57 =	vld.idx.msk [tilespmem:v45+s23+$0x0], $0xffff;
	v59 =	vadd.f32 v36, v59  }
0x411: {  	s13 =	sor.u32 s26, s13;
	s10 =	simm.s32 $0x2;
	v30 =	vadd.s32 v22, v31;
	v58 =	vadd.s32 v23, v26;
	[tilespmem:s9+$0x100] =	vst v56;
	v61 =	vmul.f32 v61, v62;
	v62 =	vld [tilespmem:s9+$0x180]  }
0x412: {  	s13 =	sor.u32 $0x380, s13;
	s0 =	sand.u32 $0x3, s10;
	v32 =	vadd.s32 v21, v37;
	v48 =	vmul.f32 v47, v48;
	[tilespmem:s11+$0x200] =	vst v59;
	v60 =	vld.idx.msk [tilespmem:v51+s24+$0x0], $0xffff  }
0x413: {  	s5 =	sor.u32 s5, s30;
	s0 =	sshll.u32 s0, $0x5;
	v26 =	vadd.s32 v23, v28;
	v28 =	vadd.s32 v23, v31;
	s2 =	simm.s32 $0x3;
	v34 =	vadd.f32 v54, v41;
	v43 =	vld.idx.msk [tilespmem:v33+s24+$0x0], $0xffff  }
0x414: {  	s0 =	sadd.s32 $0x200, s0;
	s29 =	sor.u32 s25, s20;
	v31 =	vadd.s32 v22, v37;
	s26 =	sand.u32 $0x3, s2;
	v36 =	vadd.s32 v19, v37;
	v39 =	vmul.f32 v39, v50;
	v45 =	vld.idx.msk [tilespmem:v51+s23+$0x0], $0xffff  }
0x415: {  	s0 =	sor.u32 $0x300, s0;
	s30 =	sor.u32 $0x380, s29;
	s6 =	sshll.u32 s26, $0x5;
	[tilespmem:s31+$0x10100] =	vst v34;
	v34 =	vadd.s32 v20, v37;
	v40 =	vld.idx.msk [tilespmem:v33+s23+$0x0], $0xffff;
	v63 =	vadd.f32 v61, v63  }
0x416: {  	s7 =	simm.s32 $0x90;
	s26 =	sor.u32 $0x380, s5;
	s28 =	sadd.s32 $0x300, s6;
	v46 =	vadd.s32 v20, v25;
	v33 =	vadd.s32 v23, v37;
	v47 =	vadd.f32 v39, v42;
	v39 =	vld.idx.msk [tilespmem:v58+s24+$0x0], $0xffff  }
0x417: {  	s6 =	simm.s32 $0x6;
	s31 =	simm.s32 $0x300;
	s5 =	sor.u32 $0x300, s28;
	v42 =	vld.idx.msk [tilespmem:v58+s23+$0x0], $0xffff;
	v44 =	vadd.f32 v48, v57;
	[tilespmem:s8+$0x10100] =	vst v63;
	v48 =	vmul.f32 v60, v62  }
.LBB2_11:
0x418: {  	v41 =	vld [tilespmem:s7+$0x0];
	s6 =	sadd.s32 $0x2, s6;
	[tilespmem:s3+$0x100] =	vst v47;
	v37 =	vmov v33  }
0x419: {  	v33 =	vld [tilespmem:s7+$0xFFFFFFF0];
	p0 =	slt.u32 s6, $0x3E;
	v45 =	vadd.f32 v48, v45;
	[tilespmem:s1+$0x10100] =	vst v44;
	s1 =	smov.u32 s0;
	s0 =	smov.u32 s5  }
0x41a: {  	v43 =	vmul.f32 v43, v24;
	v24 =	vmov v38;
	v44 =	vld.idx.msk [tilespmem:v36+s24+$0x0], $0xffff  }
0x41b: {  	v38 =	vld.idx.msk [tilespmem:v36+s23+$0x0], $0xffff;
	[tilespmem:s9+$0x180] =	vst v45  }
0x41c: {  	v43 =	vadd.f32 v43, v40;
	v47 =	vmul.f32 v39, v27;
	v45 =	vld.idx.msk [tilespmem:v46+s24+$0x0], $0xffff  }
0x41d: {  	s2 =	sadd.s32 $0x1, s2;
	v48 =	vadd.s32 v16, v41;
	v49 =	vld [tilespmem:s9+$0x200]  }
0x41e: {  	s5 =	sand.u32 $0x3, s2;
	v50 =	vadd.s32 v16, v33;
	v51 =	vadd.s32 v17, v33;
	v40 =	vadd.s32 v18, v33;
	v46 =	vld.idx.msk [tilespmem:v46+s23+$0x0], $0xffff  }
0x41f: {  	s20 =	sadd.s32 $0x100, s20;
	s25 =	sadd.s32 $0x20, s25;
	s5 =	sshll.u32 s5, $0x5;
	v36 =	vadd.s32 v19, v33;
	v52 =	vadd.s32 v20, v33;
	v39 =	vadd.s32 v21, v33;
	[tilespmem:s11+$0x280] =	vst v43;
	v27 =	vld [tilespmem:s13+$0x10100]  }
0x420: {  	s28 =	sand.u32 $0x1C00, s20;
	s10 =	sadd.s32 $0x10, s25;
	s11 =	sand.u32 $0x60, s25;
	v43 =	vadd.s32 v22, v33;
	v33 =	vadd.s32 v23, v33;
	v35 =	vmul.f32 v44, v35;
	v44 =	vld.idx.msk [tilespmem:v30+s24+$0x0], $0xffff  }
0x421: {  	s28 =	sor.u32 $0x10100, s28;
	s29 =	sand.u32 $0x70, s10;
	s5 =	sadd.s32 s5, s20;
	v42 =	vadd.f32 v47, v42;
	v53 =	vld [tilespmem:s1+$0x10100]  }
0x422: {  	s5 =	sor.u32 $0x300, s5;
	s8 =	sor.u32 s11, s28;
	s28 =	sor.u32 s29, s28;
	v35 =	vadd.f32 v35, v38;
	v47 =	vld.idx.msk [tilespmem:v48+s24+$0x0], $0xffff;
	v38 =	vmul.f32 v45, v49;
	v45 =	vadd.s32 v21, v25  }
0x423: {  	s29 =	sor.u32 s25, s20;
	s11 =	smov.u32 s3;
	s3 =	smov.u32 s8;
	v49 =	vld [tilespmem:s28+$0x0];
	[tilespmem:s4+$0x10100] =	vst v42  }
0x424: {  	s8 =	sor.u32 $0x380, s29;
	s4 =	smov.u32 s13;
	s13 =	smov.u32 s26;
	v42 =	vld.idx.msk [tilespmem:v48+s23+$0x0], $0xffff;
	[tilespmem:s11+$0x180] =	vst v35;
	v35 =	vadd.f32 v38, v46  }
0x425: {  	s26 =	smov.u32 s30;
	s30 =	smov.u32 s8;
	v38 =	vld.idx.msk [tilespmem:v50+s24+$0x0], $0xffff  }
0x426: {  	v46 =	vld [tilespmem:s3+$0x0];
	[tilespmem:s9+$0x200] =	vst v35;
	v44 =	vmul.f32 v44, v53  }
0x427: {  	v35 =	vld.idx.msk [tilespmem:v45+s24+$0x0], $0xffff  }
0x428: {  	v48 =	vadd.s32 v17, v41;
	v47 =	vmul.f32 v47, v49;
	v49 =	vld [tilespmem:s9+$0x280]  }
0x429: {  	v45 =	vld.idx.msk [tilespmem:v45+s23+$0x0], $0xffff  }
0x42a: {  	v50 =	vld.idx.msk [tilespmem:v50+s23+$0x0], $0xffff;
	v42 =	vadd.f32 v47, v42  }
0x42b: {  	v38 =	vmul.f32 v38, v46;
	v46 =	vld [tilespmem:s3+$0x80]  }
0x42c: {  	v47 =	vld [tilespmem:s3+$0x100];
	[tilespmem:s28+$0x0] =	vst v42  }
0x42d: {  	s21 =	sadd.s32 $0x2, s21;
	v42 =	vld.idx.msk [tilespmem:v48+s24+$0x0], $0xffff;
	v35 =	vmul.f32 v35, v49;
	v49 =	vadd.s32 v22, v25  }
0x42e: {  	s8 =	sand.u32 $0x7, s21;
	v53 =	vld [tilespmem:s28+$0x80]  }
0x42f: {  	s8 =	sshll.u32 s8, $0x4;
	v48 =	vld.idx.msk [tilespmem:v48+s23+$0x0], $0xffff;
	v45 =	vadd.f32 v35, v45  }
0x430: {  	s8 =	sadd.s32 s31, s8;
	v38 =	vadd.f32 v38, v50;
	v35 =	vld [tilespmem:s3+$0x180]  }
0x431: {  	s8 =	sadd.s32 $0x10, s8;
	v50 =	vld.idx.msk [tilespmem:v34+s24+$0x0], $0xffff;
	[tilespmem:s9+$0x280] =	vst v45;
	s9 =	smov.u32 s28  }
0x432: {  	s8 =	sor.u32 $0x300, s8;
	[tilespmem:s3+$0x0] =	vst v38;
	v38 =	vld.idx.msk [tilespmem:v49+s24+$0x0], $0xffff  }
0x433: {  	v45 =	vadd.s32 v18, v41;
	v42 =	vmul.f32 v42, v53;
	v53 =	vld [tilespmem:s8+$0x10100]  }
0x434: {  	v49 =	vld.idx.msk [tilespmem:v49+s23+$0x0], $0xffff  }
0x435: {  	v54 =	vld.idx.msk [tilespmem:v51+s24+$0x0], $0xffff;
	v42 =	vadd.f32 v42, v48  }
0x436: {  	v48 =	vld.idx.msk [tilespmem:v51+s23+$0x0], $0xffff  }
0x437: {  	[tilespmem:s9+$0x80] =	vst v42;
	v42 =	vmul.f32 v50, v29;
	v29 =	vld [tilespmem:s3+$0x200]  }
0x438: {  	v51 =	vadd.s32 v23, v25;
	v25 =	vmov v41;
	v50 =	vld.idx.msk [tilespmem:v45+s24+$0x0], $0xffff;
	v38 =	vmul.f32 v38, v53  }
0x439: {  	v41 =	vld [tilespmem:s9+$0x100]  }
0x43a: {  	v45 =	vld.idx.msk [tilespmem:v45+s23+$0x0], $0xffff;
	v49 =	vadd.f32 v38, v49  }
0x43b: {  	v46 =	vmul.f32 v54, v46;
	v53 =	vld.idx.msk [tilespmem:v34+s23+$0x0], $0xffff;
	v34 =	vmov v52  }
0x43c: {  	v38 =	vld [tilespmem:s3+$0x280];
	[tilespmem:s8+$0x10100] =	vst v49;
	s8 =	sor.u32 s22, s31;
	s31 =	smov.u32 s20;
	s22 =	smov.u32 s10  }
0x43d: {  	v46 =	vadd.f32 v46, v48;
	s8 =	sor.u32 $0x380, s8;
	v48 =	vld.idx.msk [tilespmem:v51+s24+$0x0], $0xffff  }
0x43e: {  	v49 =	vadd.s32 v19, v25;
	v41 =	vmul.f32 v50, v41;
	v50 =	vld [tilespmem:s8+$0x10100]  }
0x43f: {  	[tilespmem:s3+$0x80] =	vst v46;
	v46 =	vld.idx.msk [tilespmem:v51+s23+$0x0], $0xffff  }
0x440: {  	v51 =	vld.idx.msk [tilespmem:v40+s24+$0x0], $0xffff;
	v41 =	vadd.f32 v41, v45  }
0x441: {  	v52 =	vld.idx.msk [tilespmem:v40+s23+$0x0], $0xffff;
	v40 =	vadd.f32 v42, v53  }
0x442: {  	[tilespmem:s9+$0x100] =	vst v41;
	v41 =	vld.idx.msk [tilespmem:v30+s23+$0x0], $0xffff;
	v30 =	vmov v31;
	v31 =	vmov v43  }
0x443: {  	v42 =	vld.idx.msk [tilespmem:v49+s24+$0x0], $0xffff;
	[tilespmem:s11+$0x200] =	vst v40;
	v40 =	vmul.f32 v48, v50  }
0x444: {  	v48 =	vld [tilespmem:s9+$0x180]  }
.Ltmp4:
0x445: {  	v45 =	vld.idx.msk [tilespmem:v49+s23+$0x0], $0xffff;
	v46 =	vadd.f32 v40, v46;
	(pc) =	sbr.rel @p0 .LBB2_11-.Ltmp4, $4  }
0x446: {  	v47 =	vmul.f32 v51, v47;
	v43 =	vld.idx.msk [tilespmem:v32+s24+$0x0], $0xffff  }
0x447: {  	v40 =	vld.idx.msk [tilespmem:v32+s23+$0x0], $0xffff;
	[tilespmem:s8+$0x10100] =	vst v46;
	v32 =	vmov v39  }
0x448: {  	v47 =	vadd.f32 v47, v52;
	v44 =	vadd.f32 v44, v41;
	v39 =	vld.idx.msk [tilespmem:v26+s24+$0x0], $0xffff  }
0x449: {  	s7 =	sadd.s32 $0x20, s7;
	v46 =	vadd.s32 v20, v25;
	v48 =	vmul.f32 v42, v48;
	v42 =	vld.idx.msk [tilespmem:v26+s23+$0x0], $0xffff;
	v26 =	vmovc v28;
	v28 =	vmov v37  }
0x44a: {  	_ =	sdelay $0x1  }
0x44b: {  	v16 =	vadd.f32 v48, v45  }
0x44c: {  	[tilespmem:s3+$0x100] =	vst v47;
	v18 =	vld [tilespmem:s9+$0x200]  }
0x44d: {  	v17 =	vld.idx.msk [tilespmem:v36+s24+$0x0], $0xffff;
	[tilespmem:s9+$0x180] =	vst v16  }
0x44e: {  	v16 =	vld.idx.msk [tilespmem:v46+s24+$0x0], $0xffff  }
0x44f: {  	v19 =	vld.idx.msk [tilespmem:v36+s23+$0x0], $0xffff  }
0x450: {  	v20 =	vld.idx.msk [tilespmem:v46+s23+$0x0], $0xffff;
	_ =	sdelay $0x1  }
0x451: {  	v17 =	vmul.f32 v17, v35  }
0x452: {  	v16 =	vmul.f32 v16, v18  }
0x453: {  	v17 =	vadd.f32 v17, v19  }
0x454: {  	v18 =	vadd.s32 v21, v25;
	v16 =	vadd.f32 v16, v20  }
0x455: {  	[tilespmem:s3+$0x180] =	vst v17  }
0x456: {  	[tilespmem:s9+$0x200] =	vst v16;
	v16 =	vld.idx.msk [tilespmem:v34+s24+$0x0], $0xffff  }
0x457: {  	v19 =	vld.idx.msk [tilespmem:v34+s23+$0x0], $0xffff  }
0x458: {  	v20 =	vld [tilespmem:s9+$0x280]  }
0x459: {  	v17 =	vld.idx.msk [tilespmem:v18+s24+$0x0], $0xffff;
	_ =	sdelay $0x1  }
0x45a: {  	v18 =	vld.idx.msk [tilespmem:v18+s23+$0x0], $0xffff;
	v16 =	vmul.f32 v16, v29;
	_ =	sdelay $0x1  }
0x45b: {  	v16 =	vadd.f32 v16, v19  }
0x45c: {  	s2 =	sadd.s32 $0x2, s21;
	v17 =	vmul.f32 v17, v20;
	v19 =	vadd.s32 v22, v25  }
0x45d: {  	s2 =	sand.u32 $0x7, s2;
	[tilespmem:s3+$0x200] =	vst v16  }
0x45e: {  	s2 =	sshll.u32 s2, $0x4;
	v16 =	vadd.f32 v17, v18;
	v17 =	vld.idx.msk [tilespmem:v32+s24+$0x0], $0xffff  }
0x45f: {  	s2 =	sadd.s32 s31, s2  }
0x460: {  	s2 =	sadd.s32 $0x10, s2;
	v18 =	vmul.f32 v43, v24;
	[tilespmem:s9+$0x280] =	vst v16;
	v16 =	vld.idx.msk [tilespmem:v32+s23+$0x0], $0xffff  }
0x461: {  	s2 =	sor.u32 $0x300, s2;
	v20 =	vld.idx.msk [tilespmem:v19+s24+$0x0], $0xffff  }
0x462: {  	v18 =	vadd.f32 v18, v40;
	v21 =	vld [tilespmem:s2+$0x10100]  }
0x463: {  	v17 =	vmul.f32 v17, v38  }
0x464: {  	[tilespmem:s11+$0x280] =	vst v18;
	v18 =	vld.idx.msk [tilespmem:v19+s23+$0x0], $0xffff  }
0x465: {  	v19 =	vld.idx.msk [tilespmem:v30+s24+$0x0], $0xffff;
	v16 =	vadd.f32 v17, v16  }
0x466: {  	v22 =	vld.idx.msk [tilespmem:v30+s23+$0x0], $0xffff  }
0x467: {  	v17 =	vld [tilespmem:s0+$0x10100];
	v20 =	vmul.f32 v20, v21;
	v21 =	vadd.s32 v23, v25;
	[tilespmem:s3+$0x280] =	vst v16  }
0x468: {  	v16 =	vld.idx.msk [tilespmem:v31+s24+$0x0], $0xffff  }
0x469: {  	[tilespmem:s1+$0x10100] =	vst v44;
	v18 =	vadd.f32 v20, v18;
	v20 =	vld [tilespmem:s5+$0x10100]  }
0x46a: {  	v23 =	vld [tilespmem:s13+$0x10100]  }
0x46b: {  	s21 =	sor.u32 s22, s31;
	[tilespmem:s2+$0x10100] =	vst v18;
	v18 =	vld.idx.msk [tilespmem:v31+s23+$0x0], $0xffff  }
0x46c: {  	s1 =	sor.u32 $0x380, s21;
	v17 =	vmul.f32 v19, v17;
	v19 =	vld.idx.msk [tilespmem:v21+s24+$0x0], $0xffff  }
0x46d: {  	v24 =	vld [tilespmem:s1+$0x10100]  }
0x46e: {  	v21 =	vld.idx.msk [tilespmem:v21+s23+$0x0], $0xffff;
	v17 =	vadd.f32 v17, v22;
	v16 =	vmul.f32 v16, v20  }
0x46f: {  	v22 =	vld.idx.msk [tilespmem:v26+s23+$0x0], $0xffff  }
0x470: {  	v20 =	vld.idx.msk [tilespmem:v26+s24+$0x0], $0xffff;
	[tilespmem:s0+$0x10100] =	vst v17;
	v16 =	vadd.f32 v16, v18  }
0x471: {  	v17 =	vld [tilespmem:s26+$0x10100]  }
0x472: {  	v18 =	vld.idx.msk [tilespmem:v28+s24+$0x0], $0xffff;
	[tilespmem:s5+$0x10100] =	vst v16  }
0x473: {  	v16 =	vld [tilespmem:s30+$0x10100]  }
0x474: {  	v25 =	vld.idx.msk [tilespmem:v33+s24+$0x0], $0xffff  }
0x475: {  	v26 =	vmul.f32 v39, v27;
	v27 =	vld.idx.msk [tilespmem:v28+s23+$0x0], $0xffff  }
0x476: {  	v19 =	vmul.f32 v19, v24;
	v24 =	vld.idx.msk [tilespmem:v33+s23+$0x0], $0xffff  }
0x477: {  	v26 =	vadd.f32 v26, v42;
	v20 =	vmul.f32 v20, v23  }
0x478: {  	v19 =	vadd.f32 v19, v21;
	v17 =	vmul.f32 v18, v17  }
0x479: {  	[tilespmem:s4+$0x10100] =	vst v26;
	v18 =	vadd.f32 v20, v22;
	v16 =	vmul.f32 v25, v16  }
0x47a: {  	[tilespmem:s1+$0x10100] =	vst v19;
	v17 =	vadd.f32 v17, v27  }
0x47b: {  	s20 =	rddreg [dreg:$0x2];
	s25 =	sadd.s32 $0x7, s15;
	[tilespmem:s13+$0x10100] =	vst v18;
	v16 =	vadd.f32 v16, v24  }
0x47c: {  	s22 =	sadd.s32 s20, s16;
	s29 =	sshrl.u32 s25, $0x4;
	[tilespmem:s26+$0x10100] =	vst v17  }
0x47d: {  	s0 =	simm.s32 $0x0;
	s26 =	simm.s32 $0x10100;
	[tilespmem:s30+$0x10100] =	vst v16;
	s30 =	simm.s32 $0x8  }
0x47e: {  	[hbm4b:s22+s0] =	stream.linear.scatter [tilespmem:s26], [sflag:$0x5], $0x2000, $0x38;
	[tilespmem:$0x18100] =	vst v63  }
0x47f: {  	s2 =	sadd.s32 s12, s29;
	s1 =	sshll.u32 s25, $0xA;
	_ =	swait.ge [sflag:s30], $0x2000  }
0x480: {  	s2 =	sshll.u32 s2, $0xE;
	s1 =	sand.u32 $0x3000, s1;
	s31 =	rddreg [dreg:$0xb]  }
0x481: {  	s4 =	simm.s32 $0x16100;
	[sflag:s30] =	ssyncset.done $0x0;
	s1 =	sadd.s32 s1, s31  }
0x482: {  	s5 =	simm.s32 $0x2;
	[sflag:s30] =	ssyncadd.s32 $0xFFFFE000;
	s1 =	sadd.s32 s2, s1  }
0x483: {  	[tilespmem:s4], [sflag:$0x4] =	stream.linear.gather [hbm4b:s1+s0], $0x2000, $0x38;
	[tilespmem:$0x18100] =	vst v63  }
0x484: {  	_ =	swait.ge [sflag:s5], $0x2000  }
0x485: {  	[sflag:s5] =	ssyncset.done $0x0  }
0x486: {  	s6 =	sand.u32 $0x3E0, s0;
	[sflag:s5] =	ssyncadd.s32 $0xFFFFE000  }
0x487: {  	v27 =	vld [tilespmem:s6+$0x400];
	_ =	sdelay $0x1  }
0x488: {  	s7 =	simm.s32 $0x410;
	s8 =	sshll.u32 s19, $0x5  }
0x489: {  	s2 =	sor.u32 s18, s8;
	v26 =	vld [tilespmem:s7+$0x0]  }
0x48a: {  	v16 =	vmov s2  }
0x48b: {  	v17 =	vadd.s32 v16, v27;
	_ =	sdelay $0x1  }
0x48c: {  	s9 =	sand.u32 $0x60, s0;
	s10 =	sand.u32 $0x1C00, s0  }
0x48d: {  	s11 =	sor.u32 s9, s10;
	v18 =	vadd.s32 v16, v26  }
0x48e: {  	v19 =	vld [tilespmem:s11+$0x12100]  }
0x48f: {  	v20 =	vld.idx.msk [tilespmem:v17+s24+$0x0], $0xffff  }
0x490: {  	v23 =	vld [tilespmem:s11+$0x12110]  }
0x491: {  	v21 =	vld.idx.msk [tilespmem:v17+s23+$0x0], $0xffff  }
0x492: {  	s28 =	smov.u32 s12;
	s12 =	sor.u32 $0x1, s2;
	v22 =	vld.idx.msk [tilespmem:v18+s24+$0x0], $0xffff  }
0x493: {  	v17 =	vmov s12  }
0x494: {  	v18 =	vld.idx.msk [tilespmem:v18+s23+$0x0], $0xffff;
	v19 =	vmul.f32 v20, v19;
	v20 =	vadd.s32 v17, v27;
	_ =	sdelay $0x1  }
0x495: {  	v19 =	vadd.f32 v19, v21  }
0x496: {  	v21 =	vmul.f32 v22, v23;
	v22 =	vadd.s32 v17, v26  }
0x497: {  	v23 =	vld [tilespmem:s11+$0x12180];
	[tilespmem:s11+$0x12100] =	vst v19  }
0x498: {  	v18 =	vadd.f32 v21, v18;
	v19 =	vld.idx.msk [tilespmem:v20+s24+$0x0], $0xffff  }
0x499: {  	v24 =	vld [tilespmem:s11+$0x12190]  }
0x49a: {  	v21 =	vld.idx.msk [tilespmem:v20+s23+$0x0], $0xffff;
	[tilespmem:s11+$0x12110] =	vst v18  }
0x49b: {  	s13 =	sor.u32 $0x2, s2;
	v18 =	vld.idx.msk [tilespmem:v22+s24+$0x0], $0xffff  }
0x49c: {  	v20 =	vmov s13  }
0x49d: {  	v22 =	vld.idx.msk [tilespmem:v22+s23+$0x0], $0xffff;
	v19 =	vmul.f32 v19, v23;
	v23 =	vadd.s32 v20, v27;
	_ =	sdelay $0x1  }
0x49e: {  	v19 =	vadd.f32 v19, v21  }
0x49f: {  	v18 =	vmul.f32 v18, v24;
	v24 =	vadd.s32 v20, v26  }
0x4a0: {  	v28 =	vld [tilespmem:s11+$0x12200];
	[tilespmem:s11+$0x12180] =	vst v19  }
0x4a1: {  	v18 =	vadd.f32 v18, v22;
	v19 =	vld.idx.msk [tilespmem:v23+s24+$0x0], $0xffff  }
0x4a2: {  	v25 =	vld [tilespmem:s11+$0x12210]  }
0x4a3: {  	[tilespmem:s11+$0x12190] =	vst v18;
	v18 =	vld.idx.msk [tilespmem:v23+s23+$0x0], $0xffff  }
0x4a4: {  	s15 =	sor.u32 $0x3, s2;
	v22 =	vld.idx.msk [tilespmem:v24+s24+$0x0], $0xffff  }
0x4a5: {  	v21 =	vmov s15  }
0x4a6: {  	v23 =	vld.idx.msk [tilespmem:v24+s23+$0x0], $0xffff;
	v24 =	vadd.s32 v21, v27;
	v19 =	vmul.f32 v19, v28  }
0x4a7: {  	v30 =	vld [tilespmem:s11+$0x12390]  }
0x4a8: {  	v52 =	vld [tilespmem:s11+$0x12380];
	v18 =	vadd.f32 v19, v18  }
0x4a9: {  	v28 =	vld [tilespmem:s11+$0x12280];
	v19 =	vmul.f32 v22, v25;
	v22 =	vadd.s32 v21, v26  }
0x4aa: {  	v25 =	vld [tilespmem:s11+$0x12290];
	[tilespmem:s11+$0x12200] =	vst v18  }
0x4ab: {  	s18 =	simm.s32 $0x20;
	v18 =	vadd.f32 v19, v23;
	v19 =	vld.idx.msk [tilespmem:v24+s24+$0x0], $0xffff  }
0x4ac: {  	s19 =	sand.u32 $0x3E0, s18;
	v23 =	vld.idx.msk [tilespmem:v24+s23+$0x0], $0xffff  }
0x4ad: {  	[tilespmem:s11+$0x12210] =	vst v18;
	v18 =	vld [tilespmem:s19+$0x400]  }
0x4ae: {  	s16 =	sor.u32 $0x4, s2;
	v24 =	vld.idx.msk [tilespmem:v22+s24+$0x0], $0xffff  }
0x4af: {  	s4 =	simm.s32 $0x100;
	v29 =	vld.idx.msk [tilespmem:v22+s23+$0x0], $0xffff;
	v22 =	vmov s16  }
0x4b0: {  	s3 =	simm.s32 $0x430;
	s21 =	sand.u32 $0x60, s18;
	v53 =	vld [tilespmem:s11+$0x12300];
	s6 =	sand.u32 $0x1C00, s4;
	v31 =	vadd.s32 v22, v27;
	v28 =	vmul.f32 v19, v28  }
0x4b1: {  	s1 =	sor.u32 s21, s6;
	v19 =	vld [tilespmem:s3+$0x0]  }
0x4b2: {  	v59 =	vld [tilespmem:s1+$0x12110];
	v23 =	vadd.f32 v28, v23  }
0x4b3: {  	v61 =	vld [tilespmem:s1+$0x12210];
	v24 =	vmul.f32 v24, v25;
	v25 =	vadd.s32 v22, v26  }
0x4b4: {  	v54 =	vadd.s32 v16, v18;
	v28 =	vld [tilespmem:s11+$0x12310];
	[tilespmem:s11+$0x12280] =	vst v23  }
0x4b5: {  	v23 =	vadd.f32 v24, v29;
	v55 =	vld.idx.msk [tilespmem:v31+s24+$0x0], $0xffff  }
0x4b6: {  	v24 =	vld.idx.msk [tilespmem:v31+s23+$0x0], $0xffff;
	v31 =	vadd.s32 v16, v19  }
0x4b7: {  	v29 =	vld [tilespmem:s1+$0x12100];
	[tilespmem:s11+$0x12290] =	vst v23  }
0x4b8: {  	s22 =	sor.u32 $0x5, s2;
	v56 =	vld.idx.msk [tilespmem:v25+s24+$0x0], $0xffff  }
0x4b9: {  	v23 =	vmov s22;
	v37 =	vld.idx.msk [tilespmem:v54+s24+$0x0], $0xffff  }
0x4ba: {  	v25 =	vld.idx.msk [tilespmem:v25+s23+$0x0], $0xffff;
	v57 =	vadd.s32 v23, v27;
	v33 =	vmul.f32 v55, v53  }
0x4bb: {  	v58 =	vld.idx.msk [tilespmem:v31+s24+$0x0], $0xffff  }
0x4bc: {  	v34 =	vld.idx.msk [tilespmem:v54+s23+$0x0], $0xffff;
	v24 =	vadd.f32 v33, v24  }
0x4bd: {  	v60 =	vadd.s32 v23, v26;
	v31 =	vld.idx.msk [tilespmem:v31+s23+$0x0], $0xffff;
	v28 =	vmul.f32 v56, v28  }
0x4be: {  	v63 =	vld [tilespmem:s1+$0x12180];
	[tilespmem:s11+$0x12300] =	vst v24  }
0x4bf: {  	v24 =	vmul.f32 v37, v29;
	v25 =	vadd.f32 v28, v25;
	v62 =	vld.idx.msk [tilespmem:v57+s24+$0x0], $0xffff  }
0x4c0: {  	v46 =	vld [tilespmem:s1+$0x12190];
	v29 =	vadd.s32 v17, v18;
	v41 =	vmul.f32 v58, v59  }
0x4c1: {  	v28 =	vld.idx.msk [tilespmem:v57+s23+$0x0], $0xffff;
	v24 =	vadd.f32 v24, v34;
	[tilespmem:s11+$0x12310] =	vst v25  }
0x4c2: {  	s25 =	sor.u32 $0x6, s2;
	v42 =	vadd.s32 v17, v19;
	v25 =	vld.idx.msk [tilespmem:v60+s24+$0x0], $0xffff;
	v31 =	vadd.f32 v41, v31  }
0x4c3: {  	v47 =	vld [tilespmem:s1+$0x12200];
	[tilespmem:s1+$0x12100] =	vst v24;
	v24 =	vmov s25  }
0x4c4: {  	v33 =	vld.idx.msk [tilespmem:v60+s23+$0x0], $0xffff;
	[tilespmem:s1+$0x12110] =	vst v31;
	v44 =	vadd.s32 v24, v27;
	v31 =	vmul.f32 v62, v52  }
0x4c5: {  	v43 =	vld.idx.msk [tilespmem:v29+s24+$0x0], $0xffff  }
0x4c6: {  	s29 =	sand.u32 $0x3, s0;
	v29 =	vld.idx.msk [tilespmem:v29+s23+$0x0], $0xffff;
	v28 =	vadd.f32 v31, v28  }
0x4c7: {  	s6 =	sshll.u32 s29, $0x5;
	v45 =	vld.idx.msk [tilespmem:v42+s24+$0x0], $0xffff;
	v25 =	vmul.f32 v25, v30;
	v30 =	vadd.s32 v24, v26  }
0x4c8: {  	s6 =	sadd.s32 $0x0, s6;
	v31 =	vld.idx.msk [tilespmem:v42+s23+$0x0], $0xffff;
	[tilespmem:s11+$0x12380] =	vst v28  }
0x4c9: {  	s7 =	sor.u32 $0x300, s6;
	v25 =	vadd.f32 v25, v33;
	v28 =	vld.idx.msk [tilespmem:v44+s24+$0x0], $0xffff  }
0x4ca: {  	v49 =	vadd.s32 v20, v18;
	v48 =	vmul.f32 v43, v63;
	v50 =	vld [tilespmem:s7+$0x12100]  }
0x4cb: {  	v32 =	vld.idx.msk [tilespmem:v44+s23+$0x0], $0xffff;
	[tilespmem:s11+$0x12390] =	vst v25  }
0x4cc: {  	s30 =	sadd.s32 $0x10, s6;
	v52 =	vadd.s32 v20, v19;
	v51 =	vmul.f32 v45, v46;
	v29 =	vadd.f32 v48, v29;
	v53 =	vld.idx.msk [tilespmem:v30+s24+$0x0], $0xffff  }
0x4cd: {  	s2 =	sor.u32 $0x7, s2;
	s6 =	sor.u32 $0x300, s30;
	v30 =	vld.idx.msk [tilespmem:v30+s23+$0x0], $0xffff  }
0x4ce: {  	v25 =	vmov s2;
	[tilespmem:s1+$0x12180] =	vst v29;
	v29 =	vadd.f32 v51, v31;
	v31 =	vld [tilespmem:s6+$0x12100]  }
0x4cf: {  	v27 =	vadd.s32 v25, v27;
	v54 =	vld.idx.msk [tilespmem:v49+s24+$0x0], $0xffff;
	v28 =	vmul.f32 v28, v50  }
0x4d0: {  	[tilespmem:s1+$0x12190] =	vst v29;
	v29 =	vld.idx.msk [tilespmem:v49+s23+$0x0], $0xffff  }
0x4d1: {  	v55 =	vld.idx.msk [tilespmem:v52+s24+$0x0], $0xffff;
	v32 =	vadd.f32 v28, v32  }
0x4d2: {  	v56 =	vld.idx.msk [tilespmem:v52+s23+$0x0], $0xffff  }
0x4d3: {  	s0 =	sor.u32 s0, s0;
	v26 =	vadd.s32 v25, v26;
	v28 =	vld [tilespmem:s1+$0x12290];
	v31 =	vmul.f32 v53, v31;
	[tilespmem:s7+$0x12100] =	vst v32  }
0x4d4: {  	s8 =	sor.u32 $0x380, s0;
	v57 =	vld.idx.msk [tilespmem:v27+s24+$0x0], $0xffff  }
0x4d5: {  	v58 =	vmul.f32 v54, v47;
	v60 =	vld [tilespmem:s8+$0x12100];
	v31 =	vadd.f32 v31, v30  }
0x4d6: {  	v59 =	vadd.s32 v21, v18;
	v27 =	vld.idx.msk [tilespmem:v27+s23+$0x0], $0xffff  }
0x4d7: {  	v30 =	vld [tilespmem:s1+$0x12280];
	v29 =	vadd.f32 v58, v29;
	[tilespmem:s6+$0x12100] =	vst v31  }
0x4d8: {  	s11 =	sor.u32 $0x380, s30;
	v31 =	vmul.f32 v55, v61;
	v61 =	vadd.s32 v21, v19;
	v62 =	vld.idx.msk [tilespmem:v26+s24+$0x0], $0xffff  }
0x4d9: {  	[tilespmem:s1+$0x12200] =	vst v29;
	v29 =	vld [tilespmem:s11+$0x12100]  }
0x4da: {  	s6 =	simm.s32 $0x1;
	v26 =	vld.idx.msk [tilespmem:v26+s23+$0x0], $0xffff;
	v31 =	vadd.f32 v31, v56;
	v63 =	vmul.f32 v57, v60  }
0x4db: {  	s31 =	sand.u32 $0x3, s6;
	v32 =	vld.idx.msk [tilespmem:v59+s24+$0x0], $0xffff  }
0x4dc: {  	s0 =	sshll.u32 s31, $0x5;
	v33 =	vld.idx.msk [tilespmem:v59+s23+$0x0], $0xffff;
	[tilespmem:s1+$0x12210] =	vst v31;
	v27 =	vadd.f32 v63, v27  }
0x4dd: {  	s9 =	simm.s32 $0x40;
	s5 =	sadd.s32 $0x100, s0;
	v34 =	vld.idx.msk [tilespmem:v61+s24+$0x0], $0xffff  }
0x4de: {  	s2 =	sor.u32 s4, s18;
	s7 =	simm.s32 $0x2;
	s0 =	sadd.s32 $0x10, s5;
	v31 =	vld.idx.msk [tilespmem:v61+s23+$0x0], $0xffff;
	v29 =	vmul.f32 v62, v29;
	[tilespmem:s8+$0x12100] =	vst v27  }
.LBB2_13:
0x4df: {  	s8 =	sand.u32 $0x3E0, s9;
	s7 =	sadd.s32 $0x2, s7;
	v35 =	vld [tilespmem:s1+$0x12390]  }
0x4e0: {  	v30 =	vmul.f32 v32, v30;
	v32 =	vadd.s32 v22, v18;
	v27 =	vld [tilespmem:s8+$0x400];
	p0 =	slt.u32 s7, $0x3E  }
0x4e1: {  	s3 =	sadd.s32 $0x20, s3;
	v29 =	vadd.f32 v29, v26;
	v36 =	vld [tilespmem:s1+$0x12380]  }
0x4e2: {  	s6 =	sadd.s32 $0x1, s6;
	v30 =	vadd.f32 v30, v33;
	v26 =	vld [tilespmem:s3+$0x0]  }
0x4e3: {  	s8 =	sand.u32 $0x3, s6;
	v33 =	vadd.s32 v22, v19;
	v28 =	vmul.f32 v34, v28;
	v34 =	vld [tilespmem:s1+$0x12310];
	[tilespmem:s11+$0x12100] =	vst v29  }
0x4e4: {  	s4 =	sadd.s32 $0x100, s4;
	s8 =	sshll.u32 s8, $0x5;
	[tilespmem:s1+$0x12280] =	vst v30;
	v29 =	vld [tilespmem:s1+$0x12300]  }
0x4e5: {  	s10 =	sand.u32 $0x60, s9;
	s15 =	sadd.s32 s8, s4;
	s11 =	sand.u32 $0x1C00, s4;
	v28 =	vadd.f32 v28, v31;
	v30 =	vadd.s32 v16, v27;
	v37 =	vld.idx.msk [tilespmem:v32+s24+$0x0], $0xffff  }
0x4e6: {  	s13 =	sadd.s32 $0x10, s15;
	s11 =	sor.u32 s10, s11;
	s10 =	sor.u32 s4, s9;
	v31 =	vld.idx.msk [tilespmem:v32+s23+$0x0], $0xffff  }
0x4e7: {  	v32 =	vld [tilespmem:s11+$0x12100];
	v38 =	vadd.s32 v16, v26;
	[tilespmem:s1+$0x12290] =	vst v28  }
0x4e8: {  	v28 =	vld.idx.msk [tilespmem:v33+s24+$0x0], $0xffff  }
0x4e9: {  	v33 =	vld.idx.msk [tilespmem:v33+s23+$0x0], $0xffff  }
0x4ea: {  	v39 =	vld.idx.msk [tilespmem:v30+s24+$0x0], $0xffff  }
0x4eb: {  	v29 =	vmul.f32 v37, v29;
	v37 =	vadd.s32 v23, v18;
	v30 =	vld.idx.msk [tilespmem:v30+s23+$0x0], $0xffff  }
0x4ec: {  	v40 =	vld.idx.msk [tilespmem:v38+s24+$0x0], $0xffff  }
0x4ed: {  	v29 =	vadd.f32 v29, v31;
	v41 =	vld [tilespmem:s11+$0x12110]  }
0x4ee: {  	v28 =	vmul.f32 v28, v34;
	v34 =	vadd.s32 v23, v19;
	v31 =	vld.idx.msk [tilespmem:v38+s23+$0x0], $0xffff  }
0x4ef: {  	v38 =	vld [tilespmem:s11+$0x12210];
	[tilespmem:s1+$0x12300] =	vst v29  }
0x4f0: {  	v29 =	vmul.f32 v39, v32;
	v32 =	vadd.s32 v17, v27;
	v28 =	vadd.f32 v28, v33;
	v39 =	vld.idx.msk [tilespmem:v37+s24+$0x0], $0xffff  }
0x4f1: {  	v33 =	vld.idx.msk [tilespmem:v37+s23+$0x0], $0xffff  }
0x4f2: {  	v29 =	vadd.f32 v29, v30;
	v30 =	vld [tilespmem:s11+$0x12180];
	v37 =	vmul.f32 v40, v41;
	v40 =	vadd.s32 v17, v26;
	[tilespmem:s1+$0x12310] =	vst v28  }
0x4f3: {  	v28 =	vld.idx.msk [tilespmem:v34+s24+$0x0], $0xffff  }
0x4f4: {  	[tilespmem:s11+$0x12100] =	vst v29;
	v29 =	vadd.f32 v37, v31;
	v31 =	vld.idx.msk [tilespmem:v34+s23+$0x0], $0xffff  }
0x4f5: {  	v34 =	vld.idx.msk [tilespmem:v32+s24+$0x0], $0xffff  }
0x4f6: {  	v32 =	vld.idx.msk [tilespmem:v32+s23+$0x0], $0xffff;
	[tilespmem:s11+$0x12110] =	vst v29;
	v29 =	vmul.f32 v39, v36;
	v36 =	vadd.s32 v24, v18  }
0x4f7: {  	v37 =	vld.idx.msk [tilespmem:v40+s24+$0x0], $0xffff  }
0x4f8: {  	v39 =	vld [tilespmem:s11+$0x12190];
	v29 =	vadd.f32 v29, v33  }
0x4f9: {  	v28 =	vmul.f32 v28, v35;
	v35 =	vadd.s32 v24, v19;
	v33 =	vld.idx.msk [tilespmem:v40+s23+$0x0], $0xffff  }
0x4fa: {  	v40 =	vld [tilespmem:s11+$0x12200];
	[tilespmem:s1+$0x12380] =	vst v29  }
0x4fb: {  	s8 =	sor.u32 $0x300, s5;
	s5 =	smov.u32 s15;
	v29 =	vmul.f32 v34, v30;
	v28 =	vadd.f32 v28, v31;
	v30 =	vld.idx.msk [tilespmem:v36+s24+$0x0], $0xffff  }
0x4fc: {  	v31 =	vadd.s32 v20, v27;
	v34 =	vld [tilespmem:s8+$0x12100]  }
0x4fd: {  	v29 =	vadd.f32 v29, v32;
	v32 =	vmul.f32 v37, v39;
	v36 =	vld.idx.msk [tilespmem:v36+s23+$0x0], $0xffff;
	[tilespmem:s1+$0x12390] =	vst v28;
	s1 =	smov.u32 s11  }
0x4fe: {  	v28 =	vadd.s32 v20, v26;
	v37 =	vld.idx.msk [tilespmem:v35+s24+$0x0], $0xffff  }
0x4ff: {  	s11 =	sor.u32 $0x300, s0;
	[tilespmem:s1+$0x12180] =	vst v29;
	v29 =	vadd.f32 v32, v33;
	v32 =	vld.idx.msk [tilespmem:v35+s23+$0x0], $0xffff  }
0x500: {  	v33 =	vld [tilespmem:s11+$0x12100]  }
0x501: {  	v35 =	vld.idx.msk [tilespmem:v31+s24+$0x0], $0xffff;
	[tilespmem:s1+$0x12190] =	vst v29;
	v29 =	vmul.f32 v30, v34;
	v30 =	vadd.s32 v25, v18;
	v18 =	vmov v27  }
0x502: {  	v27 =	vld.idx.msk [tilespmem:v31+s23+$0x0], $0xffff  }
0x503: {  	v31 =	vld.idx.msk [tilespmem:v28+s24+$0x0], $0xffff;
	v29 =	vadd.f32 v29, v36  }
0x504: {  	v34 =	vld.idx.msk [tilespmem:v28+s23+$0x0], $0xffff  }
0x505: {  	v28 =	vld [tilespmem:s1+$0x12290];
	[tilespmem:s8+$0x12100] =	vst v29;
	v29 =	vmul.f32 v37, v33;
	v33 =	vadd.s32 v25, v19;
	v19 =	vmov v26  }
0x506: {  	s8 =	sor.u32 $0x380, s2;
	s2 =	smov.u32 s10;
	v26 =	vld.idx.msk [tilespmem:v30+s24+$0x0], $0xffff  }
0x507: {  	v36 =	vadd.s32 v21, v18;
	v35 =	vmul.f32 v35, v40;
	v37 =	vld [tilespmem:s8+$0x12100];
	v29 =	vadd.f32 v29, v32  }
0x508: {  	v39 =	vld.idx.msk [tilespmem:v30+s23+$0x0], $0xffff  }
0x509: {  	v27 =	vadd.f32 v35, v27;
	v31 =	vmul.f32 v31, v38;
	v30 =	vld [tilespmem:s1+$0x12280];
	[tilespmem:s11+$0x12100] =	vst v29  }
0x50a: {  	v29 =	vadd.s32 v21, v19;
	s11 =	sor.u32 $0x380, s0;
	s0 =	smov.u32 s13;
	v35 =	vld.idx.msk [tilespmem:v33+s24+$0x0], $0xffff  }
0x50b: {  	[tilespmem:s1+$0x12200] =	vst v27;
	v27 =	vadd.f32 v31, v34;
	v38 =	vld [tilespmem:s11+$0x12100]  }
.Ltmp5:
0x50c: {  	v32 =	vld.idx.msk [tilespmem:v36+s24+$0x0], $0xffff;
	v31 =	vmul.f32 v26, v37;
	(pc) =	sbr.rel @p0 .LBB2_13-.Ltmp5, $4  }
0x50d: {  	v26 =	vld.idx.msk [tilespmem:v33+s23+$0x0], $0xffff  }
0x50e: {  	v33 =	vld.idx.msk [tilespmem:v36+s23+$0x0], $0xffff;
	[tilespmem:s1+$0x12210] =	vst v27;
	v27 =	vadd.f32 v31, v39  }
0x50f: {  	v34 =	vld.idx.msk [tilespmem:v29+s24+$0x0], $0xffff  }
0x510: {  	s9 =	sadd.s32 $0x20, s9;
	v31 =	vld.idx.msk [tilespmem:v29+s23+$0x0], $0xffff;
	[tilespmem:s8+$0x12100] =	vst v27;
	v29 =	vmul.f32 v35, v38  }
0x511: {  	v16 =	vmul.f32 v32, v30;
	v17 =	vadd.s32 v22, v18;
	_ =	sdelay $0x1  }
0x512: {  	v16 =	vadd.f32 v16, v33  }
0x513: {  	v49 =	vadd.s32 v22, v19;
	v27 =	vmul.f32 v34, v28  }
0x514: {  	[tilespmem:s1+$0x12280] =	vst v16;
	v16 =	vld [tilespmem:s1+$0x12300]  }
0x515: {  	v50 =	vld.idx.msk [tilespmem:v17+s24+$0x0], $0xffff;
	v27 =	vadd.f32 v27, v31  }
0x516: {  	v51 =	vld [tilespmem:s1+$0x12310]  }
0x517: {  	v17 =	vld.idx.msk [tilespmem:v17+s23+$0x0], $0xffff;
	[tilespmem:s1+$0x12290] =	vst v27  }
0x518: {  	v27 =	vld.idx.msk [tilespmem:v49+s24+$0x0], $0xffff;
	_ =	sdelay $0x1  }
0x519: {  	v52 =	vadd.s32 v23, v18;
	v22 =	vld.idx.msk [tilespmem:v49+s23+$0x0], $0xffff;
	v16 =	vmul.f32 v50, v16;
	_ =	sdelay $0x1  }
0x51a: {  	v16 =	vadd.f32 v16, v17  }
0x51b: {  	v53 =	vadd.s32 v23, v19;
	v17 =	vmul.f32 v27, v51  }
0x51c: {  	v20 =	vld [tilespmem:s1+$0x12380];
	[tilespmem:s1+$0x12300] =	vst v16  }
0x51d: {  	v16 =	vld.idx.msk [tilespmem:v52+s24+$0x0], $0xffff;
	v17 =	vadd.f32 v17, v22  }
0x51e: {  	v21 =	vld [tilespmem:s1+$0x12390]  }
0x51f: {  	v54 =	vld.idx.msk [tilespmem:v52+s23+$0x0], $0xffff;
	[tilespmem:s1+$0x12310] =	vst v17  }
0x520: {  	v17 =	vld.idx.msk [tilespmem:v53+s24+$0x0], $0xffff;
	_ =	sdelay $0x1  }
0x521: {  	v55 =	vadd.s32 v24, v18;
	v23 =	vld.idx.msk [tilespmem:v53+s23+$0x0], $0xffff;
	v16 =	vmul.f32 v16, v20;
	_ =	sdelay $0x1  }
0x522: {  	v16 =	vadd.f32 v16, v54  }
0x523: {  	v56 =	vadd.s32 v24, v19;
	v17 =	vmul.f32 v17, v21  }
0x524: {  	[tilespmem:s1+$0x12380] =	vst v16  }
0x525: {  	s3 =	sor.u32 $0x300, s5;
	v16 =	vld.idx.msk [tilespmem:v55+s24+$0x0], $0xffff;
	v17 =	vadd.f32 v17, v23  }
0x526: {  	v57 =	vld [tilespmem:s3+$0x12100]  }
0x527: {  	v20 =	vld.idx.msk [tilespmem:v55+s23+$0x0], $0xffff;
	[tilespmem:s1+$0x12390] =	vst v17  }
0x528: {  	s21 =	sor.u32 $0x300, s0;
	v17 =	vld.idx.msk [tilespmem:v56+s24+$0x0], $0xffff  }
0x529: {  	v58 =	vld [tilespmem:s21+$0x12100];
	_ =	sdelay $0x1  }
0x52a: {  	v21 =	vld.idx.msk [tilespmem:v56+s23+$0x0], $0xffff  }
0x52b: {  	v59 =	vadd.s32 v25, v18;
	v16 =	vmul.f32 v16, v57;
	_ =	sdelay $0x1  }
0x52c: {  	v60 =	vadd.s32 v25, v19;
	v16 =	vadd.f32 v16, v20;
	v17 =	vmul.f32 v17, v58;
	_ =	sdelay $0x1  }
0x52d: {  	[tilespmem:s3+$0x12100] =	vst v16;
	v16 =	vadd.f32 v17, v21  }
0x52e: {  	s2 =	sor.u32 $0x380, s2;
	v17 =	vld.idx.msk [tilespmem:v59+s24+$0x0], $0xffff  }
0x52f: {  	v61 =	vld [tilespmem:s2+$0x12100];
	[tilespmem:s21+$0x12100] =	vst v16  }
0x530: {  	s22 =	sor.u32 $0x380, s0;
	v16 =	vld.idx.msk [tilespmem:v60+s24+$0x0], $0xffff  }
0x531: {  	v62 =	vld [tilespmem:s22+$0x12100]  }
0x532: {  	v18 =	vld.idx.msk [tilespmem:v59+s23+$0x0], $0xffff  }
0x533: {  	v19 =	vld.idx.msk [tilespmem:v60+s23+$0x0], $0xffff;
	_ =	sdelay $0x1  }
0x534: {  	v17 =	vmul.f32 v17, v61  }
0x535: {  	s14 =	sadd.s32 $0x1, s14;
	v63 =	vadd.f32 v29, v26;
	v16 =	vmul.f32 v16, v62  }
0x536: {  	p0 =	sne.s32 s14, $0xB;
	v17 =	vadd.f32 v17, v18  }
.Ltmp6:
0x537: {  	[tilespmem:s11+$0x12100] =	vst v63;
	v16 =	vadd.f32 v16, v19;
	(pc) =	sbr.rel @p0 .LBB2_6-.Ltmp6, $4  }
0x538: {  	[tilespmem:s2+$0x12100] =	vst v17  }
0x539: {  	s25 =	sadd.s32 s20, s17;
	s17 =	simm.s32 $0x0;
	s29 =	simm.s32 $0x12100;
	[tilespmem:s22+$0x12100] =	vst v16  }
0x53a: {  	[hbm4b:s25+s17] =	stream.linear.scatter [tilespmem:s29], [sflag:$0x6], $0x2000, $0x38;
	[tilespmem:$0x18100] =	vst v63  }
0x53b: {  	s30 =	simm.s32 $0x5;
	s31 =	simm.s32 $0x6;
	s25 =	rddreg [dreg:$0x1]  }
0x53c: {  	s1 =	simm.s32 $0x3  }
0x53d: {  	_ =	swait.ge [sflag:s1], $0x2000  }
0x53e: {  	s0 =	simm.s32 $0x0;
	[sflag:s1] =	ssyncset.done $0x0  }
0x53f: {  	s13 =	sand.u32 $0x3E0, s0;
	[sflag:s1] =	ssyncadd.s32 $0xFFFFE000  }
0x540: {  	v19 =	vld [tilespmem:s13+$0x800];
	_ =	sdelay $0x1  }
0x541: {  	s14 =	simm.s32 $0x810  }
0x542: {  	v18 =	vld [tilespmem:s14+$0x0];
	_ =	sdelay $0x1  }
0x543: {  	v16 =	vadd.s32 v8, v19;
	_ =	sdelay $0x1  }
0x544: {  	s15 =	sand.u32 $0x60, s0;
	s2 =	sand.u32 $0x1C00, s0  }
0x545: {  	s5 =	sor.u32 s15, s2;
	v17 =	vadd.s32 v8, v18  }
0x546: {  	v20 =	vld [tilespmem:s5+$0x14100]  }
0x547: {  	v21 =	vld.idx.msk [tilespmem:v16+s24+$0x0], $0xffff  }
0x548: {  	v23 =	vld [tilespmem:s5+$0x14110]  }
0x549: {  	v16 =	vld.idx.msk [tilespmem:v16+s23+$0x0], $0xffff  }
0x54a: {  	v22 =	vld.idx.msk [tilespmem:v17+s24+$0x0], $0xffff;
	_ =	sdelay $0x1  }
0x54b: {  	v17 =	vld.idx.msk [tilespmem:v17+s23+$0x0], $0xffff;
	v20 =	vmul.f32 v21, v20;
	v21 =	vadd.s32 v9, v19;
	_ =	sdelay $0x1  }
0x54c: {  	v16 =	vadd.f32 v20, v16  }
0x54d: {  	v20 =	vmul.f32 v22, v23;
	v22 =	vadd.s32 v9, v18  }
0x54e: {  	v23 =	vld [tilespmem:s5+$0x14180];
	[tilespmem:s5+$0x14100] =	vst v16  }
0x54f: {  	v16 =	vadd.f32 v20, v17;
	v17 =	vld.idx.msk [tilespmem:v21+s24+$0x0], $0xffff  }
0x550: {  	v20 =	vld.idx.msk [tilespmem:v21+s23+$0x0], $0xffff  }
0x551: {  	v21 =	vld [tilespmem:s5+$0x14190];
	[tilespmem:s5+$0x14110] =	vst v16  }
0x552: {  	v16 =	vld.idx.msk [tilespmem:v22+s24+$0x0], $0xffff;
	_ =	sdelay $0x1  }
0x553: {  	v22 =	vld.idx.msk [tilespmem:v22+s23+$0x0], $0xffff;
	v17 =	vmul.f32 v17, v23;
	v23 =	vadd.s32 v10, v19;
	_ =	sdelay $0x1  }
0x554: {  	v17 =	vadd.f32 v17, v20  }
0x555: {  	v16 =	vmul.f32 v16, v21;
	v20 =	vadd.s32 v10, v18  }
0x556: {  	v24 =	vld [tilespmem:s5+$0x14200];
	[tilespmem:s5+$0x14180] =	vst v17  }
0x557: {  	v16 =	vadd.f32 v16, v22;
	v17 =	vld.idx.msk [tilespmem:v23+s24+$0x0], $0xffff  }
0x558: {  	v21 =	vld [tilespmem:s5+$0x14210]  }
0x559: {  	[tilespmem:s5+$0x14190] =	vst v16;
	v16 =	vld.idx.msk [tilespmem:v23+s23+$0x0], $0xffff  }
0x55a: {  	v22 =	vld.idx.msk [tilespmem:v20+s24+$0x0], $0xffff;
	_ =	sdelay $0x1  }
0x55b: {  	v23 =	vadd.s32 v11, v19;
	v20 =	vld.idx.msk [tilespmem:v20+s23+$0x0], $0xffff;
	v17 =	vmul.f32 v17, v24;
	_ =	sdelay $0x1  }
0x55c: {  	v25 =	vld [tilespmem:s5+$0x14390];
	v16 =	vadd.f32 v17, v16  }
0x55d: {  	v27 =	vld [tilespmem:s5+$0x14380];
	v17 =	vmul.f32 v22, v21  }
0x55e: {  	v24 =	vld [tilespmem:s5+$0x14280];
	v21 =	vadd.s32 v11, v18;
	[tilespmem:s5+$0x14200] =	vst v16  }
0x55f: {  	v16 =	vadd.f32 v17, v20;
	v17 =	vld.idx.msk [tilespmem:v23+s24+$0x0], $0xffff  }
0x560: {  	s16 =	simm.s32 $0x20;
	v22 =	vld [tilespmem:s5+$0x14290]  }
0x561: {  	s4 =	simm.s32 $0x100;
	s18 =	sand.u32 $0x3E0, s16;
	v20 =	vld.idx.msk [tilespmem:v23+s23+$0x0], $0xffff  }
0x562: {  	s19 =	sand.u32 $0x60, s16;
	s6 =	sand.u32 $0x1C00, s4;
	[tilespmem:s5+$0x14210] =	vst v16;
	v16 =	vld [tilespmem:s18+$0x800]  }
0x563: {  	s1 =	sor.u32 s19, s6;
	v23 =	vld.idx.msk [tilespmem:v21+s24+$0x0], $0xffff  }
0x564: {  	v33 =	vld [tilespmem:s1+$0x14110];
	v26 =	vadd.s32 v12, v19;
	v24 =	vmul.f32 v17, v24  }
0x565: {  	s3 =	simm.s32 $0x830;
	v21 =	vld.idx.msk [tilespmem:v21+s23+$0x0], $0xffff  }
0x566: {  	v17 =	vld [tilespmem:s3+$0x0];
	v20 =	vadd.f32 v24, v20  }
0x567: {  	v28 =	vadd.s32 v8, v16;
	v24 =	vld [tilespmem:s5+$0x14310]  }
0x568: {  	v22 =	vmul.f32 v23, v22;
	v23 =	vadd.s32 v12, v18;
	[tilespmem:s5+$0x14280] =	vst v20;
	v20 =	vld [tilespmem:s5+$0x14300]  }
0x569: {  	v29 =	vld.idx.msk [tilespmem:v26+s24+$0x0], $0xffff  }
0x56a: {  	v21 =	vadd.f32 v22, v21;
	v22 =	vld.idx.msk [tilespmem:v26+s23+$0x0], $0xffff  }
0x56b: {  	v26 =	vld [tilespmem:s1+$0x14100];
	v30 =	vadd.s32 v8, v17  }
0x56c: {  	[tilespmem:s5+$0x14290] =	vst v21;
	v31 =	vld.idx.msk [tilespmem:v28+s24+$0x0], $0xffff  }
0x56d: {  	v21 =	vld.idx.msk [tilespmem:v23+s24+$0x0], $0xffff  }
0x56e: {  	v28 =	vld.idx.msk [tilespmem:v28+s23+$0x0], $0xffff  }
0x56f: {  	v49 =	vadd.s32 v13, v19;
	v23 =	vld.idx.msk [tilespmem:v23+s23+$0x0], $0xffff;
	v20 =	vmul.f32 v29, v20  }
0x570: {  	v32 =	vld.idx.msk [tilespmem:v30+s24+$0x0], $0xffff  }
0x571: {  	v50 =	vld [tilespmem:s1+$0x14210];
	v20 =	vadd.f32 v20, v22  }
0x572: {  	v22 =	vld.idx.msk [tilespmem:v30+s23+$0x0], $0xffff;
	v21 =	vmul.f32 v21, v24;
	v24 =	vadd.s32 v13, v18  }
0x573: {  	v52 =	vld [tilespmem:s1+$0x14180];
	[tilespmem:s5+$0x14300] =	vst v20;
	v20 =	vmul.f32 v31, v26  }
0x574: {  	v21 =	vadd.f32 v21, v23;
	v51 =	vld.idx.msk [tilespmem:v49+s24+$0x0], $0xffff  }
0x575: {  	v56 =	vld [tilespmem:s1+$0x14190];
	v26 =	vadd.s32 v9, v16;
	v53 =	vmul.f32 v32, v33;
	v20 =	vadd.f32 v20, v28  }
0x576: {  	v23 =	vld.idx.msk [tilespmem:v49+s23+$0x0], $0xffff;
	[tilespmem:s5+$0x14310] =	vst v21  }
0x577: {  	v54 =	vadd.s32 v9, v17;
	v21 =	vld.idx.msk [tilespmem:v24+s24+$0x0], $0xffff;
	[tilespmem:s1+$0x14100] =	vst v20;
	v20 =	vadd.f32 v53, v22  }
0x578: {  	v57 =	vld [tilespmem:s1+$0x14200]  }
0x579: {  	v22 =	vld.idx.msk [tilespmem:v24+s23+$0x0], $0xffff;
	[tilespmem:s1+$0x14110] =	vst v20;
	v20 =	vmul.f32 v51, v27;
	v27 =	vadd.s32 v14, v19  }
0x57a: {  	v24 =	vld.idx.msk [tilespmem:v26+s24+$0x0], $0xffff  }
0x57b: {  	s20 =	sand.u32 $0x3, s0;
	v26 =	vld.idx.msk [tilespmem:v26+s23+$0x0], $0xffff;
	v20 =	vadd.f32 v20, v23  }
0x57c: {  	s6 =	sshll.u32 s20, $0x5;
	v55 =	vld.idx.msk [tilespmem:v54+s24+$0x0], $0xffff;
	v21 =	vmul.f32 v21, v25;
	v25 =	vadd.s32 v14, v18  }
0x57d: {  	s6 =	sadd.s32 $0x0, s6;
	v23 =	vld.idx.msk [tilespmem:v54+s23+$0x0], $0xffff;
	[tilespmem:s5+$0x14380] =	vst v20  }
0x57e: {  	s7 =	sor.u32 $0x300, s6;
	v21 =	vadd.f32 v21, v22;
	v20 =	vld.idx.msk [tilespmem:v27+s24+$0x0], $0xffff  }
0x57f: {  	v22 =	vmul.f32 v24, v52;
	v24 =	vadd.s32 v10, v16;
	v58 =	vld [tilespmem:s7+$0x14100]  }
0x580: {  	v27 =	vld.idx.msk [tilespmem:v27+s23+$0x0], $0xffff;
	[tilespmem:s5+$0x14390] =	vst v21  }
0x581: {  	s21 =	sadd.s32 $0x10, s6;
	v21 =	vadd.f32 v22, v26;
	v22 =	vmul.f32 v55, v56;
	v26 =	vadd.s32 v10, v17;
	v59 =	vld.idx.msk [tilespmem:v25+s24+$0x0], $0xffff  }
0x582: {  	s6 =	sor.u32 $0x300, s21;
	v25 =	vld.idx.msk [tilespmem:v25+s23+$0x0], $0xffff  }
0x583: {  	[tilespmem:s1+$0x14180] =	vst v21;
	v21 =	vadd.f32 v22, v23;
	v22 =	vld [tilespmem:s6+$0x14100]  }
0x584: {  	v19 =	vadd.s32 v15, v19;
	v23 =	vld.idx.msk [tilespmem:v24+s24+$0x0], $0xffff;
	v20 =	vmul.f32 v20, v58  }
0x585: {  	[tilespmem:s1+$0x14190] =	vst v21;
	v21 =	vld.idx.msk [tilespmem:v24+s23+$0x0], $0xffff  }
0x586: {  	v24 =	vld.idx.msk [tilespmem:v26+s24+$0x0], $0xffff;
	v27 =	vadd.f32 v20, v27  }
0x587: {  	v26 =	vld.idx.msk [tilespmem:v26+s23+$0x0], $0xffff  }
0x588: {  	s0 =	sor.u32 s0, s0;
	v18 =	vadd.s32 v15, v18;
	v20 =	vld [tilespmem:s1+$0x14290];
	v22 =	vmul.f32 v59, v22;
	[tilespmem:s7+$0x14100] =	vst v27  }
0x589: {  	s8 =	sor.u32 $0x380, s0;
	v27 =	vld.idx.msk [tilespmem:v19+s24+$0x0], $0xffff  }
0x58a: {  	v23 =	vmul.f32 v23, v57;
	v61 =	vld [tilespmem:s8+$0x14100];
	v25 =	vadd.f32 v22, v25  }
0x58b: {  	v60 =	vadd.s32 v11, v16;
	v19 =	vld.idx.msk [tilespmem:v19+s23+$0x0], $0xffff  }
0x58c: {  	v22 =	vld [tilespmem:s1+$0x14280];
	v21 =	vadd.f32 v23, v21;
	[tilespmem:s6+$0x14100] =	vst v25  }
0x58d: {  	s11 =	sor.u32 $0x380, s21;
	v62 =	vadd.s32 v11, v17;
	v23 =	vmul.f32 v24, v50;
	v63 =	vld.idx.msk [tilespmem:v18+s24+$0x0], $0xffff  }
0x58e: {  	[tilespmem:s1+$0x14200] =	vst v21;
	v21 =	vld [tilespmem:s11+$0x14100]  }
0x58f: {  	s6 =	simm.s32 $0x1;
	v23 =	vadd.f32 v23, v26;
	v18 =	vld.idx.msk [tilespmem:v18+s23+$0x0], $0xffff;
	v26 =	vmul.f32 v27, v61  }
0x590: {  	s22 =	sand.u32 $0x3, s6;
	v24 =	vld.idx.msk [tilespmem:v60+s24+$0x0], $0xffff  }
0x591: {  	s0 =	sshll.u32 s22, $0x5;
	v25 =	vld.idx.msk [tilespmem:v60+s23+$0x0], $0xffff;
	[tilespmem:s1+$0x14210] =	vst v23;
	v19 =	vadd.f32 v26, v19  }
0x592: {  	s9 =	simm.s32 $0x40;
	s5 =	sadd.s32 $0x100, s0;
	v23 =	vld.idx.msk [tilespmem:v62+s23+$0x0], $0xffff  }
0x593: {  	s2 =	sor.u32 s4, s16;
	s7 =	simm.s32 $0x2;
	s0 =	sadd.s32 $0x10, s5;
	v26 =	vld.idx.msk [tilespmem:v62+s24+$0x0], $0xffff;
	v21 =	vmul.f32 v63, v21;
	[tilespmem:s8+$0x14100] =	vst v19  }
.LBB2_16:
0x594: {  	s8 =	sand.u32 $0x3E0, s9;
	s7 =	sadd.s32 $0x2, s7;
	v27 =	vld [tilespmem:s1+$0x14390]  }
0x595: {  	v22 =	vmul.f32 v24, v22;
	v24 =	vadd.s32 v12, v16;
	v19 =	vld [tilespmem:s8+$0x800];
	p0 =	slt.u32 s7, $0x3E  }
0x596: {  	s3 =	sadd.s32 $0x20, s3;
	v21 =	vadd.f32 v21, v18;
	v28 =	vld [tilespmem:s1+$0x14380]  }
0x597: {  	s6 =	sadd.s32 $0x1, s6;
	v22 =	vadd.f32 v22, v25;
	v18 =	vld [tilespmem:s3+$0x0]  }
0x598: {  	s8 =	sand.u32 $0x3, s6;
	v25 =	vadd.s32 v12, v17;
	v20 =	vmul.f32 v26, v20;
	v26 =	vld [tilespmem:s1+$0x14310];
	[tilespmem:s11+$0x14100] =	vst v21  }
0x599: {  	s4 =	sadd.s32 $0x100, s4;
	s8 =	sshll.u32 s8, $0x5;
	[tilespmem:s1+$0x14280] =	vst v22;
	v21 =	vld [tilespmem:s1+$0x14300]  }
0x59a: {  	s10 =	sand.u32 $0x60, s9;
	s13 =	sadd.s32 s8, s4;
	s11 =	sand.u32 $0x1C00, s4;
	v20 =	vadd.f32 v20, v23;
	v22 =	vadd.s32 v8, v19;
	v29 =	vld.idx.msk [tilespmem:v24+s24+$0x0], $0xffff  }
0x59b: {  	s12 =	sadd.s32 $0x10, s13;
	s11 =	sor.u32 s10, s11;
	s10 =	sor.u32 s4, s9;
	v23 =	vld.idx.msk [tilespmem:v24+s23+$0x0], $0xffff  }
0x59c: {  	v24 =	vld [tilespmem:s11+$0x14100];
	v30 =	vadd.s32 v8, v18;
	[tilespmem:s1+$0x14290] =	vst v20  }
0x59d: {  	v20 =	vld.idx.msk [tilespmem:v25+s24+$0x0], $0xffff  }
0x59e: {  	v25 =	vld.idx.msk [tilespmem:v25+s23+$0x0], $0xffff  }
0x59f: {  	v31 =	vld.idx.msk [tilespmem:v22+s24+$0x0], $0xffff  }
0x5a0: {  	v21 =	vmul.f32 v29, v21;
	v29 =	vadd.s32 v13, v16;
	v22 =	vld.idx.msk [tilespmem:v22+s23+$0x0], $0xffff  }
0x5a1: {  	v32 =	vld.idx.msk [tilespmem:v30+s24+$0x0], $0xffff  }
0x5a2: {  	v21 =	vadd.f32 v21, v23;
	v33 =	vld [tilespmem:s11+$0x14110]  }
0x5a3: {  	v20 =	vmul.f32 v20, v26;
	v26 =	vadd.s32 v13, v17;
	v23 =	vld.idx.msk [tilespmem:v30+s23+$0x0], $0xffff  }
0x5a4: {  	v30 =	vld [tilespmem:s11+$0x14210];
	[tilespmem:s1+$0x14300] =	vst v21  }
0x5a5: {  	v21 =	vmul.f32 v31, v24;
	v24 =	vadd.s32 v9, v19;
	v20 =	vadd.f32 v20, v25;
	v31 =	vld.idx.msk [tilespmem:v29+s24+$0x0], $0xffff  }
0x5a6: {  	v25 =	vld.idx.msk [tilespmem:v29+s23+$0x0], $0xffff  }
0x5a7: {  	v21 =	vadd.f32 v21, v22;
	v22 =	vld [tilespmem:s11+$0x14180];
	v29 =	vmul.f32 v32, v33;
	v32 =	vadd.s32 v9, v18;
	[tilespmem:s1+$0x14310] =	vst v20  }
0x5a8: {  	v20 =	vld.idx.msk [tilespmem:v26+s24+$0x0], $0xffff  }
0x5a9: {  	[tilespmem:s11+$0x14100] =	vst v21;
	v21 =	vadd.f32 v29, v23;
	v23 =	vld.idx.msk [tilespmem:v26+s23+$0x0], $0xffff  }
0x5aa: {  	v26 =	vld.idx.msk [tilespmem:v24+s24+$0x0], $0xffff  }
0x5ab: {  	v24 =	vld.idx.msk [tilespmem:v24+s23+$0x0], $0xffff;
	[tilespmem:s11+$0x14110] =	vst v21;
	v21 =	vmul.f32 v31, v28;
	v28 =	vadd.s32 v14, v16  }
0x5ac: {  	v29 =	vld.idx.msk [tilespmem:v32+s24+$0x0], $0xffff  }
0x5ad: {  	v31 =	vld [tilespmem:s11+$0x14190];
	v21 =	vadd.f32 v21, v25  }
0x5ae: {  	v20 =	vmul.f32 v20, v27;
	v27 =	vadd.s32 v14, v17;
	v25 =	vld.idx.msk [tilespmem:v32+s23+$0x0], $0xffff  }
0x5af: {  	v32 =	vld [tilespmem:s11+$0x14200];
	[tilespmem:s1+$0x14380] =	vst v21  }
0x5b0: {  	s8 =	sor.u32 $0x300, s5;
	s5 =	smov.u32 s13;
	v21 =	vmul.f32 v26, v22;
	v20 =	vadd.f32 v20, v23;
	v22 =	vld.idx.msk [tilespmem:v28+s24+$0x0], $0xffff  }
0x5b1: {  	v23 =	vadd.s32 v10, v19;
	v26 =	vld [tilespmem:s8+$0x14100]  }
0x5b2: {  	v21 =	vadd.f32 v21, v24;
	v24 =	vmul.f32 v29, v31;
	v28 =	vld.idx.msk [tilespmem:v28+s23+$0x0], $0xffff;
	[tilespmem:s1+$0x14390] =	vst v20;
	s1 =	smov.u32 s11  }
0x5b3: {  	v20 =	vadd.s32 v10, v18;
	v29 =	vld.idx.msk [tilespmem:v27+s24+$0x0], $0xffff  }
0x5b4: {  	s11 =	sor.u32 $0x300, s0;
	[tilespmem:s1+$0x14180] =	vst v21;
	v21 =	vadd.f32 v24, v25;
	v24 =	vld.idx.msk [tilespmem:v27+s23+$0x0], $0xffff  }
0x5b5: {  	v25 =	vld [tilespmem:s11+$0x14100]  }
0x5b6: {  	v27 =	vld.idx.msk [tilespmem:v23+s24+$0x0], $0xffff;
	[tilespmem:s1+$0x14190] =	vst v21;
	v21 =	vmul.f32 v22, v26;
	v22 =	vadd.s32 v15, v16;
	v16 =	vmov v19  }
0x5b7: {  	v19 =	vld.idx.msk [tilespmem:v23+s23+$0x0], $0xffff  }
0x5b8: {  	v23 =	vld.idx.msk [tilespmem:v20+s24+$0x0], $0xffff;
	v21 =	vadd.f32 v21, v28  }
0x5b9: {  	v26 =	vld.idx.msk [tilespmem:v20+s23+$0x0], $0xffff  }
0x5ba: {  	v20 =	vld [tilespmem:s1+$0x14290];
	[tilespmem:s8+$0x14100] =	vst v21;
	v21 =	vmul.f32 v29, v25;
	v25 =	vadd.s32 v15, v17;
	v17 =	vmov v18  }
0x5bb: {  	s8 =	sor.u32 $0x380, s2;
	s2 =	smov.u32 s10;
	v18 =	vld.idx.msk [tilespmem:v22+s24+$0x0], $0xffff  }
0x5bc: {  	v28 =	vadd.s32 v11, v16;
	v27 =	vmul.f32 v27, v32;
	v29 =	vld [tilespmem:s8+$0x14100];
	v21 =	vadd.f32 v21, v24  }
0x5bd: {  	v31 =	vld.idx.msk [tilespmem:v22+s23+$0x0], $0xffff  }
0x5be: {  	v19 =	vadd.f32 v27, v19;
	v23 =	vmul.f32 v23, v30;
	v22 =	vld [tilespmem:s1+$0x14280];
	[tilespmem:s11+$0x14100] =	vst v21  }
0x5bf: {  	v21 =	vadd.s32 v11, v17;
	s11 =	sor.u32 $0x380, s0;
	s0 =	smov.u32 s12;
	v27 =	vld.idx.msk [tilespmem:v25+s24+$0x0], $0xffff  }
0x5c0: {  	[tilespmem:s1+$0x14200] =	vst v19;
	v19 =	vadd.f32 v23, v26;
	v30 =	vld [tilespmem:s11+$0x14100]  }
.Ltmp7:
0x5c1: {  	v24 =	vld.idx.msk [tilespmem:v28+s24+$0x0], $0xffff;
	v23 =	vmul.f32 v18, v29;
	(pc) =	sbr.rel @p0 .LBB2_16-.Ltmp7, $4  }
0x5c2: {  	v18 =	vld.idx.msk [tilespmem:v25+s23+$0x0], $0xffff  }
0x5c3: {  	v25 =	vld.idx.msk [tilespmem:v28+s23+$0x0], $0xffff;
	[tilespmem:s1+$0x14210] =	vst v19;
	v19 =	vadd.f32 v23, v31  }
0x5c4: {  	v26 =	vld.idx.msk [tilespmem:v21+s24+$0x0], $0xffff  }
0x5c5: {  	s9 =	sadd.s32 $0x20, s9;
	v23 =	vld.idx.msk [tilespmem:v21+s23+$0x0], $0xffff;
	[tilespmem:s8+$0x14100] =	vst v19;
	v21 =	vmul.f32 v27, v30  }
0x5c6: {  	v19 =	vmul.f32 v24, v22;
	v22 =	vadd.s32 v12, v16;
	_ =	sdelay $0x1  }
0x5c7: {  	v19 =	vadd.f32 v19, v25  }
0x5c8: {  	v20 =	vmul.f32 v26, v20;
	v26 =	vadd.s32 v12, v17  }
0x5c9: {  	[tilespmem:s1+$0x14280] =	vst v19;
	v19 =	vld [tilespmem:s1+$0x14300]  }
0x5ca: {  	v27 =	vld.idx.msk [tilespmem:v22+s24+$0x0], $0xffff;
	v20 =	vadd.f32 v20, v23  }
0x5cb: {  	v23 =	vld [tilespmem:s1+$0x14310]  }
0x5cc: {  	v22 =	vld.idx.msk [tilespmem:v22+s23+$0x0], $0xffff;
	[tilespmem:s1+$0x14290] =	vst v20  }
0x5cd: {  	v20 =	vld.idx.msk [tilespmem:v26+s24+$0x0], $0xffff;
	_ =	sdelay $0x1  }
0x5ce: {  	v26 =	vld.idx.msk [tilespmem:v26+s23+$0x0], $0xffff;
	v19 =	vmul.f32 v27, v19;
	v27 =	vadd.s32 v13, v16;
	_ =	sdelay $0x1  }
0x5cf: {  	v19 =	vadd.f32 v19, v22  }
0x5d0: {  	v22 =	vadd.s32 v13, v17;
	v20 =	vmul.f32 v20, v23  }
0x5d1: {  	v24 =	vld [tilespmem:s1+$0x14380];
	[tilespmem:s1+$0x14300] =	vst v19  }
0x5d2: {  	v19 =	vld.idx.msk [tilespmem:v27+s24+$0x0], $0xffff;
	v20 =	vadd.f32 v20, v26  }
0x5d3: {  	v25 =	vld [tilespmem:s1+$0x14390]  }
0x5d4: {  	v23 =	vld.idx.msk [tilespmem:v27+s23+$0x0], $0xffff;
	[tilespmem:s1+$0x14310] =	vst v20  }
0x5d5: {  	v20 =	vld.idx.msk [tilespmem:v22+s24+$0x0], $0xffff;
	_ =	sdelay $0x1  }
0x5d6: {  	v22 =	vld.idx.msk [tilespmem:v22+s23+$0x0], $0xffff;
	v19 =	vmul.f32 v19, v24;
	v24 =	vadd.s32 v14, v16;
	_ =	sdelay $0x1  }
0x5d7: {  	v19 =	vadd.f32 v19, v23  }
0x5d8: {  	v23 =	vadd.s32 v14, v17;
	v20 =	vmul.f32 v20, v25  }
0x5d9: {  	[tilespmem:s1+$0x14380] =	vst v19  }
0x5da: {  	s3 =	sor.u32 $0x300, s5;
	v19 =	vld.idx.msk [tilespmem:v24+s24+$0x0], $0xffff;
	v20 =	vadd.f32 v20, v22  }
0x5db: {  	v22 =	vld [tilespmem:s3+$0x14100]  }
0x5dc: {  	v24 =	vld.idx.msk [tilespmem:v24+s23+$0x0], $0xffff;
	[tilespmem:s1+$0x14390] =	vst v20  }
0x5dd: {  	s6 =	sor.u32 $0x300, s0;
	v20 =	vld.idx.msk [tilespmem:v23+s24+$0x0], $0xffff  }
0x5de: {  	v25 =	vld [tilespmem:s6+$0x14100];
	_ =	sdelay $0x1  }
0x5df: {  	v23 =	vld.idx.msk [tilespmem:v23+s23+$0x0], $0xffff  }
0x5e0: {  	v16 =	vadd.s32 v15, v16;
	v19 =	vmul.f32 v19, v22;
	_ =	sdelay $0x1  }
0x5e1: {  	v17 =	vadd.s32 v15, v17;
	v19 =	vadd.f32 v19, v24;
	v20 =	vmul.f32 v20, v25;
	_ =	sdelay $0x1  }
0x5e2: {  	[tilespmem:s3+$0x14100] =	vst v19;
	v19 =	vadd.f32 v20, v23  }
0x5e3: {  	s2 =	sor.u32 $0x380, s2;
	v20 =	vld.idx.msk [tilespmem:v16+s24+$0x0], $0xffff  }
0x5e4: {  	v22 =	vld [tilespmem:s2+$0x14100];
	[tilespmem:s6+$0x14100] =	vst v19  }
0x5e5: {  	s7 =	sor.u32 $0x380, s0;
	v19 =	vld.idx.msk [tilespmem:v17+s24+$0x0], $0xffff  }
0x5e6: {  	v23 =	vld [tilespmem:s7+$0x14100]  }
0x5e7: {  	v16 =	vld.idx.msk [tilespmem:v16+s23+$0x0], $0xffff  }
0x5e8: {  	v17 =	vld.idx.msk [tilespmem:v17+s23+$0x0], $0xffff;
	_ =	sdelay $0x1  }
0x5e9: {  	v20 =	vmul.f32 v20, v22  }
0x5ea: {  	v18 =	vadd.f32 v21, v18;
	v19 =	vmul.f32 v19, v23  }
0x5eb: {  	v16 =	vadd.f32 v20, v16  }
0x5ec: {  	[tilespmem:s11+$0x14100] =	vst v18;
	v17 =	vadd.f32 v19, v17  }
0x5ed: {  	[tilespmem:s2+$0x14100] =	vst v16  }
0x5ee: {  	s8 =	simm.s32 $0x0;
	[tilespmem:s7+$0x14100] =	vst v17  }
0x5ef: {  	s9 =	simm.s32 $0x14100;
	s10 =	simm.s32 $0x4;
	s1 =	rddreg [dreg:$0xf]  }
0x5f0: {  	[hbm4b:s1+s8] =	stream.linear.scatter [tilespmem:s9], [sflag:$0x7], $0x2000, $0x38;
	[tilespmem:$0x18100] =	vst v63  }
0x5f1: {  	_ =	swait.ge [sflag:s10], $0x2000  }
0x5f2: {  	[sflag:s10] =	ssyncset.done $0x0  }
0x5f3: {  	s11 =	sand.u32 $0x3E0, s8;
	[sflag:s10] =	ssyncadd.s32 $0xFFFFE000  }
0x5f4: {  	v19 =	vld [tilespmem:s11+$0xC00];
	_ =	sdelay $0x1  }
0x5f5: {  	s12 =	simm.s32 $0xC10  }
0x5f6: {  	v18 =	vld [tilespmem:s12+$0x0];
	_ =	sdelay $0x1  }
0x5f7: {  	v16 =	vadd.s32 v8, v19;
	_ =	sdelay $0x1  }
0x5f8: {  	s13 =	sand.u32 $0x60, s8;
	s14 =	sand.u32 $0x1C00, s8  }
0x5f9: {  	s15 =	sor.u32 s13, s14;
	v17 =	vadd.s32 v8, v18  }
0x5fa: {  	v20 =	vld [tilespmem:s15+$0x16100]  }
0x5fb: {  	v21 =	vld.idx.msk [tilespmem:v16+s24+$0x0], $0xffff  }
0x5fc: {  	v23 =	vld [tilespmem:s15+$0x16110]  }
0x5fd: {  	v16 =	vld.idx.msk [tilespmem:v16+s23+$0x0], $0xffff  }
0x5fe: {  	v22 =	vld.idx.msk [tilespmem:v17+s24+$0x0], $0xffff;
	_ =	sdelay $0x1  }
0x5ff: {  	v17 =	vld.idx.msk [tilespmem:v17+s23+$0x0], $0xffff;
	v20 =	vmul.f32 v21, v20;
	v21 =	vadd.s32 v9, v19;
	_ =	sdelay $0x1  }
0x600: {  	v16 =	vadd.f32 v20, v16  }
0x601: {  	v20 =	vmul.f32 v22, v23;
	v22 =	vadd.s32 v9, v18  }
0x602: {  	v23 =	vld [tilespmem:s15+$0x16180];
	[tilespmem:s15+$0x16100] =	vst v16  }
0x603: {  	v16 =	vadd.f32 v20, v17;
	v17 =	vld.idx.msk [tilespmem:v21+s24+$0x0], $0xffff  }
0x604: {  	v20 =	vld.idx.msk [tilespmem:v21+s23+$0x0], $0xffff  }
0x605: {  	v21 =	vld [tilespmem:s15+$0x16190];
	[tilespmem:s15+$0x16110] =	vst v16  }
0x606: {  	v16 =	vld.idx.msk [tilespmem:v22+s24+$0x0], $0xffff;
	_ =	sdelay $0x1  }
0x607: {  	v22 =	vld.idx.msk [tilespmem:v22+s23+$0x0], $0xffff;
	v17 =	vmul.f32 v17, v23;
	v23 =	vadd.s32 v10, v19;
	_ =	sdelay $0x1  }
0x608: {  	v17 =	vadd.f32 v17, v20  }
0x609: {  	v16 =	vmul.f32 v16, v21;
	v20 =	vadd.s32 v10, v18  }
0x60a: {  	v24 =	vld [tilespmem:s15+$0x16200];
	[tilespmem:s15+$0x16180] =	vst v17  }
0x60b: {  	v16 =	vadd.f32 v16, v22;
	v17 =	vld.idx.msk [tilespmem:v23+s24+$0x0], $0xffff  }
0x60c: {  	v21 =	vld [tilespmem:s15+$0x16210]  }
0x60d: {  	[tilespmem:s15+$0x16190] =	vst v16;
	v16 =	vld.idx.msk [tilespmem:v23+s23+$0x0], $0xffff  }
0x60e: {  	v22 =	vld.idx.msk [tilespmem:v20+s24+$0x0], $0xffff;
	_ =	sdelay $0x1  }
0x60f: {  	v23 =	vadd.s32 v11, v19;
	v20 =	vld.idx.msk [tilespmem:v20+s23+$0x0], $0xffff;
	v17 =	vmul.f32 v17, v24;
	_ =	sdelay $0x1  }
0x610: {  	v25 =	vld [tilespmem:s15+$0x16390];
	v16 =	vadd.f32 v17, v16  }
0x611: {  	v27 =	vld [tilespmem:s15+$0x16380];
	v17 =	vmul.f32 v22, v21  }
0x612: {  	v24 =	vld [tilespmem:s15+$0x16280];
	v21 =	vadd.s32 v11, v18;
	[tilespmem:s15+$0x16200] =	vst v16  }
0x613: {  	v16 =	vadd.f32 v17, v20;
	v17 =	vld.idx.msk [tilespmem:v23+s24+$0x0], $0xffff  }
0x614: {  	s16 =	simm.s32 $0x20;
	v22 =	vld [tilespmem:s15+$0x16290]  }
0x615: {  	s4 =	simm.s32 $0x100;
	s18 =	sand.u32 $0x3E0, s16;
	v20 =	vld.idx.msk [tilespmem:v23+s23+$0x0], $0xffff  }
0x616: {  	s19 =	sand.u32 $0x60, s16;
	s6 =	sand.u32 $0x1C00, s4;
	[tilespmem:s15+$0x16210] =	vst v16;
	v16 =	vld [tilespmem:s18+$0xC00]  }
0x617: {  	s1 =	sor.u32 s19, s6;
	v23 =	vld.idx.msk [tilespmem:v21+s24+$0x0], $0xffff  }
0x618: {  	v33 =	vld [tilespmem:s1+$0x16110];
	v26 =	vadd.s32 v12, v19;
	v24 =	vmul.f32 v17, v24  }
0x619: {  	s3 =	simm.s32 $0xC30;
	v21 =	vld.idx.msk [tilespmem:v21+s23+$0x0], $0xffff  }
0x61a: {  	v17 =	vld [tilespmem:s3+$0x0];
	v20 =	vadd.f32 v24, v20  }
0x61b: {  	v28 =	vadd.s32 v8, v16;
	v24 =	vld [tilespmem:s15+$0x16310]  }
0x61c: {  	v22 =	vmul.f32 v23, v22;
	v23 =	vadd.s32 v12, v18;
	[tilespmem:s15+$0x16280] =	vst v20;
	v20 =	vld [tilespmem:s15+$0x16300]  }
0x61d: {  	v29 =	vld.idx.msk [tilespmem:v26+s24+$0x0], $0xffff  }
0x61e: {  	v21 =	vadd.f32 v22, v21;
	v22 =	vld.idx.msk [tilespmem:v26+s23+$0x0], $0xffff  }
0x61f: {  	v26 =	vld [tilespmem:s1+$0x16100];
	v30 =	vadd.s32 v8, v17  }
0x620: {  	[tilespmem:s15+$0x16290] =	vst v21;
	v31 =	vld.idx.msk [tilespmem:v28+s24+$0x0], $0xffff  }
0x621: {  	v21 =	vld.idx.msk [tilespmem:v23+s24+$0x0], $0xffff  }
0x622: {  	v28 =	vld.idx.msk [tilespmem:v28+s23+$0x0], $0xffff  }
0x623: {  	v49 =	vadd.s32 v13, v19;
	v23 =	vld.idx.msk [tilespmem:v23+s23+$0x0], $0xffff;
	v20 =	vmul.f32 v29, v20  }
0x624: {  	v32 =	vld.idx.msk [tilespmem:v30+s24+$0x0], $0xffff  }
0x625: {  	v50 =	vld [tilespmem:s1+$0x16210];
	v20 =	vadd.f32 v20, v22  }
0x626: {  	v22 =	vld.idx.msk [tilespmem:v30+s23+$0x0], $0xffff;
	v21 =	vmul.f32 v21, v24;
	v24 =	vadd.s32 v13, v18  }
0x627: {  	v52 =	vld [tilespmem:s1+$0x16180];
	[tilespmem:s15+$0x16300] =	vst v20;
	v20 =	vmul.f32 v31, v26  }
0x628: {  	v21 =	vadd.f32 v21, v23;
	v51 =	vld.idx.msk [tilespmem:v49+s24+$0x0], $0xffff  }
0x629: {  	v56 =	vld [tilespmem:s1+$0x16190];
	v26 =	vadd.s32 v9, v16;
	v53 =	vmul.f32 v32, v33;
	v20 =	vadd.f32 v20, v28  }
0x62a: {  	v23 =	vld.idx.msk [tilespmem:v49+s23+$0x0], $0xffff;
	[tilespmem:s15+$0x16310] =	vst v21  }
0x62b: {  	v54 =	vadd.s32 v9, v17;
	v21 =	vld.idx.msk [tilespmem:v24+s24+$0x0], $0xffff;
	[tilespmem:s1+$0x16100] =	vst v20;
	v20 =	vadd.f32 v53, v22  }
0x62c: {  	v57 =	vld [tilespmem:s1+$0x16200]  }
0x62d: {  	v22 =	vld.idx.msk [tilespmem:v24+s23+$0x0], $0xffff;
	[tilespmem:s1+$0x16110] =	vst v20;
	v20 =	vmul.f32 v51, v27;
	v27 =	vadd.s32 v14, v19  }
0x62e: {  	v24 =	vld.idx.msk [tilespmem:v26+s24+$0x0], $0xffff  }
0x62f: {  	s20 =	sand.u32 $0x3, s8;
	v26 =	vld.idx.msk [tilespmem:v26+s23+$0x0], $0xffff;
	v20 =	vadd.f32 v20, v23  }
0x630: {  	s6 =	sshll.u32 s20, $0x5;
	v55 =	vld.idx.msk [tilespmem:v54+s24+$0x0], $0xffff;
	v21 =	vmul.f32 v21, v25;
	v25 =	vadd.s32 v14, v18  }
0x631: {  	s6 =	sadd.s32 $0x0, s6;
	v23 =	vld.idx.msk [tilespmem:v54+s23+$0x0], $0xffff;
	[tilespmem:s15+$0x16380] =	vst v20  }
0x632: {  	s7 =	sor.u32 $0x300, s6;
	v21 =	vadd.f32 v21, v22;
	v20 =	vld.idx.msk [tilespmem:v27+s24+$0x0], $0xffff  }
0x633: {  	v22 =	vmul.f32 v24, v52;
	v24 =	vadd.s32 v10, v16;
	v58 =	vld [tilespmem:s7+$0x16100]  }
0x634: {  	v27 =	vld.idx.msk [tilespmem:v27+s23+$0x0], $0xffff;
	[tilespmem:s15+$0x16390] =	vst v21  }
0x635: {  	s21 =	sadd.s32 $0x10, s6;
	v21 =	vadd.f32 v22, v26;
	v22 =	vmul.f32 v55, v56;
	v26 =	vadd.s32 v10, v17;
	v59 =	vld.idx.msk [tilespmem:v25+s24+$0x0], $0xffff  }
0x636: {  	s6 =	sor.u32 $0x300, s21;
	v25 =	vld.idx.msk [tilespmem:v25+s23+$0x0], $0xffff  }
0x637: {  	[tilespmem:s1+$0x16180] =	vst v21;
	v21 =	vadd.f32 v22, v23;
	v22 =	vld [tilespmem:s6+$0x16100]  }
0x638: {  	v19 =	vadd.s32 v15, v19;
	v23 =	vld.idx.msk [tilespmem:v24+s24+$0x0], $0xffff;
	v20 =	vmul.f32 v20, v58  }
0x639: {  	[tilespmem:s1+$0x16190] =	vst v21;
	v21 =	vld.idx.msk [tilespmem:v24+s23+$0x0], $0xffff  }
0x63a: {  	v24 =	vld.idx.msk [tilespmem:v26+s24+$0x0], $0xffff;
	v27 =	vadd.f32 v20, v27  }
0x63b: {  	v26 =	vld.idx.msk [tilespmem:v26+s23+$0x0], $0xffff  }
0x63c: {  	s0 =	sor.u32 s8, s8;
	v18 =	vadd.s32 v15, v18;
	v20 =	vld [tilespmem:s1+$0x16290];
	v22 =	vmul.f32 v59, v22;
	[tilespmem:s7+$0x16100] =	vst v27  }
0x63d: {  	s8 =	sor.u32 $0x380, s0;
	v27 =	vld.idx.msk [tilespmem:v19+s24+$0x0], $0xffff  }
0x63e: {  	v23 =	vmul.f32 v23, v57;
	v61 =	vld [tilespmem:s8+$0x16100];
	v25 =	vadd.f32 v22, v25  }
0x63f: {  	v60 =	vadd.s32 v11, v16;
	v19 =	vld.idx.msk [tilespmem:v19+s23+$0x0], $0xffff  }
0x640: {  	v22 =	vld [tilespmem:s1+$0x16280];
	v21 =	vadd.f32 v23, v21;
	[tilespmem:s6+$0x16100] =	vst v25  }
0x641: {  	s11 =	sor.u32 $0x380, s21;
	v62 =	vadd.s32 v11, v17;
	v23 =	vmul.f32 v24, v50;
	v63 =	vld.idx.msk [tilespmem:v18+s24+$0x0], $0xffff  }
0x642: {  	[tilespmem:s1+$0x16200] =	vst v21;
	v21 =	vld [tilespmem:s11+$0x16100]  }
0x643: {  	s6 =	simm.s32 $0x1;
	v23 =	vadd.f32 v23, v26;
	v18 =	vld.idx.msk [tilespmem:v18+s23+$0x0], $0xffff;
	v26 =	vmul.f32 v27, v61  }
0x644: {  	s22 =	sand.u32 $0x3, s6;
	v24 =	vld.idx.msk [tilespmem:v60+s24+$0x0], $0xffff  }
0x645: {  	s0 =	sshll.u32 s22, $0x5;
	v25 =	vld.idx.msk [tilespmem:v60+s23+$0x0], $0xffff;
	[tilespmem:s1+$0x16210] =	vst v23;
	v19 =	vadd.f32 v26, v19  }
0x646: {  	s2 =	sor.u32 s4, s16;
	s5 =	sadd.s32 $0x100, s0;
	v23 =	vld.idx.msk [tilespmem:v62+s23+$0x0], $0xffff  }
0x647: {  	s9 =	simm.s32 $0x40;
	s7 =	simm.s32 $0x2;
	s0 =	sadd.s32 $0x10, s5;
	v26 =	vld.idx.msk [tilespmem:v62+s24+$0x0], $0xffff;
	v21 =	vmul.f32 v63, v21;
	[tilespmem:s8+$0x16100] =	vst v19  }
.LBB2_18:
0x648: {  	s8 =	sand.u32 $0x3E0, s9;
	s7 =	sadd.s32 $0x2, s7;
	v27 =	vld [tilespmem:s1+$0x16390]  }
0x649: {  	v22 =	vmul.f32 v24, v22;
	v24 =	vadd.s32 v12, v16;
	v19 =	vld [tilespmem:s8+$0xC00];
	p0 =	slt.u32 s7, $0x3E  }
0x64a: {  	s3 =	sadd.s32 $0x20, s3;
	v21 =	vadd.f32 v21, v18;
	v28 =	vld [tilespmem:s1+$0x16380]  }
0x64b: {  	s6 =	sadd.s32 $0x1, s6;
	v22 =	vadd.f32 v22, v25;
	v18 =	vld [tilespmem:s3+$0x0]  }
0x64c: {  	s8 =	sand.u32 $0x3, s6;
	v25 =	vadd.s32 v12, v17;
	v20 =	vmul.f32 v26, v20;
	v26 =	vld [tilespmem:s1+$0x16310];
	[tilespmem:s11+$0x16100] =	vst v21  }
0x64d: {  	s4 =	sadd.s32 $0x100, s4;
	s8 =	sshll.u32 s8, $0x5;
	[tilespmem:s1+$0x16280] =	vst v22;
	v21 =	vld [tilespmem:s1+$0x16300]  }
0x64e: {  	s10 =	sand.u32 $0x60, s9;
	s13 =	sadd.s32 s8, s4;
	s11 =	sand.u32 $0x1C00, s4;
	v20 =	vadd.f32 v20, v23;
	v22 =	vadd.s32 v8, v19;
	v29 =	vld.idx.msk [tilespmem:v24+s24+$0x0], $0xffff  }
0x64f: {  	s12 =	sadd.s32 $0x10, s13;
	s11 =	sor.u32 s10, s11;
	s10 =	sor.u32 s4, s9;
	v23 =	vld.idx.msk [tilespmem:v24+s23+$0x0], $0xffff  }
0x650: {  	v24 =	vld [tilespmem:s11+$0x16100];
	v30 =	vadd.s32 v8, v18;
	[tilespmem:s1+$0x16290] =	vst v20  }
0x651: {  	v20 =	vld.idx.msk [tilespmem:v25+s24+$0x0], $0xffff  }
0x652: {  	v25 =	vld.idx.msk [tilespmem:v25+s23+$0x0], $0xffff  }
0x653: {  	v31 =	vld.idx.msk [tilespmem:v22+s24+$0x0], $0xffff  }
0x654: {  	v21 =	vmul.f32 v29, v21;
	v29 =	vadd.s32 v13, v16;
	v22 =	vld.idx.msk [tilespmem:v22+s23+$0x0], $0xffff  }
0x655: {  	v32 =	vld.idx.msk [tilespmem:v30+s24+$0x0], $0xffff  }
0x656: {  	v21 =	vadd.f32 v21, v23;
	v33 =	vld [tilespmem:s11+$0x16110]  }
0x657: {  	v20 =	vmul.f32 v20, v26;
	v26 =	vadd.s32 v13, v17;
	v23 =	vld.idx.msk [tilespmem:v30+s23+$0x0], $0xffff  }
0x658: {  	v30 =	vld [tilespmem:s11+$0x16210];
	[tilespmem:s1+$0x16300] =	vst v21  }
0x659: {  	v21 =	vmul.f32 v31, v24;
	v24 =	vadd.s32 v9, v19;
	v20 =	vadd.f32 v20, v25;
	v31 =	vld.idx.msk [tilespmem:v29+s24+$0x0], $0xffff  }
0x65a: {  	v25 =	vld.idx.msk [tilespmem:v29+s23+$0x0], $0xffff  }
0x65b: {  	v21 =	vadd.f32 v21, v22;
	v22 =	vld [tilespmem:s11+$0x16180];
	v29 =	vmul.f32 v32, v33;
	v32 =	vadd.s32 v9, v18;
	[tilespmem:s1+$0x16310] =	vst v20  }
0x65c: {  	v20 =	vld.idx.msk [tilespmem:v26+s24+$0x0], $0xffff  }
0x65d: {  	[tilespmem:s11+$0x16100] =	vst v21;
	v21 =	vadd.f32 v29, v23;
	v23 =	vld.idx.msk [tilespmem:v26+s23+$0x0], $0xffff  }
0x65e: {  	v26 =	vld.idx.msk [tilespmem:v24+s24+$0x0], $0xffff  }
0x65f: {  	v24 =	vld.idx.msk [tilespmem:v24+s23+$0x0], $0xffff;
	[tilespmem:s11+$0x16110] =	vst v21;
	v21 =	vmul.f32 v31, v28;
	v28 =	vadd.s32 v14, v16  }
0x660: {  	v29 =	vld.idx.msk [tilespmem:v32+s24+$0x0], $0xffff  }
0x661: {  	v31 =	vld [tilespmem:s11+$0x16190];
	v21 =	vadd.f32 v21, v25  }
0x662: {  	v20 =	vmul.f32 v20, v27;
	v27 =	vadd.s32 v14, v17;
	v25 =	vld.idx.msk [tilespmem:v32+s23+$0x0], $0xffff  }
0x663: {  	v32 =	vld [tilespmem:s11+$0x16200];
	[tilespmem:s1+$0x16380] =	vst v21  }
0x664: {  	s8 =	sor.u32 $0x300, s5;
	s5 =	smov.u32 s13;
	v21 =	vmul.f32 v26, v22;
	v20 =	vadd.f32 v20, v23;
	v22 =	vld.idx.msk [tilespmem:v28+s24+$0x0], $0xffff  }
0x665: {  	v23 =	vadd.s32 v10, v19;
	v26 =	vld [tilespmem:s8+$0x16100]  }
0x666: {  	v21 =	vadd.f32 v21, v24;
	v24 =	vmul.f32 v29, v31;
	v28 =	vld.idx.msk [tilespmem:v28+s23+$0x0], $0xffff;
	[tilespmem:s1+$0x16390] =	vst v20;
	s1 =	smov.u32 s11  }
0x667: {  	v20 =	vadd.s32 v10, v18;
	v29 =	vld.idx.msk [tilespmem:v27+s24+$0x0], $0xffff  }
0x668: {  	s11 =	sor.u32 $0x300, s0;
	[tilespmem:s1+$0x16180] =	vst v21;
	v21 =	vadd.f32 v24, v25;
	v24 =	vld.idx.msk [tilespmem:v27+s23+$0x0], $0xffff  }
0x669: {  	v25 =	vld [tilespmem:s11+$0x16100]  }
0x66a: {  	v27 =	vld.idx.msk [tilespmem:v23+s24+$0x0], $0xffff;
	[tilespmem:s1+$0x16190] =	vst v21;
	v21 =	vmul.f32 v22, v26;
	v22 =	vadd.s32 v15, v16;
	v16 =	vmov v19  }
0x66b: {  	v19 =	vld.idx.msk [tilespmem:v23+s23+$0x0], $0xffff  }
0x66c: {  	v23 =	vld.idx.msk [tilespmem:v20+s24+$0x0], $0xffff;
	v21 =	vadd.f32 v21, v28  }
0x66d: {  	v26 =	vld.idx.msk [tilespmem:v20+s23+$0x0], $0xffff  }
0x66e: {  	v20 =	vld [tilespmem:s1+$0x16290];
	[tilespmem:s8+$0x16100] =	vst v21;
	v21 =	vmul.f32 v29, v25;
	v25 =	vadd.s32 v15, v17;
	v17 =	vmov v18  }
0x66f: {  	s8 =	sor.u32 $0x380, s2;
	s2 =	smov.u32 s10;
	v18 =	vld.idx.msk [tilespmem:v22+s24+$0x0], $0xffff  }
0x670: {  	v28 =	vadd.s32 v11, v16;
	v27 =	vmul.f32 v27, v32;
	v29 =	vld [tilespmem:s8+$0x16100];
	v21 =	vadd.f32 v21, v24  }
0x671: {  	v31 =	vld.idx.msk [tilespmem:v22+s23+$0x0], $0xffff  }
0x672: {  	v19 =	vadd.f32 v27, v19;
	v23 =	vmul.f32 v23, v30;
	v22 =	vld [tilespmem:s1+$0x16280];
	[tilespmem:s11+$0x16100] =	vst v21  }
0x673: {  	v21 =	vadd.s32 v11, v17;
	s11 =	sor.u32 $0x380, s0;
	s0 =	smov.u32 s12;
	v27 =	vld.idx.msk [tilespmem:v25+s24+$0x0], $0xffff  }
0x674: {  	[tilespmem:s1+$0x16200] =	vst v19;
	v19 =	vadd.f32 v23, v26;
	v30 =	vld [tilespmem:s11+$0x16100]  }
.Ltmp8:
0x675: {  	v24 =	vld.idx.msk [tilespmem:v28+s24+$0x0], $0xffff;
	v23 =	vmul.f32 v18, v29;
	(pc) =	sbr.rel @p0 .LBB2_18-.Ltmp8, $4  }
0x676: {  	v18 =	vld.idx.msk [tilespmem:v25+s23+$0x0], $0xffff  }
0x677: {  	v25 =	vld.idx.msk [tilespmem:v28+s23+$0x0], $0xffff;
	[tilespmem:s1+$0x16210] =	vst v19;
	v19 =	vadd.f32 v23, v31  }
0x678: {  	v26 =	vld.idx.msk [tilespmem:v21+s24+$0x0], $0xffff  }
0x679: {  	s9 =	sadd.s32 $0x20, s9;
	v23 =	vld.idx.msk [tilespmem:v21+s23+$0x0], $0xffff;
	[tilespmem:s8+$0x16100] =	vst v19;
	v21 =	vmul.f32 v27, v30  }
0x67a: {  	v19 =	vmul.f32 v24, v22;
	v47 =	vadd.s32 v12, v16;
	_ =	sdelay $0x1  }
0x67b: {  	v19 =	vadd.f32 v19, v25  }
0x67c: {  	v50 =	vadd.s32 v12, v17;
	v20 =	vmul.f32 v26, v20  }
0x67d: {  	v51 =	vld [tilespmem:s1+$0x16300];
	[tilespmem:s1+$0x16280] =	vst v19  }
0x67e: {  	v27 =	vld.idx.msk [tilespmem:v47+s24+$0x0], $0xffff;
	v20 =	vadd.f32 v20, v23  }
0x67f: {  	v52 =	vld [tilespmem:s1+$0x16310]  }
0x680: {  	v22 =	vld.idx.msk [tilespmem:v47+s23+$0x0], $0xffff;
	[tilespmem:s1+$0x16290] =	vst v20  }
0x681: {  	v20 =	vld.idx.msk [tilespmem:v50+s24+$0x0], $0xffff;
	_ =	sdelay $0x1  }
0x682: {  	v53 =	vadd.s32 v13, v16;
	v26 =	vld.idx.msk [tilespmem:v50+s23+$0x0], $0xffff;
	v19 =	vmul.f32 v27, v51;
	_ =	sdelay $0x1  }
0x683: {  	v19 =	vadd.f32 v19, v22  }
0x684: {  	v54 =	vadd.s32 v13, v17;
	v20 =	vmul.f32 v20, v52  }
0x685: {  	v48 =	vld [tilespmem:s1+$0x16380];
	[tilespmem:s1+$0x16300] =	vst v19  }
0x686: {  	v19 =	vld.idx.msk [tilespmem:v53+s24+$0x0], $0xffff;
	v20 =	vadd.f32 v20, v26  }
0x687: {  	v49 =	vld [tilespmem:s1+$0x16390]  }
0x688: {  	v55 =	vld.idx.msk [tilespmem:v53+s23+$0x0], $0xffff;
	[tilespmem:s1+$0x16310] =	vst v20  }
0x689: {  	v20 =	vld.idx.msk [tilespmem:v54+s24+$0x0], $0xffff;
	_ =	sdelay $0x1  }
0x68a: {  	v56 =	vadd.s32 v14, v16;
	v22 =	vld.idx.msk [tilespmem:v54+s23+$0x0], $0xffff;
	v19 =	vmul.f32 v19, v48;
	_ =	sdelay $0x1  }
0x68b: {  	v19 =	vadd.f32 v19, v55  }
0x68c: {  	v57 =	vadd.s32 v14, v17;
	v20 =	vmul.f32 v20, v49  }
0x68d: {  	[tilespmem:s1+$0x16380] =	vst v19  }
0x68e: {  	s3 =	sor.u32 $0x300, s5;
	v19 =	vld.idx.msk [tilespmem:v56+s24+$0x0], $0xffff;
	v20 =	vadd.f32 v20, v22  }
0x68f: {  	v58 =	vld [tilespmem:s3+$0x16100]  }
0x690: {  	v24 =	vld.idx.msk [tilespmem:v56+s23+$0x0], $0xffff;
	[tilespmem:s1+$0x16390] =	vst v20  }
0x691: {  	s15 =	sor.u32 $0x300, s0;
	v20 =	vld.idx.msk [tilespmem:v57+s24+$0x0], $0xffff  }
0x692: {  	v59 =	vld [tilespmem:s15+$0x16100];
	_ =	sdelay $0x1  }
0x693: {  	v23 =	vld.idx.msk [tilespmem:v57+s23+$0x0], $0xffff  }
0x694: {  	v16 =	vadd.s32 v15, v16;
	v19 =	vmul.f32 v19, v58;
	_ =	sdelay $0x1  }
0x695: {  	v17 =	vadd.s32 v15, v17;
	v19 =	vadd.f32 v19, v24;
	v20 =	vmul.f32 v20, v59;
	_ =	sdelay $0x1  }
0x696: {  	[tilespmem:s3+$0x16100] =	vst v19;
	v60 =	vadd.f32 v20, v23  }
0x697: {  	s2 =	sor.u32 $0x380, s2;
	v61 =	vld.idx.msk [tilespmem:v16+s24+$0x0], $0xffff  }
0x698: {  	v62 =	vld [tilespmem:s2+$0x16100];
	[tilespmem:s15+$0x16100] =	vst v60  }
0x699: {  	s16 =	sor.u32 $0x380, s0;
	v19 =	vld.idx.msk [tilespmem:v17+s24+$0x0], $0xffff  }
0x69a: {  	v63 =	vld [tilespmem:s16+$0x16100]  }
0x69b: {  	v16 =	vld.idx.msk [tilespmem:v16+s23+$0x0], $0xffff  }
0x69c: {  	v17 =	vld.idx.msk [tilespmem:v17+s23+$0x0], $0xffff;
	_ =	sdelay $0x1  }
0x69d: {  	v20 =	vmul.f32 v61, v62  }
0x69e: {  	v18 =	vadd.f32 v21, v18;
	v19 =	vmul.f32 v19, v63  }
0x69f: {  	v16 =	vadd.f32 v20, v16  }
0x6a0: {  	[tilespmem:s11+$0x16100] =	vst v18;
	v17 =	vadd.f32 v19, v17  }
0x6a1: {  	[tilespmem:s2+$0x16100] =	vst v16  }
0x6a2: {  	[tilespmem:s16+$0x16100] =	vst v17  }
0x6a3: {  	s18 =	simm.s32 $0x16100;
	s0 =	rddreg [dreg:$0x10]  }
0x6a4: {  	[hbm4b:s0+s17] =	stream.linear.scatter [tilespmem:s18], [sflag:$0x8], $0x2000, $0x38;
	[tilespmem:$0x18100] =	vst v63  }
0x6a5: {  	_ =	swait.ge [sflag:s30], $0x2000  }
0x6a6: {  	[sflag:s30] =	ssyncset.done $0x0  }
0x6a7: {  	[sflag:s30] =	ssyncadd.s32 $0xFFFFE000  }
0x6a8: {  	_ =	swait.ge [sflag:s31], $0x2000  }
0x6a9: {  	[sflag:s31] =	ssyncset.done $0x0  }
0x6aa: {  	s19 =	simm.s32 $0x7;
	[sflag:s31] =	ssyncadd.s32 $0xFFFFE000  }
0x6ab: {  	_ =	swait.ge [sflag:s19], $0x2000  }
0x6ac: {  	[sflag:s19] =	ssyncset.done $0x0  }
0x6ad: {  	s20 =	simm.s32 $0x8;
	[sflag:s19] =	ssyncadd.s32 $0xFFFFE000  }
0x6ae: {  	_ =	swait.ge [sflag:s20], $0x2000  }
0x6af: {  	s21 =	rddreg [dreg:$0x14]  }
0x6b0: {  	s22 =	rddreg [dreg:$0x11];
	s2 =	sadd.s32 $0x1, s21  }
0x6b1: {  	p0 =	sne.s32 s2, s22  }
.Ltmp9:
0x6b2: {  	_ = 	snop;
	(pc) =	sbr.rel @p0 .LBB2_1-.Ltmp9, $3  }
0x6b3: {  	_ =	sdelay $0x1  }
0x6b4: {  	[sflag:s20] =	ssyncset.done $0x0  }
0x6b5: {  	[sflag:s20] =	ssyncadd.s32 $0xFFFFE000  }
0x6b6: {  	_ =	sfence.sel $0x180000  }
0x6b7: {  	[bflag:$0x0] =	sbarrier.arrive $0xFFFF  }
0x6b8: {  	_ =	strace $0x90000047  }
0x6b9: {  	s0 =	stileid.u32;
	[bflag:$0x2] =	sbarrier.arrive $0xFFFF  }
0x6ba: {  	p0 =	sne.s32 s0, $0x0;
	s0 =	rddreg [dreg:$0x3]  }
0x6bb: {  	s0 =	sadd.s32 @!p0 $0x100000, s0  }
0x6bc: {  	[sflag:s0] =	ssyncadd.tile.s32 @!p0 $0x1;
	_ =	shalt  }
.Lfunc_end2:
_tile_overlayer_lowered:
.L_overlay_start_2:
0x6bd: {  	(tag) =	ssettag $0x2  }
0x6be: {  	s0 =	rddreg [dreg:$0x0];
	s2 =	stileid.u32  }
0x6bf: {  	s1 =	rddreg [dreg:$0x1];
	p0 =	sne.s32 s2, $0x0  }
0x6c0: {  	s3 =	rddreg [dreg:$0x2];
	[bflag:$0x3] =	sbarrier.arrive $0xFFFF;
	s2 =	simm.s32 @!p0 $0x1C09  }
0x6c1: {  	[timem:s3], [sflag:s2] =	dma.local @!p0 [hbm:s0], s1  }
0x6c2: {  	s0 =	simm.s32 @!p0 $0x9  }
0x6c3: {  	_ =	swait.ge @!p0 [sflag:s0], s1  }
0x6c4: {  	s1 =	ssub.s32 @!p0 $0x0, s1;
	[sflag:s0] =	ssyncset.done @!p0 $0x0  }
0x6c5: {  	[sflag:s0] =	ssyncadd.s32 @!p0 s1  }
0x6c6: {  	[bflag:$0x3] =	sbarrier.arrive $0xFFFF  }
0x6c7: {  	_ =	shalt  }

</sc_bundles>
